<compile_context>
chip_gen: v7x
topology: tpu7x:2x2x1
jax: 0.10.2.dev20260603
libtpu: 0.0.44.dev20260713+nightly
codegen_flags: <defaults>
</compile_context>

<pallas_src>
import functools

import numpy as np

import jax
import jax.numpy as jnp
from jax import lax
from jax.experimental import pallas as pl
from jax.experimental.pallas import tpu as pltpu
from jax.experimental.pallas import tpu_sc as plsc

N = 10000
E = 160000
IN_FEATS = 128
H1 = 128
H2 = 64

NC = 2
NS = 16
NW = NC * NS
LANES = 16

N_PAD = 10240
N_UPAD = 10048
R = 512
NBUF = 2
K1, CPT1 = 128, 40
K2, CPT2 = 128, 40
EPT1 = K1 * CPT1
EPT2 = K2 * CPT2
E_PAD1 = EPT1 * NW
E_PAD2 = EPT2 * NW

F1B = 128
F2B = 64
DW = 16
ZROWS = 4
RPT = N_UPAD // NS


def _unpack_order(fbf):
    c_of_p = np.zeros(fbf, dtype=np.int64)
    for p in range(fbf):
        j, t = divmod(p, 32)
        c_of_p[p] = 32 * j + (t // 2 if t % 2 == 0 else 16 + (t - 1) // 2)
    return c_of_p


_C_OF_P1 = _unpack_order(F1B)
_C_OF_P2 = _unpack_order(F2B)


def _elu(x):
    return jnp.where(x > 0, x, jnp.exp(jnp.minimum(x, 0.0)) - 1.0)



def _tc_pre_body(f_ref, w_ref, alr_ref, hx_ref, eler_ref, mm_ref):
    i = pl.program_id(0)
    h = lax.dot_general(f_ref[...], w_ref[...], (((1,), (1,)), ((), ())),
                        preferred_element_type=jnp.float32)
    hx_ref[...] = h.astype(jnp.bfloat16)
    eler = lax.dot_general(alr_ref[...], h, (((1,), (1,)), ((), ())),
                           preferred_element_type=jnp.float32)
    eler_ref[...] = eler
    mblk = jnp.max(eler, axis=1, keepdims=True)

    @pl.when(i == 0)
    def _():
        mm_ref[...] = mblk

    @pl.when(i > 0)
    def _():
        mm_ref[...] = jnp.maximum(mm_ref[...], mblk)


def _tc_pre(feat_p, w1p, alr1):
    grid = (N_PAD // R,)
    return pl.pallas_call(
        _tc_pre_body,
        grid=grid,
        in_specs=[
            pl.BlockSpec((R, IN_FEATS), lambda i: (i, 0)),
            pl.BlockSpec((F1B, IN_FEATS), lambda i: (0, 0)),
            pl.BlockSpec((2, F1B), lambda i: (0, 0)),
        ],
        out_specs=[
            pl.BlockSpec((R, F1B), lambda i: (i, 0)),
            pl.BlockSpec((2, R), lambda i: (0, i)),
            pl.BlockSpec((2, 1), lambda i: (0, 0)),
        ],
        out_shape=[
            jax.ShapeDtypeStruct((N_PAD, F1B), jnp.bfloat16),
            jax.ShapeDtypeStruct((2, N_PAD), jnp.float32),
            jax.ShapeDtypeStruct((2, 1), jnp.float32),
        ],
    )(feat_p, w1p, alr1)


def _tc_mid_body(ufa_ref, ufb_ref, uda_ref, udb_ref, b1_ref, w2_ref, alr_ref,
                 hx_ref, eler_ref, mm_ref):
    i = pl.program_id(0)
    uf = (ufa_ref[...].astype(jnp.float32) + ufb_ref[...].astype(jnp.float32))
    den = uda_ref[:, 0:1] + udb_ref[:, 0:1]
    denom = jnp.maximum(den, 1e-9)
    rst = uf / denom + b1_ref[...]
    x = _elu(_elu(rst))
    h = lax.dot_general(x, w2_ref[...], (((1,), (1,)), ((), ())),
                        preferred_element_type=jnp.float32)
    hx_ref[...] = h.astype(jnp.bfloat16)
    eler = lax.dot_general(alr_ref[...], h, (((1,), (1,)), ((), ())),
                           preferred_element_type=jnp.float32)
    row = lax.broadcasted_iota(jnp.int32, eler.shape, 1) + i * R
    eler = jnp.where(row < N_UPAD, eler, -1e30)
    eler_ref[...] = eler
    mblk = jnp.max(eler, axis=1, keepdims=True)

    @pl.when(i == 0)
    def _():
        mm_ref[...] = mblk

    @pl.when(i > 0)
    def _():
        mm_ref[...] = jnp.maximum(mm_ref[...], mblk)


def _tc_mid(ufa, ufb, uda, udb, b1, w2p, alr2):
    grid = (N_PAD // R,)
    return pl.pallas_call(
        _tc_mid_body,
        grid=grid,
        in_specs=[
            pl.BlockSpec((R, F1B), lambda i: (i, 0)),
            pl.BlockSpec((R, F1B), lambda i: (i, 0)),
            pl.BlockSpec((R, DW), lambda i: (i, 0)),
            pl.BlockSpec((R, DW), lambda i: (i, 0)),
            pl.BlockSpec((1, H1), lambda i: (0, 0)),
            pl.BlockSpec((F2B, H1), lambda i: (0, 0)),
            pl.BlockSpec((2, F2B), lambda i: (0, 0)),
        ],
        out_specs=[
            pl.BlockSpec((R, F2B), lambda i: (i, 0)),
            pl.BlockSpec((2, R), lambda i: (0, i)),
            pl.BlockSpec((2, 1), lambda i: (0, 0)),
        ],
        out_shape=[
            jax.ShapeDtypeStruct((N_PAD, F2B), jnp.bfloat16),
            jax.ShapeDtypeStruct((2, N_PAD), jnp.float32),
            jax.ShapeDtypeStruct((2, 1), jnp.float32),
        ],
    )(ufa, ufb, uda, udb, b1, w2p, alr2)


def _tc_final_body(ufa_ref, ufb_ref, uda_ref, udb_ref, b2_ref, wl_ref, bl_ref,
                   us_ref, sp_ref, scal_ref, out_ref):
    uf = (ufa_ref[...].astype(jnp.float32) + ufb_ref[...].astype(jnp.float32))
    den = uda_ref[:, 0:1] + udb_ref[:, 0:1]
    denom = jnp.maximum(den, 1e-9)
    x = _elu(uf / denom + b2_ref[...])
    zt = lax.dot_general(wl_ref[...], x, (((1,), (1,)), ((), ())),
                         preferred_element_type=jnp.float32)
    zt = zt + bl_ref[...]
    sig = 1.0 / (1.0 + jnp.exp(-zt))
    alpha0 = scal_ref[0:1, 0:1]
    beta0 = scal_ref[0:1, 1:2]
    gamma0 = scal_ref[0:1, 2:3]
    dt = scal_ref[0:1, 3:4]
    beta = sig[0:1, :] * beta0
    gamma = sig[1:2, :] * gamma0
    alphas = sig[2:3, :] * alpha0
    us = us_ref[...]
    sp = sp_ref[...]
    up_out = us + (alphas - beta * us) * dt
    sp_out = sp + (beta * us - gamma * sp) * dt
    zero3 = jnp.zeros((3, up_out.shape[1]), jnp.float32)
    out_ref[...] = jnp.concatenate([up_out, sp_out, alphas, beta, gamma, zero3], 0)


def _tc_final(ufa, ufb, uda, udb, b2, wlp, blp, us, sp, scal):
    grid = (N_PAD // R,)
    return pl.pallas_call(
        _tc_final_body,
        grid=grid,
        in_specs=[
            pl.BlockSpec((R, F2B), lambda i: (i, 0)),
            pl.BlockSpec((R, F2B), lambda i: (i, 0)),
            pl.BlockSpec((R, DW), lambda i: (i, 0)),
            pl.BlockSpec((R, DW), lambda i: (i, 0)),
            pl.BlockSpec((1, H2), lambda i: (0, 0)),
            pl.BlockSpec((8, H2), lambda i: (0, 0)),
            pl.BlockSpec((8, 1), lambda i: (0, 0)),
            pl.BlockSpec((1, R), lambda i: (0, i)),
            pl.BlockSpec((1, R), lambda i: (0, i)),
            pl.BlockSpec((1, 4), lambda i: (0, 0)),
        ],
        out_specs=[pl.BlockSpec((8, R), lambda i: (0, i))],
        out_shape=[jax.ShapeDtypeStruct((8, N_PAD), jnp.float32)],
    )(ufa, ufb, uda, udb, b2, wlp, blp, us, sp, scal)



_SC_PARAMS = pltpu.CompilerParams(
    needs_layout_passes=False, use_tc_tiling_on_sc=False)


def _zero_accumulators(uf_sh, ud_sh, zf_v, zd_v, sid, ftw, zsem):
    zrow16 = jnp.zeros((2 * LANES,), jnp.bfloat16)
    zrow = jnp.zeros((LANES,), jnp.float32)

    def zb_row(zi, _):
        def zcol(qi, _):
            zf_v[zi, pl.ds(qi * 2 * LANES, 2 * LANES)] = zrow16
            return 0
        lax.fori_loop(0, ftw // (2 * LANES), zcol, 0)
        zd_v[zi, pl.ds(0, LANES)] = zrow
        return 0
    lax.fori_loop(0, ZROWS, zb_row, 0)

    nz = RPT // ZROWS
    def zdma(ji, _):
        pltpu.async_copy(zf_v, uf_sh.at[pl.ds(sid * RPT + ji * ZROWS, ZROWS)],
                         zsem)
        pltpu.async_copy(zd_v, ud_sh.at[pl.ds(sid * RPT + ji * ZROWS, ZROWS)],
                         zsem)
        return 0
    lax.fori_loop(0, nz, zdma, 0)
    return nz


def _zero_drain(uf_sh, ud_sh, zf_v, zd_v, sid, nz, zsem):
    def zdrain(ji, _):
        pltpu.make_async_copy(
            zf_v, uf_sh.at[pl.ds(sid * RPT, ZROWS)], zsem).wait()
        pltpu.make_async_copy(
            zd_v, ud_sh.at[pl.ds(sid * RPT, ZROWS)], zsem).wait()
        return 0
    lax.fori_loop(0, nz, zdrain, 0)


def _unpack_scale_pack(bfbuf, bfout, esp, ri, ee, ftw):
    mask_hi = jnp.full((LANES,), -65536, jnp.int32)
    for blk in range(ftw // 32):
        v = bfbuf[ri, pl.ds(blk * 32, 32)]
        w = plsc.bitcast(v, jnp.int32)
        lo = plsc.bitcast(lax.shift_left(w, 16), jnp.float32) * ee
        hi = plsc.bitcast(jnp.bitwise_and(w, mask_hi), jnp.float32) * ee
        bfout[ri, pl.ds(blk * 32, 2 * LANES)] = plsc.pack(
            lo, hi, format=plsc.PackFormat.INTERLEAVED)
    esp[ri, pl.ds(0, LANES)] = ee


def _make_sc_edge(ftw, k, cpt):
    mesh = plsc.VectorSubcoreMesh(core_axis_name="c", subcore_axis_name="s")

    def body(hx_hbm, eler_hbm, mvec_hbm, srcp_hbm, dstp_hbm, outf0_hbm,
             outf1_hbm, outd0_hbm, outd1_hbm,
             el_v, er_v, src_v, dst_v, m_v, ee_v, bf0_v, bf1_v,
             fo0_v, fo1_v, es0_v, es1_v, zf_v, zd_v, uf_sh, ud_sh,
             gsem0, gsem1, ssem0, ssem1, zsem):
        cid = lax.axis_index("c")
        sid = lax.axis_index("s")
        wid = sid * NC + cid
        bf_bufs = (bf0_v, bf1_v)
        fo_bufs = (fo0_v, fo1_v)
        es_bufs = (es0_v, es1_v)
        gsems = (gsem0, gsem1)
        ssems = (ssem0, ssem1)

        nz = _zero_accumulators(uf_sh, ud_sh, zf_v, zd_v, sid, ftw, zsem)
        pltpu.sync_copy(eler_hbm.at[0], el_v)
        pltpu.sync_copy(eler_hbm.at[1], er_v)
        pltpu.sync_copy(mvec_hbm, m_v)
        pltpu.sync_copy(srcp_hbm.at[wid], src_v)
        pltpu.sync_copy(dstp_hbm.at[wid], dst_v)
        _zero_drain(uf_sh, ud_sh, zf_v, zd_v, sid, nz, zsem)
        plsc.subcore_barrier()
        mvec = m_v[...]

        def gissue(ci, b):
            pltpu.async_copy(hx_hbm.at[src_v.at[ci]], bf_bufs[b], gsems[b])

        def gwait(b):
            pltpu.make_async_copy(hx_hbm.at[src_v.at[0]], bf_bufs[b],
                                  gsems[b]).wait()

        def sissue(ci, b):
            pltpu.async_copy(fo_bufs[b], uf_sh.at[dst_v.at[ci]], ssems[b],
                             add=True)
            pltpu.async_copy(es_bufs[b], ud_sh.at[dst_v.at[ci]], ssems[b],
                             add=True)

        def swait(b):
            pltpu.make_async_copy(fo_bufs[b], uf_sh.at[dst_v.at[0]],
                                  ssems[b]).wait()
            pltpu.make_async_copy(es_bufs[b], ud_sh.at[dst_v.at[0]],
                                  ssems[b]).wait()

        gissue(0, 0)

        def outer(g, _):
            for b in range(NBUF):
                c = g * NBUF + b

                @pl.when(c + 1 < cpt)
                def _():
                    gissue(c + 1, b ^ 1)

                for j in range(k // LANES):
                    sv = src_v[c, pl.ds(j * LANES, LANES)]
                    dv = dst_v[c, pl.ds(j * LANES, LANES)]
                    elg = plsc.load_gather(el_v, [sv])
                    erg = plsc.load_gather(er_v, [dv])
                    x = elg + erg
                    e = jnp.where(x >= 0, x, x * 0.2)
                    ee_v[pl.ds(j * LANES, LANES)] = jnp.exp(e - mvec)
                gwait(b)

                @pl.when(c >= 2)
                def _():
                    swait(b)

                def scale4(rg, _):
                    for rr in range(4):
                        ri = rg * 4 + rr
                        ee = plsc.load_gather(
                            ee_v, [jnp.full((LANES,), ri, jnp.int32)])
                        _unpack_scale_pack(bf_bufs[b], fo_bufs[b], es_bufs[b],
                                           ri, ee, ftw)
                    return 0
                lax.fori_loop(0, k // 4, scale4, 0)
                sissue(c, b)
            return 0
        lax.fori_loop(0, cpt // NBUF, outer, 0)
        swait(0)
        swait(1)

        plsc.subcore_barrier()

        @pl.when(cid == 0)
        def _():
            pltpu.sync_copy(uf_sh.at[pl.ds(sid * RPT, RPT)],
                            outf0_hbm.at[pl.ds(sid * RPT, RPT)])
            pltpu.sync_copy(ud_sh.at[pl.ds(sid * RPT, RPT)],
                            outd0_hbm.at[pl.ds(sid * RPT, RPT)])

        @pl.when(cid == 1)
        def _():
            pltpu.sync_copy(uf_sh.at[pl.ds(sid * RPT, RPT)],
                            outf1_hbm.at[pl.ds(sid * RPT, RPT)])
            pltpu.sync_copy(ud_sh.at[pl.ds(sid * RPT, RPT)],
                            outd1_hbm.at[pl.ds(sid * RPT, RPT)])

    return functools.partial(
        pl.kernel,
        out_type=[jax.ShapeDtypeStruct((N_PAD, ftw), jnp.bfloat16),
                  jax.ShapeDtypeStruct((N_PAD, ftw), jnp.bfloat16),
                  jax.ShapeDtypeStruct((N_PAD, DW), jnp.float32),
                  jax.ShapeDtypeStruct((N_PAD, DW), jnp.float32)],
        mesh=mesh,
        compiler_params=_SC_PARAMS,
        scratch_types=[
            pltpu.VMEM((N_PAD,), jnp.float32),
            pltpu.VMEM((N_PAD,), jnp.float32),
            pltpu.VMEM((cpt, k), jnp.int32),
            pltpu.VMEM((cpt, k), jnp.int32),
            pltpu.VMEM((LANES,), jnp.float32),
            pltpu.VMEM((k,), jnp.float32),
            pltpu.VMEM((k, ftw), jnp.bfloat16),
            pltpu.VMEM((k, ftw), jnp.bfloat16),
            pltpu.VMEM((k, ftw), jnp.bfloat16),
            pltpu.VMEM((k, ftw), jnp.bfloat16),
            pltpu.VMEM((k, DW), jnp.float32),
            pltpu.VMEM((k, DW), jnp.float32),
            pltpu.VMEM((ZROWS, ftw), jnp.bfloat16),
            pltpu.VMEM((ZROWS, DW), jnp.float32),
            pltpu.VMEM_SHARED((N_UPAD, ftw), jnp.bfloat16),
            pltpu.VMEM_SHARED((N_UPAD, DW), jnp.float32),
            pltpu.SemaphoreType.DMA,
            pltpu.SemaphoreType.DMA,
            pltpu.SemaphoreType.DMA,
            pltpu.SemaphoreType.DMA,
            pltpu.SemaphoreType.DMA,
        ],
    )(body)


_sc_edge_1 = _make_sc_edge(F1B, K1, CPT1)
_sc_edge_2 = _make_sc_edge(F2B, K2, CPT2)



def _permute_rows(w_ext, al_ext, c_of_p, fbf):
    ncols = w_ext.shape[0]
    sel = np.nonzero(c_of_p < ncols)[0]
    csel = c_of_p[sel]
    wp = jnp.zeros((fbf, w_ext.shape[1]), jnp.float32).at[sel].set(w_ext[csel])
    alp = jnp.zeros((2, fbf), jnp.float32).at[:, sel].set(al_ext[:, csel])
    return wp, alp


def kernel(edge_index, feat, unsplice, splice, alpha0, beta0, gamma0, dt,
           W1, b1, al1, ar1, W2, b2, al2, ar2, Wl, bl):
    f32 = jnp.float32
    src = edge_index[0]
    dst = edge_index[1]
    src_p1 = jnp.concatenate([src, jnp.zeros((E_PAD1 - E,), jnp.int32)])
    dst_p1 = jnp.concatenate([dst, jnp.full((E_PAD1 - E,), N, jnp.int32)])
    src_p2 = jnp.concatenate([src, jnp.zeros((E_PAD2 - E,), jnp.int32)])
    dst_p2 = jnp.concatenate([dst, jnp.full((E_PAD2 - E,), N, jnp.int32)])
    srcp1 = src_p1.reshape(NW, CPT1, K1)
    dstp1 = dst_p1.reshape(NW, CPT1, K1)
    srcp2 = src_p2.reshape(NW, CPT2, K2)
    dstp2 = dst_p2.reshape(NW, CPT2, K2)

    feat_p = jnp.zeros((N_PAD, IN_FEATS), f32).at[:N].set(feat)
    alr1e = jnp.concatenate([al1, ar1], 0)
    w1p, alr1 = _permute_rows(W1, alr1e, _C_OF_P1, F1B)
    alr2e = jnp.concatenate([al2, ar2], 0)
    w2p, alr2 = _permute_rows(W2, alr2e, _C_OF_P2, F2B)
    w2pp = w2p[:, _C_OF_P1]
    b1p = b1[_C_OF_P1].reshape(1, H1)
    wlpp = jnp.zeros((8, H2), f32).at[:3].set(Wl)[:, _C_OF_P2]
    b2p = b2[_C_OF_P2].reshape(1, H2)
    blp = jnp.zeros((8, 1), f32).at[:3, 0].set(bl)
    usp = jnp.zeros((1, N_PAD), f32).at[0, :N].set(unsplice)
    spp = jnp.zeros((1, N_PAD), f32).at[0, :N].set(splice)
    scal = jnp.stack([alpha0[0], beta0[0], gamma0[0], dt[0]]).reshape(1, 4)

    hx1, eler1, mm1 = _tc_pre(feat_p, w1p, alr1)
    mvec1 = jnp.full((LANES,), mm1[0, 0] + mm1[1, 0], f32)
    u1f0, u1f1, u1d0, u1d1 = _sc_edge_1(hx1, eler1, mvec1, srcp1, dstp1)

    hx2, eler2, mm2 = _tc_mid(u1f0, u1f1, u1d0, u1d1, b1p, w2pp, alr2)
    mvec2 = jnp.full((LANES,), mm2[0, 0] + mm2[1, 0], f32)
    u2f0, u2f1, u2d0, u2d1 = _sc_edge_2(hx2, eler2, mvec2, srcp2, dstp2)

    (out8,) = _tc_final(u2f0, u2f1, u2d0, u2d1, b2p, wlpp, blp,
                        usp, spp, scal)

    return (out8[0, :N], out8[1, :N], out8[2, :N], out8[3, :N], out8[4, :N])

# --- scband reference (transcript-rebuilt; emitter-appended) ---
"""Pipeline reference for scband-gatlayer-49228915147131 (READ-ONLY COPY).

The authoritative reference and input builder live on the scoring server;
editing this copy changes nothing except your own understanding.
"""

import jax, jax.numpy as jnp
import numpy as np

N = 10000
E = 160000
IN_FEATS = 128
H1 = 128  # num_heads * h1 = 2 * 64 (width of conv1 output)
H2 = 64


def _gat_conv(feat, src, dst, W, b, attn_l, attn_r, n_nodes):
    # Faithful DGL GATConv (num_heads=1 inside each conv, attn_drop disabled / eval mode)
    prefix = feat.shape[:-1]
    heads, out = attn_l.shape
    h = jnp.dot(feat, W.T).reshape(prefix + (heads, out))
    el = jnp.sum(h * attn_l, axis=-1, keepdims=True)
    er = jnp.sum(h * attn_r, axis=-1, keepdims=True)
    e = jax.nn.leaky_relu(el[src] + er[dst], negative_slope=0.2)
    emax = jax.ops.segment_max(e, dst, num_segments=n_nodes)
    emax = jnp.where(jnp.isfinite(emax), emax, 0.0)
    ee = jnp.exp(e - emax[dst])
    denom = jax.ops.segment_sum(ee, dst, num_segments=n_nodes)
    a = ee / jnp.maximum(denom[dst], 1e-9)
    rst = jax.ops.segment_sum(h[src] * a, dst, num_segments=n_nodes)
    return rst + b.reshape((heads, out))


def setup_inputs(seed: int = 0):
    key = jax.random.key(seed)
    ks = jax.random.split(key, 18)
    inp = {}
    inp["edge_index"] = jax.random.randint(ks[0], (2, E), 0, N, dtype=jnp.int32)
    inp["feat"] = jax.random.normal(ks[1], (N, IN_FEATS), dtype=jnp.float32)
    inp["unsplice"] = jax.random.uniform(ks[2], (N,), dtype=jnp.float32)
    inp["splice"] = jax.random.uniform(ks[3], (N,), dtype=jnp.float32)
    inp["alpha0"] = jax.random.uniform(ks[4], (1,), dtype=jnp.float32)
    inp["beta0"] = jax.random.uniform(ks[5], (1,), dtype=jnp.float32)
    inp["gamma0"] = jax.random.uniform(ks[6], (1,), dtype=jnp.float32)
    inp["dt"] = jax.random.uniform(ks[7], (1,), dtype=jnp.float32)
    inp["W1"] = jax.random.normal(ks[8], (H1, IN_FEATS), dtype=jnp.float32) * 0.05
    inp["b1"] = jnp.zeros((H1,), dtype=jnp.float32)
    inp["al1"] = jax.random.normal(ks[9], (1, H1), dtype=jnp.float32) * 0.05
    inp["ar1"] = jax.random.normal(ks[10], (1, H1), dtype=jnp.float32) * 0.05
    inp["W2"] = jax.random.normal(ks[11], (H2, H1), dtype=jnp.float32) * 0.05
    inp["b2"] = jnp.zeros((H2,), dtype=jnp.float32)
    inp["al2"] = jax.random.normal(ks[12], (1, H2), dtype=jnp.float32) * 0.05
    inp["ar2"] = jax.random.normal(ks[13], (1, H2), dtype=jnp.float32) * 0.05
    inp["Wl"] = jax.random.normal(ks[14], (3, H2), dtype=jnp.float32) * 0.05
    inp["bl"] = jnp.zeros((3,), dtype=jnp.float32)
    return inp


def reference(edge_index, feat, unsplice, splice, alpha0, beta0, gamma0, dt, W1, b1, al1, ar1, W2, b2, al2, ar2, Wl, bl):
    src = edge_index[0]
    dst = edge_index[1]
    x = _gat_conv(feat, src, dst, W1, b1, al1, ar1, N)  # (N, 1, H1)
    x = jax.nn.elu(x)  # activation=F.elu inside conv1
    x = jax.nn.elu(x)  # F.elu in forward (dropout disabled in eval)
    x = _gat_conv(x, src, dst, W2, b2, al2, ar2, N)  # (N, 1, 1, H2)
    x = jax.nn.elu(x)
    x = jnp.dot(x, Wl.T) + bl  # (N, 1, 1, 3)
    output = jax.nn.sigmoid(x)
    beta = output[:, :, :, 0]
    gamma = output[:, :, :, 1]
    alphas = output[:, :, :, 2]
    alphas = alphas * alpha0
    beta = beta * beta0
    gamma = gamma * gamma0
    alphas = jnp.squeeze(alphas)
    beta = jnp.squeeze(beta)
    gamma = jnp.squeeze(gamma)
    unsplice_predict = unsplice + (alphas - beta * unsplice) * dt
    splice_predict = splice + (beta * unsplice - gamma * splice) * dt
    return (unsplice_predict, splice_predict, alphas, beta, gamma)

if __name__ == "__main__":
    import jax
    _d = setup_inputs()
    print(jax.jit(kernel)(*tuple(_d.values())))

</pallas_src>

<mosaic_0001>
#map = affine_map<(d0, d1) -> (0, 0)>
#map1 = affine_map<(d0, d1) -> (0)>
#map2 = affine_map<(d0, d1) -> (0, 0, 0)>
module attributes {stable_mosaic.version = 14 : i64} {
  func.func @body(%arg0: i32, %arg1: i32, %arg2: memref<10240x128xbf16, #tpu.memory_space<hbm>>, %arg3: memref<2x10240xf32, #tpu.memory_space<hbm>>, %arg4: memref<16xf32, #tpu.memory_space<hbm>>, %arg5: memref<32x40x128xi32, #tpu.memory_space<hbm>>, %arg6: memref<32x40x128xi32, #tpu.memory_space<hbm>>, %arg7: memref<10240x128xbf16, #tpu.memory_space<hbm>>, %arg8: memref<10240x128xbf16, #tpu.memory_space<hbm>>, %arg9: memref<10240x16xf32, #tpu.memory_space<hbm>>, %arg10: memref<10240x16xf32, #tpu.memory_space<hbm>>, %arg11: memref<10240xf32, #tpu.memory_space<vmem>>, %arg12: memref<10240xf32, #tpu.memory_space<vmem>>, %arg13: memref<40x128xi32, #tpu.memory_space<vmem>>, %arg14: memref<40x128xi32, #tpu.memory_space<vmem>>, %arg15: memref<16xf32, #tpu.memory_space<vmem>>, %arg16: memref<128xf32, #tpu.memory_space<vmem>>, %arg17: memref<128x128xbf16, #tpu.memory_space<vmem>>, %arg18: memref<128x128xbf16, #tpu.memory_space<vmem>>, %arg19: memref<128x128xbf16, #tpu.memory_space<vmem>>, %arg20: memref<128x128xbf16, #tpu.memory_space<vmem>>, %arg21: memref<128x16xf32, #tpu.memory_space<vmem>>, %arg22: memref<128x16xf32, #tpu.memory_space<vmem>>, %arg23: memref<4x128xbf16, #tpu.memory_space<vmem>>, %arg24: memref<4x16xf32, #tpu.memory_space<vmem>>, %arg25: memref<10048x128xbf16, #tpu.memory_space<vmem_shared>>, %arg26: memref<10048x16xf32, #tpu.memory_space<vmem_shared>>, %arg27: memref<!tpu.dma_semaphore, #tpu.memory_space<semaphore_mem>>, %arg28: memref<!tpu.dma_semaphore, #tpu.memory_space<semaphore_mem>>, %arg29: memref<!tpu.dma_semaphore, #tpu.memory_space<semaphore_mem>>, %arg30: memref<!tpu.dma_semaphore, #tpu.memory_space<semaphore_mem>>, %arg31: memref<!tpu.dma_semaphore, #tpu.memory_space<semaphore_mem>>) attributes {dimension_semantics = [#tpu.dimension_semantics<core_parallel>, #tpu.dimension_semantics<subcore_parallel>], iteration_bounds = array<i64: 2, 16>, scalar_prefetch = 0 : i64, scratch_operands = 21 : i64, tpu.core_type = #tpu.core_type<sc_vector_subcore>, window_params = [{transform_indices = #map}, {transform_indices = #map}, {transform_indices = #map1}, {transform_indices = #map2}, {transform_indices = #map2}, {transform_indices = #map}, {transform_indices = #map}, {transform_indices = #map}, {transform_indices = #map}]} {
    %mul3A = arith.constant 2 : i32
    %mul3A_0 = arith.muli %arg1, %mul3A : i32
    %add3A = arith.addi %mul3A_0, %arg0 : i32
    %broadcast_in_dim3A = arith.constant 0.000000e+00 : bf16
    %broadcast_in_dim3A_1 = vector.broadcast %broadcast_in_dim3A : bf16 to vector<32xbf16>
    %broadcast_in_dim3A_2 = arith.constant 0.000000e+00 : f32
    %broadcast_in_dim3A_3 = vector.broadcast %broadcast_in_dim3A_2 : f32 to vector<16xf32>
    %scan3A = arith.constant 0 : i32
    %scan3A_4 = arith.constant 0 : i32
    %scan3A_5 = arith.constant 4 : i32
    %scan3A_6 = arith.addi %scan3A_4, %scan3A_5 : i32
    %scan3A_7 = arith.constant 1 : i32
    %scan3A_8 = scf.for %scan3A_74 = %scan3A_4 to %scan3A_6 step %scan3A_7 iter_args(%scan3A_75 = %scan3A) -> (i32)  : i32 {
      %scan3A_76 = arith.constant 0 : i32
      %scan3A_77 = arith.constant 0 : i32
      %scan3A_78 = arith.constant 4 : i32
      %scan3A_79 = arith.addi %scan3A_77, %scan3A_78 : i32
      %scan3A_80 = arith.constant 1 : i32
      %scan3A_81 = scf.for %scan3A_86 = %scan3A_77 to %scan3A_79 step %scan3A_80 iter_args(%scan3A_87 = %scan3A_76) -> (i32)  : i32 {
        %mul3A_88 = arith.constant 2 : i32
        %mul3A_89 = arith.muli %scan3A_86, %mul3A_88 : i32
        %mul3A_90 = arith.constant 16 : i32
        %mul3A_91 = arith.muli %mul3A_89, %mul3A_90 : i32
        %swap3A_92 = arith.index_cast %scan3A_74 : i32 to index
        %swap3A_93 = arith.index_cast %mul3A_91 : i32 to index
        %swap3A_94 = tpu.vector_load %arg23[%swap3A_92, %swap3A_93] {strides = array<i32>} : memref<4x128xbf16, #tpu.memory_space<vmem>>, vector<32xbf16>,
        tpu.vector_store %arg23[%swap3A_92, %swap3A_93], %broadcast_in_dim3A_1 {strides = array<i32>} : memref<4x128xbf16, #tpu.memory_space<vmem>>, vector<32xbf16>,
        %scan3A_95 = arith.constant 0 : i32
        scf.yield %scan3A_95 : i32
      }
      %scan3A_82 = arith.constant 4 : i32
      %swap3A = arith.index_cast %scan3A_74 : i32 to index
      %swap3A_83 = arith.constant 0 : index
      %swap3A_84 = tpu.vector_load %arg24[%swap3A, %swap3A_83] {strides = array<i32>} : memref<4x16xf32, #tpu.memory_space<vmem>>, vector<16xf32>,
      tpu.vector_store %arg24[%swap3A, %swap3A_83], %broadcast_in_dim3A_3 {strides = array<i32>} : memref<4x16xf32, #tpu.memory_space<vmem>>, vector<16xf32>,
      %scan3A_85 = arith.constant 0 : i32
      scf.yield %scan3A_85 : i32
    }
    %scan3A_9 = arith.constant 4 : i32
    %scan3A_10 = arith.constant 0 : i32
    %scan3A_11 = arith.constant 0 : i32
    %scan3A_12 = arith.constant 157 : i32
    %scan3A_13 = arith.addi %scan3A_11, %scan3A_12 : i32
    %scan3A_14 = arith.constant 1 : i32
    %scan3A_15 = scf.for %scan3A_74 = %scan3A_11 to %scan3A_13 step %scan3A_14 iter_args(%scan3A_75 = %scan3A_10) -> (i32)  : i32 {
      %mul3A_76 = arith.constant 628 : i32
      %mul3A_77 = arith.muli %arg1, %mul3A_76 : i32
      %mul3A_78 = arith.constant 4 : i32
      %mul3A_79 = arith.muli %scan3A_74, %mul3A_78 : i32
      %add3A_80 = arith.addi %mul3A_77, %mul3A_79 : i32
      %dma_start3A_81 = arith.constant 0 : i32
      %dma_start3A_82 = tpu.memref_slice %arg25[%add3A_80, %dma_start3A_81] : memref<10048x128xbf16, #tpu.memory_space<vmem_shared>> -> memref<4x128xbf16, #tpu.memory_space<vmem_shared>>
      %dma_start3A_83 = arith.constant 0 : i32
      %dma_start3A_84 = tpu.memref_slice %arg25[%add3A_80, %dma_start3A_83] : memref<10048x128xbf16, #tpu.memory_space<vmem_shared>> -> memref<4x128xbf16, #tpu.memory_space<vmem_shared>>
      tpu.enqueue_dma source(%arg23 : memref<4x128xbf16, #tpu.memory_space<vmem>>) target(%dma_start3A_84 : memref<4x128xbf16, #tpu.memory_space<vmem_shared>>) target_semaphore(%arg31 : memref<!tpu.dma_semaphore, #tpu.memory_space<semaphore_mem>>)
      %mul3A_85 = arith.constant 628 : i32
      %mul3A_86 = arith.muli %arg1, %mul3A_85 : i32
      %mul3A_87 = arith.constant 4 : i32
      %mul3A_88 = arith.muli %scan3A_74, %mul3A_87 : i32
      %add3A_89 = arith.addi %mul3A_86, %mul3A_88 : i32
      %dma_start3A_90 = arith.constant 0 : i32
      %dma_start3A_91 = tpu.memref_slice %arg26[%add3A_89, %dma_start3A_90] : memref<10048x16xf32, #tpu.memory_space<vmem_shared>> -> memref<4x16xf32, #tpu.memory_space<vmem_shared>>
      %dma_start3A_92 = arith.constant 0 : i32
      %dma_start3A_93 = tpu.memref_slice %arg26[%add3A_89, %dma_start3A_92] : memref<10048x16xf32, #tpu.memory_space<vmem_shared>> -> memref<4x16xf32, #tpu.memory_space<vmem_shared>>
      tpu.enqueue_dma source(%arg24 : memref<4x16xf32, #tpu.memory_space<vmem>>) target(%dma_start3A_93 : memref<4x16xf32, #tpu.memory_space<vmem_shared>>) target_semaphore(%arg31 : memref<!tpu.dma_semaphore, #tpu.memory_space<semaphore_mem>>)
      %scan3A_94 = arith.constant 0 : i32
      scf.yield %scan3A_94 : i32
    }
    %scan3A_16 = arith.constant 157 : i32
    %run_scoped3A = arith.constant 0 : i32
    "tpu.region"() ({
      %run_scoped3A_74 = tpu.sem_alloc : memref<!tpu.dma_semaphore, #tpu.memory_space<semaphore_mem>>
      %dma_start3A_75 = arith.constant 0 : i32
      %dma_start3A_76 = tpu.memref_slice %arg3[%run_scoped3A, %dma_start3A_75] : memref<2x10240xf32, #tpu.memory_space<hbm>> -> memref<1x10240xf32, #tpu.memory_space<hbm>>
      %dma_start3A_77 = tpu.memref_squeeze %dma_start3A_76 : memref<1x10240xf32, #tpu.memory_space<hbm>> -> memref<10240xf32, #tpu.memory_space<hbm>>
      %dma_start3A_78 = arith.constant 0 : i32
      %dma_start3A_79 = tpu.memref_slice %arg3[%run_scoped3A, %dma_start3A_78] : memref<2x10240xf32, #tpu.memory_space<hbm>> -> memref<1x10240xf32, #tpu.memory_space<hbm>>
      %dma_start3A_80 = tpu.memref_squeeze %dma_start3A_79 : memref<1x10240xf32, #tpu.memory_space<hbm>> -> memref<10240xf32, #tpu.memory_space<hbm>>
      tpu.enqueue_dma source(%dma_start3A_80 : memref<10240xf32, #tpu.memory_space<hbm>>) target(%arg11 : memref<10240xf32, #tpu.memory_space<vmem>>) target_semaphore(%run_scoped3A_74 : memref<!tpu.dma_semaphore, #tpu.memory_space<semaphore_mem>>)
      %dma_wait3A_81 = arith.constant 0 : i32
      %dma_wait3A_82 = tpu.memref_slice %arg3[%run_scoped3A, %dma_wait3A_81] : memref<2x10240xf32, #tpu.memory_space<hbm>> -> memref<1x10240xf32, #tpu.memory_space<hbm>>
      %dma_wait3A_83 = tpu.memref_squeeze %dma_wait3A_82 : memref<1x10240xf32, #tpu.memory_space<hbm>> -> memref<10240xf32, #tpu.memory_space<hbm>>
      %dma_wait3A_84 = arith.constant 0 : i32
      %dma_wait3A_85 = tpu.memref_slice %arg3[%run_scoped3A, %dma_wait3A_84] : memref<2x10240xf32, #tpu.memory_space<hbm>> -> memref<1x10240xf32, #tpu.memory_space<hbm>>
      %dma_wait3A_86 = tpu.memref_squeeze %dma_wait3A_85 : memref<1x10240xf32, #tpu.memory_space<hbm>> -> memref<10240xf32, #tpu.memory_space<hbm>>
      tpu.wait_dma2 semaphore(%run_scoped3A_74 : memref<!tpu.dma_semaphore, #tpu.memory_space<semaphore_mem>>) src(%dma_wait3A_86 : memref<10240xf32, #tpu.memory_space<hbm>>) dst(%arg11 : memref<10240xf32, #tpu.memory_space<vmem>>)
      tpu.yield
    }) : () -> ()
    %run_scoped3A_17 = arith.constant 1 : i32
    "tpu.region"() ({
      %run_scoped3A_74 = tpu.sem_alloc : memref<!tpu.dma_semaphore, #tpu.memory_space<semaphore_mem>>
      %dma_start3A_75 = arith.constant 0 : i32
      %dma_start3A_76 = tpu.memref_slice %arg3[%run_scoped3A_17, %dma_start3A_75] : memref<2x10240xf32, #tpu.memory_space<hbm>> -> memref<1x10240xf32, #tpu.memory_space<hbm>>
      %dma_start3A_77 = tpu.memref_squeeze %dma_start3A_76 : memref<1x10240xf32, #tpu.memory_space<hbm>> -> memref<10240xf32, #tpu.memory_space<hbm>>
      %dma_start3A_78 = arith.constant 0 : i32
      %dma_start3A_79 = tpu.memref_slice %arg3[%run_scoped3A_17, %dma_start3A_78] : memref<2x10240xf32, #tpu.memory_space<hbm>> -> memref<1x10240xf32, #tpu.memory_space<hbm>>
      %dma_start3A_80 = tpu.memref_squeeze %dma_start3A_79 : memref<1x10240xf32, #tpu.memory_space<hbm>> -> memref<10240xf32, #tpu.memory_space<hbm>>
      tpu.enqueue_dma source(%dma_start3A_80 : memref<10240xf32, #tpu.memory_space<hbm>>) target(%arg12 : memref<10240xf32, #tpu.memory_space<vmem>>) target_semaphore(%run_scoped3A_74 : memref<!tpu.dma_semaphore, #tpu.memory_space<semaphore_mem>>)
      %dma_wait3A_81 = arith.constant 0 : i32
      %dma_wait3A_82 = tpu.memref_slice %arg3[%run_scoped3A_17, %dma_wait3A_81] : memref<2x10240xf32, #tpu.memory_space<hbm>> -> memref<1x10240xf32, #tpu.memory_space<hbm>>
      %dma_wait3A_83 = tpu.memref_squeeze %dma_wait3A_82 : memref<1x10240xf32, #tpu.memory_space<hbm>> -> memref<10240xf32, #tpu.memory_space<hbm>>
      %dma_wait3A_84 = arith.constant 0 : i32
      %dma_wait3A_85 = tpu.memref_slice %arg3[%run_scoped3A_17, %dma_wait3A_84] : memref<2x10240xf32, #tpu.memory_space<hbm>> -> memref<1x10240xf32, #tpu.memory_space<hbm>>
      %dma_wait3A_86 = tpu.memref_squeeze %dma_wait3A_85 : memref<1x10240xf32, #tpu.memory_space<hbm>> -> memref<10240xf32, #tpu.memory_space<hbm>>
      tpu.wait_dma2 semaphore(%run_scoped3A_74 : memref<!tpu.dma_semaphore, #tpu.memory_space<semaphore_mem>>) src(%dma_wait3A_86 : memref<10240xf32, #tpu.memory_space<hbm>>) dst(%arg12 : memref<10240xf32, #tpu.memory_space<vmem>>)
      tpu.yield
    }) : () -> ()
    "tpu.region"() ({
      %run_scoped3A_74 = tpu.sem_alloc : memref<!tpu.dma_semaphore, #tpu.memory_space<semaphore_mem>>
      tpu.enqueue_dma source(%arg4 : memref<16xf32, #tpu.memory_space<hbm>>) target(%arg15 : memref<16xf32, #tpu.memory_space<vmem>>) target_semaphore(%run_scoped3A_74 : memref<!tpu.dma_semaphore, #tpu.memory_space<semaphore_mem>>)
      tpu.wait_dma2 semaphore(%run_scoped3A_74 : memref<!tpu.dma_semaphore, #tpu.memory_space<semaphore_mem>>) src(%arg4 : memref<16xf32, #tpu.memory_space<hbm>>) dst(%arg15 : memref<16xf32, #tpu.memory_space<vmem>>)
      tpu.yield
    }) : () -> ()
    "tpu.region"() ({
      %run_scoped3A_74 = tpu.sem_alloc : memref<!tpu.dma_semaphore, #tpu.memory_space<semaphore_mem>>
      %dma_start3A_75 = arith.constant 0 : i32
      %dma_start3A_76 = arith.constant 0 : i32
      %dma_start3A_77 = tpu.memref_slice %arg5[%add3A, %dma_start3A_75, %dma_start3A_76] : memref<32x40x128xi32, #tpu.memory_space<hbm>> -> memref<1x40x128xi32, #tpu.memory_space<hbm>>
      %dma_start3A_78 = tpu.memref_squeeze %dma_start3A_77 : memref<1x40x128xi32, #tpu.memory_space<hbm>> -> memref<40x128xi32, #tpu.memory_space<hbm>>
      %dma_start3A_79 = arith.constant 0 : i32
      %dma_start3A_80 = arith.constant 0 : i32
      %dma_start3A_81 = tpu.memref_slice %arg5[%add3A, %dma_start3A_79, %dma_start3A_80] : memref<32x40x128xi32, #tpu.memory_space<hbm>> -> memref<1x40x128xi32, #tpu.memory_space<hbm>>
      %dma_start3A_82 = tpu.memref_squeeze %dma_start3A_81 : memref<1x40x128xi32, #tpu.memory_space<hbm>> -> memref<40x128xi32, #tpu.memory_space<hbm>>
      tpu.enqueue_dma source(%dma_start3A_82 : memref<40x128xi32, #tpu.memory_space<hbm>>) target(%arg13 : memref<40x128xi32, #tpu.memory_space<vmem>>) target_semaphore(%run_scoped3A_74 : memref<!tpu.dma_semaphore, #tpu.memory_space<semaphore_mem>>)
      %dma_wait3A_83 = arith.constant 0 : i32
      %dma_wait3A_84 = arith.constant 0 : i32
      %dma_wait3A_85 = tpu.memref_slice %arg5[%add3A, %dma_wait3A_83, %dma_wait3A_84] : memref<32x40x128xi32, #tpu.memory_space<hbm>> -> memref<1x40x128xi32, #tpu.memory_space<hbm>>
      %dma_wait3A_86 = tpu.memref_squeeze %dma_wait3A_85 : memref<1x40x128xi32, #tpu.memory_space<hbm>> -> memref<40x128xi32, #tpu.memory_space<hbm>>
      %dma_wait3A_87 = arith.constant 0 : i32
      %dma_wait3A_88 = arith.constant 0 : i32
      %dma_wait3A_89 = tpu.memref_slice %arg5[%add3A, %dma_wait3A_87, %dma_wait3A_88] : memref<32x40x128xi32, #tpu.memory_space<hbm>> -> memref<1x40x128xi32, #tpu.memory_space<hbm>>
      %dma_wait3A_90 = tpu.memref_squeeze %dma_wait3A_89 : memref<1x40x128xi32, #tpu.memory_space<hbm>> -> memref<40x128xi32, #tpu.memory_space<hbm>>
      tpu.wait_dma2 semaphore(%run_scoped3A_74 : memref<!tpu.dma_semaphore, #tpu.memory_space<semaphore_mem>>) src(%dma_wait3A_90 : memref<40x128xi32, #tpu.memory_space<hbm>>) dst(%arg13 : memref<40x128xi32, #tpu.memory_space<vmem>>)
      tpu.yield
    }) : () -> ()
    "tpu.region"() ({
      %run_scoped3A_74 = tpu.sem_alloc : memref<!tpu.dma_semaphore, #tpu.memory_space<semaphore_mem>>
      %dma_start3A_75 = arith.constant 0 : i32
      %dma_start3A_76 = arith.constant 0 : i32
      %dma_start3A_77 = tpu.memref_slice %arg6[%add3A, %dma_start3A_75, %dma_start3A_76] : memref<32x40x128xi32, #tpu.memory_space<hbm>> -> memref<1x40x128xi32, #tpu.memory_space<hbm>>
      %dma_start3A_78 = tpu.memref_squeeze %dma_start3A_77 : memref<1x40x128xi32, #tpu.memory_space<hbm>> -> memref<40x128xi32, #tpu.memory_space<hbm>>
      %dma_start3A_79 = arith.constant 0 : i32
      %dma_start3A_80 = arith.constant 0 : i32
      %dma_start3A_81 = tpu.memref_slice %arg6[%add3A, %dma_start3A_79, %dma_start3A_80] : memref<32x40x128xi32, #tpu.memory_space<hbm>> -> memref<1x40x128xi32, #tpu.memory_space<hbm>>
      %dma_start3A_82 = tpu.memref_squeeze %dma_start3A_81 : memref<1x40x128xi32, #tpu.memory_space<hbm>> -> memref<40x128xi32, #tpu.memory_space<hbm>>
      tpu.enqueue_dma source(%dma_start3A_82 : memref<40x128xi32, #tpu.memory_space<hbm>>) target(%arg14 : memref<40x128xi32, #tpu.memory_space<vmem>>) target_semaphore(%run_scoped3A_74 : memref<!tpu.dma_semaphore, #tpu.memory_space<semaphore_mem>>)
      %dma_wait3A_83 = arith.constant 0 : i32
      %dma_wait3A_84 = arith.constant 0 : i32
      %dma_wait3A_85 = tpu.memref_slice %arg6[%add3A, %dma_wait3A_83, %dma_wait3A_84] : memref<32x40x128xi32, #tpu.memory_space<hbm>> -> memref<1x40x128xi32, #tpu.memory_space<hbm>>
      %dma_wait3A_86 = tpu.memref_squeeze %dma_wait3A_85 : memref<1x40x128xi32, #tpu.memory_space<hbm>> -> memref<40x128xi32, #tpu.memory_space<hbm>>
      %dma_wait3A_87 = arith.constant 0 : i32
      %dma_wait3A_88 = arith.constant 0 : i32
      %dma_wait3A_89 = tpu.memref_slice %arg6[%add3A, %dma_wait3A_87, %dma_wait3A_88] : memref<32x40x128xi32, #tpu.memory_space<hbm>> -> memref<1x40x128xi32, #tpu.memory_space<hbm>>
      %dma_wait3A_90 = tpu.memref_squeeze %dma_wait3A_89 : memref<1x40x128xi32, #tpu.memory_space<hbm>> -> memref<40x128xi32, #tpu.memory_space<hbm>>
      tpu.wait_dma2 semaphore(%run_scoped3A_74 : memref<!tpu.dma_semaphore, #tpu.memory_space<semaphore_mem>>) src(%dma_wait3A_90 : memref<40x128xi32, #tpu.memory_space<hbm>>) dst(%arg14 : memref<40x128xi32, #tpu.memory_space<vmem>>)
      tpu.yield
    }) : () -> ()
    %scan3A_18 = arith.constant 0 : i32
    %scan3A_19 = arith.constant 0 : i32
    %scan3A_20 = arith.constant 157 : i32
    %scan3A_21 = arith.addi %scan3A_19, %scan3A_20 : i32
    %scan3A_22 = arith.constant 1 : i32
    %scan3A_23 = scf.for %scan3A_74 = %scan3A_19 to %scan3A_21 step %scan3A_22 iter_args(%scan3A_75 = %scan3A_18) -> (i32)  : i32 {
      %mul3A_76 = arith.constant 628 : i32
      %mul3A_77 = arith.muli %arg1, %mul3A_76 : i32
      %dma_wait3A_78 = arith.constant 0 : i32
      %dma_wait3A_79 = tpu.memref_slice %arg25[%mul3A_77, %dma_wait3A_78] : memref<10048x128xbf16, #tpu.memory_space<vmem_shared>> -> memref<4x128xbf16, #tpu.memory_space<vmem_shared>>
      %dma_wait3A_80 = arith.constant 0 : i32
      %dma_wait3A_81 = tpu.memref_slice %arg25[%mul3A_77, %dma_wait3A_80] : memref<10048x128xbf16, #tpu.memory_space<vmem_shared>> -> memref<4x128xbf16, #tpu.memory_space<vmem_shared>>
      tpu.wait_dma2 semaphore(%arg31 : memref<!tpu.dma_semaphore, #tpu.memory_space<semaphore_mem>>) src(%arg23 : memref<4x128xbf16, #tpu.memory_space<vmem>>) dst(%dma_wait3A_81 : memref<4x128xbf16, #tpu.memory_space<vmem_shared>>)
      %mul3A_82 = arith.constant 628 : i32
      %mul3A_83 = arith.muli %arg1, %mul3A_82 : i32
      %dma_wait3A_84 = arith.constant 0 : i32
      %dma_wait3A_85 = tpu.memref_slice %arg26[%mul3A_83, %dma_wait3A_84] : memref<10048x16xf32, #tpu.memory_space<vmem_shared>> -> memref<4x16xf32, #tpu.memory_space<vmem_shared>>
      %dma_wait3A_86 = arith.constant 0 : i32
      %dma_wait3A_87 = tpu.memref_slice %arg26[%mul3A_83, %dma_wait3A_86] : memref<10048x16xf32, #tpu.memory_space<vmem_shared>> -> memref<4x16xf32, #tpu.memory_space<vmem_shared>>
      tpu.wait_dma2 semaphore(%arg31 : memref<!tpu.dma_semaphore, #tpu.memory_space<semaphore_mem>>) src(%arg24 : memref<4x16xf32, #tpu.memory_space<vmem>>) dst(%dma_wait3A_87 : memref<4x16xf32, #tpu.memory_space<vmem_shared>>)
      %scan3A_88 = arith.constant 0 : i32
      scf.yield %scan3A_88 : i32
    }
    %scan3A_24 = arith.constant 157 : i32
    %barrier3A = arith.constant 0 : index
    tpu.barrier barrier_id(%barrier3A)
    %get3A = arith.constant 0 : index
    %get3A_25 = tpu.vector_load %arg15[%get3A] {strides = array<i32>} : memref<16xf32, #tpu.memory_space<vmem>>, vector<16xf32>,
    %dma_start3A = arith.constant 0 : i32
    %dma_start3A_26 = arith.constant 0 : i32
    %dma_start3A_27 = tpu.memref_slice %arg13[%dma_start3A, %dma_start3A_26] : memref<40x128xi32, #tpu.memory_space<vmem>> -> memref<1x128xi32, #tpu.memory_space<vmem>>
    %dma_start3A_28 = tpu.memref_squeeze %dma_start3A_27 : memref<1x128xi32, #tpu.memory_space<vmem>> -> memref<128xi32, #tpu.memory_space<vmem>>
    %dma_start3A_29 = arith.constant 0 : i32
    %dma_start3A_30 = arith.constant 0 : i32
    %dma_start3A_31 = tpu.memref_slice %arg2[%dma_start3A_29, %dma_start3A_30] : memref<10240x128xbf16, #tpu.memory_space<hbm>> -> memref<10240x128xbf16, #tpu.memory_space<hbm>>
    tpu.enqueue_indirect_dma source(%dma_start3A_31 : memref<10240x128xbf16, #tpu.memory_space<hbm>>) target(%arg17 : memref<128x128xbf16, #tpu.memory_space<vmem>>) offsets(%dma_start3A_28 : memref<128xi32, #tpu.memory_space<vmem>>) semaphore(%arg27 : memref<!tpu.dma_semaphore, #tpu.memory_space<semaphore_mem>>)
    %scan3A_32 = arith.constant 0 : i32
    %scan3A_33 = arith.constant 0 : i32
    %scan3A_34 = arith.constant 20 : i32
    %scan3A_35 = arith.addi %scan3A_33, %scan3A_34 : i32
    %scan3A_36 = arith.constant 1 : i32
    %scan3A_37 = scf.for %scan3A_74 = %scan3A_33 to %scan3A_35 step %scan3A_36 iter_args(%scan3A_75 = %scan3A_32) -> (i32)  : i32 {
      %mul3A_76 = arith.constant 2 : i32
      %mul3A_77 = arith.muli %scan3A_74, %mul3A_76 : i32
      %add3A_78 = arith.constant 0 : i32
      %add3A_79 = arith.addi %mul3A_77, %add3A_78 : i32
      %add3A_80 = arith.constant 1 : i32
      %add3A_81 = arith.addi %add3A_79, %add3A_80 : i32
      %lt3A = arith.constant 40 : i32
      %lt3A_82 = arith.cmpi slt, %add3A_81, %lt3A : i32
      %convert_element_type3A_83 = arith.extui %lt3A_82 : i1 to i32
      %cond3A_84 = arith.constant 0 : i32
      %cond3A_85 = arith.cmpi ne, %convert_element_type3A_83, %cond3A_84 : i32
      scf.if %cond3A_85 {
        %add3A_474 = arith.constant 1 : i32
        %add3A_475 = arith.addi %add3A_79, %add3A_474 : i32
        %dma_start3A_476 = arith.constant 0 : i32
        %dma_start3A_477 = tpu.memref_slice %arg13[%add3A_475, %dma_start3A_476] : memref<40x128xi32, #tpu.memory_space<vmem>> -> memref<1x128xi32, #tpu.memory_space<vmem>>
        %dma_start3A_478 = tpu.memref_squeeze %dma_start3A_477 : memref<1x128xi32, #tpu.memory_space<vmem>> -> memref<128xi32, #tpu.memory_space<vmem>>
        %dma_start3A_479 = arith.constant 0 : i32
        %dma_start3A_480 = arith.constant 0 : i32
        %dma_start3A_481 = tpu.memref_slice %arg2[%dma_start3A_479, %dma_start3A_480] : memref<10240x128xbf16, #tpu.memory_space<hbm>> -> memref<10240x128xbf16, #tpu.memory_space<hbm>>
        tpu.enqueue_indirect_dma source(%dma_start3A_481 : memref<10240x128xbf16, #tpu.memory_space<hbm>>) target(%arg18 : memref<128x128xbf16, #tpu.memory_space<vmem>>) offsets(%dma_start3A_478 : memref<128xi32, #tpu.memory_space<vmem>>) semaphore(%arg28 : memref<!tpu.dma_semaphore, #tpu.memory_space<semaphore_mem>>)
      } else {
      }
      %get3A_86 = arith.index_cast %add3A_79 : i32 to index
      %get3A_87 = arith.constant 0 : index
      %get3A_88 = tpu.vector_load %arg13[%get3A_86, %get3A_87] {strides = array<i32>} : memref<40x128xi32, #tpu.memory_space<vmem>>, vector<16xi32>,
      %get3A_89 = arith.index_cast %add3A_79 : i32 to index
      %get3A_90 = arith.constant 0 : index
      %get3A_91 = tpu.vector_load %arg14[%get3A_89, %get3A_90] {strides = array<i32>} : memref<40x128xi32, #tpu.memory_space<vmem>>, vector<16xi32>,
      %gather3A = tpu.vector_load_idx %arg11[%get3A_88] : memref<10240xf32, #tpu.memory_space<vmem>>[vector<16xi32>], vector<16xf32>,
      %gather3A_92 = tpu.vector_load_idx %arg12[%get3A_91] : memref<10240xf32, #tpu.memory_space<vmem>>[vector<16xi32>], vector<16xf32>,
      %add3A_93 = arith.addf %gather3A, %gather3A_92 : vector<16xf32>
      %ge3A = arith.constant 0.000000e+00 : f32
      %ge3A_94 = vector.broadcast %ge3A : f32 to vector<16xf32>
      %ge3A_95 = arith.cmpf oge, %add3A_93, %ge3A_94 : vector<16xf32>
      %mul3A_96 = arith.constant 2.000000e-01 : f32
      %mul3A_97 = vector.broadcast %mul3A_96 : f32 to vector<16xf32>
      %mul3A_98 = arith.mulf %add3A_93, %mul3A_97 : vector<16xf32>
      %select_n3A = arith.select %ge3A_95, %add3A_93, %mul3A_98 : vector<16xi1>, vector<16xf32>
      %sub3A = arith.subf %select_n3A, %get3A_25 : vector<16xf32>
      %exp3A = math.exp %sub3A : vector<16xf32>
      %swap3A = arith.constant 0 : index
      %swap3A_99 = tpu.vector_load %arg16[%swap3A] {strides = array<i32>} : memref<128xf32, #tpu.memory_space<vmem>>, vector<16xf32>,
      tpu.vector_store %arg16[%swap3A], %exp3A {strides = array<i32>} : memref<128xf32, #tpu.memory_space<vmem>>, vector<16xf32>,
      %get3A_100 = arith.index_cast %add3A_79 : i32 to index
      %get3A_101 = arith.constant 16 : index
      %get3A_102 = tpu.vector_load %arg13[%get3A_100, %get3A_101] {strides = array<i32>} : memref<40x128xi32, #tpu.memory_space<vmem>>, vector<16xi32>,
      %get3A_103 = arith.index_cast %add3A_79 : i32 to index
      %get3A_104 = arith.constant 16 : index
      %get3A_105 = tpu.vector_load %arg14[%get3A_103, %get3A_104] {strides = array<i32>} : memref<40x128xi32, #tpu.memory_space<vmem>>, vector<16xi32>,
      %gather3A_106 = tpu.vector_load_idx %arg11[%get3A_102] : memref<10240xf32, #tpu.memory_space<vmem>>[vector<16xi32>], vector<16xf32>,
      %gather3A_107 = tpu.vector_load_idx %arg12[%get3A_105] : memref<10240xf32, #tpu.memory_space<vmem>>[vector<16xi32>], vector<16xf32>,
      %add3A_108 = arith.addf %gather3A_106, %gather3A_107 : vector<16xf32>
      %ge3A_109 = arith.constant 0.000000e+00 : f32
      %ge3A_110 = vector.broadcast %ge3A_109 : f32 to vector<16xf32>
      %ge3A_111 = arith.cmpf oge, %add3A_108, %ge3A_110 : vector<16xf32>
      %mul3A_112 = arith.constant 2.000000e-01 : f32
      %mul3A_113 = vector.broadcast %mul3A_112 : f32 to vector<16xf32>
      %mul3A_114 = arith.mulf %add3A_108, %mul3A_113 : vector<16xf32>
      %select_n3A_115 = arith.select %ge3A_111, %add3A_108, %mul3A_114 : vector<16xi1>, vector<16xf32>
      %sub3A_116 = arith.subf %select_n3A_115, %get3A_25 : vector<16xf32>
      %exp3A_117 = math.exp %sub3A_116 : vector<16xf32>
      %swap3A_118 = arith.constant 16 : index
      %swap3A_119 = tpu.vector_load %arg16[%swap3A_118] {strides = array<i32>} : memref<128xf32, #tpu.memory_space<vmem>>, vector<16xf32>,
      tpu.vector_store %arg16[%swap3A_118], %exp3A_117 {strides = array<i32>} : memref<128xf32, #tpu.memory_space<vmem>>, vector<16xf32>,
      %get3A_120 = arith.index_cast %add3A_79 : i32 to index
      %get3A_121 = arith.constant 32 : index
      %get3A_122 = tpu.vector_load %arg13[%get3A_120, %get3A_121] {strides = array<i32>} : memref<40x128xi32, #tpu.memory_space<vmem>>, vector<16xi32>,
      %get3A_123 = arith.index_cast %add3A_79 : i32 to index
      %get3A_124 = arith.constant 32 : index
      %get3A_125 = tpu.vector_load %arg14[%get3A_123, %get3A_124] {strides = array<i32>} : memref<40x128xi32, #tpu.memory_space<vmem>>, vector<16xi32>,
      %gather3A_126 = tpu.vector_load_idx %arg11[%get3A_122] : memref<10240xf32, #tpu.memory_space<vmem>>[vector<16xi32>], vector<16xf32>,
      %gather3A_127 = tpu.vector_load_idx %arg12[%get3A_125] : memref<10240xf32, #tpu.memory_space<vmem>>[vector<16xi32>], vector<16xf32>,
      %add3A_128 = arith.addf %gather3A_126, %gather3A_127 : vector<16xf32>
      %ge3A_129 = arith.constant 0.000000e+00 : f32
      %ge3A_130 = vector.broadcast %ge3A_129 : f32 to vector<16xf32>
      %ge3A_131 = arith.cmpf oge, %add3A_128, %ge3A_130 : vector<16xf32>
      %mul3A_132 = arith.constant 2.000000e-01 : f32
      %mul3A_133 = vector.broadcast %mul3A_132 : f32 to vector<16xf32>
      %mul3A_134 = arith.mulf %add3A_128, %mul3A_133 : vector<16xf32>
      %select_n3A_135 = arith.select %ge3A_131, %add3A_128, %mul3A_134 : vector<16xi1>, vector<16xf32>
      %sub3A_136 = arith.subf %select_n3A_135, %get3A_25 : vector<16xf32>
      %exp3A_137 = math.exp %sub3A_136 : vector<16xf32>
      %swap3A_138 = arith.constant 32 : index
      %swap3A_139 = tpu.vector_load %arg16[%swap3A_138] {strides = array<i32>} : memref<128xf32, #tpu.memory_space<vmem>>, vector<16xf32>,
      tpu.vector_store %arg16[%swap3A_138], %exp3A_137 {strides = array<i32>} : memref<128xf32, #tpu.memory_space<vmem>>, vector<16xf32>,
      %get3A_140 = arith.index_cast %add3A_79 : i32 to index
      %get3A_141 = arith.constant 48 : index
      %get3A_142 = tpu.vector_load %arg13[%get3A_140, %get3A_141] {strides = array<i32>} : memref<40x128xi32, #tpu.memory_space<vmem>>, vector<16xi32>,
      %get3A_143 = arith.index_cast %add3A_79 : i32 to index
      %get3A_144 = arith.constant 48 : index
      %get3A_145 = tpu.vector_load %arg14[%get3A_143, %get3A_144] {strides = array<i32>} : memref<40x128xi32, #tpu.memory_space<vmem>>, vector<16xi32>,
      %gather3A_146 = tpu.vector_load_idx %arg11[%get3A_142] : memref<10240xf32, #tpu.memory_space<vmem>>[vector<16xi32>], vector<16xf32>,
      %gather3A_147 = tpu.vector_load_idx %arg12[%get3A_145] : memref<10240xf32, #tpu.memory_space<vmem>>[vector<16xi32>], vector<16xf32>,
      %add3A_148 = arith.addf %gather3A_146, %gather3A_147 : vector<16xf32>
      %ge3A_149 = arith.constant 0.000000e+00 : f32
      %ge3A_150 = vector.broadcast %ge3A_149 : f32 to vector<16xf32>
      %ge3A_151 = arith.cmpf oge, %add3A_148, %ge3A_150 : vector<16xf32>
      %mul3A_152 = arith.constant 2.000000e-01 : f32
      %mul3A_153 = vector.broadcast %mul3A_152 : f32 to vector<16xf32>
      %mul3A_154 = arith.mulf %add3A_148, %mul3A_153 : vector<16xf32>
      %select_n3A_155 = arith.select %ge3A_151, %add3A_148, %mul3A_154 : vector<16xi1>, vector<16xf32>
      %sub3A_156 = arith.subf %select_n3A_155, %get3A_25 : vector<16xf32>
      %exp3A_157 = math.exp %sub3A_156 : vector<16xf32>
      %swap3A_158 = arith.constant 48 : index
      %swap3A_159 = tpu.vector_load %arg16[%swap3A_158] {strides = array<i32>} : memref<128xf32, #tpu.memory_space<vmem>>, vector<16xf32>,
      tpu.vector_store %arg16[%swap3A_158], %exp3A_157 {strides = array<i32>} : memref<128xf32, #tpu.memory_space<vmem>>, vector<16xf32>,
      %get3A_160 = arith.index_cast %add3A_79 : i32 to index
      %get3A_161 = arith.constant 64 : index
      %get3A_162 = tpu.vector_load %arg13[%get3A_160, %get3A_161] {strides = array<i32>} : memref<40x128xi32, #tpu.memory_space<vmem>>, vector<16xi32>,
      %get3A_163 = arith.index_cast %add3A_79 : i32 to index
      %get3A_164 = arith.constant 64 : index
      %get3A_165 = tpu.vector_load %arg14[%get3A_163, %get3A_164] {strides = array<i32>} : memref<40x128xi32, #tpu.memory_space<vmem>>, vector<16xi32>,
      %gather3A_166 = tpu.vector_load_idx %arg11[%get3A_162] : memref<10240xf32, #tpu.memory_space<vmem>>[vector<16xi32>], vector<16xf32>,
      %gather3A_167 = tpu.vector_load_idx %arg12[%get3A_165] : memref<10240xf32, #tpu.memory_space<vmem>>[vector<16xi32>], vector<16xf32>,
      %add3A_168 = arith.addf %gather3A_166, %gather3A_167 : vector<16xf32>
      %ge3A_169 = arith.constant 0.000000e+00 : f32
      %ge3A_170 = vector.broadcast %ge3A_169 : f32 to vector<16xf32>
      %ge3A_171 = arith.cmpf oge, %add3A_168, %ge3A_170 : vector<16xf32>
      %mul3A_172 = arith.constant 2.000000e-01 : f32
      %mul3A_173 = vector.broadcast %mul3A_172 : f32 to vector<16xf32>
      %mul3A_174 = arith.mulf %add3A_168, %mul3A_173 : vector<16xf32>
      %select_n3A_175 = arith.select %ge3A_171, %add3A_168, %mul3A_174 : vector<16xi1>, vector<16xf32>
      %sub3A_176 = arith.subf %select_n3A_175, %get3A_25 : vector<16xf32>
      %exp3A_177 = math.exp %sub3A_176 : vector<16xf32>
      %swap3A_178 = arith.constant 64 : index
      %swap3A_179 = tpu.vector_load %arg16[%swap3A_178] {strides = array<i32>} : memref<128xf32, #tpu.memory_space<vmem>>, vector<16xf32>,
      tpu.vector_store %arg16[%swap3A_178], %exp3A_177 {strides = array<i32>} : memref<128xf32, #tpu.memory_space<vmem>>, vector<16xf32>,
      %get3A_180 = arith.index_cast %add3A_79 : i32 to index
      %get3A_181 = arith.constant 80 : index
      %get3A_182 = tpu.vector_load %arg13[%get3A_180, %get3A_181] {strides = array<i32>} : memref<40x128xi32, #tpu.memory_space<vmem>>, vector<16xi32>,
      %get3A_183 = arith.index_cast %add3A_79 : i32 to index
      %get3A_184 = arith.constant 80 : index
      %get3A_185 = tpu.vector_load %arg14[%get3A_183, %get3A_184] {strides = array<i32>} : memref<40x128xi32, #tpu.memory_space<vmem>>, vector<16xi32>,
      %gather3A_186 = tpu.vector_load_idx %arg11[%get3A_182] : memref<10240xf32, #tpu.memory_space<vmem>>[vector<16xi32>], vector<16xf32>,
      %gather3A_187 = tpu.vector_load_idx %arg12[%get3A_185] : memref<10240xf32, #tpu.memory_space<vmem>>[vector<16xi32>], vector<16xf32>,
      %add3A_188 = arith.addf %gather3A_186, %gather3A_187 : vector<16xf32>
      %ge3A_189 = arith.constant 0.000000e+00 : f32
      %ge3A_190 = vector.broadcast %ge3A_189 : f32 to vector<16xf32>
      %ge3A_191 = arith.cmpf oge, %add3A_188, %ge3A_190 : vector<16xf32>
      %mul3A_192 = arith.constant 2.000000e-01 : f32
      %mul3A_193 = vector.broadcast %mul3A_192 : f32 to vector<16xf32>
      %mul3A_194 = arith.mulf %add3A_188, %mul3A_193 : vector<16xf32>
      %select_n3A_195 = arith.select %ge3A_191, %add3A_188, %mul3A_194 : vector<16xi1>, vector<16xf32>
      %sub3A_196 = arith.subf %select_n3A_195, %get3A_25 : vector<16xf32>
      %exp3A_197 = math.exp %sub3A_196 : vector<16xf32>
      %swap3A_198 = arith.constant 80 : index
      %swap3A_199 = tpu.vector_load %arg16[%swap3A_198] {strides = array<i32>} : memref<128xf32, #tpu.memory_space<vmem>>, vector<16xf32>,
      tpu.vector_store %arg16[%swap3A_198], %exp3A_197 {strides = array<i32>} : memref<128xf32, #tpu.memory_space<vmem>>, vector<16xf32>,
      %get3A_200 = arith.index_cast %add3A_79 : i32 to index
      %get3A_201 = arith.constant 96 : index
      %get3A_202 = tpu.vector_load %arg13[%get3A_200, %get3A_201] {strides = array<i32>} : memref<40x128xi32, #tpu.memory_space<vmem>>, vector<16xi32>,
      %get3A_203 = arith.index_cast %add3A_79 : i32 to index
      %get3A_204 = arith.constant 96 : index
      %get3A_205 = tpu.vector_load %arg14[%get3A_203, %get3A_204] {strides = array<i32>} : memref<40x128xi32, #tpu.memory_space<vmem>>, vector<16xi32>,
      %gather3A_206 = tpu.vector_load_idx %arg11[%get3A_202] : memref<10240xf32, #tpu.memory_space<vmem>>[vector<16xi32>], vector<16xf32>,
      %gather3A_207 = tpu.vector_load_idx %arg12[%get3A_205] : memref<10240xf32, #tpu.memory_space<vmem>>[vector<16xi32>], vector<16xf32>,
      %add3A_208 = arith.addf %gather3A_206, %gather3A_207 : vector<16xf32>
      %ge3A_209 = arith.constant 0.000000e+00 : f32
      %ge3A_210 = vector.broadcast %ge3A_209 : f32 to vector<16xf32>
      %ge3A_211 = arith.cmpf oge, %add3A_208, %ge3A_210 : vector<16xf32>
      %mul3A_212 = arith.constant 2.000000e-01 : f32
      %mul3A_213 = vector.broadcast %mul3A_212 : f32 to vector<16xf32>
      %mul3A_214 = arith.mulf %add3A_208, %mul3A_213 : vector<16xf32>
      %select_n3A_215 = arith.select %ge3A_211, %add3A_208, %mul3A_214 : vector<16xi1>, vector<16xf32>
      %sub3A_216 = arith.subf %select_n3A_215, %get3A_25 : vector<16xf32>
      %exp3A_217 = math.exp %sub3A_216 : vector<16xf32>
      %swap3A_218 = arith.constant 96 : index
      %swap3A_219 = tpu.vector_load %arg16[%swap3A_218] {strides = array<i32>} : memref<128xf32, #tpu.memory_space<vmem>>, vector<16xf32>,
      tpu.vector_store %arg16[%swap3A_218], %exp3A_217 {strides = array<i32>} : memref<128xf32, #tpu.memory_space<vmem>>, vector<16xf32>,
      %get3A_220 = arith.index_cast %add3A_79 : i32 to index
      %get3A_221 = arith.constant 112 : index
      %get3A_222 = tpu.vector_load %arg13[%get3A_220, %get3A_221] {strides = array<i32>} : memref<40x128xi32, #tpu.memory_space<vmem>>, vector<16xi32>,
      %get3A_223 = arith.index_cast %add3A_79 : i32 to index
      %get3A_224 = arith.constant 112 : index
      %get3A_225 = tpu.vector_load %arg14[%get3A_223, %get3A_224] {strides = array<i32>} : memref<40x128xi32, #tpu.memory_space<vmem>>, vector<16xi32>,
      %gather3A_226 = tpu.vector_load_idx %arg11[%get3A_222] : memref<10240xf32, #tpu.memory_space<vmem>>[vector<16xi32>], vector<16xf32>,
      %gather3A_227 = tpu.vector_load_idx %arg12[%get3A_225] : memref<10240xf32, #tpu.memory_space<vmem>>[vector<16xi32>], vector<16xf32>,
      %add3A_228 = arith.addf %gather3A_226, %gather3A_227 : vector<16xf32>
      %ge3A_229 = arith.constant 0.000000e+00 : f32
      %ge3A_230 = vector.broadcast %ge3A_229 : f32 to vector<16xf32>
      %ge3A_231 = arith.cmpf oge, %add3A_228, %ge3A_230 : vector<16xf32>
      %mul3A_232 = arith.constant 2.000000e-01 : f32
      %mul3A_233 = vector.broadcast %mul3A_232 : f32 to vector<16xf32>
      %mul3A_234 = arith.mulf %add3A_228, %mul3A_233 : vector<16xf32>
      %select_n3A_235 = arith.select %ge3A_231, %add3A_228, %mul3A_234 : vector<16xi1>, vector<16xf32>
      %sub3A_236 = arith.subf %select_n3A_235, %get3A_25 : vector<16xf32>
      %exp3A_237 = math.exp %sub3A_236 : vector<16xf32>
      %swap3A_238 = arith.constant 112 : index
      %swap3A_239 = tpu.vector_load %arg16[%swap3A_238] {strides = array<i32>} : memref<128xf32, #tpu.memory_space<vmem>>, vector<16xf32>,
      tpu.vector_store %arg16[%swap3A_238], %exp3A_237 {strides = array<i32>} : memref<128xf32, #tpu.memory_space<vmem>>, vector<16xf32>,
      %dma_wait3A_240 = arith.constant 0 : i32
      %dma_wait3A_241 = arith.constant 0 : i32
      %dma_wait3A_242 = tpu.memref_slice %arg13[%dma_wait3A_240, %dma_wait3A_241] : memref<40x128xi32, #tpu.memory_space<vmem>> -> memref<1x128xi32, #tpu.memory_space<vmem>>
      %dma_wait3A_243 = tpu.memref_squeeze %dma_wait3A_242 : memref<1x128xi32, #tpu.memory_space<vmem>> -> memref<128xi32, #tpu.memory_space<vmem>>
      %dma_wait3A_244 = arith.constant 0 : i32
      %dma_wait3A_245 = arith.constant 0 : i32
      %dma_wait3A_246 = tpu.memref_slice %arg2[%dma_wait3A_244, %dma_wait3A_245] : memref<10240x128xbf16, #tpu.memory_space<hbm>> -> memref<10240x128xbf16, #tpu.memory_space<hbm>>
      tpu.wait_indirect_dma semaphore(%arg27 : memref<!tpu.dma_semaphore, #tpu.memory_space<semaphore_mem>>) src(%dma_wait3A_246 : memref<10240x128xbf16, #tpu.memory_space<hbm>>) dst(%arg17 : memref<128x128xbf16, #tpu.memory_space<vmem>>)
      %ge3A_247 = arith.constant 2 : i32
      %ge3A_248 = arith.cmpi sge, %add3A_79, %ge3A_247 : i32
      %convert_element_type3A_249 = arith.extui %ge3A_248 : i1 to i32
      %cond3A_250 = arith.constant 0 : i32
      %cond3A_251 = arith.cmpi ne, %convert_element_type3A_249, %cond3A_250 : i32
      scf.if %cond3A_251 {
        %dma_wait3A_474 = arith.constant 0 : i32
        %dma_wait3A_475 = arith.constant 0 : i32
        %dma_wait3A_476 = tpu.memref_slice %arg14[%dma_wait3A_474, %dma_wait3A_475] : memref<40x128xi32, #tpu.memory_space<vmem>> -> memref<1x128xi32, #tpu.memory_space<vmem>>
        %dma_wait3A_477 = tpu.memref_squeeze %dma_wait3A_476 : memref<1x128xi32, #tpu.memory_space<vmem>> -> memref<128xi32, #tpu.memory_space<vmem>>
        %dma_wait3A_478 = arith.constant 0 : i32
        %dma_wait3A_479 = arith.constant 0 : i32
        %dma_wait3A_480 = tpu.memref_slice %arg25[%dma_wait3A_478, %dma_wait3A_479] : memref<10048x128xbf16, #tpu.memory_space<vmem_shared>> -> memref<10048x128xbf16, #tpu.memory_space<vmem_shared>>
        tpu.wait_indirect_dma semaphore(%arg29 : memref<!tpu.dma_semaphore, #tpu.memory_space<semaphore_mem>>) src(%arg19 : memref<128x128xbf16, #tpu.memory_space<vmem>>) dst(%dma_wait3A_480 : memref<10048x128xbf16, #tpu.memory_space<vmem_shared>>)
        %dma_wait3A_481 = arith.constant 0 : i32
        %dma_wait3A_482 = arith.constant 0 : i32
        %dma_wait3A_483 = tpu.memref_slice %arg14[%dma_wait3A_481, %dma_wait3A_482] : memref<40x128xi32, #tpu.memory_space<vmem>> -> memref<1x128xi32, #tpu.memory_space<vmem>>
        %dma_wait3A_484 = tpu.memref_squeeze %dma_wait3A_483 : memref<1x128xi32, #tpu.memory_space<vmem>> -> memref<128xi32, #tpu.memory_space<vmem>>
        %dma_wait3A_485 = arith.constant 0 : i32
        %dma_wait3A_486 = arith.constant 0 : i32
        %dma_wait3A_487 = tpu.memref_slice %arg26[%dma_wait3A_485, %dma_wait3A_486] : memref<10048x16xf32, #tpu.memory_space<vmem_shared>> -> memref<10048x16xf32, #tpu.memory_space<vmem_shared>>
        tpu.wait_indirect_dma semaphore(%arg29 : memref<!tpu.dma_semaphore, #tpu.memory_space<semaphore_mem>>) src(%arg21 : memref<128x16xf32, #tpu.memory_space<vmem>>) dst(%dma_wait3A_487 : memref<10048x16xf32, #tpu.memory_space<vmem_shared>>)
      } else {
      }
      %scan3A_252 = arith.constant 0 : i32
      %scan3A_253 = arith.constant 0 : i32
      %scan3A_254 = arith.constant 32 : i32
      %scan3A_255 = arith.addi %scan3A_253, %scan3A_254 : i32
      %scan3A_256 = arith.constant 1 : i32
      %scan3A_257 = scf.for %scan3A_474 = %scan3A_253 to %scan3A_255 step %scan3A_256 iter_args(%scan3A_475 = %scan3A_252) -> (i32)  : i32 {
        %mul3A_476 = arith.constant 4 : i32
        %mul3A_477 = arith.muli %scan3A_474, %mul3A_476 : i32
        %add3A_478 = arith.constant 0 : i32
        %add3A_479 = arith.addi %mul3A_477, %add3A_478 : i32
        %broadcast_in_dim3A_480 = vector.broadcast %add3A_479 : i32 to vector<16xi32>
        %gather3A_481 = tpu.vector_load_idx %arg16[%broadcast_in_dim3A_480] : memref<128xf32, #tpu.memory_space<vmem>>[vector<16xi32>], vector<16xf32>,
        %broadcast_in_dim3A_482 = arith.constant -65536 : i32
        %broadcast_in_dim3A_483 = vector.broadcast %broadcast_in_dim3A_482 : i32 to vector<16xi32>
        %get3A_484 = arith.index_cast %add3A_479 : i32 to index
        %get3A_485 = arith.constant 0 : index
        %get3A_486 = tpu.vector_load %arg17[%get3A_484, %get3A_485] {strides = array<i32>} : memref<128x128xbf16, #tpu.memory_space<vmem>>, vector<32xbf16>,
        %bitcast3A = vector.bitcast %get3A_486 : vector<32xbf16> to vector<16xi32>
        %shift_left3A = arith.constant 16 : i32
        %shift_left3A_487 = vector.broadcast %shift_left3A : i32 to vector<16xi32>
        %shift_left3A_488 = arith.shli %bitcast3A, %shift_left3A_487 : vector<16xi32>
        %bitcast3A_489 = vector.bitcast %shift_left3A_488 : vector<16xi32> to vector<16xf32>
        %mul3A_490 = arith.mulf %bitcast3A_489, %gather3A_481 : vector<16xf32>
        %and3A = arith.andi %bitcast3A, %broadcast_in_dim3A_483 : vector<16xi32>
        %bitcast3A_491 = vector.bitcast %and3A : vector<16xi32> to vector<16xf32>
        %mul3A_492 = arith.mulf %bitcast3A_491, %gather3A_481 : vector<16xf32>
        %pack3A = tpu.pack_subelements %mul3A_490, %mul3A_492 {pack_format = #tpu.pack_format<interleaved>, positions = array<i32: 0, 1>} : vector<16xf32>, vector<16xf32> -> vector<32xbf16>
        %swap3A_493 = arith.index_cast %add3A_479 : i32 to index
        %swap3A_494 = arith.constant 0 : index
        %swap3A_495 = tpu.vector_load %arg19[%swap3A_493, %swap3A_494] {strides = array<i32>} : memref<128x128xbf16, #tpu.memory_space<vmem>>, vector<32xbf16>,
        tpu.vector_store %arg19[%swap3A_493, %swap3A_494], %pack3A {strides = array<i32>} : memref<128x128xbf16, #tpu.memory_space<vmem>>, vector<32xbf16>,
        %get3A_496 = arith.index_cast %add3A_479 : i32 to index
        %get3A_497 = arith.constant 32 : index
        %get3A_498 = tpu.vector_load %arg17[%get3A_496, %get3A_497] {strides = array<i32>} : memref<128x128xbf16, #tpu.memory_space<vmem>>, vector<32xbf16>,
        %bitcast3A_499 = vector.bitcast %get3A_498 : vector<32xbf16> to vector<16xi32>
        %shift_left3A_500 = arith.constant 16 : i32
        %shift_left3A_501 = vector.broadcast %shift_left3A_500 : i32 to vector<16xi32>
        %shift_left3A_502 = arith.shli %bitcast3A_499, %shift_left3A_501 : vector<16xi32>
        %bitcast3A_503 = vector.bitcast %shift_left3A_502 : vector<16xi32> to vector<16xf32>
        %mul3A_504 = arith.mulf %bitcast3A_503, %gather3A_481 : vector<16xf32>
        %and3A_505 = arith.andi %bitcast3A_499, %broadcast_in_dim3A_483 : vector<16xi32>
        %bitcast3A_506 = vector.bitcast %and3A_505 : vector<16xi32> to vector<16xf32>
        %mul3A_507 = arith.mulf %bitcast3A_506, %gather3A_481 : vector<16xf32>
        %pack3A_508 = tpu.pack_subelements %mul3A_504, %mul3A_507 {pack_format = #tpu.pack_format<interleaved>, positions = array<i32: 0, 1>} : vector<16xf32>, vector<16xf32> -> vector<32xbf16>
        %swap3A_509 = arith.index_cast %add3A_479 : i32 to index
        %swap3A_510 = arith.constant 32 : index
        %swap3A_511 = tpu.vector_load %arg19[%swap3A_509, %swap3A_510] {strides = array<i32>} : memref<128x128xbf16, #tpu.memory_space<vmem>>, vector<32xbf16>,
        tpu.vector_store %arg19[%swap3A_509, %swap3A_510], %pack3A_508 {strides = array<i32>} : memref<128x128xbf16, #tpu.memory_space<vmem>>, vector<32xbf16>,
        %get3A_512 = arith.index_cast %add3A_479 : i32 to index
        %get3A_513 = arith.constant 64 : index
        %get3A_514 = tpu.vector_load %arg17[%get3A_512, %get3A_513] {strides = array<i32>} : memref<128x128xbf16, #tpu.memory_space<vmem>>, vector<32xbf16>,
        %bitcast3A_515 = vector.bitcast %get3A_514 : vector<32xbf16> to vector<16xi32>
        %shift_left3A_516 = arith.constant 16 : i32
        %shift_left3A_517 = vector.broadcast %shift_left3A_516 : i32 to vector<16xi32>
        %shift_left3A_518 = arith.shli %bitcast3A_515, %shift_left3A_517 : vector<16xi32>
        %bitcast3A_519 = vector.bitcast %shift_left3A_518 : vector<16xi32> to vector<16xf32>
        %mul3A_520 = arith.mulf %bitcast3A_519, %gather3A_481 : vector<16xf32>
        %and3A_521 = arith.andi %bitcast3A_515, %broadcast_in_dim3A_483 : vector<16xi32>
        %bitcast3A_522 = vector.bitcast %and3A_521 : vector<16xi32> to vector<16xf32>
        %mul3A_523 = arith.mulf %bitcast3A_522, %gather3A_481 : vector<16xf32>
        %pack3A_524 = tpu.pack_subelements %mul3A_520, %mul3A_523 {pack_format = #tpu.pack_format<interleaved>, positions = array<i32: 0, 1>} : vector<16xf32>, vector<16xf32> -> vector<32xbf16>
        %swap3A_525 = arith.index_cast %add3A_479 : i32 to index
        %swap3A_526 = arith.constant 64 : index
        %swap3A_527 = tpu.vector_load %arg19[%swap3A_525, %swap3A_526] {strides = array<i32>} : memref<128x128xbf16, #tpu.memory_space<vmem>>, vector<32xbf16>,
        tpu.vector_store %arg19[%swap3A_525, %swap3A_526], %pack3A_524 {strides = array<i32>} : memref<128x128xbf16, #tpu.memory_space<vmem>>, vector<32xbf16>,
        %get3A_528 = arith.index_cast %add3A_479 : i32 to index
        %get3A_529 = arith.constant 96 : index
        %get3A_530 = tpu.vector_load %arg17[%get3A_528, %get3A_529] {strides = array<i32>} : memref<128x128xbf16, #tpu.memory_space<vmem>>, vector<32xbf16>,
        %bitcast3A_531 = vector.bitcast %get3A_530 : vector<32xbf16> to vector<16xi32>
        %shift_left3A_532 = arith.constant 16 : i32
        %shift_left3A_533 = vector.broadcast %shift_left3A_532 : i32 to vector<16xi32>
        %shift_left3A_534 = arith.shli %bitcast3A_531, %shift_left3A_533 : vector<16xi32>
        %bitcast3A_535 = vector.bitcast %shift_left3A_534 : vector<16xi32> to vector<16xf32>
        %mul3A_536 = arith.mulf %bitcast3A_535, %gather3A_481 : vector<16xf32>
        %and3A_537 = arith.andi %bitcast3A_531, %broadcast_in_dim3A_483 : vector<16xi32>
        %bitcast3A_538 = vector.bitcast %and3A_537 : vector<16xi32> to vector<16xf32>
        %mul3A_539 = arith.mulf %bitcast3A_538, %gather3A_481 : vector<16xf32>
        %pack3A_540 = tpu.pack_subelements %mul3A_536, %mul3A_539 {pack_format = #tpu.pack_format<interleaved>, positions = array<i32: 0, 1>} : vector<16xf32>, vector<16xf32> -> vector<32xbf16>
        %swap3A_541 = arith.index_cast %add3A_479 : i32 to index
        %swap3A_542 = arith.constant 96 : index
        %swap3A_543 = tpu.vector_load %arg19[%swap3A_541, %swap3A_542] {strides = array<i32>} : memref<128x128xbf16, #tpu.memory_space<vmem>>, vector<32xbf16>,
        tpu.vector_store %arg19[%swap3A_541, %swap3A_542], %pack3A_540 {strides = array<i32>} : memref<128x128xbf16, #tpu.memory_space<vmem>>, vector<32xbf16>,
        %swap3A_544 = arith.index_cast %add3A_479 : i32 to index
        %swap3A_545 = arith.constant 0 : index
        %swap3A_546 = tpu.vector_load %arg21[%swap3A_544, %swap3A_545] {strides = array<i32>} : memref<128x16xf32, #tpu.memory_space<vmem>>, vector<16xf32>,
        tpu.vector_store %arg21[%swap3A_544, %swap3A_545], %gather3A_481 {strides = array<i32>} : memref<128x16xf32, #tpu.memory_space<vmem>>, vector<16xf32>,
        %mul3A_547 = arith.constant 4 : i32
        %mul3A_548 = arith.muli %scan3A_474, %mul3A_547 : i32
        %add3A_549 = arith.constant 1 : i32
        %add3A_550 = arith.addi %mul3A_548, %add3A_549 : i32
        %broadcast_in_dim3A_551 = vector.broadcast %add3A_550 : i32 to vector<16xi32>
        %gather3A_552 = tpu.vector_load_idx %arg16[%broadcast_in_dim3A_551] : memref<128xf32, #tpu.memory_space<vmem>>[vector<16xi32>], vector<16xf32>,
        %broadcast_in_dim3A_553 = arith.constant -65536 : i32
        %broadcast_in_dim3A_554 = vector.broadcast %broadcast_in_dim3A_553 : i32 to vector<16xi32>
        %get3A_555 = arith.index_cast %add3A_550 : i32 to index
        %get3A_556 = arith.constant 0 : index
        %get3A_557 = tpu.vector_load %arg17[%get3A_555, %get3A_556] {strides = array<i32>} : memref<128x128xbf16, #tpu.memory_space<vmem>>, vector<32xbf16>,
        %bitcast3A_558 = vector.bitcast %get3A_557 : vector<32xbf16> to vector<16xi32>
        %shift_left3A_559 = arith.constant 16 : i32
        %shift_left3A_560 = vector.broadcast %shift_left3A_559 : i32 to vector<16xi32>
        %shift_left3A_561 = arith.shli %bitcast3A_558, %shift_left3A_560 : vector<16xi32>
        %bitcast3A_562 = vector.bitcast %shift_left3A_561 : vector<16xi32> to vector<16xf32>
        %mul3A_563 = arith.mulf %bitcast3A_562, %gather3A_552 : vector<16xf32>
        %and3A_564 = arith.andi %bitcast3A_558, %broadcast_in_dim3A_554 : vector<16xi32>
        %bitcast3A_565 = vector.bitcast %and3A_564 : vector<16xi32> to vector<16xf32>
        %mul3A_566 = arith.mulf %bitcast3A_565, %gather3A_552 : vector<16xf32>
        %pack3A_567 = tpu.pack_subelements %mul3A_563, %mul3A_566 {pack_format = #tpu.pack_format<interleaved>, positions = array<i32: 0, 1>} : vector<16xf32>, vector<16xf32> -> vector<32xbf16>
        %swap3A_568 = arith.index_cast %add3A_550 : i32 to index
        %swap3A_569 = arith.constant 0 : index
        %swap3A_570 = tpu.vector_load %arg19[%swap3A_568, %swap3A_569] {strides = array<i32>} : memref<128x128xbf16, #tpu.memory_space<vmem>>, vector<32xbf16>,
        tpu.vector_store %arg19[%swap3A_568, %swap3A_569], %pack3A_567 {strides = array<i32>} : memref<128x128xbf16, #tpu.memory_space<vmem>>, vector<32xbf16>,
        %get3A_571 = arith.index_cast %add3A_550 : i32 to index
        %get3A_572 = arith.constant 32 : index
        %get3A_573 = tpu.vector_load %arg17[%get3A_571, %get3A_572] {strides = array<i32>} : memref<128x128xbf16, #tpu.memory_space<vmem>>, vector<32xbf16>,
        %bitcast3A_574 = vector.bitcast %get3A_573 : vector<32xbf16> to vector<16xi32>
        %shift_left3A_575 = arith.constant 16 : i32
        %shift_left3A_576 = vector.broadcast %shift_left3A_575 : i32 to vector<16xi32>
        %shift_left3A_577 = arith.shli %bitcast3A_574, %shift_left3A_576 : vector<16xi32>
        %bitcast3A_578 = vector.bitcast %shift_left3A_577 : vector<16xi32> to vector<16xf32>
        %mul3A_579 = arith.mulf %bitcast3A_578, %gather3A_552 : vector<16xf32>
        %and3A_580 = arith.andi %bitcast3A_574, %broadcast_in_dim3A_554 : vector<16xi32>
        %bitcast3A_581 = vector.bitcast %and3A_580 : vector<16xi32> to vector<16xf32>
        %mul3A_582 = arith.mulf %bitcast3A_581, %gather3A_552 : vector<16xf32>
        %pack3A_583 = tpu.pack_subelements %mul3A_579, %mul3A_582 {pack_format = #tpu.pack_format<interleaved>, positions = array<i32: 0, 1>} : vector<16xf32>, vector<16xf32> -> vector<32xbf16>
        %swap3A_584 = arith.index_cast %add3A_550 : i32 to index
        %swap3A_585 = arith.constant 32 : index
        %swap3A_586 = tpu.vector_load %arg19[%swap3A_584, %swap3A_585] {strides = array<i32>} : memref<128x128xbf16, #tpu.memory_space<vmem>>, vector<32xbf16>,
        tpu.vector_store %arg19[%swap3A_584, %swap3A_585], %pack3A_583 {strides = array<i32>} : memref<128x128xbf16, #tpu.memory_space<vmem>>, vector<32xbf16>,
        %get3A_587 = arith.index_cast %add3A_550 : i32 to index
        %get3A_588 = arith.constant 64 : index
        %get3A_589 = tpu.vector_load %arg17[%get3A_587, %get3A_588] {strides = array<i32>} : memref<128x128xbf16, #tpu.memory_space<vmem>>, vector<32xbf16>,
        %bitcast3A_590 = vector.bitcast %get3A_589 : vector<32xbf16> to vector<16xi32>
        %shift_left3A_591 = arith.constant 16 : i32
        %shift_left3A_592 = vector.broadcast %shift_left3A_591 : i32 to vector<16xi32>
        %shift_left3A_593 = arith.shli %bitcast3A_590, %shift_left3A_592 : vector<16xi32>
        %bitcast3A_594 = vector.bitcast %shift_left3A_593 : vector<16xi32> to vector<16xf32>
        %mul3A_595 = arith.mulf %bitcast3A_594, %gather3A_552 : vector<16xf32>
        %and3A_596 = arith.andi %bitcast3A_590, %broadcast_in_dim3A_554 : vector<16xi32>
        %bitcast3A_597 = vector.bitcast %and3A_596 : vector<16xi32> to vector<16xf32>
        %mul3A_598 = arith.mulf %bitcast3A_597, %gather3A_552 : vector<16xf32>
        %pack3A_599 = tpu.pack_subelements %mul3A_595, %mul3A_598 {pack_format = #tpu.pack_format<interleaved>, positions = array<i32: 0, 1>} : vector<16xf32>, vector<16xf32> -> vector<32xbf16>
        %swap3A_600 = arith.index_cast %add3A_550 : i32 to index
        %swap3A_601 = arith.constant 64 : index
        %swap3A_602 = tpu.vector_load %arg19[%swap3A_600, %swap3A_601] {strides = array<i32>} : memref<128x128xbf16, #tpu.memory_space<vmem>>, vector<32xbf16>,
        tpu.vector_store %arg19[%swap3A_600, %swap3A_601], %pack3A_599 {strides = array<i32>} : memref<128x128xbf16, #tpu.memory_space<vmem>>, vector<32xbf16>,
        %get3A_603 = arith.index_cast %add3A_550 : i32 to index
        %get3A_604 = arith.constant 96 : index
        %get3A_605 = tpu.vector_load %arg17[%get3A_603, %get3A_604] {strides = array<i32>} : memref<128x128xbf16, #tpu.memory_space<vmem>>, vector<32xbf16>,
        %bitcast3A_606 = vector.bitcast %get3A_605 : vector<32xbf16> to vector<16xi32>
        %shift_left3A_607 = arith.constant 16 : i32
        %shift_left3A_608 = vector.broadcast %shift_left3A_607 : i32 to vector<16xi32>
        %shift_left3A_609 = arith.shli %bitcast3A_606, %shift_left3A_608 : vector<16xi32>
        %bitcast3A_610 = vector.bitcast %shift_left3A_609 : vector<16xi32> to vector<16xf32>
        %mul3A_611 = arith.mulf %bitcast3A_610, %gather3A_552 : vector<16xf32>
        %and3A_612 = arith.andi %bitcast3A_606, %broadcast_in_dim3A_554 : vector<16xi32>
        %bitcast3A_613 = vector.bitcast %and3A_612 : vector<16xi32> to vector<16xf32>
        %mul3A_614 = arith.mulf %bitcast3A_613, %gather3A_552 : vector<16xf32>
        %pack3A_615 = tpu.pack_subelements %mul3A_611, %mul3A_614 {pack_format = #tpu.pack_format<interleaved>, positions = array<i32: 0, 1>} : vector<16xf32>, vector<16xf32> -> vector<32xbf16>
        %swap3A_616 = arith.index_cast %add3A_550 : i32 to index
        %swap3A_617 = arith.constant 96 : index
        %swap3A_618 = tpu.vector_load %arg19[%swap3A_616, %swap3A_617] {strides = array<i32>} : memref<128x128xbf16, #tpu.memory_space<vmem>>, vector<32xbf16>,
        tpu.vector_store %arg19[%swap3A_616, %swap3A_617], %pack3A_615 {strides = array<i32>} : memref<128x128xbf16, #tpu.memory_space<vmem>>, vector<32xbf16>,
        %swap3A_619 = arith.index_cast %add3A_550 : i32 to index
        %swap3A_620 = arith.constant 0 : index
        %swap3A_621 = tpu.vector_load %arg21[%swap3A_619, %swap3A_620] {strides = array<i32>} : memref<128x16xf32, #tpu.memory_space<vmem>>, vector<16xf32>,
        tpu.vector_store %arg21[%swap3A_619, %swap3A_620], %gather3A_552 {strides = array<i32>} : memref<128x16xf32, #tpu.memory_space<vmem>>, vector<16xf32>,
        %mul3A_622 = arith.constant 4 : i32
        %mul3A_623 = arith.muli %scan3A_474, %mul3A_622 : i32
        %add3A_624 = arith.constant 2 : i32
        %add3A_625 = arith.addi %mul3A_623, %add3A_624 : i32
        %broadcast_in_dim3A_626 = vector.broadcast %add3A_625 : i32 to vector<16xi32>
        %gather3A_627 = tpu.vector_load_idx %arg16[%broadcast_in_dim3A_626] : memref<128xf32, #tpu.memory_space<vmem>>[vector<16xi32>], vector<16xf32>,
        %broadcast_in_dim3A_628 = arith.constant -65536 : i32
        %broadcast_in_dim3A_629 = vector.broadcast %broadcast_in_dim3A_628 : i32 to vector<16xi32>
        %get3A_630 = arith.index_cast %add3A_625 : i32 to index
        %get3A_631 = arith.constant 0 : index
        %get3A_632 = tpu.vector_load %arg17[%get3A_630, %get3A_631] {strides = array<i32>} : memref<128x128xbf16, #tpu.memory_space<vmem>>, vector<32xbf16>,
        %bitcast3A_633 = vector.bitcast %get3A_632 : vector<32xbf16> to vector<16xi32>
        %shift_left3A_634 = arith.constant 16 : i32
        %shift_left3A_635 = vector.broadcast %shift_left3A_634 : i32 to vector<16xi32>
        %shift_left3A_636 = arith.shli %bitcast3A_633, %shift_left3A_635 : vector<16xi32>
        %bitcast3A_637 = vector.bitcast %shift_left3A_636 : vector<16xi32> to vector<16xf32>
        %mul3A_638 = arith.mulf %bitcast3A_637, %gather3A_627 : vector<16xf32>
        %and3A_639 = arith.andi %bitcast3A_633, %broadcast_in_dim3A_629 : vector<16xi32>
        %bitcast3A_640 = vector.bitcast %and3A_639 : vector<16xi32> to vector<16xf32>
        %mul3A_641 = arith.mulf %bitcast3A_640, %gather3A_627 : vector<16xf32>
        %pack3A_642 = tpu.pack_subelements %mul3A_638, %mul3A_641 {pack_format = #tpu.pack_format<interleaved>, positions = array<i32: 0, 1>} : vector<16xf32>, vector<16xf32> -> vector<32xbf16>
        %swap3A_643 = arith.index_cast %add3A_625 : i32 to index
        %swap3A_644 = arith.constant 0 : index
        %swap3A_645 = tpu.vector_load %arg19[%swap3A_643, %swap3A_644] {strides = array<i32>} : memref<128x128xbf16, #tpu.memory_space<vmem>>, vector<32xbf16>,
        tpu.vector_store %arg19[%swap3A_643, %swap3A_644], %pack3A_642 {strides = array<i32>} : memref<128x128xbf16, #tpu.memory_space<vmem>>, vector<32xbf16>,
        %get3A_646 = arith.index_cast %add3A_625 : i32 to index
        %get3A_647 = arith.constant 32 : index
        %get3A_648 = tpu.vector_load %arg17[%get3A_646, %get3A_647] {strides = array<i32>} : memref<128x128xbf16, #tpu.memory_space<vmem>>, vector<32xbf16>,
        %bitcast3A_649 = vector.bitcast %get3A_648 : vector<32xbf16> to vector<16xi32>
        %shift_left3A_650 = arith.constant 16 : i32
        %shift_left3A_651 = vector.broadcast %shift_left3A_650 : i32 to vector<16xi32>
        %shift_left3A_652 = arith.shli %bitcast3A_649, %shift_left3A_651 : vector<16xi32>
        %bitcast3A_653 = vector.bitcast %shift_left3A_652 : vector<16xi32> to vector<16xf32>
        %mul3A_654 = arith.mulf %bitcast3A_653, %gather3A_627 : vector<16xf32>
        %and3A_655 = arith.andi %bitcast3A_649, %broadcast_in_dim3A_629 : vector<16xi32>
        %bitcast3A_656 = vector.bitcast %and3A_655 : vector<16xi32> to vector<16xf32>
        %mul3A_657 = arith.mulf %bitcast3A_656, %gather3A_627 : vector<16xf32>
        %pack3A_658 = tpu.pack_subelements %mul3A_654, %mul3A_657 {pack_format = #tpu.pack_format<interleaved>, positions = array<i32: 0, 1>} : vector<16xf32>, vector<16xf32> -> vector<32xbf16>
        %swap3A_659 = arith.index_cast %add3A_625 : i32 to index
        %swap3A_660 = arith.constant 32 : index
        %swap3A_661 = tpu.vector_load %arg19[%swap3A_659, %swap3A_660] {strides = array<i32>} : memref<128x128xbf16, #tpu.memory_space<vmem>>, vector<32xbf16>,
        tpu.vector_store %arg19[%swap3A_659, %swap3A_660], %pack3A_658 {strides = array<i32>} : memref<128x128xbf16, #tpu.memory_space<vmem>>, vector<32xbf16>,
        %get3A_662 = arith.index_cast %add3A_625 : i32 to index
        %get3A_663 = arith.constant 64 : index
        %get3A_664 = tpu.vector_load %arg17[%get3A_662, %get3A_663] {strides = array<i32>} : memref<128x128xbf16, #tpu.memory_space<vmem>>, vector<32xbf16>,
        %bitcast3A_665 = vector.bitcast %get3A_664 : vector<32xbf16> to vector<16xi32>
        %shift_left3A_666 = arith.constant 16 : i32
        %shift_left3A_667 = vector.broadcast %shift_left3A_666 : i32 to vector<16xi32>
        %shift_left3A_668 = arith.shli %bitcast3A_665, %shift_left3A_667 : vector<16xi32>
        %bitcast3A_669 = vector.bitcast %shift_left3A_668 : vector<16xi32> to vector<16xf32>
        %mul3A_670 = arith.mulf %bitcast3A_669, %gather3A_627 : vector<16xf32>
        %and3A_671 = arith.andi %bitcast3A_665, %broadcast_in_dim3A_629 : vector<16xi32>
        %bitcast3A_672 = vector.bitcast %and3A_671 : vector<16xi32> to vector<16xf32>
        %mul3A_673 = arith.mulf %bitcast3A_672, %gather3A_627 : vector<16xf32>
        %pack3A_674 = tpu.pack_subelements %mul3A_670, %mul3A_673 {pack_format = #tpu.pack_format<interleaved>, positions = array<i32: 0, 1>} : vector<16xf32>, vector<16xf32> -> vector<32xbf16>
        %swap3A_675 = arith.index_cast %add3A_625 : i32 to index
        %swap3A_676 = arith.constant 64 : index
        %swap3A_677 = tpu.vector_load %arg19[%swap3A_675, %swap3A_676] {strides = array<i32>} : memref<128x128xbf16, #tpu.memory_space<vmem>>, vector<32xbf16>,
        tpu.vector_store %arg19[%swap3A_675, %swap3A_676], %pack3A_674 {strides = array<i32>} : memref<128x128xbf16, #tpu.memory_space<vmem>>, vector<32xbf16>,
        %get3A_678 = arith.index_cast %add3A_625 : i32 to index
        %get3A_679 = arith.constant 96 : index
        %get3A_680 = tpu.vector_load %arg17[%get3A_678, %get3A_679] {strides = array<i32>} : memref<128x128xbf16, #tpu.memory_space<vmem>>, vector<32xbf16>,
        %bitcast3A_681 = vector.bitcast %get3A_680 : vector<32xbf16> to vector<16xi32>
        %shift_left3A_682 = arith.constant 16 : i32
        %shift_left3A_683 = vector.broadcast %shift_left3A_682 : i32 to vector<16xi32>
        %shift_left3A_684 = arith.shli %bitcast3A_681, %shift_left3A_683 : vector<16xi32>
        %bitcast3A_685 = vector.bitcast %shift_left3A_684 : vector<16xi32> to vector<16xf32>
        %mul3A_686 = arith.mulf %bitcast3A_685, %gather3A_627 : vector<16xf32>
        %and3A_687 = arith.andi %bitcast3A_681, %broadcast_in_dim3A_629 : vector<16xi32>
        %bitcast3A_688 = vector.bitcast %and3A_687 : vector<16xi32> to vector<16xf32>
        %mul3A_689 = arith.mulf %bitcast3A_688, %gather3A_627 : vector<16xf32>
        %pack3A_690 = tpu.pack_subelements %mul3A_686, %mul3A_689 {pack_format = #tpu.pack_format<interleaved>, positions = array<i32: 0, 1>} : vector<16xf32>, vector<16xf32> -> vector<32xbf16>
        %swap3A_691 = arith.index_cast %add3A_625 : i32 to index
        %swap3A_692 = arith.constant 96 : index
        %swap3A_693 = tpu.vector_load %arg19[%swap3A_691, %swap3A_692] {strides = array<i32>} : memref<128x128xbf16, #tpu.memory_space<vmem>>, vector<32xbf16>,
        tpu.vector_store %arg19[%swap3A_691, %swap3A_692], %pack3A_690 {strides = array<i32>} : memref<128x128xbf16, #tpu.memory_space<vmem>>, vector<32xbf16>,
        %swap3A_694 = arith.index_cast %add3A_625 : i32 to index
        %swap3A_695 = arith.constant 0 : index
        %swap3A_696 = tpu.vector_load %arg21[%swap3A_694, %swap3A_695] {strides = array<i32>} : memref<128x16xf32, #tpu.memory_space<vmem>>, vector<16xf32>,
        tpu.vector_store %arg21[%swap3A_694, %swap3A_695], %gather3A_627 {strides = array<i32>} : memref<128x16xf32, #tpu.memory_space<vmem>>, vector<16xf32>,
        %mul3A_697 = arith.constant 4 : i32
        %mul3A_698 = arith.muli %scan3A_474, %mul3A_697 : i32
        %add3A_699 = arith.constant 3 : i32
        %add3A_700 = arith.addi %mul3A_698, %add3A_699 : i32
        %broadcast_in_dim3A_701 = vector.broadcast %add3A_700 : i32 to vector<16xi32>
        %gather3A_702 = tpu.vector_load_idx %arg16[%broadcast_in_dim3A_701] : memref<128xf32, #tpu.memory_space<vmem>>[vector<16xi32>], vector<16xf32>,
        %broadcast_in_dim3A_703 = arith.constant -65536 : i32
        %broadcast_in_dim3A_704 = vector.broadcast %broadcast_in_dim3A_703 : i32 to vector<16xi32>
        %get3A_705 = arith.index_cast %add3A_700 : i32 to index
        %get3A_706 = arith.constant 0 : index
        %get3A_707 = tpu.vector_load %arg17[%get3A_705, %get3A_706] {strides = array<i32>} : memref<128x128xbf16, #tpu.memory_space<vmem>>, vector<32xbf16>,
        %bitcast3A_708 = vector.bitcast %get3A_707 : vector<32xbf16> to vector<16xi32>
        %shift_left3A_709 = arith.constant 16 : i32
        %shift_left3A_710 = vector.broadcast %shift_left3A_709 : i32 to vector<16xi32>
        %shift_left3A_711 = arith.shli %bitcast3A_708, %shift_left3A_710 : vector<16xi32>
        %bitcast3A_712 = vector.bitcast %shift_left3A_711 : vector<16xi32> to vector<16xf32>
        %mul3A_713 = arith.mulf %bitcast3A_712, %gather3A_702 : vector<16xf32>
        %and3A_714 = arith.andi %bitcast3A_708, %broadcast_in_dim3A_704 : vector<16xi32>
        %bitcast3A_715 = vector.bitcast %and3A_714 : vector<16xi32> to vector<16xf32>
        %mul3A_716 = arith.mulf %bitcast3A_715, %gather3A_702 : vector<16xf32>
        %pack3A_717 = tpu.pack_subelements %mul3A_713, %mul3A_716 {pack_format = #tpu.pack_format<interleaved>, positions = array<i32: 0, 1>} : vector<16xf32>, vector<16xf32> -> vector<32xbf16>
        %swap3A_718 = arith.index_cast %add3A_700 : i32 to index
        %swap3A_719 = arith.constant 0 : index
        %swap3A_720 = tpu.vector_load %arg19[%swap3A_718, %swap3A_719] {strides = array<i32>} : memref<128x128xbf16, #tpu.memory_space<vmem>>, vector<32xbf16>,
        tpu.vector_store %arg19[%swap3A_718, %swap3A_719], %pack3A_717 {strides = array<i32>} : memref<128x128xbf16, #tpu.memory_space<vmem>>, vector<32xbf16>,
        %get3A_721 = arith.index_cast %add3A_700 : i32 to index
        %get3A_722 = arith.constant 32 : index
        %get3A_723 = tpu.vector_load %arg17[%get3A_721, %get3A_722] {strides = array<i32>} : memref<128x128xbf16, #tpu.memory_space<vmem>>, vector<32xbf16>,
        %bitcast3A_724 = vector.bitcast %get3A_723 : vector<32xbf16> to vector<16xi32>
        %shift_left3A_725 = arith.constant 16 : i32
        %shift_left3A_726 = vector.broadcast %shift_left3A_725 : i32 to vector<16xi32>
        %shift_left3A_727 = arith.shli %bitcast3A_724, %shift_left3A_726 : vector<16xi32>
        %bitcast3A_728 = vector.bitcast %shift_left3A_727 : vector<16xi32> to vector<16xf32>
        %mul3A_729 = arith.mulf %bitcast3A_728, %gather3A_702 : vector<16xf32>
        %and3A_730 = arith.andi %bitcast3A_724, %broadcast_in_dim3A_704 : vector<16xi32>
        %bitcast3A_731 = vector.bitcast %and3A_730 : vector<16xi32> to vector<16xf32>
        %mul3A_732 = arith.mulf %bitcast3A_731, %gather3A_702 : vector<16xf32>
        %pack3A_733 = tpu.pack_subelements %mul3A_729, %mul3A_732 {pack_format = #tpu.pack_format<interleaved>, positions = array<i32: 0, 1>} : vector<16xf32>, vector<16xf32> -> vector<32xbf16>
        %swap3A_734 = arith.index_cast %add3A_700 : i32 to index
        %swap3A_735 = arith.constant 32 : index
        %swap3A_736 = tpu.vector_load %arg19[%swap3A_734, %swap3A_735] {strides = array<i32>} : memref<128x128xbf16, #tpu.memory_space<vmem>>, vector<32xbf16>,
        tpu.vector_store %arg19[%swap3A_734, %swap3A_735], %pack3A_733 {strides = array<i32>} : memref<128x128xbf16, #tpu.memory_space<vmem>>, vector<32xbf16>,
        %get3A_737 = arith.index_cast %add3A_700 : i32 to index
        %get3A_738 = arith.constant 64 : index
        %get3A_739 = tpu.vector_load %arg17[%get3A_737, %get3A_738] {strides = array<i32>} : memref<128x128xbf16, #tpu.memory_space<vmem>>, vector<32xbf16>,
        %bitcast3A_740 = vector.bitcast %get3A_739 : vector<32xbf16> to vector<16xi32>
        %shift_left3A_741 = arith.constant 16 : i32
        %shift_left3A_742 = vector.broadcast %shift_left3A_741 : i32 to vector<16xi32>
        %shift_left3A_743 = arith.shli %bitcast3A_740, %shift_left3A_742 : vector<16xi32>
        %bitcast3A_744 = vector.bitcast %shift_left3A_743 : vector<16xi32> to vector<16xf32>
        %mul3A_745 = arith.mulf %bitcast3A_744, %gather3A_702 : vector<16xf32>
        %and3A_746 = arith.andi %bitcast3A_740, %broadcast_in_dim3A_704 : vector<16xi32>
        %bitcast3A_747 = vector.bitcast %and3A_746 : vector<16xi32> to vector<16xf32>
        %mul3A_748 = arith.mulf %bitcast3A_747, %gather3A_702 : vector<16xf32>
        %pack3A_749 = tpu.pack_subelements %mul3A_745, %mul3A_748 {pack_format = #tpu.pack_format<interleaved>, positions = array<i32: 0, 1>} : vector<16xf32>, vector<16xf32> -> vector<32xbf16>
        %swap3A_750 = arith.index_cast %add3A_700 : i32 to index
        %swap3A_751 = arith.constant 64 : index
        %swap3A_752 = tpu.vector_load %arg19[%swap3A_750, %swap3A_751] {strides = array<i32>} : memref<128x128xbf16, #tpu.memory_space<vmem>>, vector<32xbf16>,
        tpu.vector_store %arg19[%swap3A_750, %swap3A_751], %pack3A_749 {strides = array<i32>} : memref<128x128xbf16, #tpu.memory_space<vmem>>, vector<32xbf16>,
        %get3A_753 = arith.index_cast %add3A_700 : i32 to index
        %get3A_754 = arith.constant 96 : index
        %get3A_755 = tpu.vector_load %arg17[%get3A_753, %get3A_754] {strides = array<i32>} : memref<128x128xbf16, #tpu.memory_space<vmem>>, vector<32xbf16>,
        %bitcast3A_756 = vector.bitcast %get3A_755 : vector<32xbf16> to vector<16xi32>
        %shift_left3A_757 = arith.constant 16 : i32
        %shift_left3A_758 = vector.broadcast %shift_left3A_757 : i32 to vector<16xi32>
        %shift_left3A_759 = arith.shli %bitcast3A_756, %shift_left3A_758 : vector<16xi32>
        %bitcast3A_760 = vector.bitcast %shift_left3A_759 : vector<16xi32> to vector<16xf32>
        %mul3A_761 = arith.mulf %bitcast3A_760, %gather3A_702 : vector<16xf32>
        %and3A_762 = arith.andi %bitcast3A_756, %broadcast_in_dim3A_704 : vector<16xi32>
        %bitcast3A_763 = vector.bitcast %and3A_762 : vector<16xi32> to vector<16xf32>
        %mul3A_764 = arith.mulf %bitcast3A_763, %gather3A_702 : vector<16xf32>
        %pack3A_765 = tpu.pack_subelements %mul3A_761, %mul3A_764 {pack_format = #tpu.pack_format<interleaved>, positions = array<i32: 0, 1>} : vector<16xf32>, vector<16xf32> -> vector<32xbf16>
        %swap3A_766 = arith.index_cast %add3A_700 : i32 to index
        %swap3A_767 = arith.constant 96 : index
        %swap3A_768 = tpu.vector_load %arg19[%swap3A_766, %swap3A_767] {strides = array<i32>} : memref<128x128xbf16, #tpu.memory_space<vmem>>, vector<32xbf16>,
        tpu.vector_store %arg19[%swap3A_766, %swap3A_767], %pack3A_765 {strides = array<i32>} : memref<128x128xbf16, #tpu.memory_space<vmem>>, vector<32xbf16>,
        %swap3A_769 = arith.index_cast %add3A_700 : i32 to index
        %swap3A_770 = arith.constant 0 : index
        %swap3A_771 = tpu.vector_load %arg21[%swap3A_769, %swap3A_770] {strides = array<i32>} : memref<128x16xf32, #tpu.memory_space<vmem>>, vector<16xf32>,
        tpu.vector_store %arg21[%swap3A_769, %swap3A_770], %gather3A_702 {strides = array<i32>} : memref<128x16xf32, #tpu.memory_space<vmem>>, vector<16xf32>,
        %scan3A_772 = arith.constant 0 : i32
        scf.yield %scan3A_772 : i32
      }
      %scan3A_258 = arith.constant 32 : i32
      %dma_start3A_259 = arith.constant 0 : i32
      %dma_start3A_260 = tpu.memref_slice %arg14[%add3A_79, %dma_start3A_259] : memref<40x128xi32, #tpu.memory_space<vmem>> -> memref<1x128xi32, #tpu.memory_space<vmem>>
      %dma_start3A_261 = tpu.memref_squeeze %dma_start3A_260 : memref<1x128xi32, #tpu.memory_space<vmem>> -> memref<128xi32, #tpu.memory_space<vmem>>
      %dma_start3A_262 = arith.constant 0 : i32
      %dma_start3A_263 = arith.constant 0 : i32
      %dma_start3A_264 = tpu.memref_slice %arg25[%dma_start3A_262, %dma_start3A_263] : memref<10048x128xbf16, #tpu.memory_space<vmem_shared>> -> memref<10048x128xbf16, #tpu.memory_space<vmem_shared>>
      tpu.enqueue_indirect_dma source(%arg19 : memref<128x128xbf16, #tpu.memory_space<vmem>>) target(%dma_start3A_264 : memref<10048x128xbf16, #tpu.memory_space<vmem_shared>>) offsets(%dma_start3A_261 : memref<128xi32, #tpu.memory_space<vmem>>) semaphore(%arg29 : memref<!tpu.dma_semaphore, #tpu.memory_space<semaphore_mem>>) {add = true}
      %dma_start3A_265 = arith.constant 0 : i32
      %dma_start3A_266 = tpu.memref_slice %arg14[%add3A_79, %dma_start3A_265] : memref<40x128xi32, #tpu.memory_space<vmem>> -> memref<1x128xi32, #tpu.memory_space<vmem>>
      %dma_start3A_267 = tpu.memref_squeeze %dma_start3A_266 : memref<1x128xi32, #tpu.memory_space<vmem>> -> memref<128xi32, #tpu.memory_space<vmem>>
      %dma_start3A_268 = arith.constant 0 : i32
      %dma_start3A_269 = arith.constant 0 : i32
      %dma_start3A_270 = tpu.memref_slice %arg26[%dma_start3A_268, %dma_start3A_269] : memref<10048x16xf32, #tpu.memory_space<vmem_shared>> -> memref<10048x16xf32, #tpu.memory_space<vmem_shared>>
      tpu.enqueue_indirect_dma source(%arg21 : memref<128x16xf32, #tpu.memory_space<vmem>>) target(%dma_start3A_270 : memref<10048x16xf32, #tpu.memory_space<vmem_shared>>) offsets(%dma_start3A_267 : memref<128xi32, #tpu.memory_space<vmem>>) semaphore(%arg29 : memref<!tpu.dma_semaphore, #tpu.memory_space<semaphore_mem>>) {add = true}
      %mul3A_271 = arith.constant 2 : i32
      %mul3A_272 = arith.muli %scan3A_74, %mul3A_271 : i32
      %add3A_273 = arith.constant 1 : i32
      %add3A_274 = arith.addi %mul3A_272, %add3A_273 : i32
      %add3A_275 = arith.constant 1 : i32
      %add3A_276 = arith.addi %add3A_274, %add3A_275 : i32
      %lt3A_277 = arith.constant 40 : i32
      %lt3A_278 = arith.cmpi slt, %add3A_276, %lt3A_277 : i32
      %convert_element_type3A_279 = arith.extui %lt3A_278 : i1 to i32
      %cond3A_280 = arith.constant 0 : i32
      %cond3A_281 = arith.cmpi ne, %convert_element_type3A_279, %cond3A_280 : i32
      scf.if %cond3A_281 {
        %add3A_474 = arith.constant 1 : i32
        %add3A_475 = arith.addi %add3A_274, %add3A_474 : i32
        %dma_start3A_476 = arith.constant 0 : i32
        %dma_start3A_477 = tpu.memref_slice %arg13[%add3A_475, %dma_start3A_476] : memref<40x128xi32, #tpu.memory_space<vmem>> -> memref<1x128xi32, #tpu.memory_space<vmem>>
        %dma_start3A_478 = tpu.memref_squeeze %dma_start3A_477 : memref<1x128xi32, #tpu.memory_space<vmem>> -> memref<128xi32, #tpu.memory_space<vmem>>
        %dma_start3A_479 = arith.constant 0 : i32
        %dma_start3A_480 = arith.constant 0 : i32
        %dma_start3A_481 = tpu.memref_slice %arg2[%dma_start3A_479, %dma_start3A_480] : memref<10240x128xbf16, #tpu.memory_space<hbm>> -> memref<10240x128xbf16, #tpu.memory_space<hbm>>
        tpu.enqueue_indirect_dma source(%dma_start3A_481 : memref<10240x128xbf16, #tpu.memory_space<hbm>>) target(%arg17 : memref<128x128xbf16, #tpu.memory_space<vmem>>) offsets(%dma_start3A_478 : memref<128xi32, #tpu.memory_space<vmem>>) semaphore(%arg27 : memref<!tpu.dma_semaphore, #tpu.memory_space<semaphore_mem>>)
      } else {
      }
      %get3A_282 = arith.index_cast %add3A_274 : i32 to index
      %get3A_283 = arith.constant 0 : index
      %get3A_284 = tpu.vector_load %arg13[%get3A_282, %get3A_283] {strides = array<i32>} : memref<40x128xi32, #tpu.memory_space<vmem>>, vector<16xi32>,
      %get3A_285 = arith.index_cast %add3A_274 : i32 to index
      %get3A_286 = arith.constant 0 : index
      %get3A_287 = tpu.vector_load %arg14[%get3A_285, %get3A_286] {strides = array<i32>} : memref<40x128xi32, #tpu.memory_space<vmem>>, vector<16xi32>,
      %gather3A_288 = tpu.vector_load_idx %arg11[%get3A_284] : memref<10240xf32, #tpu.memory_space<vmem>>[vector<16xi32>], vector<16xf32>,
      %gather3A_289 = tpu.vector_load_idx %arg12[%get3A_287] : memref<10240xf32, #tpu.memory_space<vmem>>[vector<16xi32>], vector<16xf32>,
      %add3A_290 = arith.addf %gather3A_288, %gather3A_289 : vector<16xf32>
      %ge3A_291 = arith.constant 0.000000e+00 : f32
      %ge3A_292 = vector.broadcast %ge3A_291 : f32 to vector<16xf32>
      %ge3A_293 = arith.cmpf oge, %add3A_290, %ge3A_292 : vector<16xf32>
      %mul3A_294 = arith.constant 2.000000e-01 : f32
      %mul3A_295 = vector.broadcast %mul3A_294 : f32 to vector<16xf32>
      %mul3A_296 = arith.mulf %add3A_290, %mul3A_295 : vector<16xf32>
      %select_n3A_297 = arith.select %ge3A_293, %add3A_290, %mul3A_296 : vector<16xi1>, vector<16xf32>
      %sub3A_298 = arith.subf %select_n3A_297, %get3A_25 : vector<16xf32>
      %exp3A_299 = math.exp %sub3A_298 : vector<16xf32>
      %swap3A_300 = arith.constant 0 : index
      %swap3A_301 = tpu.vector_load %arg16[%swap3A_300] {strides = array<i32>} : memref<128xf32, #tpu.memory_space<vmem>>, vector<16xf32>,
      tpu.vector_store %arg16[%swap3A_300], %exp3A_299 {strides = array<i32>} : memref<128xf32, #tpu.memory_space<vmem>>, vector<16xf32>,
      %get3A_302 = arith.index_cast %add3A_274 : i32 to index
      %get3A_303 = arith.constant 16 : index
      %get3A_304 = tpu.vector_load %arg13[%get3A_302, %get3A_303] {strides = array<i32>} : memref<40x128xi32, #tpu.memory_space<vmem>>, vector<16xi32>,
      %get3A_305 = arith.index_cast %add3A_274 : i32 to index
      %get3A_306 = arith.constant 16 : index
      %get3A_307 = tpu.vector_load %arg14[%get3A_305, %get3A_306] {strides = array<i32>} : memref<40x128xi32, #tpu.memory_space<vmem>>, vector<16xi32>,
      %gather3A_308 = tpu.vector_load_idx %arg11[%get3A_304] : memref<10240xf32, #tpu.memory_space<vmem>>[vector<16xi32>], vector<16xf32>,
      %gather3A_309 = tpu.vector_load_idx %arg12[%get3A_307] : memref<10240xf32, #tpu.memory_space<vmem>>[vector<16xi32>], vector<16xf32>,
      %add3A_310 = arith.addf %gather3A_308, %gather3A_309 : vector<16xf32>
      %ge3A_311 = arith.constant 0.000000e+00 : f32
      %ge3A_312 = vector.broadcast %ge3A_311 : f32 to vector<16xf32>
      %ge3A_313 = arith.cmpf oge, %add3A_310, %ge3A_312 : vector<16xf32>
      %mul3A_314 = arith.constant 2.000000e-01 : f32
      %mul3A_315 = vector.broadcast %mul3A_314 : f32 to vector<16xf32>
      %mul3A_316 = arith.mulf %add3A_310, %mul3A_315 : vector<16xf32>
      %select_n3A_317 = arith.select %ge3A_313, %add3A_310, %mul3A_316 : vector<16xi1>, vector<16xf32>
      %sub3A_318 = arith.subf %select_n3A_317, %get3A_25 : vector<16xf32>
      %exp3A_319 = math.exp %sub3A_318 : vector<16xf32>
      %swap3A_320 = arith.constant 16 : index
      %swap3A_321 = tpu.vector_load %arg16[%swap3A_320] {strides = array<i32>} : memref<128xf32, #tpu.memory_space<vmem>>, vector<16xf32>,
      tpu.vector_store %arg16[%swap3A_320], %exp3A_319 {strides = array<i32>} : memref<128xf32, #tpu.memory_space<vmem>>, vector<16xf32>,
      %get3A_322 = arith.index_cast %add3A_274 : i32 to index
      %get3A_323 = arith.constant 32 : index
      %get3A_324 = tpu.vector_load %arg13[%get3A_322, %get3A_323] {strides = array<i32>} : memref<40x128xi32, #tpu.memory_space<vmem>>, vector<16xi32>,
      %get3A_325 = arith.index_cast %add3A_274 : i32 to index
      %get3A_326 = arith.constant 32 : index
      %get3A_327 = tpu.vector_load %arg14[%get3A_325, %get3A_326] {strides = array<i32>} : memref<40x128xi32, #tpu.memory_space<vmem>>, vector<16xi32>,
      %gather3A_328 = tpu.vector_load_idx %arg11[%get3A_324] : memref<10240xf32, #tpu.memory_space<vmem>>[vector<16xi32>], vector<16xf32>,
      %gather3A_329 = tpu.vector_load_idx %arg12[%get3A_327] : memref<10240xf32, #tpu.memory_space<vmem>>[vector<16xi32>], vector<16xf32>,
      %add3A_330 = arith.addf %gather3A_328, %gather3A_329 : vector<16xf32>
      %ge3A_331 = arith.constant 0.000000e+00 : f32
      %ge3A_332 = vector.broadcast %ge3A_331 : f32 to vector<16xf32>
      %ge3A_333 = arith.cmpf oge, %add3A_330, %ge3A_332 : vector<16xf32>
      %mul3A_334 = arith.constant 2.000000e-01 : f32
      %mul3A_335 = vector.broadcast %mul3A_334 : f32 to vector<16xf32>
      %mul3A_336 = arith.mulf %add3A_330, %mul3A_335 : vector<16xf32>
      %select_n3A_337 = arith.select %ge3A_333, %add3A_330, %mul3A_336 : vector<16xi1>, vector<16xf32>
      %sub3A_338 = arith.subf %select_n3A_337, %get3A_25 : vector<16xf32>
      %exp3A_339 = math.exp %sub3A_338 : vector<16xf32>
      %swap3A_340 = arith.constant 32 : index
      %swap3A_341 = tpu.vector_load %arg16[%swap3A_340] {strides = array<i32>} : memref<128xf32, #tpu.memory_space<vmem>>, vector<16xf32>,
      tpu.vector_store %arg16[%swap3A_340], %exp3A_339 {strides = array<i32>} : memref<128xf32, #tpu.memory_space<vmem>>, vector<16xf32>,
      %get3A_342 = arith.index_cast %add3A_274 : i32 to index
      %get3A_343 = arith.constant 48 : index
      %get3A_344 = tpu.vector_load %arg13[%get3A_342, %get3A_343] {strides = array<i32>} : memref<40x128xi32, #tpu.memory_space<vmem>>, vector<16xi32>,
      %get3A_345 = arith.index_cast %add3A_274 : i32 to index
      %get3A_346 = arith.constant 48 : index
      %get3A_347 = tpu.vector_load %arg14[%get3A_345, %get3A_346] {strides = array<i32>} : memref<40x128xi32, #tpu.memory_space<vmem>>, vector<16xi32>,
      %gather3A_348 = tpu.vector_load_idx %arg11[%get3A_344] : memref<10240xf32, #tpu.memory_space<vmem>>[vector<16xi32>], vector<16xf32>,
      %gather3A_349 = tpu.vector_load_idx %arg12[%get3A_347] : memref<10240xf32, #tpu.memory_space<vmem>>[vector<16xi32>], vector<16xf32>,
      %add3A_350 = arith.addf %gather3A_348, %gather3A_349 : vector<16xf32>
      %ge3A_351 = arith.constant 0.000000e+00 : f32
      %ge3A_352 = vector.broadcast %ge3A_351 : f32 to vector<16xf32>
      %ge3A_353 = arith.cmpf oge, %add3A_350, %ge3A_352 : vector<16xf32>
      %mul3A_354 = arith.constant 2.000000e-01 : f32
      %mul3A_355 = vector.broadcast %mul3A_354 : f32 to vector<16xf32>
      %mul3A_356 = arith.mulf %add3A_350, %mul3A_355 : vector<16xf32>
      %select_n3A_357 = arith.select %ge3A_353, %add3A_350, %mul3A_356 : vector<16xi1>, vector<16xf32>
      %sub3A_358 = arith.subf %select_n3A_357, %get3A_25 : vector<16xf32>
      %exp3A_359 = math.exp %sub3A_358 : vector<16xf32>
      %swap3A_360 = arith.constant 48 : index
      %swap3A_361 = tpu.vector_load %arg16[%swap3A_360] {strides = array<i32>} : memref<128xf32, #tpu.memory_space<vmem>>, vector<16xf32>,
      tpu.vector_store %arg16[%swap3A_360], %exp3A_359 {strides = array<i32>} : memref<128xf32, #tpu.memory_space<vmem>>, vector<16xf32>,
      %get3A_362 = arith.index_cast %add3A_274 : i32 to index
      %get3A_363 = arith.constant 64 : index
      %get3A_364 = tpu.vector_load %arg13[%get3A_362, %get3A_363] {strides = array<i32>} : memref<40x128xi32, #tpu.memory_space<vmem>>, vector<16xi32>,
      %get3A_365 = arith.index_cast %add3A_274 : i32 to index
      %get3A_366 = arith.constant 64 : index
      %get3A_367 = tpu.vector_load %arg14[%get3A_365, %get3A_366] {strides = array<i32>} : memref<40x128xi32, #tpu.memory_space<vmem>>, vector<16xi32>,
      %gather3A_368 = tpu.vector_load_idx %arg11[%get3A_364] : memref<10240xf32, #tpu.memory_space<vmem>>[vector<16xi32>], vector<16xf32>,
      %gather3A_369 = tpu.vector_load_idx %arg12[%get3A_367] : memref<10240xf32, #tpu.memory_space<vmem>>[vector<16xi32>], vector<16xf32>,
      %add3A_370 = arith.addf %gather3A_368, %gather3A_369 : vector<16xf32>
      %ge3A_371 = arith.constant 0.000000e+00 : f32
      %ge3A_372 = vector.broadcast %ge3A_371 : f32 to vector<16xf32>
      %ge3A_373 = arith.cmpf oge, %add3A_370, %ge3A_372 : vector<16xf32>
      %mul3A_374 = arith.constant 2.000000e-01 : f32
      %mul3A_375 = vector.broadcast %mul3A_374 : f32 to vector<16xf32>
      %mul3A_376 = arith.mulf %add3A_370, %mul3A_375 : vector<16xf32>
      %select_n3A_377 = arith.select %ge3A_373, %add3A_370, %mul3A_376 : vector<16xi1>, vector<16xf32>
      %sub3A_378 = arith.subf %select_n3A_377, %get3A_25 : vector<16xf32>
      %exp3A_379 = math.exp %sub3A_378 : vector<16xf32>
      %swap3A_380 = arith.constant 64 : index
      %swap3A_381 = tpu.vector_load %arg16[%swap3A_380] {strides = array<i32>} : memref<128xf32, #tpu.memory_space<vmem>>, vector<16xf32>,
      tpu.vector_store %arg16[%swap3A_380], %exp3A_379 {strides = array<i32>} : memref<128xf32, #tpu.memory_space<vmem>>, vector<16xf32>,
      %get3A_382 = arith.index_cast %add3A_274 : i32 to index
      %get3A_383 = arith.constant 80 : index
      %get3A_384 = tpu.vector_load %arg13[%get3A_382, %get3A_383] {strides = array<i32>} : memref<40x128xi32, #tpu.memory_space<vmem>>, vector<16xi32>,
      %get3A_385 = arith.index_cast %add3A_274 : i32 to index
      %get3A_386 = arith.constant 80 : index
      %get3A_387 = tpu.vector_load %arg14[%get3A_385, %get3A_386] {strides = array<i32>} : memref<40x128xi32, #tpu.memory_space<vmem>>, vector<16xi32>,
      %gather3A_388 = tpu.vector_load_idx %arg11[%get3A_384] : memref<10240xf32, #tpu.memory_space<vmem>>[vector<16xi32>], vector<16xf32>,
      %gather3A_389 = tpu.vector_load_idx %arg12[%get3A_387] : memref<10240xf32, #tpu.memory_space<vmem>>[vector<16xi32>], vector<16xf32>,
      %add3A_390 = arith.addf %gather3A_388, %gather3A_389 : vector<16xf32>
      %ge3A_391 = arith.constant 0.000000e+00 : f32
      %ge3A_392 = vector.broadcast %ge3A_391 : f32 to vector<16xf32>
      %ge3A_393 = arith.cmpf oge, %add3A_390, %ge3A_392 : vector<16xf32>
      %mul3A_394 = arith.constant 2.000000e-01 : f32
      %mul3A_395 = vector.broadcast %mul3A_394 : f32 to vector<16xf32>
      %mul3A_396 = arith.mulf %add3A_390, %mul3A_395 : vector<16xf32>
      %select_n3A_397 = arith.select %ge3A_393, %add3A_390, %mul3A_396 : vector<16xi1>, vector<16xf32>
      %sub3A_398 = arith.subf %select_n3A_397, %get3A_25 : vector<16xf32>
      %exp3A_399 = math.exp %sub3A_398 : vector<16xf32>
      %swap3A_400 = arith.constant 80 : index
      %swap3A_401 = tpu.vector_load %arg16[%swap3A_400] {strides = array<i32>} : memref<128xf32, #tpu.memory_space<vmem>>, vector<16xf32>,
      tpu.vector_store %arg16[%swap3A_400], %exp3A_399 {strides = array<i32>} : memref<128xf32, #tpu.memory_space<vmem>>, vector<16xf32>,
      %get3A_402 = arith.index_cast %add3A_274 : i32 to index
      %get3A_403 = arith.constant 96 : index
      %get3A_404 = tpu.vector_load %arg13[%get3A_402, %get3A_403] {strides = array<i32>} : memref<40x128xi32, #tpu.memory_space<vmem>>, vector<16xi32>,
      %get3A_405 = arith.index_cast %add3A_274 : i32 to index
      %get3A_406 = arith.constant 96 : index
      %get3A_407 = tpu.vector_load %arg14[%get3A_405, %get3A_406] {strides = array<i32>} : memref<40x128xi32, #tpu.memory_space<vmem>>, vector<16xi32>,
      %gather3A_408 = tpu.vector_load_idx %arg11[%get3A_404] : memref<10240xf32, #tpu.memory_space<vmem>>[vector<16xi32>], vector<16xf32>,
      %gather3A_409 = tpu.vector_load_idx %arg12[%get3A_407] : memref<10240xf32, #tpu.memory_space<vmem>>[vector<16xi32>], vector<16xf32>,
      %add3A_410 = arith.addf %gather3A_408, %gather3A_409 : vector<16xf32>
      %ge3A_411 = arith.constant 0.000000e+00 : f32
      %ge3A_412 = vector.broadcast %ge3A_411 : f32 to vector<16xf32>
      %ge3A_413 = arith.cmpf oge, %add3A_410, %ge3A_412 : vector<16xf32>
      %mul3A_414 = arith.constant 2.000000e-01 : f32
      %mul3A_415 = vector.broadcast %mul3A_414 : f32 to vector<16xf32>
      %mul3A_416 = arith.mulf %add3A_410, %mul3A_415 : vector<16xf32>
      %select_n3A_417 = arith.select %ge3A_413, %add3A_410, %mul3A_416 : vector<16xi1>, vector<16xf32>
      %sub3A_418 = arith.subf %select_n3A_417, %get3A_25 : vector<16xf32>
      %exp3A_419 = math.exp %sub3A_418 : vector<16xf32>
      %swap3A_420 = arith.constant 96 : index
      %swap3A_421 = tpu.vector_load %arg16[%swap3A_420] {strides = array<i32>} : memref<128xf32, #tpu.memory_space<vmem>>, vector<16xf32>,
      tpu.vector_store %arg16[%swap3A_420], %exp3A_419 {strides = array<i32>} : memref<128xf32, #tpu.memory_space<vmem>>, vector<16xf32>,
      %get3A_422 = arith.index_cast %add3A_274 : i32 to index
      %get3A_423 = arith.constant 112 : index
      %get3A_424 = tpu.vector_load %arg13[%get3A_422, %get3A_423] {strides = array<i32>} : memref<40x128xi32, #tpu.memory_space<vmem>>, vector<16xi32>,
      %get3A_425 = arith.index_cast %add3A_274 : i32 to index
      %get3A_426 = arith.constant 112 : index
      %get3A_427 = tpu.vector_load %arg14[%get3A_425, %get3A_426] {strides = array<i32>} : memref<40x128xi32, #tpu.memory_space<vmem>>, vector<16xi32>,
      %gather3A_428 = tpu.vector_load_idx %arg11[%get3A_424] : memref<10240xf32, #tpu.memory_space<vmem>>[vector<16xi32>], vector<16xf32>,
      %gather3A_429 = tpu.vector_load_idx %arg12[%get3A_427] : memref<10240xf32, #tpu.memory_space<vmem>>[vector<16xi32>], vector<16xf32>,
      %add3A_430 = arith.addf %gather3A_428, %gather3A_429 : vector<16xf32>
      %ge3A_431 = arith.constant 0.000000e+00 : f32
      %ge3A_432 = vector.broadcast %ge3A_431 : f32 to vector<16xf32>
      %ge3A_433 = arith.cmpf oge, %add3A_430, %ge3A_432 : vector<16xf32>
      %mul3A_434 = arith.constant 2.000000e-01 : f32
      %mul3A_435 = vector.broadcast %mul3A_434 : f32 to vector<16xf32>
      %mul3A_436 = arith.mulf %add3A_430, %mul3A_435 : vector<16xf32>
      %select_n3A_437 = arith.select %ge3A_433, %add3A_430, %mul3A_436 : vector<16xi1>, vector<16xf32>
      %sub3A_438 = arith.subf %select_n3A_437, %get3A_25 : vector<16xf32>
      %exp3A_439 = math.exp %sub3A_438 : vector<16xf32>
      %swap3A_440 = arith.constant 112 : index
      %swap3A_441 = tpu.vector_load %arg16[%swap3A_440] {strides = array<i32>} : memref<128xf32, #tpu.memory_space<vmem>>, vector<16xf32>,
      tpu.vector_store %arg16[%swap3A_440], %exp3A_439 {strides = array<i32>} : memref<128xf32, #tpu.memory_space<vmem>>, vector<16xf32>,
      %dma_wait3A_442 = arith.constant 0 : i32
      %dma_wait3A_443 = arith.constant 0 : i32
      %dma_wait3A_444 = tpu.memref_slice %arg13[%dma_wait3A_442, %dma_wait3A_443] : memref<40x128xi32, #tpu.memory_space<vmem>> -> memref<1x128xi32, #tpu.memory_space<vmem>>
      %dma_wait3A_445 = tpu.memref_squeeze %dma_wait3A_444 : memref<1x128xi32, #tpu.memory_space<vmem>> -> memref<128xi32, #tpu.memory_space<vmem>>
      %dma_wait3A_446 = arith.constant 0 : i32
      %dma_wait3A_447 = arith.constant 0 : i32
      %dma_wait3A_448 = tpu.memref_slice %arg2[%dma_wait3A_446, %dma_wait3A_447] : memref<10240x128xbf16, #tpu.memory_space<hbm>> -> memref<10240x128xbf16, #tpu.memory_space<hbm>>
      tpu.wait_indirect_dma semaphore(%arg28 : memref<!tpu.dma_semaphore, #tpu.memory_space<semaphore_mem>>) src(%dma_wait3A_448 : memref<10240x128xbf16, #tpu.memory_space<hbm>>) dst(%arg18 : memref<128x128xbf16, #tpu.memory_space<vmem>>)
      %ge3A_449 = arith.constant 2 : i32
      %ge3A_450 = arith.cmpi sge, %add3A_274, %ge3A_449 : i32
      %convert_element_type3A_451 = arith.extui %ge3A_450 : i1 to i32
      %cond3A_452 = arith.constant 0 : i32
      %cond3A_453 = arith.cmpi ne, %convert_element_type3A_451, %cond3A_452 : i32
      scf.if %cond3A_453 {
        %dma_wait3A_474 = arith.constant 0 : i32
        %dma_wait3A_475 = arith.constant 0 : i32
        %dma_wait3A_476 = tpu.memref_slice %arg14[%dma_wait3A_474, %dma_wait3A_475] : memref<40x128xi32, #tpu.memory_space<vmem>> -> memref<1x128xi32, #tpu.memory_space<vmem>>
        %dma_wait3A_477 = tpu.memref_squeeze %dma_wait3A_476 : memref<1x128xi32, #tpu.memory_space<vmem>> -> memref<128xi32, #tpu.memory_space<vmem>>
        %dma_wait3A_478 = arith.constant 0 : i32
        %dma_wait3A_479 = arith.constant 0 : i32
        %dma_wait3A_480 = tpu.memref_slice %arg25[%dma_wait3A_478, %dma_wait3A_479] : memref<10048x128xbf16, #tpu.memory_space<vmem_shared>> -> memref<10048x128xbf16, #tpu.memory_space<vmem_shared>>
        tpu.wait_indirect_dma semaphore(%arg30 : memref<!tpu.dma_semaphore, #tpu.memory_space<semaphore_mem>>) src(%arg20 : memref<128x128xbf16, #tpu.memory_space<vmem>>) dst(%dma_wait3A_480 : memref<10048x128xbf16, #tpu.memory_space<vmem_shared>>)
        %dma_wait3A_481 = arith.constant 0 : i32
        %dma_wait3A_482 = arith.constant 0 : i32
        %dma_wait3A_483 = tpu.memref_slice %arg14[%dma_wait3A_481, %dma_wait3A_482] : memref<40x128xi32, #tpu.memory_space<vmem>> -> memref<1x128xi32, #tpu.memory_space<vmem>>
        %dma_wait3A_484 = tpu.memref_squeeze %dma_wait3A_483 : memref<1x128xi32, #tpu.memory_space<vmem>> -> memref<128xi32, #tpu.memory_space<vmem>>
        %dma_wait3A_485 = arith.constant 0 : i32
        %dma_wait3A_486 = arith.constant 0 : i32
        %dma_wait3A_487 = tpu.memref_slice %arg26[%dma_wait3A_485, %dma_wait3A_486] : memref<10048x16xf32, #tpu.memory_space<vmem_shared>> -> memref<10048x16xf32, #tpu.memory_space<vmem_shared>>
        tpu.wait_indirect_dma semaphore(%arg30 : memref<!tpu.dma_semaphore, #tpu.memory_space<semaphore_mem>>) src(%arg22 : memref<128x16xf32, #tpu.memory_space<vmem>>) dst(%dma_wait3A_487 : memref<10048x16xf32, #tpu.memory_space<vmem_shared>>)
      } else {
      }
      %scan3A_454 = arith.constant 0 : i32
      %scan3A_455 = arith.constant 0 : i32
      %scan3A_456 = arith.constant 32 : i32
      %scan3A_457 = arith.addi %scan3A_455, %scan3A_456 : i32
      %scan3A_458 = arith.constant 1 : i32
      %scan3A_459 = scf.for %scan3A_474 = %scan3A_455 to %scan3A_457 step %scan3A_458 iter_args(%scan3A_475 = %scan3A_454) -> (i32)  : i32 {
        %mul3A_476 = arith.constant 4 : i32
        %mul3A_477 = arith.muli %scan3A_474, %mul3A_476 : i32
        %add3A_478 = arith.constant 0 : i32
        %add3A_479 = arith.addi %mul3A_477, %add3A_478 : i32
        %broadcast_in_dim3A_480 = vector.broadcast %add3A_479 : i32 to vector<16xi32>
        %gather3A_481 = tpu.vector_load_idx %arg16[%broadcast_in_dim3A_480] : memref<128xf32, #tpu.memory_space<vmem>>[vector<16xi32>], vector<16xf32>,
        %broadcast_in_dim3A_482 = arith.constant -65536 : i32
        %broadcast_in_dim3A_483 = vector.broadcast %broadcast_in_dim3A_482 : i32 to vector<16xi32>
        %get3A_484 = arith.index_cast %add3A_479 : i32 to index
        %get3A_485 = arith.constant 0 : index
        %get3A_486 = tpu.vector_load %arg18[%get3A_484, %get3A_485] {strides = array<i32>} : memref<128x128xbf16, #tpu.memory_space<vmem>>, vector<32xbf16>,
        %bitcast3A = vector.bitcast %get3A_486 : vector<32xbf16> to vector<16xi32>
        %shift_left3A = arith.constant 16 : i32
        %shift_left3A_487 = vector.broadcast %shift_left3A : i32 to vector<16xi32>
        %shift_left3A_488 = arith.shli %bitcast3A, %shift_left3A_487 : vector<16xi32>
        %bitcast3A_489 = vector.bitcast %shift_left3A_488 : vector<16xi32> to vector<16xf32>
        %mul3A_490 = arith.mulf %bitcast3A_489, %gather3A_481 : vector<16xf32>
        %and3A = arith.andi %bitcast3A, %broadcast_in_dim3A_483 : vector<16xi32>
        %bitcast3A_491 = vector.bitcast %and3A : vector<16xi32> to vector<16xf32>
        %mul3A_492 = arith.mulf %bitcast3A_491, %gather3A_481 : vector<16xf32>
        %pack3A = tpu.pack_subelements %mul3A_490, %mul3A_492 {pack_format = #tpu.pack_format<interleaved>, positions = array<i32: 0, 1>} : vector<16xf32>, vector<16xf32> -> vector<32xbf16>
        %swap3A_493 = arith.index_cast %add3A_479 : i32 to index
        %swap3A_494 = arith.constant 0 : index
        %swap3A_495 = tpu.vector_load %arg20[%swap3A_493, %swap3A_494] {strides = array<i32>} : memref<128x128xbf16, #tpu.memory_space<vmem>>, vector<32xbf16>,
        tpu.vector_store %arg20[%swap3A_493, %swap3A_494], %pack3A {strides = array<i32>} : memref<128x128xbf16, #tpu.memory_space<vmem>>, vector<32xbf16>,
        %get3A_496 = arith.index_cast %add3A_479 : i32 to index
        %get3A_497 = arith.constant 32 : index
        %get3A_498 = tpu.vector_load %arg18[%get3A_496, %get3A_497] {strides = array<i32>} : memref<128x128xbf16, #tpu.memory_space<vmem>>, vector<32xbf16>,
        %bitcast3A_499 = vector.bitcast %get3A_498 : vector<32xbf16> to vector<16xi32>
        %shift_left3A_500 = arith.constant 16 : i32
        %shift_left3A_501 = vector.broadcast %shift_left3A_500 : i32 to vector<16xi32>
        %shift_left3A_502 = arith.shli %bitcast3A_499, %shift_left3A_501 : vector<16xi32>
        %bitcast3A_503 = vector.bitcast %shift_left3A_502 : vector<16xi32> to vector<16xf32>
        %mul3A_504 = arith.mulf %bitcast3A_503, %gather3A_481 : vector<16xf32>
        %and3A_505 = arith.andi %bitcast3A_499, %broadcast_in_dim3A_483 : vector<16xi32>
        %bitcast3A_506 = vector.bitcast %and3A_505 : vector<16xi32> to vector<16xf32>
        %mul3A_507 = arith.mulf %bitcast3A_506, %gather3A_481 : vector<16xf32>
        %pack3A_508 = tpu.pack_subelements %mul3A_504, %mul3A_507 {pack_format = #tpu.pack_format<interleaved>, positions = array<i32: 0, 1>} : vector<16xf32>, vector<16xf32> -> vector<32xbf16>
        %swap3A_509 = arith.index_cast %add3A_479 : i32 to index
        %swap3A_510 = arith.constant 32 : index
        %swap3A_511 = tpu.vector_load %arg20[%swap3A_509, %swap3A_510] {strides = array<i32>} : memref<128x128xbf16, #tpu.memory_space<vmem>>, vector<32xbf16>,
        tpu.vector_store %arg20[%swap3A_509, %swap3A_510], %pack3A_508 {strides = array<i32>} : memref<128x128xbf16, #tpu.memory_space<vmem>>, vector<32xbf16>,
        %get3A_512 = arith.index_cast %add3A_479 : i32 to index
        %get3A_513 = arith.constant 64 : index
        %get3A_514 = tpu.vector_load %arg18[%get3A_512, %get3A_513] {strides = array<i32>} : memref<128x128xbf16, #tpu.memory_space<vmem>>, vector<32xbf16>,
        %bitcast3A_515 = vector.bitcast %get3A_514 : vector<32xbf16> to vector<16xi32>
        %shift_left3A_516 = arith.constant 16 : i32
        %shift_left3A_517 = vector.broadcast %shift_left3A_516 : i32 to vector<16xi32>
        %shift_left3A_518 = arith.shli %bitcast3A_515, %shift_left3A_517 : vector<16xi32>
        %bitcast3A_519 = vector.bitcast %shift_left3A_518 : vector<16xi32> to vector<16xf32>
        %mul3A_520 = arith.mulf %bitcast3A_519, %gather3A_481 : vector<16xf32>
        %and3A_521 = arith.andi %bitcast3A_515, %broadcast_in_dim3A_483 : vector<16xi32>
        %bitcast3A_522 = vector.bitcast %and3A_521 : vector<16xi32> to vector<16xf32>
        %mul3A_523 = arith.mulf %bitcast3A_522, %gather3A_481 : vector<16xf32>
        %pack3A_524 = tpu.pack_subelements %mul3A_520, %mul3A_523 {pack_format = #tpu.pack_format<interleaved>, positions = array<i32: 0, 1>} : vector<16xf32>, vector<16xf32> -> vector<32xbf16>
        %swap3A_525 = arith.index_cast %add3A_479 : i32 to index
        %swap3A_526 = arith.constant 64 : index
        %swap3A_527 = tpu.vector_load %arg20[%swap3A_525, %swap3A_526] {strides = array<i32>} : memref<128x128xbf16, #tpu.memory_space<vmem>>, vector<32xbf16>,
        tpu.vector_store %arg20[%swap3A_525, %swap3A_526], %pack3A_524 {strides = array<i32>} : memref<128x128xbf16, #tpu.memory_space<vmem>>, vector<32xbf16>,
        %get3A_528 = arith.index_cast %add3A_479 : i32 to index
        %get3A_529 = arith.constant 96 : index
        %get3A_530 = tpu.vector_load %arg18[%get3A_528, %get3A_529] {strides = array<i32>} : memref<128x128xbf16, #tpu.memory_space<vmem>>, vector<32xbf16>,
        %bitcast3A_531 = vector.bitcast %get3A_530 : vector<32xbf16> to vector<16xi32>
        %shift_left3A_532 = arith.constant 16 : i32
        %shift_left3A_533 = vector.broadcast %shift_left3A_532 : i32 to vector<16xi32>
        %shift_left3A_534 = arith.shli %bitcast3A_531, %shift_left3A_533 : vector<16xi32>
        %bitcast3A_535 = vector.bitcast %shift_left3A_534 : vector<16xi32> to vector<16xf32>
        %mul3A_536 = arith.mulf %bitcast3A_535, %gather3A_481 : vector<16xf32>
        %and3A_537 = arith.andi %bitcast3A_531, %broadcast_in_dim3A_483 : vector<16xi32>
        %bitcast3A_538 = vector.bitcast %and3A_537 : vector<16xi32> to vector<16xf32>
        %mul3A_539 = arith.mulf %bitcast3A_538, %gather3A_481 : vector<16xf32>
        %pack3A_540 = tpu.pack_subelements %mul3A_536, %mul3A_539 {pack_format = #tpu.pack_format<interleaved>, positions = array<i32: 0, 1>} : vector<16xf32>, vector<16xf32> -> vector<32xbf16>
        %swap3A_541 = arith.index_cast %add3A_479 : i32 to index
        %swap3A_542 = arith.constant 96 : index
        %swap3A_543 = tpu.vector_load %arg20[%swap3A_541, %swap3A_542] {strides = array<i32>} : memref<128x128xbf16, #tpu.memory_space<vmem>>, vector<32xbf16>,
        tpu.vector_store %arg20[%swap3A_541, %swap3A_542], %pack3A_540 {strides = array<i32>} : memref<128x128xbf16, #tpu.memory_space<vmem>>, vector<32xbf16>,
        %swap3A_544 = arith.index_cast %add3A_479 : i32 to index
        %swap3A_545 = arith.constant 0 : index
        %swap3A_546 = tpu.vector_load %arg22[%swap3A_544, %swap3A_545] {strides = array<i32>} : memref<128x16xf32, #tpu.memory_space<vmem>>, vector<16xf32>,
        tpu.vector_store %arg22[%swap3A_544, %swap3A_545], %gather3A_481 {strides = array<i32>} : memref<128x16xf32, #tpu.memory_space<vmem>>, vector<16xf32>,
        %mul3A_547 = arith.constant 4 : i32
        %mul3A_548 = arith.muli %scan3A_474, %mul3A_547 : i32
        %add3A_549 = arith.constant 1 : i32
        %add3A_550 = arith.addi %mul3A_548, %add3A_549 : i32
        %broadcast_in_dim3A_551 = vector.broadcast %add3A_550 : i32 to vector<16xi32>
        %gather3A_552 = tpu.vector_load_idx %arg16[%broadcast_in_dim3A_551] : memref<128xf32, #tpu.memory_space<vmem>>[vector<16xi32>], vector<16xf32>,
        %broadcast_in_dim3A_553 = arith.constant -65536 : i32
        %broadcast_in_dim3A_554 = vector.broadcast %broadcast_in_dim3A_553 : i32 to vector<16xi32>
        %get3A_555 = arith.index_cast %add3A_550 : i32 to index
        %get3A_556 = arith.constant 0 : index
        %get3A_557 = tpu.vector_load %arg18[%get3A_555, %get3A_556] {strides = array<i32>} : memref<128x128xbf16, #tpu.memory_space<vmem>>, vector<32xbf16>,
        %bitcast3A_558 = vector.bitcast %get3A_557 : vector<32xbf16> to vector<16xi32>
        %shift_left3A_559 = arith.constant 16 : i32
        %shift_left3A_560 = vector.broadcast %shift_left3A_559 : i32 to vector<16xi32>
        %shift_left3A_561 = arith.shli %bitcast3A_558, %shift_left3A_560 : vector<16xi32>
        %bitcast3A_562 = vector.bitcast %shift_left3A_561 : vector<16xi32> to vector<16xf32>
        %mul3A_563 = arith.mulf %bitcast3A_562, %gather3A_552 : vector<16xf32>
        %and3A_564 = arith.andi %bitcast3A_558, %broadcast_in_dim3A_554 : vector<16xi32>
        %bitcast3A_565 = vector.bitcast %and3A_564 : vector<16xi32> to vector<16xf32>
        %mul3A_566 = arith.mulf %bitcast3A_565, %gather3A_552 : vector<16xf32>
        %pack3A_567 = tpu.pack_subelements %mul3A_563, %mul3A_566 {pack_format = #tpu.pack_format<interleaved>, positions = array<i32: 0, 1>} : vector<16xf32>, vector<16xf32> -> vector<32xbf16>
        %swap3A_568 = arith.index_cast %add3A_550 : i32 to index
        %swap3A_569 = arith.constant 0 : index
        %swap3A_570 = tpu.vector_load %arg20[%swap3A_568, %swap3A_569] {strides = array<i32>} : memref<128x128xbf16, #tpu.memory_space<vmem>>, vector<32xbf16>,
        tpu.vector_store %arg20[%swap3A_568, %swap3A_569], %pack3A_567 {strides = array<i32>} : memref<128x128xbf16, #tpu.memory_space<vmem>>, vector<32xbf16>,
        %get3A_571 = arith.index_cast %add3A_550 : i32 to index
        %get3A_572 = arith.constant 32 : index
        %get3A_573 = tpu.vector_load %arg18[%get3A_571, %get3A_572] {strides = array<i32>} : memref<128x128xbf16, #tpu.memory_space<vmem>>, vector<32xbf16>,
        %bitcast3A_574 = vector.bitcast %get3A_573 : vector<32xbf16> to vector<16xi32>
        %shift_left3A_575 = arith.constant 16 : i32
        %shift_left3A_576 = vector.broadcast %shift_left3A_575 : i32 to vector<16xi32>
        %shift_left3A_577 = arith.shli %bitcast3A_574, %shift_left3A_576 : vector<16xi32>
        %bitcast3A_578 = vector.bitcast %shift_left3A_577 : vector<16xi32> to vector<16xf32>
        %mul3A_579 = arith.mulf %bitcast3A_578, %gather3A_552 : vector<16xf32>
        %and3A_580 = arith.andi %bitcast3A_574, %broadcast_in_dim3A_554 : vector<16xi32>
        %bitcast3A_581 = vector.bitcast %and3A_580 : vector<16xi32> to vector<16xf32>
        %mul3A_582 = arith.mulf %bitcast3A_581, %gather3A_552 : vector<16xf32>
        %pack3A_583 = tpu.pack_subelements %mul3A_579, %mul3A_582 {pack_format = #tpu.pack_format<interleaved>, positions = array<i32: 0, 1>} : vector<16xf32>, vector<16xf32> -> vector<32xbf16>
        %swap3A_584 = arith.index_cast %add3A_550 : i32 to index
        %swap3A_585 = arith.constant 32 : index
        %swap3A_586 = tpu.vector_load %arg20[%swap3A_584, %swap3A_585] {strides = array<i32>} : memref<128x128xbf16, #tpu.memory_space<vmem>>, vector<32xbf16>,
        tpu.vector_store %arg20[%swap3A_584, %swap3A_585], %pack3A_583 {strides = array<i32>} : memref<128x128xbf16, #tpu.memory_space<vmem>>, vector<32xbf16>,
        %get3A_587 = arith.index_cast %add3A_550 : i32 to index
        %get3A_588 = arith.constant 64 : index
        %get3A_589 = tpu.vector_load %arg18[%get3A_587, %get3A_588] {strides = array<i32>} : memref<128x128xbf16, #tpu.memory_space<vmem>>, vector<32xbf16>,
        %bitcast3A_590 = vector.bitcast %get3A_589 : vector<32xbf16> to vector<16xi32>
        %shift_left3A_591 = arith.constant 16 : i32
        %shift_left3A_592 = vector.broadcast %shift_left3A_591 : i32 to vector<16xi32>
        %shift_left3A_593 = arith.shli %bitcast3A_590, %shift_left3A_592 : vector<16xi32>
        %bitcast3A_594 = vector.bitcast %shift_left3A_593 : vector<16xi32> to vector<16xf32>
        %mul3A_595 = arith.mulf %bitcast3A_594, %gather3A_552 : vector<16xf32>
        %and3A_596 = arith.andi %bitcast3A_590, %broadcast_in_dim3A_554 : vector<16xi32>
        %bitcast3A_597 = vector.bitcast %and3A_596 : vector<16xi32> to vector<16xf32>
        %mul3A_598 = arith.mulf %bitcast3A_597, %gather3A_552 : vector<16xf32>
        %pack3A_599 = tpu.pack_subelements %mul3A_595, %mul3A_598 {pack_format = #tpu.pack_format<interleaved>, positions = array<i32: 0, 1>} : vector<16xf32>, vector<16xf32> -> vector<32xbf16>
        %swap3A_600 = arith.index_cast %add3A_550 : i32 to index
        %swap3A_601 = arith.constant 64 : index
        %swap3A_602 = tpu.vector_load %arg20[%swap3A_600, %swap3A_601] {strides = array<i32>} : memref<128x128xbf16, #tpu.memory_space<vmem>>, vector<32xbf16>,
        tpu.vector_store %arg20[%swap3A_600, %swap3A_601], %pack3A_599 {strides = array<i32>} : memref<128x128xbf16, #tpu.memory_space<vmem>>, vector<32xbf16>,
        %get3A_603 = arith.index_cast %add3A_550 : i32 to index
        %get3A_604 = arith.constant 96 : index
        %get3A_605 = tpu.vector_load %arg18[%get3A_603, %get3A_604] {strides = array<i32>} : memref<128x128xbf16, #tpu.memory_space<vmem>>, vector<32xbf16>,
        %bitcast3A_606 = vector.bitcast %get3A_605 : vector<32xbf16> to vector<16xi32>
        %shift_left3A_607 = arith.constant 16 : i32
        %shift_left3A_608 = vector.broadcast %shift_left3A_607 : i32 to vector<16xi32>
        %shift_left3A_609 = arith.shli %bitcast3A_606, %shift_left3A_608 : vector<16xi32>
        %bitcast3A_610 = vector.bitcast %shift_left3A_609 : vector<16xi32> to vector<16xf32>
        %mul3A_611 = arith.mulf %bitcast3A_610, %gather3A_552 : vector<16xf32>
        %and3A_612 = arith.andi %bitcast3A_606, %broadcast_in_dim3A_554 : vector<16xi32>
        %bitcast3A_613 = vector.bitcast %and3A_612 : vector<16xi32> to vector<16xf32>
        %mul3A_614 = arith.mulf %bitcast3A_613, %gather3A_552 : vector<16xf32>
        %pack3A_615 = tpu.pack_subelements %mul3A_611, %mul3A_614 {pack_format = #tpu.pack_format<interleaved>, positions = array<i32: 0, 1>} : vector<16xf32>, vector<16xf32> -> vector<32xbf16>
        %swap3A_616 = arith.index_cast %add3A_550 : i32 to index
        %swap3A_617 = arith.constant 96 : index
        %swap3A_618 = tpu.vector_load %arg20[%swap3A_616, %swap3A_617] {strides = array<i32>} : memref<128x128xbf16, #tpu.memory_space<vmem>>, vector<32xbf16>,
        tpu.vector_store %arg20[%swap3A_616, %swap3A_617], %pack3A_615 {strides = array<i32>} : memref<128x128xbf16, #tpu.memory_space<vmem>>, vector<32xbf16>,
        %swap3A_619 = arith.index_cast %add3A_550 : i32 to index
        %swap3A_620 = arith.constant 0 : index
        %swap3A_621 = tpu.vector_load %arg22[%swap3A_619, %swap3A_620] {strides = array<i32>} : memref<128x16xf32, #tpu.memory_space<vmem>>, vector<16xf32>,
        tpu.vector_store %arg22[%swap3A_619, %swap3A_620], %gather3A_552 {strides = array<i32>} : memref<128x16xf32, #tpu.memory_space<vmem>>, vector<16xf32>,
        %mul3A_622 = arith.constant 4 : i32
        %mul3A_623 = arith.muli %scan3A_474, %mul3A_622 : i32
        %add3A_624 = arith.constant 2 : i32
        %add3A_625 = arith.addi %mul3A_623, %add3A_624 : i32
        %broadcast_in_dim3A_626 = vector.broadcast %add3A_625 : i32 to vector<16xi32>
        %gather3A_627 = tpu.vector_load_idx %arg16[%broadcast_in_dim3A_626] : memref<128xf32, #tpu.memory_space<vmem>>[vector<16xi32>], vector<16xf32>,
        %broadcast_in_dim3A_628 = arith.constant -65536 : i32
        %broadcast_in_dim3A_629 = vector.broadcast %broadcast_in_dim3A_628 : i32 to vector<16xi32>
        %get3A_630 = arith.index_cast %add3A_625 : i32 to index
        %get3A_631 = arith.constant 0 : index
        %get3A_632 = tpu.vector_load %arg18[%get3A_630, %get3A_631] {strides = array<i32>} : memref<128x128xbf16, #tpu.memory_space<vmem>>, vector<32xbf16>,
        %bitcast3A_633 = vector.bitcast %get3A_632 : vector<32xbf16> to vector<16xi32>
        %shift_left3A_634 = arith.constant 16 : i32
        %shift_left3A_635 = vector.broadcast %shift_left3A_634 : i32 to vector<16xi32>
        %shift_left3A_636 = arith.shli %bitcast3A_633, %shift_left3A_635 : vector<16xi32>
        %bitcast3A_637 = vector.bitcast %shift_left3A_636 : vector<16xi32> to vector<16xf32>
        %mul3A_638 = arith.mulf %bitcast3A_637, %gather3A_627 : vector<16xf32>
        %and3A_639 = arith.andi %bitcast3A_633, %broadcast_in_dim3A_629 : vector<16xi32>
        %bitcast3A_640 = vector.bitcast %and3A_639 : vector<16xi32> to vector<16xf32>
        %mul3A_641 = arith.mulf %bitcast3A_640, %gather3A_627 : vector<16xf32>
        %pack3A_642 = tpu.pack_subelements %mul3A_638, %mul3A_641 {pack_format = #tpu.pack_format<interleaved>, positions = array<i32: 0, 1>} : vector<16xf32>, vector<16xf32> -> vector<32xbf16>
        %swap3A_643 = arith.index_cast %add3A_625 : i32 to index
        %swap3A_644 = arith.constant 0 : index
        %swap3A_645 = tpu.vector_load %arg20[%swap3A_643, %swap3A_644] {strides = array<i32>} : memref<128x128xbf16, #tpu.memory_space<vmem>>, vector<32xbf16>,
        tpu.vector_store %arg20[%swap3A_643, %swap3A_644], %pack3A_642 {strides = array<i32>} : memref<128x128xbf16, #tpu.memory_space<vmem>>, vector<32xbf16>,
        %get3A_646 = arith.index_cast %add3A_625 : i32 to index
        %get3A_647 = arith.constant 32 : index
        %get3A_648 = tpu.vector_load %arg18[%get3A_646, %get3A_647] {strides = array<i32>} : memref<128x128xbf16, #tpu.memory_space<vmem>>, vector<32xbf16>,
        %bitcast3A_649 = vector.bitcast %get3A_648 : vector<32xbf16> to vector<16xi32>
        %shift_left3A_650 = arith.constant 16 : i32
        %shift_left3A_651 = vector.broadcast %shift_left3A_650 : i32 to vector<16xi32>
        %shift_left3A_652 = arith.shli %bitcast3A_649, %shift_left3A_651 : vector<16xi32>
        %bitcast3A_653 = vector.bitcast %shift_left3A_652 : vector<16xi32> to vector<16xf32>
        %mul3A_654 = arith.mulf %bitcast3A_653, %gather3A_627 : vector<16xf32>
        %and3A_655 = arith.andi %bitcast3A_649, %broadcast_in_dim3A_629 : vector<16xi32>
        %bitcast3A_656 = vector.bitcast %and3A_655 : vector<16xi32> to vector<16xf32>
        %mul3A_657 = arith.mulf %bitcast3A_656, %gather3A_627 : vector<16xf32>
        %pack3A_658 = tpu.pack_subelements %mul3A_654, %mul3A_657 {pack_format = #tpu.pack_format<interleaved>, positions = array<i32: 0, 1>} : vector<16xf32>, vector<16xf32> -> vector<32xbf16>
        %swap3A_659 = arith.index_cast %add3A_625 : i32 to index
        %swap3A_660 = arith.constant 32 : index
        %swap3A_661 = tpu.vector_load %arg20[%swap3A_659, %swap3A_660] {strides = array<i32>} : memref<128x128xbf16, #tpu.memory_space<vmem>>, vector<32xbf16>,
        tpu.vector_store %arg20[%swap3A_659, %swap3A_660], %pack3A_658 {strides = array<i32>} : memref<128x128xbf16, #tpu.memory_space<vmem>>, vector<32xbf16>,
        %get3A_662 = arith.index_cast %add3A_625 : i32 to index
        %get3A_663 = arith.constant 64 : index
        %get3A_664 = tpu.vector_load %arg18[%get3A_662, %get3A_663] {strides = array<i32>} : memref<128x128xbf16, #tpu.memory_space<vmem>>, vector<32xbf16>,
        %bitcast3A_665 = vector.bitcast %get3A_664 : vector<32xbf16> to vector<16xi32>
        %shift_left3A_666 = arith.constant 16 : i32
        %shift_left3A_667 = vector.broadcast %shift_left3A_666 : i32 to vector<16xi32>
        %shift_left3A_668 = arith.shli %bitcast3A_665, %shift_left3A_667 : vector<16xi32>
        %bitcast3A_669 = vector.bitcast %shift_left3A_668 : vector<16xi32> to vector<16xf32>
        %mul3A_670 = arith.mulf %bitcast3A_669, %gather3A_627 : vector<16xf32>
        %and3A_671 = arith.andi %bitcast3A_665, %broadcast_in_dim3A_629 : vector<16xi32>
        %bitcast3A_672 = vector.bitcast %and3A_671 : vector<16xi32> to vector<16xf32>
        %mul3A_673 = arith.mulf %bitcast3A_672, %gather3A_627 : vector<16xf32>
        %pack3A_674 = tpu.pack_subelements %mul3A_670, %mul3A_673 {pack_format = #tpu.pack_format<interleaved>, positions = array<i32: 0, 1>} : vector<16xf32>, vector<16xf32> -> vector<32xbf16>
        %swap3A_675 = arith.index_cast %add3A_625 : i32 to index
        %swap3A_676 = arith.constant 64 : index
        %swap3A_677 = tpu.vector_load %arg20[%swap3A_675, %swap3A_676] {strides = array<i32>} : memref<128x128xbf16, #tpu.memory_space<vmem>>, vector<32xbf16>,
        tpu.vector_store %arg20[%swap3A_675, %swap3A_676], %pack3A_674 {strides = array<i32>} : memref<128x128xbf16, #tpu.memory_space<vmem>>, vector<32xbf16>,
        %get3A_678 = arith.index_cast %add3A_625 : i32 to index
        %get3A_679 = arith.constant 96 : index
        %get3A_680 = tpu.vector_load %arg18[%get3A_678, %get3A_679] {strides = array<i32>} : memref<128x128xbf16, #tpu.memory_space<vmem>>, vector<32xbf16>,
        %bitcast3A_681 = vector.bitcast %get3A_680 : vector<32xbf16> to vector<16xi32>
        %shift_left3A_682 = arith.constant 16 : i32
        %shift_left3A_683 = vector.broadcast %shift_left3A_682 : i32 to vector<16xi32>
        %shift_left3A_684 = arith.shli %bitcast3A_681, %shift_left3A_683 : vector<16xi32>
        %bitcast3A_685 = vector.bitcast %shift_left3A_684 : vector<16xi32> to vector<16xf32>
        %mul3A_686 = arith.mulf %bitcast3A_685, %gather3A_627 : vector<16xf32>
        %and3A_687 = arith.andi %bitcast3A_681, %broadcast_in_dim3A_629 : vector<16xi32>
        %bitcast3A_688 = vector.bitcast %and3A_687 : vector<16xi32> to vector<16xf32>
        %mul3A_689 = arith.mulf %bitcast3A_688, %gather3A_627 : vector<16xf32>
        %pack3A_690 = tpu.pack_subelements %mul3A_686, %mul3A_689 {pack_format = #tpu.pack_format<interleaved>, positions = array<i32: 0, 1>} : vector<16xf32>, vector<16xf32> -> vector<32xbf16>
        %swap3A_691 = arith.index_cast %add3A_625 : i32 to index
        %swap3A_692 = arith.constant 96 : index
        %swap3A_693 = tpu.vector_load %arg20[%swap3A_691, %swap3A_692] {strides = array<i32>} : memref<128x128xbf16, #tpu.memory_space<vmem>>, vector<32xbf16>,
        tpu.vector_store %arg20[%swap3A_691, %swap3A_692], %pack3A_690 {strides = array<i32>} : memref<128x128xbf16, #tpu.memory_space<vmem>>, vector<32xbf16>,
        %swap3A_694 = arith.index_cast %add3A_625 : i32 to index
        %swap3A_695 = arith.constant 0 : index
        %swap3A_696 = tpu.vector_load %arg22[%swap3A_694, %swap3A_695] {strides = array<i32>} : memref<128x16xf32, #tpu.memory_space<vmem>>, vector<16xf32>,
        tpu.vector_store %arg22[%swap3A_694, %swap3A_695], %gather3A_627 {strides = array<i32>} : memref<128x16xf32, #tpu.memory_space<vmem>>, vector<16xf32>,
        %mul3A_697 = arith.constant 4 : i32
        %mul3A_698 = arith.muli %scan3A_474, %mul3A_697 : i32
        %add3A_699 = arith.constant 3 : i32
        %add3A_700 = arith.addi %mul3A_698, %add3A_699 : i32
        %broadcast_in_dim3A_701 = vector.broadcast %add3A_700 : i32 to vector<16xi32>
        %gather3A_702 = tpu.vector_load_idx %arg16[%broadcast_in_dim3A_701] : memref<128xf32, #tpu.memory_space<vmem>>[vector<16xi32>], vector<16xf32>,
        %broadcast_in_dim3A_703 = arith.constant -65536 : i32
        %broadcast_in_dim3A_704 = vector.broadcast %broadcast_in_dim3A_703 : i32 to vector<16xi32>
        %get3A_705 = arith.index_cast %add3A_700 : i32 to index
        %get3A_706 = arith.constant 0 : index
        %get3A_707 = tpu.vector_load %arg18[%get3A_705, %get3A_706] {strides = array<i32>} : memref<128x128xbf16, #tpu.memory_space<vmem>>, vector<32xbf16>,
        %bitcast3A_708 = vector.bitcast %get3A_707 : vector<32xbf16> to vector<16xi32>
        %shift_left3A_709 = arith.constant 16 : i32
        %shift_left3A_710 = vector.broadcast %shift_left3A_709 : i32 to vector<16xi32>
        %shift_left3A_711 = arith.shli %bitcast3A_708, %shift_left3A_710 : vector<16xi32>
        %bitcast3A_712 = vector.bitcast %shift_left3A_711 : vector<16xi32> to vector<16xf32>
        %mul3A_713 = arith.mulf %bitcast3A_712, %gather3A_702 : vector<16xf32>
        %and3A_714 = arith.andi %bitcast3A_708, %broadcast_in_dim3A_704 : vector<16xi32>
        %bitcast3A_715 = vector.bitcast %and3A_714 : vector<16xi32> to vector<16xf32>
        %mul3A_716 = arith.mulf %bitcast3A_715, %gather3A_702 : vector<16xf32>
        %pack3A_717 = tpu.pack_subelements %mul3A_713, %mul3A_716 {pack_format = #tpu.pack_format<interleaved>, positions = array<i32: 0, 1>} : vector<16xf32>, vector<16xf32> -> vector<32xbf16>
        %swap3A_718 = arith.index_cast %add3A_700 : i32 to index
        %swap3A_719 = arith.constant 0 : index
        %swap3A_720 = tpu.vector_load %arg20[%swap3A_718, %swap3A_719] {strides = array<i32>} : memref<128x128xbf16, #tpu.memory_space<vmem>>, vector<32xbf16>,
        tpu.vector_store %arg20[%swap3A_718, %swap3A_719], %pack3A_717 {strides = array<i32>} : memref<128x128xbf16, #tpu.memory_space<vmem>>, vector<32xbf16>,
        %get3A_721 = arith.index_cast %add3A_700 : i32 to index
        %get3A_722 = arith.constant 32 : index
        %get3A_723 = tpu.vector_load %arg18[%get3A_721, %get3A_722] {strides = array<i32>} : memref<128x128xbf16, #tpu.memory_space<vmem>>, vector<32xbf16>,
        %bitcast3A_724 = vector.bitcast %get3A_723 : vector<32xbf16> to vector<16xi32>
        %shift_left3A_725 = arith.constant 16 : i32
        %shift_left3A_726 = vector.broadcast %shift_left3A_725 : i32 to vector<16xi32>
        %shift_left3A_727 = arith.shli %bitcast3A_724, %shift_left3A_726 : vector<16xi32>
        %bitcast3A_728 = vector.bitcast %shift_left3A_727 : vector<16xi32> to vector<16xf32>
        %mul3A_729 = arith.mulf %bitcast3A_728, %gather3A_702 : vector<16xf32>
        %and3A_730 = arith.andi %bitcast3A_724, %broadcast_in_dim3A_704 : vector<16xi32>
        %bitcast3A_731 = vector.bitcast %and3A_730 : vector<16xi32> to vector<16xf32>
        %mul3A_732 = arith.mulf %bitcast3A_731, %gather3A_702 : vector<16xf32>
        %pack3A_733 = tpu.pack_subelements %mul3A_729, %mul3A_732 {pack_format = #tpu.pack_format<interleaved>, positions = array<i32: 0, 1>} : vector<16xf32>, vector<16xf32> -> vector<32xbf16>
        %swap3A_734 = arith.index_cast %add3A_700 : i32 to index
        %swap3A_735 = arith.constant 32 : index
        %swap3A_736 = tpu.vector_load %arg20[%swap3A_734, %swap3A_735] {strides = array<i32>} : memref<128x128xbf16, #tpu.memory_space<vmem>>, vector<32xbf16>,
        tpu.vector_store %arg20[%swap3A_734, %swap3A_735], %pack3A_733 {strides = array<i32>} : memref<128x128xbf16, #tpu.memory_space<vmem>>, vector<32xbf16>,
        %get3A_737 = arith.index_cast %add3A_700 : i32 to index
        %get3A_738 = arith.constant 64 : index
        %get3A_739 = tpu.vector_load %arg18[%get3A_737, %get3A_738] {strides = array<i32>} : memref<128x128xbf16, #tpu.memory_space<vmem>>, vector<32xbf16>,
        %bitcast3A_740 = vector.bitcast %get3A_739 : vector<32xbf16> to vector<16xi32>
        %shift_left3A_741 = arith.constant 16 : i32
        %shift_left3A_742 = vector.broadcast %shift_left3A_741 : i32 to vector<16xi32>
        %shift_left3A_743 = arith.shli %bitcast3A_740, %shift_left3A_742 : vector<16xi32>
        %bitcast3A_744 = vector.bitcast %shift_left3A_743 : vector<16xi32> to vector<16xf32>
        %mul3A_745 = arith.mulf %bitcast3A_744, %gather3A_702 : vector<16xf32>
        %and3A_746 = arith.andi %bitcast3A_740, %broadcast_in_dim3A_704 : vector<16xi32>
        %bitcast3A_747 = vector.bitcast %and3A_746 : vector<16xi32> to vector<16xf32>
        %mul3A_748 = arith.mulf %bitcast3A_747, %gather3A_702 : vector<16xf32>
        %pack3A_749 = tpu.pack_subelements %mul3A_745, %mul3A_748 {pack_format = #tpu.pack_format<interleaved>, positions = array<i32: 0, 1>} : vector<16xf32>, vector<16xf32> -> vector<32xbf16>
        %swap3A_750 = arith.index_cast %add3A_700 : i32 to index
        %swap3A_751 = arith.constant 64 : index
        %swap3A_752 = tpu.vector_load %arg20[%swap3A_750, %swap3A_751] {strides = array<i32>} : memref<128x128xbf16, #tpu.memory_space<vmem>>, vector<32xbf16>,
        tpu.vector_store %arg20[%swap3A_750, %swap3A_751], %pack3A_749 {strides = array<i32>} : memref<128x128xbf16, #tpu.memory_space<vmem>>, vector<32xbf16>,
        %get3A_753 = arith.index_cast %add3A_700 : i32 to index
        %get3A_754 = arith.constant 96 : index
        %get3A_755 = tpu.vector_load %arg18[%get3A_753, %get3A_754] {strides = array<i32>} : memref<128x128xbf16, #tpu.memory_space<vmem>>, vector<32xbf16>,
        %bitcast3A_756 = vector.bitcast %get3A_755 : vector<32xbf16> to vector<16xi32>
        %shift_left3A_757 = arith.constant 16 : i32
        %shift_left3A_758 = vector.broadcast %shift_left3A_757 : i32 to vector<16xi32>
        %shift_left3A_759 = arith.shli %bitcast3A_756, %shift_left3A_758 : vector<16xi32>
        %bitcast3A_760 = vector.bitcast %shift_left3A_759 : vector<16xi32> to vector<16xf32>
        %mul3A_761 = arith.mulf %bitcast3A_760, %gather3A_702 : vector<16xf32>
        %and3A_762 = arith.andi %bitcast3A_756, %broadcast_in_dim3A_704 : vector<16xi32>
        %bitcast3A_763 = vector.bitcast %and3A_762 : vector<16xi32> to vector<16xf32>
        %mul3A_764 = arith.mulf %bitcast3A_763, %gather3A_702 : vector<16xf32>
        %pack3A_765 = tpu.pack_subelements %mul3A_761, %mul3A_764 {pack_format = #tpu.pack_format<interleaved>, positions = array<i32: 0, 1>} : vector<16xf32>, vector<16xf32> -> vector<32xbf16>
        %swap3A_766 = arith.index_cast %add3A_700 : i32 to index
        %swap3A_767 = arith.constant 96 : index
        %swap3A_768 = tpu.vector_load %arg20[%swap3A_766, %swap3A_767] {strides = array<i32>} : memref<128x128xbf16, #tpu.memory_space<vmem>>, vector<32xbf16>,
        tpu.vector_store %arg20[%swap3A_766, %swap3A_767], %pack3A_765 {strides = array<i32>} : memref<128x128xbf16, #tpu.memory_space<vmem>>, vector<32xbf16>,
        %swap3A_769 = arith.index_cast %add3A_700 : i32 to index
        %swap3A_770 = arith.constant 0 : index
        %swap3A_771 = tpu.vector_load %arg22[%swap3A_769, %swap3A_770] {strides = array<i32>} : memref<128x16xf32, #tpu.memory_space<vmem>>, vector<16xf32>,
        tpu.vector_store %arg22[%swap3A_769, %swap3A_770], %gather3A_702 {strides = array<i32>} : memref<128x16xf32, #tpu.memory_space<vmem>>, vector<16xf32>,
        %scan3A_772 = arith.constant 0 : i32
        scf.yield %scan3A_772 : i32
      }
      %scan3A_460 = arith.constant 32 : i32
      %dma_start3A_461 = arith.constant 0 : i32
      %dma_start3A_462 = tpu.memref_slice %arg14[%add3A_274, %dma_start3A_461] : memref<40x128xi32, #tpu.memory_space<vmem>> -> memref<1x128xi32, #tpu.memory_space<vmem>>
      %dma_start3A_463 = tpu.memref_squeeze %dma_start3A_462 : memref<1x128xi32, #tpu.memory_space<vmem>> -> memref<128xi32, #tpu.memory_space<vmem>>
      %dma_start3A_464 = arith.constant 0 : i32
      %dma_start3A_465 = arith.constant 0 : i32
      %dma_start3A_466 = tpu.memref_slice %arg25[%dma_start3A_464, %dma_start3A_465] : memref<10048x128xbf16, #tpu.memory_space<vmem_shared>> -> memref<10048x128xbf16, #tpu.memory_space<vmem_shared>>
      tpu.enqueue_indirect_dma source(%arg20 : memref<128x128xbf16, #tpu.memory_space<vmem>>) target(%dma_start3A_466 : memref<10048x128xbf16, #tpu.memory_space<vmem_shared>>) offsets(%dma_start3A_463 : memref<128xi32, #tpu.memory_space<vmem>>) semaphore(%arg30 : memref<!tpu.dma_semaphore, #tpu.memory_space<semaphore_mem>>) {add = true}
      %dma_start3A_467 = arith.constant 0 : i32
      %dma_start3A_468 = tpu.memref_slice %arg14[%add3A_274, %dma_start3A_467] : memref<40x128xi32, #tpu.memory_space<vmem>> -> memref<1x128xi32, #tpu.memory_space<vmem>>
      %dma_start3A_469 = tpu.memref_squeeze %dma_start3A_468 : memref<1x128xi32, #tpu.memory_space<vmem>> -> memref<128xi32, #tpu.memory_space<vmem>>
      %dma_start3A_470 = arith.constant 0 : i32
      %dma_start3A_471 = arith.constant 0 : i32
      %dma_start3A_472 = tpu.memref_slice %arg26[%dma_start3A_470, %dma_start3A_471] : memref<10048x16xf32, #tpu.memory_space<vmem_shared>> -> memref<10048x16xf32, #tpu.memory_space<vmem_shared>>
      tpu.enqueue_indirect_dma source(%arg22 : memref<128x16xf32, #tpu.memory_space<vmem>>) target(%dma_start3A_472 : memref<10048x16xf32, #tpu.memory_space<vmem_shared>>) offsets(%dma_start3A_469 : memref<128xi32, #tpu.memory_space<vmem>>) semaphore(%arg30 : memref<!tpu.dma_semaphore, #tpu.memory_space<semaphore_mem>>) {add = true}
      %scan3A_473 = arith.constant 0 : i32
      scf.yield %scan3A_473 : i32
    }
    %scan3A_38 = arith.constant 20 : i32
    %dma_wait3A = arith.constant 0 : i32
    %dma_wait3A_39 = arith.constant 0 : i32
    %dma_wait3A_40 = tpu.memref_slice %arg14[%dma_wait3A, %dma_wait3A_39] : memref<40x128xi32, #tpu.memory_space<vmem>> -> memref<1x128xi32, #tpu.memory_space<vmem>>
    %dma_wait3A_41 = tpu.memref_squeeze %dma_wait3A_40 : memref<1x128xi32, #tpu.memory_space<vmem>> -> memref<128xi32, #tpu.memory_space<vmem>>
    %dma_wait3A_42 = arith.constant 0 : i32
    %dma_wait3A_43 = arith.constant 0 : i32
    %dma_wait3A_44 = tpu.memref_slice %arg25[%dma_wait3A_42, %dma_wait3A_43] : memref<10048x128xbf16, #tpu.memory_space<vmem_shared>> -> memref<10048x128xbf16, #tpu.memory_space<vmem_shared>>
    tpu.wait_indirect_dma semaphore(%arg29 : memref<!tpu.dma_semaphore, #tpu.memory_space<semaphore_mem>>) src(%arg19 : memref<128x128xbf16, #tpu.memory_space<vmem>>) dst(%dma_wait3A_44 : memref<10048x128xbf16, #tpu.memory_space<vmem_shared>>)
    %dma_wait3A_45 = arith.constant 0 : i32
    %dma_wait3A_46 = arith.constant 0 : i32
    %dma_wait3A_47 = tpu.memref_slice %arg14[%dma_wait3A_45, %dma_wait3A_46] : memref<40x128xi32, #tpu.memory_space<vmem>> -> memref<1x128xi32, #tpu.memory_space<vmem>>
    %dma_wait3A_48 = tpu.memref_squeeze %dma_wait3A_47 : memref<1x128xi32, #tpu.memory_space<vmem>> -> memref<128xi32, #tpu.memory_space<vmem>>
    %dma_wait3A_49 = arith.constant 0 : i32
    %dma_wait3A_50 = arith.constant 0 : i32
    %dma_wait3A_51 = tpu.memref_slice %arg26[%dma_wait3A_49, %dma_wait3A_50] : memref<10048x16xf32, #tpu.memory_space<vmem_shared>> -> memref<10048x16xf32, #tpu.memory_space<vmem_shared>>
    tpu.wait_indirect_dma semaphore(%arg29 : memref<!tpu.dma_semaphore, #tpu.memory_space<semaphore_mem>>) src(%arg21 : memref<128x16xf32, #tpu.memory_space<vmem>>) dst(%dma_wait3A_51 : memref<10048x16xf32, #tpu.memory_space<vmem_shared>>)
    %dma_wait3A_52 = arith.constant 0 : i32
    %dma_wait3A_53 = arith.constant 0 : i32
    %dma_wait3A_54 = tpu.memref_slice %arg14[%dma_wait3A_52, %dma_wait3A_53] : memref<40x128xi32, #tpu.memory_space<vmem>> -> memref<1x128xi32, #tpu.memory_space<vmem>>
    %dma_wait3A_55 = tpu.memref_squeeze %dma_wait3A_54 : memref<1x128xi32, #tpu.memory_space<vmem>> -> memref<128xi32, #tpu.memory_space<vmem>>
    %dma_wait3A_56 = arith.constant 0 : i32
    %dma_wait3A_57 = arith.constant 0 : i32
    %dma_wait3A_58 = tpu.memref_slice %arg25[%dma_wait3A_56, %dma_wait3A_57] : memref<10048x128xbf16, #tpu.memory_space<vmem_shared>> -> memref<10048x128xbf16, #tpu.memory_space<vmem_shared>>
    tpu.wait_indirect_dma semaphore(%arg30 : memref<!tpu.dma_semaphore, #tpu.memory_space<semaphore_mem>>) src(%arg20 : memref<128x128xbf16, #tpu.memory_space<vmem>>) dst(%dma_wait3A_58 : memref<10048x128xbf16, #tpu.memory_space<vmem_shared>>)
    %dma_wait3A_59 = arith.constant 0 : i32
    %dma_wait3A_60 = arith.constant 0 : i32
    %dma_wait3A_61 = tpu.memref_slice %arg14[%dma_wait3A_59, %dma_wait3A_60] : memref<40x128xi32, #tpu.memory_space<vmem>> -> memref<1x128xi32, #tpu.memory_space<vmem>>
    %dma_wait3A_62 = tpu.memref_squeeze %dma_wait3A_61 : memref<1x128xi32, #tpu.memory_space<vmem>> -> memref<128xi32, #tpu.memory_space<vmem>>
    %dma_wait3A_63 = arith.constant 0 : i32
    %dma_wait3A_64 = arith.constant 0 : i32
    %dma_wait3A_65 = tpu.memref_slice %arg26[%dma_wait3A_63, %dma_wait3A_64] : memref<10048x16xf32, #tpu.memory_space<vmem_shared>> -> memref<10048x16xf32, #tpu.memory_space<vmem_shared>>
    tpu.wait_indirect_dma semaphore(%arg30 : memref<!tpu.dma_semaphore, #tpu.memory_space<semaphore_mem>>) src(%arg22 : memref<128x16xf32, #tpu.memory_space<vmem>>) dst(%dma_wait3A_65 : memref<10048x16xf32, #tpu.memory_space<vmem_shared>>)
    %barrier3A_66 = arith.constant 0 : index
    tpu.barrier barrier_id(%barrier3A_66)
    %eq3A = arith.constant 0 : i32
    %eq3A_67 = arith.cmpi eq, %arg0, %eq3A : i32
    %convert_element_type3A = arith.extui %eq3A_67 : i1 to i32
    %cond3A = arith.constant 0 : i32
    %cond3A_68 = arith.cmpi ne, %convert_element_type3A, %cond3A : i32
    scf.if %cond3A_68 {
      %mul3A_74 = arith.constant 628 : i32
      %mul3A_75 = arith.muli %arg1, %mul3A_74 : i32
      %mul3A_76 = arith.constant 628 : i32
      %mul3A_77 = arith.muli %arg1, %mul3A_76 : i32
      "tpu.region"() ({
        %run_scoped3A_82 = tpu.sem_alloc : memref<!tpu.dma_semaphore, #tpu.memory_space<semaphore_mem>>
        %dma_start3A_83 = arith.constant 0 : i32
        %dma_start3A_84 = tpu.memref_slice %arg7[%mul3A_77, %dma_start3A_83] : memref<10240x128xbf16, #tpu.memory_space<hbm>> -> memref<628x128xbf16, #tpu.memory_space<hbm>>
        %dma_start3A_85 = arith.constant 0 : i32
        %dma_start3A_86 = tpu.memref_slice %arg25[%mul3A_75, %dma_start3A_85] : memref<10048x128xbf16, #tpu.memory_space<vmem_shared>> -> memref<628x128xbf16, #tpu.memory_space<vmem_shared>>
        tpu.enqueue_dma source(%dma_start3A_86 : memref<628x128xbf16, #tpu.memory_space<vmem_shared>>) target(%dma_start3A_84 : memref<628x128xbf16, #tpu.memory_space<hbm>>) target_semaphore(%run_scoped3A_82 : memref<!tpu.dma_semaphore, #tpu.memory_space<semaphore_mem>>)
        %dma_wait3A_87 = arith.constant 0 : i32
        %dma_wait3A_88 = tpu.memref_slice %arg7[%mul3A_77, %dma_wait3A_87] : memref<10240x128xbf16, #tpu.memory_space<hbm>> -> memref<628x128xbf16, #tpu.memory_space<hbm>>
        %dma_wait3A_89 = arith.constant 0 : i32
        %dma_wait3A_90 = tpu.memref_slice %arg25[%mul3A_75, %dma_wait3A_89] : memref<10048x128xbf16, #tpu.memory_space<vmem_shared>> -> memref<628x128xbf16, #tpu.memory_space<vmem_shared>>
        tpu.wait_dma2 semaphore(%run_scoped3A_82 : memref<!tpu.dma_semaphore, #tpu.memory_space<semaphore_mem>>) src(%dma_wait3A_90 : memref<628x128xbf16, #tpu.memory_space<vmem_shared>>) dst(%dma_wait3A_88 : memref<628x128xbf16, #tpu.memory_space<hbm>>)
        tpu.yield
      }) : () -> ()
      %mul3A_78 = arith.constant 628 : i32
      %mul3A_79 = arith.muli %arg1, %mul3A_78 : i32
      %mul3A_80 = arith.constant 628 : i32
      %mul3A_81 = arith.muli %arg1, %mul3A_80 : i32
      "tpu.region"() ({
        %run_scoped3A_82 = tpu.sem_alloc : memref<!tpu.dma_semaphore, #tpu.memory_space<semaphore_mem>>
        %dma_start3A_83 = arith.constant 0 : i32
        %dma_start3A_84 = tpu.memref_slice %arg9[%mul3A_81, %dma_start3A_83] : memref<10240x16xf32, #tpu.memory_space<hbm>> -> memref<628x16xf32, #tpu.memory_space<hbm>>
        %dma_start3A_85 = arith.constant 0 : i32
        %dma_start3A_86 = tpu.memref_slice %arg26[%mul3A_79, %dma_start3A_85] : memref<10048x16xf32, #tpu.memory_space<vmem_shared>> -> memref<628x16xf32, #tpu.memory_space<vmem_shared>>
        tpu.enqueue_dma source(%dma_start3A_86 : memref<628x16xf32, #tpu.memory_space<vmem_shared>>) target(%dma_start3A_84 : memref<628x16xf32, #tpu.memory_space<hbm>>) target_semaphore(%run_scoped3A_82 : memref<!tpu.dma_semaphore, #tpu.memory_space<semaphore_mem>>)
        %dma_wait3A_87 = arith.constant 0 : i32
        %dma_wait3A_88 = tpu.memref_slice %arg9[%mul3A_81, %dma_wait3A_87] : memref<10240x16xf32, #tpu.memory_space<hbm>> -> memref<628x16xf32, #tpu.memory_space<hbm>>
        %dma_wait3A_89 = arith.constant 0 : i32
        %dma_wait3A_90 = tpu.memref_slice %arg26[%mul3A_79, %dma_wait3A_89] : memref<10048x16xf32, #tpu.memory_space<vmem_shared>> -> memref<628x16xf32, #tpu.memory_space<vmem_shared>>
        tpu.wait_dma2 semaphore(%run_scoped3A_82 : memref<!tpu.dma_semaphore, #tpu.memory_space<semaphore_mem>>) src(%dma_wait3A_90 : memref<628x16xf32, #tpu.memory_space<vmem_shared>>) dst(%dma_wait3A_88 : memref<628x16xf32, #tpu.memory_space<hbm>>)
        tpu.yield
      }) : () -> ()
    } else {
    }
    %eq3A_69 = arith.constant 1 : i32
    %eq3A_70 = arith.cmpi eq, %arg0, %eq3A_69 : i32
    %convert_element_type3A_71 = arith.extui %eq3A_70 : i1 to i32
    %cond3A_72 = arith.constant 0 : i32
    %cond3A_73 = arith.cmpi ne, %convert_element_type3A_71, %cond3A_72 : i32
    scf.if %cond3A_73 {
      %mul3A_74 = arith.constant 628 : i32
      %mul3A_75 = arith.muli %arg1, %mul3A_74 : i32
      %mul3A_76 = arith.constant 628 : i32
      %mul3A_77 = arith.muli %arg1, %mul3A_76 : i32
      "tpu.region"() ({
        %run_scoped3A_82 = tpu.sem_alloc : memref<!tpu.dma_semaphore, #tpu.memory_space<semaphore_mem>>
        %dma_start3A_83 = arith.constant 0 : i32
        %dma_start3A_84 = tpu.memref_slice %arg8[%mul3A_77, %dma_start3A_83] : memref<10240x128xbf16, #tpu.memory_space<hbm>> -> memref<628x128xbf16, #tpu.memory_space<hbm>>
        %dma_start3A_85 = arith.constant 0 : i32
        %dma_start3A_86 = tpu.memref_slice %arg25[%mul3A_75, %dma_start3A_85] : memref<10048x128xbf16, #tpu.memory_space<vmem_shared>> -> memref<628x128xbf16, #tpu.memory_space<vmem_shared>>
        tpu.enqueue_dma source(%dma_start3A_86 : memref<628x128xbf16, #tpu.memory_space<vmem_shared>>) target(%dma_start3A_84 : memref<628x128xbf16, #tpu.memory_space<hbm>>) target_semaphore(%run_scoped3A_82 : memref<!tpu.dma_semaphore, #tpu.memory_space<semaphore_mem>>)
        %dma_wait3A_87 = arith.constant 0 : i32
        %dma_wait3A_88 = tpu.memref_slice %arg8[%mul3A_77, %dma_wait3A_87] : memref<10240x128xbf16, #tpu.memory_space<hbm>> -> memref<628x128xbf16, #tpu.memory_space<hbm>>
        %dma_wait3A_89 = arith.constant 0 : i32
        %dma_wait3A_90 = tpu.memref_slice %arg25[%mul3A_75, %dma_wait3A_89] : memref<10048x128xbf16, #tpu.memory_space<vmem_shared>> -> memref<628x128xbf16, #tpu.memory_space<vmem_shared>>
        tpu.wait_dma2 semaphore(%run_scoped3A_82 : memref<!tpu.dma_semaphore, #tpu.memory_space<semaphore_mem>>) src(%dma_wait3A_90 : memref<628x128xbf16, #tpu.memory_space<vmem_shared>>) dst(%dma_wait3A_88 : memref<628x128xbf16, #tpu.memory_space<hbm>>)
        tpu.yield
      }) : () -> ()
      %mul3A_78 = arith.constant 628 : i32
      %mul3A_79 = arith.muli %arg1, %mul3A_78 : i32
      %mul3A_80 = arith.constant 628 : i32
      %mul3A_81 = arith.muli %arg1, %mul3A_80 : i32
      "tpu.region"() ({
        %run_scoped3A_82 = tpu.sem_alloc : memref<!tpu.dma_semaphore, #tpu.memory_space<semaphore_mem>>
        %dma_start3A_83 = arith.constant 0 : i32
        %dma_start3A_84 = tpu.memref_slice %arg10[%mul3A_81, %dma_start3A_83] : memref<10240x16xf32, #tpu.memory_space<hbm>> -> memref<628x16xf32, #tpu.memory_space<hbm>>
        %dma_start3A_85 = arith.constant 0 : i32
        %dma_start3A_86 = tpu.memref_slice %arg26[%mul3A_79, %dma_start3A_85] : memref<10048x16xf32, #tpu.memory_space<vmem_shared>> -> memref<628x16xf32, #tpu.memory_space<vmem_shared>>
        tpu.enqueue_dma source(%dma_start3A_86 : memref<628x16xf32, #tpu.memory_space<vmem_shared>>) target(%dma_start3A_84 : memref<628x16xf32, #tpu.memory_space<hbm>>) target_semaphore(%run_scoped3A_82 : memref<!tpu.dma_semaphore, #tpu.memory_space<semaphore_mem>>)
        %dma_wait3A_87 = arith.constant 0 : i32
        %dma_wait3A_88 = tpu.memref_slice %arg10[%mul3A_81, %dma_wait3A_87] : memref<10240x16xf32, #tpu.memory_space<hbm>> -> memref<628x16xf32, #tpu.memory_space<hbm>>
        %dma_wait3A_89 = arith.constant 0 : i32
        %dma_wait3A_90 = tpu.memref_slice %arg26[%mul3A_79, %dma_wait3A_89] : memref<10048x16xf32, #tpu.memory_space<vmem_shared>> -> memref<628x16xf32, #tpu.memory_space<vmem_shared>>
        tpu.wait_dma2 semaphore(%run_scoped3A_82 : memref<!tpu.dma_semaphore, #tpu.memory_space<semaphore_mem>>) src(%dma_wait3A_90 : memref<628x16xf32, #tpu.memory_space<vmem_shared>>) dst(%dma_wait3A_88 : memref<628x16xf32, #tpu.memory_space<hbm>>)
        tpu.yield
      }) : () -> ()
    } else {
    }
    return
  }
}

#map = affine_map<(d0, d1) -> (0, 0)>
#map1 = affine_map<(d0, d1) -> (0)>
#map2 = affine_map<(d0, d1) -> (0, 0, 0)>
module attributes {stable_mosaic.version = 14 : i64} {
  func.func @body(%arg0: i32, %arg1: i32, %arg2: memref<10240x64xbf16, #tpu.memory_space<hbm>>, %arg3: memref<2x10240xf32, #tpu.memory_space<hbm>>, %arg4: memref<16xf32, #tpu.memory_space<hbm>>, %arg5: memref<32x40x128xi32, #tpu.memory_space<hbm>>, %arg6: memref<32x40x128xi32, #tpu.memory_space<hbm>>, %arg7: memref<10240x64xbf16, #tpu.memory_space<hbm>>, %arg8: memref<10240x64xbf16, #tpu.memory_space<hbm>>, %arg9: memref<10240x16xf32, #tpu.memory_space<hbm>>, %arg10: memref<10240x16xf32, #tpu.memory_space<hbm>>, %arg11: memref<10240xf32, #tpu.memory_space<vmem>>, %arg12: memref<10240xf32, #tpu.memory_space<vmem>>, %arg13: memref<40x128xi32, #tpu.memory_space<vmem>>, %arg14: memref<40x128xi32, #tpu.memory_space<vmem>>, %arg15: memref<16xf32, #tpu.memory_space<vmem>>, %arg16: memref<128xf32, #tpu.memory_space<vmem>>, %arg17: memref<128x64xbf16, #tpu.memory_space<vmem>>, %arg18: memref<128x64xbf16, #tpu.memory_space<vmem>>, %arg19: memref<128x64xbf16, #tpu.memory_space<vmem>>, %arg20: memref<128x64xbf16, #tpu.memory_space<vmem>>, %arg21: memref<128x16xf32, #tpu.memory_space<vmem>>, %arg22: memref<128x16xf32, #tpu.memory_space<vmem>>, %arg23: memref<4x64xbf16, #tpu.memory_space<vmem>>, %arg24: memref<4x16xf32, #tpu.memory_space<vmem>>, %arg25: memref<10048x64xbf16, #tpu.memory_space<vmem_shared>>, %arg26: memref<10048x16xf32, #tpu.memory_space<vmem_shared>>, %arg27: memref<!tpu.dma_semaphore, #tpu.memory_space<semaphore_mem>>, %arg28: memref<!tpu.dma_semaphore, #tpu.memory_space<semaphore_mem>>, %arg29: memref<!tpu.dma_semaphore, #tpu.memory_space<semaphore_mem>>, %arg30: memref<!tpu.dma_semaphore, #tpu.memory_space<semaphore_mem>>, %arg31: memref<!tpu.dma_semaphore, #tpu.memory_space<semaphore_mem>>) attributes {dimension_semantics = [#tpu.dimension_semantics<core_parallel>, #tpu.dimension_semantics<subcore_parallel>], iteration_bounds = array<i64: 2, 16>, scalar_prefetch = 0 : i64, scratch_operands = 21 : i64, tpu.core_type = #tpu.core_type<sc_vector_subcore>, window_params = [{transform_indices = #map}, {transform_indices = #map}, {transform_indices = #map1}, {transform_indices = #map2}, {transform_indices = #map2}, {transform_indices = #map}, {transform_indices = #map}, {transform_indices = #map}, {transform_indices = #map}]} {
    %mul3A = arith.constant 2 : i32
    %mul3A_0 = arith.muli %arg1, %mul3A : i32
    %add3A = arith.addi %mul3A_0, %arg0 : i32
    %broadcast_in_dim3A = arith.constant 0.000000e+00 : bf16
    %broadcast_in_dim3A_1 = vector.broadcast %broadcast_in_dim3A : bf16 to vector<32xbf16>
    %broadcast_in_dim3A_2 = arith.constant 0.000000e+00 : f32
    %broadcast_in_dim3A_3 = vector.broadcast %broadcast_in_dim3A_2 : f32 to vector<16xf32>
    %scan3A = arith.constant 0 : i32
    %scan3A_4 = arith.constant 0 : i32
    %scan3A_5 = arith.constant 4 : i32
    %scan3A_6 = arith.addi %scan3A_4, %scan3A_5 : i32
    %scan3A_7 = arith.constant 1 : i32
    %scan3A_8 = scf.for %scan3A_74 = %scan3A_4 to %scan3A_6 step %scan3A_7 iter_args(%scan3A_75 = %scan3A) -> (i32)  : i32 {
      %scan3A_76 = arith.constant 0 : i32
      %scan3A_77 = arith.constant 0 : i32
      %scan3A_78 = arith.constant 2 : i32
      %scan3A_79 = arith.addi %scan3A_77, %scan3A_78 : i32
      %scan3A_80 = arith.constant 1 : i32
      %scan3A_81 = scf.for %scan3A_86 = %scan3A_77 to %scan3A_79 step %scan3A_80 iter_args(%scan3A_87 = %scan3A_76) -> (i32)  : i32 {
        %mul3A_88 = arith.constant 2 : i32
        %mul3A_89 = arith.muli %scan3A_86, %mul3A_88 : i32
        %mul3A_90 = arith.constant 16 : i32
        %mul3A_91 = arith.muli %mul3A_89, %mul3A_90 : i32
        %swap3A_92 = arith.index_cast %scan3A_74 : i32 to index
        %swap3A_93 = arith.index_cast %mul3A_91 : i32 to index
        %swap3A_94 = tpu.vector_load %arg23[%swap3A_92, %swap3A_93] {strides = array<i32>} : memref<4x64xbf16, #tpu.memory_space<vmem>>, vector<32xbf16>,
        tpu.vector_store %arg23[%swap3A_92, %swap3A_93], %broadcast_in_dim3A_1 {strides = array<i32>} : memref<4x64xbf16, #tpu.memory_space<vmem>>, vector<32xbf16>,
        %scan3A_95 = arith.constant 0 : i32
        scf.yield %scan3A_95 : i32
      }
      %scan3A_82 = arith.constant 2 : i32
      %swap3A = arith.index_cast %scan3A_74 : i32 to index
      %swap3A_83 = arith.constant 0 : index
      %swap3A_84 = tpu.vector_load %arg24[%swap3A, %swap3A_83] {strides = array<i32>} : memref<4x16xf32, #tpu.memory_space<vmem>>, vector<16xf32>,
      tpu.vector_store %arg24[%swap3A, %swap3A_83], %broadcast_in_dim3A_3 {strides = array<i32>} : memref<4x16xf32, #tpu.memory_space<vmem>>, vector<16xf32>,
      %scan3A_85 = arith.constant 0 : i32
      scf.yield %scan3A_85 : i32
    }
    %scan3A_9 = arith.constant 4 : i32
    %scan3A_10 = arith.constant 0 : i32
    %scan3A_11 = arith.constant 0 : i32
    %scan3A_12 = arith.constant 157 : i32
    %scan3A_13 = arith.addi %scan3A_11, %scan3A_12 : i32
    %scan3A_14 = arith.constant 1 : i32
    %scan3A_15 = scf.for %scan3A_74 = %scan3A_11 to %scan3A_13 step %scan3A_14 iter_args(%scan3A_75 = %scan3A_10) -> (i32)  : i32 {
      %mul3A_76 = arith.constant 628 : i32
      %mul3A_77 = arith.muli %arg1, %mul3A_76 : i32
      %mul3A_78 = arith.constant 4 : i32
      %mul3A_79 = arith.muli %scan3A_74, %mul3A_78 : i32
      %add3A_80 = arith.addi %mul3A_77, %mul3A_79 : i32
      %dma_start3A_81 = arith.constant 0 : i32
      %dma_start3A_82 = tpu.memref_slice %arg25[%add3A_80, %dma_start3A_81] : memref<10048x64xbf16, #tpu.memory_space<vmem_shared>> -> memref<4x64xbf16, #tpu.memory_space<vmem_shared>>
      %dma_start3A_83 = arith.constant 0 : i32
      %dma_start3A_84 = tpu.memref_slice %arg25[%add3A_80, %dma_start3A_83] : memref<10048x64xbf16, #tpu.memory_space<vmem_shared>> -> memref<4x64xbf16, #tpu.memory_space<vmem_shared>>
      tpu.enqueue_dma source(%arg23 : memref<4x64xbf16, #tpu.memory_space<vmem>>) target(%dma_start3A_84 : memref<4x64xbf16, #tpu.memory_space<vmem_shared>>) target_semaphore(%arg31 : memref<!tpu.dma_semaphore, #tpu.memory_space<semaphore_mem>>)
      %mul3A_85 = arith.constant 628 : i32
      %mul3A_86 = arith.muli %arg1, %mul3A_85 : i32
      %mul3A_87 = arith.constant 4 : i32
      %mul3A_88 = arith.muli %scan3A_74, %mul3A_87 : i32
      %add3A_89 = arith.addi %mul3A_86, %mul3A_88 : i32
      %dma_start3A_90 = arith.constant 0 : i32
      %dma_start3A_91 = tpu.memref_slice %arg26[%add3A_89, %dma_start3A_90] : memref<10048x16xf32, #tpu.memory_space<vmem_shared>> -> memref<4x16xf32, #tpu.memory_space<vmem_shared>>
      %dma_start3A_92 = arith.constant 0 : i32
      %dma_start3A_93 = tpu.memref_slice %arg26[%add3A_89, %dma_start3A_92] : memref<10048x16xf32, #tpu.memory_space<vmem_shared>> -> memref<4x16xf32, #tpu.memory_space<vmem_shared>>
      tpu.enqueue_dma source(%arg24 : memref<4x16xf32, #tpu.memory_space<vmem>>) target(%dma_start3A_93 : memref<4x16xf32, #tpu.memory_space<vmem_shared>>) target_semaphore(%arg31 : memref<!tpu.dma_semaphore, #tpu.memory_space<semaphore_mem>>)
      %scan3A_94 = arith.constant 0 : i32
      scf.yield %scan3A_94 : i32
    }
    %scan3A_16 = arith.constant 157 : i32
    %run_scoped3A = arith.constant 0 : i32
    "tpu.region"() ({
      %run_scoped3A_74 = tpu.sem_alloc : memref<!tpu.dma_semaphore, #tpu.memory_space<semaphore_mem>>
      %dma_start3A_75 = arith.constant 0 : i32
      %dma_start3A_76 = tpu.memref_slice %arg3[%run_scoped3A, %dma_start3A_75] : memref<2x10240xf32, #tpu.memory_space<hbm>> -> memref<1x10240xf32, #tpu.memory_space<hbm>>
      %dma_start3A_77 = tpu.memref_squeeze %dma_start3A_76 : memref<1x10240xf32, #tpu.memory_space<hbm>> -> memref<10240xf32, #tpu.memory_space<hbm>>
      %dma_start3A_78 = arith.constant 0 : i32
      %dma_start3A_79 = tpu.memref_slice %arg3[%run_scoped3A, %dma_start3A_78] : memref<2x10240xf32, #tpu.memory_space<hbm>> -> memref<1x10240xf32, #tpu.memory_space<hbm>>
      %dma_start3A_80 = tpu.memref_squeeze %dma_start3A_79 : memref<1x10240xf32, #tpu.memory_space<hbm>> -> memref<10240xf32, #tpu.memory_space<hbm>>
      tpu.enqueue_dma source(%dma_start3A_80 : memref<10240xf32, #tpu.memory_space<hbm>>) target(%arg11 : memref<10240xf32, #tpu.memory_space<vmem>>) target_semaphore(%run_scoped3A_74 : memref<!tpu.dma_semaphore, #tpu.memory_space<semaphore_mem>>)
      %dma_wait3A_81 = arith.constant 0 : i32
      %dma_wait3A_82 = tpu.memref_slice %arg3[%run_scoped3A, %dma_wait3A_81] : memref<2x10240xf32, #tpu.memory_space<hbm>> -> memref<1x10240xf32, #tpu.memory_space<hbm>>
      %dma_wait3A_83 = tpu.memref_squeeze %dma_wait3A_82 : memref<1x10240xf32, #tpu.memory_space<hbm>> -> memref<10240xf32, #tpu.memory_space<hbm>>
      %dma_wait3A_84 = arith.constant 0 : i32
      %dma_wait3A_85 = tpu.memref_slice %arg3[%run_scoped3A, %dma_wait3A_84] : memref<2x10240xf32, #tpu.memory_space<hbm>> -> memref<1x10240xf32, #tpu.memory_space<hbm>>
      %dma_wait3A_86 = tpu.memref_squeeze %dma_wait3A_85 : memref<1x10240xf32, #tpu.memory_space<hbm>> -> memref<10240xf32, #tpu.memory_space<hbm>>
      tpu.wait_dma2 semaphore(%run_scoped3A_74 : memref<!tpu.dma_semaphore, #tpu.memory_space<semaphore_mem>>) src(%dma_wait3A_86 : memref<10240xf32, #tpu.memory_space<hbm>>) dst(%arg11 : memref<10240xf32, #tpu.memory_space<vmem>>)
      tpu.yield
    }) : () -> ()
    %run_scoped3A_17 = arith.constant 1 : i32
    "tpu.region"() ({
      %run_scoped3A_74 = tpu.sem_alloc : memref<!tpu.dma_semaphore, #tpu.memory_space<semaphore_mem>>
      %dma_start3A_75 = arith.constant 0 : i32
      %dma_start3A_76 = tpu.memref_slice %arg3[%run_scoped3A_17, %dma_start3A_75] : memref<2x10240xf32, #tpu.memory_space<hbm>> -> memref<1x10240xf32, #tpu.memory_space<hbm>>
      %dma_start3A_77 = tpu.memref_squeeze %dma_start3A_76 : memref<1x10240xf32, #tpu.memory_space<hbm>> -> memref<10240xf32, #tpu.memory_space<hbm>>
      %dma_start3A_78 = arith.constant 0 : i32
      %dma_start3A_79 = tpu.memref_slice %arg3[%run_scoped3A_17, %dma_start3A_78] : memref<2x10240xf32, #tpu.memory_space<hbm>> -> memref<1x10240xf32, #tpu.memory_space<hbm>>
      %dma_start3A_80 = tpu.memref_squeeze %dma_start3A_79 : memref<1x10240xf32, #tpu.memory_space<hbm>> -> memref<10240xf32, #tpu.memory_space<hbm>>
      tpu.enqueue_dma source(%dma_start3A_80 : memref<10240xf32, #tpu.memory_space<hbm>>) target(%arg12 : memref<10240xf32, #tpu.memory_space<vmem>>) target_semaphore(%run_scoped3A_74 : memref<!tpu.dma_semaphore, #tpu.memory_space<semaphore_mem>>)
      %dma_wait3A_81 = arith.constant 0 : i32
      %dma_wait3A_82 = tpu.memref_slice %arg3[%run_scoped3A_17, %dma_wait3A_81] : memref<2x10240xf32, #tpu.memory_space<hbm>> -> memref<1x10240xf32, #tpu.memory_space<hbm>>
      %dma_wait3A_83 = tpu.memref_squeeze %dma_wait3A_82 : memref<1x10240xf32, #tpu.memory_space<hbm>> -> memref<10240xf32, #tpu.memory_space<hbm>>
      %dma_wait3A_84 = arith.constant 0 : i32
      %dma_wait3A_85 = tpu.memref_slice %arg3[%run_scoped3A_17, %dma_wait3A_84] : memref<2x10240xf32, #tpu.memory_space<hbm>> -> memref<1x10240xf32, #tpu.memory_space<hbm>>
      %dma_wait3A_86 = tpu.memref_squeeze %dma_wait3A_85 : memref<1x10240xf32, #tpu.memory_space<hbm>> -> memref<10240xf32, #tpu.memory_space<hbm>>
      tpu.wait_dma2 semaphore(%run_scoped3A_74 : memref<!tpu.dma_semaphore, #tpu.memory_space<semaphore_mem>>) src(%dma_wait3A_86 : memref<10240xf32, #tpu.memory_space<hbm>>) dst(%arg12 : memref<10240xf32, #tpu.memory_space<vmem>>)
      tpu.yield
    }) : () -> ()
    "tpu.region"() ({
      %run_scoped3A_74 = tpu.sem_alloc : memref<!tpu.dma_semaphore, #tpu.memory_space<semaphore_mem>>
      tpu.enqueue_dma source(%arg4 : memref<16xf32, #tpu.memory_space<hbm>>) target(%arg15 : memref<16xf32, #tpu.memory_space<vmem>>) target_semaphore(%run_scoped3A_74 : memref<!tpu.dma_semaphore, #tpu.memory_space<semaphore_mem>>)
      tpu.wait_dma2 semaphore(%run_scoped3A_74 : memref<!tpu.dma_semaphore, #tpu.memory_space<semaphore_mem>>) src(%arg4 : memref<16xf32, #tpu.memory_space<hbm>>) dst(%arg15 : memref<16xf32, #tpu.memory_space<vmem>>)
      tpu.yield
    }) : () -> ()
    "tpu.region"() ({
      %run_scoped3A_74 = tpu.sem_alloc : memref<!tpu.dma_semaphore, #tpu.memory_space<semaphore_mem>>
      %dma_start3A_75 = arith.constant 0 : i32
      %dma_start3A_76 = arith.constant 0 : i32
      %dma_start3A_77 = tpu.memref_slice %arg5[%add3A, %dma_start3A_75, %dma_start3A_76] : memref<32x40x128xi32, #tpu.memory_space<hbm>> -> memref<1x40x128xi32, #tpu.memory_space<hbm>>
      %dma_start3A_78 = tpu.memref_squeeze %dma_start3A_77 : memref<1x40x128xi32, #tpu.memory_space<hbm>> -> memref<40x128xi32, #tpu.memory_space<hbm>>
      %dma_start3A_79 = arith.constant 0 : i32
      %dma_start3A_80 = arith.constant 0 : i32
      %dma_start3A_81 = tpu.memref_slice %arg5[%add3A, %dma_start3A_79, %dma_start3A_80] : memref<32x40x128xi32, #tpu.memory_space<hbm>> -> memref<1x40x128xi32, #tpu.memory_space<hbm>>
      %dma_start3A_82 = tpu.memref_squeeze %dma_start3A_81 : memref<1x40x128xi32, #tpu.memory_space<hbm>> -> memref<40x128xi32, #tpu.memory_space<hbm>>
      tpu.enqueue_dma source(%dma_start3A_82 : memref<40x128xi32, #tpu.memory_space<hbm>>) target(%arg13 : memref<40x128xi32, #tpu.memory_space<vmem>>) target_semaphore(%run_scoped3A_74 : memref<!tpu.dma_semaphore, #tpu.memory_space<semaphore_mem>>)
      %dma_wait3A_83 = arith.constant 0 : i32
      %dma_wait3A_84 = arith.constant 0 : i32
      %dma_wait3A_85 = tpu.memref_slice %arg5[%add3A, %dma_wait3A_83, %dma_wait3A_84] : memref<32x40x128xi32, #tpu.memory_space<hbm>> -> memref<1x40x128xi32, #tpu.memory_space<hbm>>
      %dma_wait3A_86 = tpu.memref_squeeze %dma_wait3A_85 : memref<1x40x128xi32, #tpu.memory_space<hbm>> -> memref<40x128xi32, #tpu.memory_space<hbm>>
      %dma_wait3A_87 = arith.constant 0 : i32
      %dma_wait3A_88 = arith.constant 0 : i32
      %dma_wait3A_89 = tpu.memref_slice %arg5[%add3A, %dma_wait3A_87, %dma_wait3A_88] : memref<32x40x128xi32, #tpu.memory_space<hbm>> -> memref<1x40x128xi32, #tpu.memory_space<hbm>>
      %dma_wait3A_90 = tpu.memref_squeeze %dma_wait3A_89 : memref<1x40x128xi32, #tpu.memory_space<hbm>> -> memref<40x128xi32, #tpu.memory_space<hbm>>
      tpu.wait_dma2 semaphore(%run_scoped3A_74 : memref<!tpu.dma_semaphore, #tpu.memory_space<semaphore_mem>>) src(%dma_wait3A_90 : memref<40x128xi32, #tpu.memory_space<hbm>>) dst(%arg13 : memref<40x128xi32, #tpu.memory_space<vmem>>)
      tpu.yield
    }) : () -> ()
    "tpu.region"() ({
      %run_scoped3A_74 = tpu.sem_alloc : memref<!tpu.dma_semaphore, #tpu.memory_space<semaphore_mem>>
      %dma_start3A_75 = arith.constant 0 : i32
      %dma_start3A_76 = arith.constant 0 : i32
      %dma_start3A_77 = tpu.memref_slice %arg6[%add3A, %dma_start3A_75, %dma_start3A_76] : memref<32x40x128xi32, #tpu.memory_space<hbm>> -> memref<1x40x128xi32, #tpu.memory_space<hbm>>
      %dma_start3A_78 = tpu.memref_squeeze %dma_start3A_77 : memref<1x40x128xi32, #tpu.memory_space<hbm>> -> memref<40x128xi32, #tpu.memory_space<hbm>>
      %dma_start3A_79 = arith.constant 0 : i32
      %dma_start3A_80 = arith.constant 0 : i32
      %dma_start3A_81 = tpu.memref_slice %arg6[%add3A, %dma_start3A_79, %dma_start3A_80] : memref<32x40x128xi32, #tpu.memory_space<hbm>> -> memref<1x40x128xi32, #tpu.memory_space<hbm>>
      %dma_start3A_82 = tpu.memref_squeeze %dma_start3A_81 : memref<1x40x128xi32, #tpu.memory_space<hbm>> -> memref<40x128xi32, #tpu.memory_space<hbm>>
      tpu.enqueue_dma source(%dma_start3A_82 : memref<40x128xi32, #tpu.memory_space<hbm>>) target(%arg14 : memref<40x128xi32, #tpu.memory_space<vmem>>) target_semaphore(%run_scoped3A_74 : memref<!tpu.dma_semaphore, #tpu.memory_space<semaphore_mem>>)
      %dma_wait3A_83 = arith.constant 0 : i32
      %dma_wait3A_84 = arith.constant 0 : i32
      %dma_wait3A_85 = tpu.memref_slice %arg6[%add3A, %dma_wait3A_83, %dma_wait3A_84] : memref<32x40x128xi32, #tpu.memory_space<hbm>> -> memref<1x40x128xi32, #tpu.memory_space<hbm>>
      %dma_wait3A_86 = tpu.memref_squeeze %dma_wait3A_85 : memref<1x40x128xi32, #tpu.memory_space<hbm>> -> memref<40x128xi32, #tpu.memory_space<hbm>>
      %dma_wait3A_87 = arith.constant 0 : i32
      %dma_wait3A_88 = arith.constant 0 : i32
      %dma_wait3A_89 = tpu.memref_slice %arg6[%add3A, %dma_wait3A_87, %dma_wait3A_88] : memref<32x40x128xi32, #tpu.memory_space<hbm>> -> memref<1x40x128xi32, #tpu.memory_space<hbm>>
      %dma_wait3A_90 = tpu.memref_squeeze %dma_wait3A_89 : memref<1x40x128xi32, #tpu.memory_space<hbm>> -> memref<40x128xi32, #tpu.memory_space<hbm>>
      tpu.wait_dma2 semaphore(%run_scoped3A_74 : memref<!tpu.dma_semaphore, #tpu.memory_space<semaphore_mem>>) src(%dma_wait3A_90 : memref<40x128xi32, #tpu.memory_space<hbm>>) dst(%arg14 : memref<40x128xi32, #tpu.memory_space<vmem>>)
      tpu.yield
    }) : () -> ()
    %scan3A_18 = arith.constant 0 : i32
    %scan3A_19 = arith.constant 0 : i32
    %scan3A_20 = arith.constant 157 : i32
    %scan3A_21 = arith.addi %scan3A_19, %scan3A_20 : i32
    %scan3A_22 = arith.constant 1 : i32
    %scan3A_23 = scf.for %scan3A_74 = %scan3A_19 to %scan3A_21 step %scan3A_22 iter_args(%scan3A_75 = %scan3A_18) -> (i32)  : i32 {
      %mul3A_76 = arith.constant 628 : i32
      %mul3A_77 = arith.muli %arg1, %mul3A_76 : i32
      %dma_wait3A_78 = arith.constant 0 : i32
      %dma_wait3A_79 = tpu.memref_slice %arg25[%mul3A_77, %dma_wait3A_78] : memref<10048x64xbf16, #tpu.memory_space<vmem_shared>> -> memref<4x64xbf16, #tpu.memory_space<vmem_shared>>
      %dma_wait3A_80 = arith.constant 0 : i32
      %dma_wait3A_81 = tpu.memref_slice %arg25[%mul3A_77, %dma_wait3A_80] : memref<10048x64xbf16, #tpu.memory_space<vmem_shared>> -> memref<4x64xbf16, #tpu.memory_space<vmem_shared>>
      tpu.wait_dma2 semaphore(%arg31 : memref<!tpu.dma_semaphore, #tpu.memory_space<semaphore_mem>>) src(%arg23 : memref<4x64xbf16, #tpu.memory_space<vmem>>) dst(%dma_wait3A_81 : memref<4x64xbf16, #tpu.memory_space<vmem_shared>>)
      %mul3A_82 = arith.constant 628 : i32
      %mul3A_83 = arith.muli %arg1, %mul3A_82 : i32
      %dma_wait3A_84 = arith.constant 0 : i32
      %dma_wait3A_85 = tpu.memref_slice %arg26[%mul3A_83, %dma_wait3A_84] : memref<10048x16xf32, #tpu.memory_space<vmem_shared>> -> memref<4x16xf32, #tpu.memory_space<vmem_shared>>
      %dma_wait3A_86 = arith.constant 0 : i32
      %dma_wait3A_87 = tpu.memref_slice %arg26[%mul3A_83, %dma_wait3A_86] : memref<10048x16xf32, #tpu.memory_space<vmem_shared>> -> memref<4x16xf32, #tpu.memory_space<vmem_shared>>
      tpu.wait_dma2 semaphore(%arg31 : memref<!tpu.dma_semaphore, #tpu.memory_space<semaphore_mem>>) src(%arg24 : memref<4x16xf32, #tpu.memory_space<vmem>>) dst(%dma_wait3A_87 : memref<4x16xf32, #tpu.memory_space<vmem_shared>>)
      %scan3A_88 = arith.constant 0 : i32
      scf.yield %scan3A_88 : i32
    }
    %scan3A_24 = arith.constant 157 : i32
    %barrier3A = arith.constant 0 : index
    tpu.barrier barrier_id(%barrier3A)
    %get3A = arith.constant 0 : index
    %get3A_25 = tpu.vector_load %arg15[%get3A] {strides = array<i32>} : memref<16xf32, #tpu.memory_space<vmem>>, vector<16xf32>,
    %dma_start3A = arith.constant 0 : i32
    %dma_start3A_26 = arith.constant 0 : i32
    %dma_start3A_27 = tpu.memref_slice %arg13[%dma_start3A, %dma_start3A_26] : memref<40x128xi32, #tpu.memory_space<vmem>> -> memref<1x128xi32, #tpu.memory_space<vmem>>
    %dma_start3A_28 = tpu.memref_squeeze %dma_start3A_27 : memref<1x128xi32, #tpu.memory_space<vmem>> -> memref<128xi32, #tpu.memory_space<vmem>>
    %dma_start3A_29 = arith.constant 0 : i32
    %dma_start3A_30 = arith.constant 0 : i32
    %dma_start3A_31 = tpu.memref_slice %arg2[%dma_start3A_29, %dma_start3A_30] : memref<10240x64xbf16, #tpu.memory_space<hbm>> -> memref<10240x64xbf16, #tpu.memory_space<hbm>>
    tpu.enqueue_indirect_dma source(%dma_start3A_31 : memref<10240x64xbf16, #tpu.memory_space<hbm>>) target(%arg17 : memref<128x64xbf16, #tpu.memory_space<vmem>>) offsets(%dma_start3A_28 : memref<128xi32, #tpu.memory_space<vmem>>) semaphore(%arg27 : memref<!tpu.dma_semaphore, #tpu.memory_space<semaphore_mem>>)
    %scan3A_32 = arith.constant 0 : i32
    %scan3A_33 = arith.constant 0 : i32
    %scan3A_34 = arith.constant 20 : i32
    %scan3A_35 = arith.addi %scan3A_33, %scan3A_34 : i32
    %scan3A_36 = arith.constant 1 : i32
    %scan3A_37 = scf.for %scan3A_74 = %scan3A_33 to %scan3A_35 step %scan3A_36 iter_args(%scan3A_75 = %scan3A_32) -> (i32)  : i32 {
      %mul3A_76 = arith.constant 2 : i32
      %mul3A_77 = arith.muli %scan3A_74, %mul3A_76 : i32
      %add3A_78 = arith.constant 0 : i32
      %add3A_79 = arith.addi %mul3A_77, %add3A_78 : i32
      %add3A_80 = arith.constant 1 : i32
      %add3A_81 = arith.addi %add3A_79, %add3A_80 : i32
      %lt3A = arith.constant 40 : i32
      %lt3A_82 = arith.cmpi slt, %add3A_81, %lt3A : i32
      %convert_element_type3A_83 = arith.extui %lt3A_82 : i1 to i32
      %cond3A_84 = arith.constant 0 : i32
      %cond3A_85 = arith.cmpi ne, %convert_element_type3A_83, %cond3A_84 : i32
      scf.if %cond3A_85 {
        %add3A_474 = arith.constant 1 : i32
        %add3A_475 = arith.addi %add3A_79, %add3A_474 : i32
        %dma_start3A_476 = arith.constant 0 : i32
        %dma_start3A_477 = tpu.memref_slice %arg13[%add3A_475, %dma_start3A_476] : memref<40x128xi32, #tpu.memory_space<vmem>> -> memref<1x128xi32, #tpu.memory_space<vmem>>
        %dma_start3A_478 = tpu.memref_squeeze %dma_start3A_477 : memref<1x128xi32, #tpu.memory_space<vmem>> -> memref<128xi32, #tpu.memory_space<vmem>>
        %dma_start3A_479 = arith.constant 0 : i32
        %dma_start3A_480 = arith.constant 0 : i32
        %dma_start3A_481 = tpu.memref_slice %arg2[%dma_start3A_479, %dma_start3A_480] : memref<10240x64xbf16, #tpu.memory_space<hbm>> -> memref<10240x64xbf16, #tpu.memory_space<hbm>>
        tpu.enqueue_indirect_dma source(%dma_start3A_481 : memref<10240x64xbf16, #tpu.memory_space<hbm>>) target(%arg18 : memref<128x64xbf16, #tpu.memory_space<vmem>>) offsets(%dma_start3A_478 : memref<128xi32, #tpu.memory_space<vmem>>) semaphore(%arg28 : memref<!tpu.dma_semaphore, #tpu.memory_space<semaphore_mem>>)
      } else {
      }
      %get3A_86 = arith.index_cast %add3A_79 : i32 to index
      %get3A_87 = arith.constant 0 : index
      %get3A_88 = tpu.vector_load %arg13[%get3A_86, %get3A_87] {strides = array<i32>} : memref<40x128xi32, #tpu.memory_space<vmem>>, vector<16xi32>,
      %get3A_89 = arith.index_cast %add3A_79 : i32 to index
      %get3A_90 = arith.constant 0 : index
      %get3A_91 = tpu.vector_load %arg14[%get3A_89, %get3A_90] {strides = array<i32>} : memref<40x128xi32, #tpu.memory_space<vmem>>, vector<16xi32>,
      %gather3A = tpu.vector_load_idx %arg11[%get3A_88] : memref<10240xf32, #tpu.memory_space<vmem>>[vector<16xi32>], vector<16xf32>,
      %gather3A_92 = tpu.vector_load_idx %arg12[%get3A_91] : memref<10240xf32, #tpu.memory_space<vmem>>[vector<16xi32>], vector<16xf32>,
      %add3A_93 = arith.addf %gather3A, %gather3A_92 : vector<16xf32>
      %ge3A = arith.constant 0.000000e+00 : f32
      %ge3A_94 = vector.broadcast %ge3A : f32 to vector<16xf32>
      %ge3A_95 = arith.cmpf oge, %add3A_93, %ge3A_94 : vector<16xf32>
      %mul3A_96 = arith.constant 2.000000e-01 : f32
      %mul3A_97 = vector.broadcast %mul3A_96 : f32 to vector<16xf32>
      %mul3A_98 = arith.mulf %add3A_93, %mul3A_97 : vector<16xf32>
      %select_n3A = arith.select %ge3A_95, %add3A_93, %mul3A_98 : vector<16xi1>, vector<16xf32>
      %sub3A = arith.subf %select_n3A, %get3A_25 : vector<16xf32>
      %exp3A = math.exp %sub3A : vector<16xf32>
      %swap3A = arith.constant 0 : index
      %swap3A_99 = tpu.vector_load %arg16[%swap3A] {strides = array<i32>} : memref<128xf32, #tpu.memory_space<vmem>>, vector<16xf32>,
      tpu.vector_store %arg16[%swap3A], %exp3A {strides = array<i32>} : memref<128xf32, #tpu.memory_space<vmem>>, vector<16xf32>,
      %get3A_100 = arith.index_cast %add3A_79 : i32 to index
      %get3A_101 = arith.constant 16 : index
      %get3A_102 = tpu.vector_load %arg13[%get3A_100, %get3A_101] {strides = array<i32>} : memref<40x128xi32, #tpu.memory_space<vmem>>, vector<16xi32>,
      %get3A_103 = arith.index_cast %add3A_79 : i32 to index
      %get3A_104 = arith.constant 16 : index
      %get3A_105 = tpu.vector_load %arg14[%get3A_103, %get3A_104] {strides = array<i32>} : memref<40x128xi32, #tpu.memory_space<vmem>>, vector<16xi32>,
      %gather3A_106 = tpu.vector_load_idx %arg11[%get3A_102] : memref<10240xf32, #tpu.memory_space<vmem>>[vector<16xi32>], vector<16xf32>,
      %gather3A_107 = tpu.vector_load_idx %arg12[%get3A_105] : memref<10240xf32, #tpu.memory_space<vmem>>[vector<16xi32>], vector<16xf32>,
      %add3A_108 = arith.addf %gather3A_106, %gather3A_107 : vector<16xf32>
      %ge3A_109 = arith.constant 0.000000e+00 : f32
      %ge3A_110 = vector.broadcast %ge3A_109 : f32 to vector<16xf32>
      %ge3A_111 = arith.cmpf oge, %add3A_108, %ge3A_110 : vector<16xf32>
      %mul3A_112 = arith.constant 2.000000e-01 : f32
      %mul3A_113 = vector.broadcast %mul3A_112 : f32 to vector<16xf32>
      %mul3A_114 = arith.mulf %add3A_108, %mul3A_113 : vector<16xf32>
      %select_n3A_115 = arith.select %ge3A_111, %add3A_108, %mul3A_114 : vector<16xi1>, vector<16xf32>
      %sub3A_116 = arith.subf %select_n3A_115, %get3A_25 : vector<16xf32>
      %exp3A_117 = math.exp %sub3A_116 : vector<16xf32>
      %swap3A_118 = arith.constant 16 : index
      %swap3A_119 = tpu.vector_load %arg16[%swap3A_118] {strides = array<i32>} : memref<128xf32, #tpu.memory_space<vmem>>, vector<16xf32>,
      tpu.vector_store %arg16[%swap3A_118], %exp3A_117 {strides = array<i32>} : memref<128xf32, #tpu.memory_space<vmem>>, vector<16xf32>,
      %get3A_120 = arith.index_cast %add3A_79 : i32 to index
      %get3A_121 = arith.constant 32 : index
      %get3A_122 = tpu.vector_load %arg13[%get3A_120, %get3A_121] {strides = array<i32>} : memref<40x128xi32, #tpu.memory_space<vmem>>, vector<16xi32>,
      %get3A_123 = arith.index_cast %add3A_79 : i32 to index
      %get3A_124 = arith.constant 32 : index
      %get3A_125 = tpu.vector_load %arg14[%get3A_123, %get3A_124] {strides = array<i32>} : memref<40x128xi32, #tpu.memory_space<vmem>>, vector<16xi32>,
      %gather3A_126 = tpu.vector_load_idx %arg11[%get3A_122] : memref<10240xf32, #tpu.memory_space<vmem>>[vector<16xi32>], vector<16xf32>,
      %gather3A_127 = tpu.vector_load_idx %arg12[%get3A_125] : memref<10240xf32, #tpu.memory_space<vmem>>[vector<16xi32>], vector<16xf32>,
      %add3A_128 = arith.addf %gather3A_126, %gather3A_127 : vector<16xf32>
      %ge3A_129 = arith.constant 0.000000e+00 : f32
      %ge3A_130 = vector.broadcast %ge3A_129 : f32 to vector<16xf32>
      %ge3A_131 = arith.cmpf oge, %add3A_128, %ge3A_130 : vector<16xf32>
      %mul3A_132 = arith.constant 2.000000e-01 : f32
      %mul3A_133 = vector.broadcast %mul3A_132 : f32 to vector<16xf32>
      %mul3A_134 = arith.mulf %add3A_128, %mul3A_133 : vector<16xf32>
      %select_n3A_135 = arith.select %ge3A_131, %add3A_128, %mul3A_134 : vector<16xi1>, vector<16xf32>
      %sub3A_136 = arith.subf %select_n3A_135, %get3A_25 : vector<16xf32>
      %exp3A_137 = math.exp %sub3A_136 : vector<16xf32>
      %swap3A_138 = arith.constant 32 : index
      %swap3A_139 = tpu.vector_load %arg16[%swap3A_138] {strides = array<i32>} : memref<128xf32, #tpu.memory_space<vmem>>, vector<16xf32>,
      tpu.vector_store %arg16[%swap3A_138], %exp3A_137 {strides = array<i32>} : memref<128xf32, #tpu.memory_space<vmem>>, vector<16xf32>,
      %get3A_140 = arith.index_cast %add3A_79 : i32 to index
      %get3A_141 = arith.constant 48 : index
      %get3A_142 = tpu.vector_load %arg13[%get3A_140, %get3A_141] {strides = array<i32>} : memref<40x128xi32, #tpu.memory_space<vmem>>, vector<16xi32>,
      %get3A_143 = arith.index_cast %add3A_79 : i32 to index
      %get3A_144 = arith.constant 48 : index
      %get3A_145 = tpu.vector_load %arg14[%get3A_143, %get3A_144] {strides = array<i32>} : memref<40x128xi32, #tpu.memory_space<vmem>>, vector<16xi32>,
      %gather3A_146 = tpu.vector_load_idx %arg11[%get3A_142] : memref<10240xf32, #tpu.memory_space<vmem>>[vector<16xi32>], vector<16xf32>,
      %gather3A_147 = tpu.vector_load_idx %arg12[%get3A_145] : memref<10240xf32, #tpu.memory_space<vmem>>[vector<16xi32>], vector<16xf32>,
      %add3A_148 = arith.addf %gather3A_146, %gather3A_147 : vector<16xf32>
      %ge3A_149 = arith.constant 0.000000e+00 : f32
      %ge3A_150 = vector.broadcast %ge3A_149 : f32 to vector<16xf32>
      %ge3A_151 = arith.cmpf oge, %add3A_148, %ge3A_150 : vector<16xf32>
      %mul3A_152 = arith.constant 2.000000e-01 : f32
      %mul3A_153 = vector.broadcast %mul3A_152 : f32 to vector<16xf32>
      %mul3A_154 = arith.mulf %add3A_148, %mul3A_153 : vector<16xf32>
      %select_n3A_155 = arith.select %ge3A_151, %add3A_148, %mul3A_154 : vector<16xi1>, vector<16xf32>
      %sub3A_156 = arith.subf %select_n3A_155, %get3A_25 : vector<16xf32>
      %exp3A_157 = math.exp %sub3A_156 : vector<16xf32>
      %swap3A_158 = arith.constant 48 : index
      %swap3A_159 = tpu.vector_load %arg16[%swap3A_158] {strides = array<i32>} : memref<128xf32, #tpu.memory_space<vmem>>, vector<16xf32>,
      tpu.vector_store %arg16[%swap3A_158], %exp3A_157 {strides = array<i32>} : memref<128xf32, #tpu.memory_space<vmem>>, vector<16xf32>,
      %get3A_160 = arith.index_cast %add3A_79 : i32 to index
      %get3A_161 = arith.constant 64 : index
      %get3A_162 = tpu.vector_load %arg13[%get3A_160, %get3A_161] {strides = array<i32>} : memref<40x128xi32, #tpu.memory_space<vmem>>, vector<16xi32>,
      %get3A_163 = arith.index_cast %add3A_79 : i32 to index
      %get3A_164 = arith.constant 64 : index
      %get3A_165 = tpu.vector_load %arg14[%get3A_163, %get3A_164] {strides = array<i32>} : memref<40x128xi32, #tpu.memory_space<vmem>>, vector<16xi32>,
      %gather3A_166 = tpu.vector_load_idx %arg11[%get3A_162] : memref<10240xf32, #tpu.memory_space<vmem>>[vector<16xi32>], vector<16xf32>,
      %gather3A_167 = tpu.vector_load_idx %arg12[%get3A_165] : memref<10240xf32, #tpu.memory_space<vmem>>[vector<16xi32>], vector<16xf32>,
      %add3A_168 = arith.addf %gather3A_166, %gather3A_167 : vector<16xf32>
      %ge3A_169 = arith.constant 0.000000e+00 : f32
      %ge3A_170 = vector.broadcast %ge3A_169 : f32 to vector<16xf32>
      %ge3A_171 = arith.cmpf oge, %add3A_168, %ge3A_170 : vector<16xf32>
      %mul3A_172 = arith.constant 2.000000e-01 : f32
      %mul3A_173 = vector.broadcast %mul3A_172 : f32 to vector<16xf32>
      %mul3A_174 = arith.mulf %add3A_168, %mul3A_173 : vector<16xf32>
      %select_n3A_175 = arith.select %ge3A_171, %add3A_168, %mul3A_174 : vector<16xi1>, vector<16xf32>
      %sub3A_176 = arith.subf %select_n3A_175, %get3A_25 : vector<16xf32>
      %exp3A_177 = math.exp %sub3A_176 : vector<16xf32>
      %swap3A_178 = arith.constant 64 : index
      %swap3A_179 = tpu.vector_load %arg16[%swap3A_178] {strides = array<i32>} : memref<128xf32, #tpu.memory_space<vmem>>, vector<16xf32>,
      tpu.vector_store %arg16[%swap3A_178], %exp3A_177 {strides = array<i32>} : memref<128xf32, #tpu.memory_space<vmem>>, vector<16xf32>,
      %get3A_180 = arith.index_cast %add3A_79 : i32 to index
      %get3A_181 = arith.constant 80 : index
      %get3A_182 = tpu.vector_load %arg13[%get3A_180, %get3A_181] {strides = array<i32>} : memref<40x128xi32, #tpu.memory_space<vmem>>, vector<16xi32>,
      %get3A_183 = arith.index_cast %add3A_79 : i32 to index
      %get3A_184 = arith.constant 80 : index
      %get3A_185 = tpu.vector_load %arg14[%get3A_183, %get3A_184] {strides = array<i32>} : memref<40x128xi32, #tpu.memory_space<vmem>>, vector<16xi32>,
      %gather3A_186 = tpu.vector_load_idx %arg11[%get3A_182] : memref<10240xf32, #tpu.memory_space<vmem>>[vector<16xi32>], vector<16xf32>,
      %gather3A_187 = tpu.vector_load_idx %arg12[%get3A_185] : memref<10240xf32, #tpu.memory_space<vmem>>[vector<16xi32>], vector<16xf32>,
      %add3A_188 = arith.addf %gather3A_186, %gather3A_187 : vector<16xf32>
      %ge3A_189 = arith.constant 0.000000e+00 : f32
      %ge3A_190 = vector.broadcast %ge3A_189 : f32 to vector<16xf32>
      %ge3A_191 = arith.cmpf oge, %add3A_188, %ge3A_190 : vector<16xf32>
      %mul3A_192 = arith.constant 2.000000e-01 : f32
      %mul3A_193 = vector.broadcast %mul3A_192 : f32 to vector<16xf32>
      %mul3A_194 = arith.mulf %add3A_188, %mul3A_193 : vector<16xf32>
      %select_n3A_195 = arith.select %ge3A_191, %add3A_188, %mul3A_194 : vector<16xi1>, vector<16xf32>
      %sub3A_196 = arith.subf %select_n3A_195, %get3A_25 : vector<16xf32>
      %exp3A_197 = math.exp %sub3A_196 : vector<16xf32>
      %swap3A_198 = arith.constant 80 : index
      %swap3A_199 = tpu.vector_load %arg16[%swap3A_198] {strides = array<i32>} : memref<128xf32, #tpu.memory_space<vmem>>, vector<16xf32>,
      tpu.vector_store %arg16[%swap3A_198], %exp3A_197 {strides = array<i32>} : memref<128xf32, #tpu.memory_space<vmem>>, vector<16xf32>,
      %get3A_200 = arith.index_cast %add3A_79 : i32 to index
      %get3A_201 = arith.constant 96 : index
      %get3A_202 = tpu.vector_load %arg13[%get3A_200, %get3A_201] {strides = array<i32>} : memref<40x128xi32, #tpu.memory_space<vmem>>, vector<16xi32>,
      %get3A_203 = arith.index_cast %add3A_79 : i32 to index
      %get3A_204 = arith.constant 96 : index
      %get3A_205 = tpu.vector_load %arg14[%get3A_203, %get3A_204] {strides = array<i32>} : memref<40x128xi32, #tpu.memory_space<vmem>>, vector<16xi32>,
      %gather3A_206 = tpu.vector_load_idx %arg11[%get3A_202] : memref<10240xf32, #tpu.memory_space<vmem>>[vector<16xi32>], vector<16xf32>,
      %gather3A_207 = tpu.vector_load_idx %arg12[%get3A_205] : memref<10240xf32, #tpu.memory_space<vmem>>[vector<16xi32>], vector<16xf32>,
      %add3A_208 = arith.addf %gather3A_206, %gather3A_207 : vector<16xf32>
      %ge3A_209 = arith.constant 0.000000e+00 : f32
      %ge3A_210 = vector.broadcast %ge3A_209 : f32 to vector<16xf32>
      %ge3A_211 = arith.cmpf oge, %add3A_208, %ge3A_210 : vector<16xf32>
      %mul3A_212 = arith.constant 2.000000e-01 : f32
      %mul3A_213 = vector.broadcast %mul3A_212 : f32 to vector<16xf32>
      %mul3A_214 = arith.mulf %add3A_208, %mul3A_213 : vector<16xf32>
      %select_n3A_215 = arith.select %ge3A_211, %add3A_208, %mul3A_214 : vector<16xi1>, vector<16xf32>
      %sub3A_216 = arith.subf %select_n3A_215, %get3A_25 : vector<16xf32>
      %exp3A_217 = math.exp %sub3A_216 : vector<16xf32>
      %swap3A_218 = arith.constant 96 : index
      %swap3A_219 = tpu.vector_load %arg16[%swap3A_218] {strides = array<i32>} : memref<128xf32, #tpu.memory_space<vmem>>, vector<16xf32>,
      tpu.vector_store %arg16[%swap3A_218], %exp3A_217 {strides = array<i32>} : memref<128xf32, #tpu.memory_space<vmem>>, vector<16xf32>,
      %get3A_220 = arith.index_cast %add3A_79 : i32 to index
      %get3A_221 = arith.constant 112 : index
      %get3A_222 = tpu.vector_load %arg13[%get3A_220, %get3A_221] {strides = array<i32>} : memref<40x128xi32, #tpu.memory_space<vmem>>, vector<16xi32>,
      %get3A_223 = arith.index_cast %add3A_79 : i32 to index
      %get3A_224 = arith.constant 112 : index
      %get3A_225 = tpu.vector_load %arg14[%get3A_223, %get3A_224] {strides = array<i32>} : memref<40x128xi32, #tpu.memory_space<vmem>>, vector<16xi32>,
      %gather3A_226 = tpu.vector_load_idx %arg11[%get3A_222] : memref<10240xf32, #tpu.memory_space<vmem>>[vector<16xi32>], vector<16xf32>,
      %gather3A_227 = tpu.vector_load_idx %arg12[%get3A_225] : memref<10240xf32, #tpu.memory_space<vmem>>[vector<16xi32>], vector<16xf32>,
      %add3A_228 = arith.addf %gather3A_226, %gather3A_227 : vector<16xf32>
      %ge3A_229 = arith.constant 0.000000e+00 : f32
      %ge3A_230 = vector.broadcast %ge3A_229 : f32 to vector<16xf32>
      %ge3A_231 = arith.cmpf oge, %add3A_228, %ge3A_230 : vector<16xf32>
      %mul3A_232 = arith.constant 2.000000e-01 : f32
      %mul3A_233 = vector.broadcast %mul3A_232 : f32 to vector<16xf32>
      %mul3A_234 = arith.mulf %add3A_228, %mul3A_233 : vector<16xf32>
      %select_n3A_235 = arith.select %ge3A_231, %add3A_228, %mul3A_234 : vector<16xi1>, vector<16xf32>
      %sub3A_236 = arith.subf %select_n3A_235, %get3A_25 : vector<16xf32>
      %exp3A_237 = math.exp %sub3A_236 : vector<16xf32>
      %swap3A_238 = arith.constant 112 : index
      %swap3A_239 = tpu.vector_load %arg16[%swap3A_238] {strides = array<i32>} : memref<128xf32, #tpu.memory_space<vmem>>, vector<16xf32>,
      tpu.vector_store %arg16[%swap3A_238], %exp3A_237 {strides = array<i32>} : memref<128xf32, #tpu.memory_space<vmem>>, vector<16xf32>,
      %dma_wait3A_240 = arith.constant 0 : i32
      %dma_wait3A_241 = arith.constant 0 : i32
      %dma_wait3A_242 = tpu.memref_slice %arg13[%dma_wait3A_240, %dma_wait3A_241] : memref<40x128xi32, #tpu.memory_space<vmem>> -> memref<1x128xi32, #tpu.memory_space<vmem>>
      %dma_wait3A_243 = tpu.memref_squeeze %dma_wait3A_242 : memref<1x128xi32, #tpu.memory_space<vmem>> -> memref<128xi32, #tpu.memory_space<vmem>>
      %dma_wait3A_244 = arith.constant 0 : i32
      %dma_wait3A_245 = arith.constant 0 : i32
      %dma_wait3A_246 = tpu.memref_slice %arg2[%dma_wait3A_244, %dma_wait3A_245] : memref<10240x64xbf16, #tpu.memory_space<hbm>> -> memref<10240x64xbf16, #tpu.memory_space<hbm>>
      tpu.wait_indirect_dma semaphore(%arg27 : memref<!tpu.dma_semaphore, #tpu.memory_space<semaphore_mem>>) src(%dma_wait3A_246 : memref<10240x64xbf16, #tpu.memory_space<hbm>>) dst(%arg17 : memref<128x64xbf16, #tpu.memory_space<vmem>>)
      %ge3A_247 = arith.constant 2 : i32
      %ge3A_248 = arith.cmpi sge, %add3A_79, %ge3A_247 : i32
      %convert_element_type3A_249 = arith.extui %ge3A_248 : i1 to i32
      %cond3A_250 = arith.constant 0 : i32
      %cond3A_251 = arith.cmpi ne, %convert_element_type3A_249, %cond3A_250 : i32
      scf.if %cond3A_251 {
        %dma_wait3A_474 = arith.constant 0 : i32
        %dma_wait3A_475 = arith.constant 0 : i32
        %dma_wait3A_476 = tpu.memref_slice %arg14[%dma_wait3A_474, %dma_wait3A_475] : memref<40x128xi32, #tpu.memory_space<vmem>> -> memref<1x128xi32, #tpu.memory_space<vmem>>
        %dma_wait3A_477 = tpu.memref_squeeze %dma_wait3A_476 : memref<1x128xi32, #tpu.memory_space<vmem>> -> memref<128xi32, #tpu.memory_space<vmem>>
        %dma_wait3A_478 = arith.constant 0 : i32
        %dma_wait3A_479 = arith.constant 0 : i32
        %dma_wait3A_480 = tpu.memref_slice %arg25[%dma_wait3A_478, %dma_wait3A_479] : memref<10048x64xbf16, #tpu.memory_space<vmem_shared>> -> memref<10048x64xbf16, #tpu.memory_space<vmem_shared>>
        tpu.wait_indirect_dma semaphore(%arg29 : memref<!tpu.dma_semaphore, #tpu.memory_space<semaphore_mem>>) src(%arg19 : memref<128x64xbf16, #tpu.memory_space<vmem>>) dst(%dma_wait3A_480 : memref<10048x64xbf16, #tpu.memory_space<vmem_shared>>)
        %dma_wait3A_481 = arith.constant 0 : i32
        %dma_wait3A_482 = arith.constant 0 : i32
        %dma_wait3A_483 = tpu.memref_slice %arg14[%dma_wait3A_481, %dma_wait3A_482] : memref<40x128xi32, #tpu.memory_space<vmem>> -> memref<1x128xi32, #tpu.memory_space<vmem>>
        %dma_wait3A_484 = tpu.memref_squeeze %dma_wait3A_483 : memref<1x128xi32, #tpu.memory_space<vmem>> -> memref<128xi32, #tpu.memory_space<vmem>>
        %dma_wait3A_485 = arith.constant 0 : i32
        %dma_wait3A_486 = arith.constant 0 : i32
        %dma_wait3A_487 = tpu.memref_slice %arg26[%dma_wait3A_485, %dma_wait3A_486] : memref<10048x16xf32, #tpu.memory_space<vmem_shared>> -> memref<10048x16xf32, #tpu.memory_space<vmem_shared>>
        tpu.wait_indirect_dma semaphore(%arg29 : memref<!tpu.dma_semaphore, #tpu.memory_space<semaphore_mem>>) src(%arg21 : memref<128x16xf32, #tpu.memory_space<vmem>>) dst(%dma_wait3A_487 : memref<10048x16xf32, #tpu.memory_space<vmem_shared>>)
      } else {
      }
      %scan3A_252 = arith.constant 0 : i32
      %scan3A_253 = arith.constant 0 : i32
      %scan3A_254 = arith.constant 32 : i32
      %scan3A_255 = arith.addi %scan3A_253, %scan3A_254 : i32
      %scan3A_256 = arith.constant 1 : i32
      %scan3A_257 = scf.for %scan3A_474 = %scan3A_253 to %scan3A_255 step %scan3A_256 iter_args(%scan3A_475 = %scan3A_252) -> (i32)  : i32 {
        %mul3A_476 = arith.constant 4 : i32
        %mul3A_477 = arith.muli %scan3A_474, %mul3A_476 : i32
        %add3A_478 = arith.constant 0 : i32
        %add3A_479 = arith.addi %mul3A_477, %add3A_478 : i32
        %broadcast_in_dim3A_480 = vector.broadcast %add3A_479 : i32 to vector<16xi32>
        %gather3A_481 = tpu.vector_load_idx %arg16[%broadcast_in_dim3A_480] : memref<128xf32, #tpu.memory_space<vmem>>[vector<16xi32>], vector<16xf32>,
        %broadcast_in_dim3A_482 = arith.constant -65536 : i32
        %broadcast_in_dim3A_483 = vector.broadcast %broadcast_in_dim3A_482 : i32 to vector<16xi32>
        %get3A_484 = arith.index_cast %add3A_479 : i32 to index
        %get3A_485 = arith.constant 0 : index
        %get3A_486 = tpu.vector_load %arg17[%get3A_484, %get3A_485] {strides = array<i32>} : memref<128x64xbf16, #tpu.memory_space<vmem>>, vector<32xbf16>,
        %bitcast3A = vector.bitcast %get3A_486 : vector<32xbf16> to vector<16xi32>
        %shift_left3A = arith.constant 16 : i32
        %shift_left3A_487 = vector.broadcast %shift_left3A : i32 to vector<16xi32>
        %shift_left3A_488 = arith.shli %bitcast3A, %shift_left3A_487 : vector<16xi32>
        %bitcast3A_489 = vector.bitcast %shift_left3A_488 : vector<16xi32> to vector<16xf32>
        %mul3A_490 = arith.mulf %bitcast3A_489, %gather3A_481 : vector<16xf32>
        %and3A = arith.andi %bitcast3A, %broadcast_in_dim3A_483 : vector<16xi32>
        %bitcast3A_491 = vector.bitcast %and3A : vector<16xi32> to vector<16xf32>
        %mul3A_492 = arith.mulf %bitcast3A_491, %gather3A_481 : vector<16xf32>
        %pack3A = tpu.pack_subelements %mul3A_490, %mul3A_492 {pack_format = #tpu.pack_format<interleaved>, positions = array<i32: 0, 1>} : vector<16xf32>, vector<16xf32> -> vector<32xbf16>
        %swap3A_493 = arith.index_cast %add3A_479 : i32 to index
        %swap3A_494 = arith.constant 0 : index
        %swap3A_495 = tpu.vector_load %arg19[%swap3A_493, %swap3A_494] {strides = array<i32>} : memref<128x64xbf16, #tpu.memory_space<vmem>>, vector<32xbf16>,
        tpu.vector_store %arg19[%swap3A_493, %swap3A_494], %pack3A {strides = array<i32>} : memref<128x64xbf16, #tpu.memory_space<vmem>>, vector<32xbf16>,
        %get3A_496 = arith.index_cast %add3A_479 : i32 to index
        %get3A_497 = arith.constant 32 : index
        %get3A_498 = tpu.vector_load %arg17[%get3A_496, %get3A_497] {strides = array<i32>} : memref<128x64xbf16, #tpu.memory_space<vmem>>, vector<32xbf16>,
        %bitcast3A_499 = vector.bitcast %get3A_498 : vector<32xbf16> to vector<16xi32>
        %shift_left3A_500 = arith.constant 16 : i32
        %shift_left3A_501 = vector.broadcast %shift_left3A_500 : i32 to vector<16xi32>
        %shift_left3A_502 = arith.shli %bitcast3A_499, %shift_left3A_501 : vector<16xi32>
        %bitcast3A_503 = vector.bitcast %shift_left3A_502 : vector<16xi32> to vector<16xf32>
        %mul3A_504 = arith.mulf %bitcast3A_503, %gather3A_481 : vector<16xf32>
        %and3A_505 = arith.andi %bitcast3A_499, %broadcast_in_dim3A_483 : vector<16xi32>
        %bitcast3A_506 = vector.bitcast %and3A_505 : vector<16xi32> to vector<16xf32>
        %mul3A_507 = arith.mulf %bitcast3A_506, %gather3A_481 : vector<16xf32>
        %pack3A_508 = tpu.pack_subelements %mul3A_504, %mul3A_507 {pack_format = #tpu.pack_format<interleaved>, positions = array<i32: 0, 1>} : vector<16xf32>, vector<16xf32> -> vector<32xbf16>
        %swap3A_509 = arith.index_cast %add3A_479 : i32 to index
        %swap3A_510 = arith.constant 32 : index
        %swap3A_511 = tpu.vector_load %arg19[%swap3A_509, %swap3A_510] {strides = array<i32>} : memref<128x64xbf16, #tpu.memory_space<vmem>>, vector<32xbf16>,
        tpu.vector_store %arg19[%swap3A_509, %swap3A_510], %pack3A_508 {strides = array<i32>} : memref<128x64xbf16, #tpu.memory_space<vmem>>, vector<32xbf16>,
        %swap3A_512 = arith.index_cast %add3A_479 : i32 to index
        %swap3A_513 = arith.constant 0 : index
        %swap3A_514 = tpu.vector_load %arg21[%swap3A_512, %swap3A_513] {strides = array<i32>} : memref<128x16xf32, #tpu.memory_space<vmem>>, vector<16xf32>,
        tpu.vector_store %arg21[%swap3A_512, %swap3A_513], %gather3A_481 {strides = array<i32>} : memref<128x16xf32, #tpu.memory_space<vmem>>, vector<16xf32>,
        %mul3A_515 = arith.constant 4 : i32
        %mul3A_516 = arith.muli %scan3A_474, %mul3A_515 : i32
        %add3A_517 = arith.constant 1 : i32
        %add3A_518 = arith.addi %mul3A_516, %add3A_517 : i32
        %broadcast_in_dim3A_519 = vector.broadcast %add3A_518 : i32 to vector<16xi32>
        %gather3A_520 = tpu.vector_load_idx %arg16[%broadcast_in_dim3A_519] : memref<128xf32, #tpu.memory_space<vmem>>[vector<16xi32>], vector<16xf32>,
        %broadcast_in_dim3A_521 = arith.constant -65536 : i32
        %broadcast_in_dim3A_522 = vector.broadcast %broadcast_in_dim3A_521 : i32 to vector<16xi32>
        %get3A_523 = arith.index_cast %add3A_518 : i32 to index
        %get3A_524 = arith.constant 0 : index
        %get3A_525 = tpu.vector_load %arg17[%get3A_523, %get3A_524] {strides = array<i32>} : memref<128x64xbf16, #tpu.memory_space<vmem>>, vector<32xbf16>,
        %bitcast3A_526 = vector.bitcast %get3A_525 : vector<32xbf16> to vector<16xi32>
        %shift_left3A_527 = arith.constant 16 : i32
        %shift_left3A_528 = vector.broadcast %shift_left3A_527 : i32 to vector<16xi32>
        %shift_left3A_529 = arith.shli %bitcast3A_526, %shift_left3A_528 : vector<16xi32>
        %bitcast3A_530 = vector.bitcast %shift_left3A_529 : vector<16xi32> to vector<16xf32>
        %mul3A_531 = arith.mulf %bitcast3A_530, %gather3A_520 : vector<16xf32>
        %and3A_532 = arith.andi %bitcast3A_526, %broadcast_in_dim3A_522 : vector<16xi32>
        %bitcast3A_533 = vector.bitcast %and3A_532 : vector<16xi32> to vector<16xf32>
        %mul3A_534 = arith.mulf %bitcast3A_533, %gather3A_520 : vector<16xf32>
        %pack3A_535 = tpu.pack_subelements %mul3A_531, %mul3A_534 {pack_format = #tpu.pack_format<interleaved>, positions = array<i32: 0, 1>} : vector<16xf32>, vector<16xf32> -> vector<32xbf16>
        %swap3A_536 = arith.index_cast %add3A_518 : i32 to index
        %swap3A_537 = arith.constant 0 : index
        %swap3A_538 = tpu.vector_load %arg19[%swap3A_536, %swap3A_537] {strides = array<i32>} : memref<128x64xbf16, #tpu.memory_space<vmem>>, vector<32xbf16>,
        tpu.vector_store %arg19[%swap3A_536, %swap3A_537], %pack3A_535 {strides = array<i32>} : memref<128x64xbf16, #tpu.memory_space<vmem>>, vector<32xbf16>,
        %get3A_539 = arith.index_cast %add3A_518 : i32 to index
        %get3A_540 = arith.constant 32 : index
        %get3A_541 = tpu.vector_load %arg17[%get3A_539, %get3A_540] {strides = array<i32>} : memref<128x64xbf16, #tpu.memory_space<vmem>>, vector<32xbf16>,
        %bitcast3A_542 = vector.bitcast %get3A_541 : vector<32xbf16> to vector<16xi32>
        %shift_left3A_543 = arith.constant 16 : i32
        %shift_left3A_544 = vector.broadcast %shift_left3A_543 : i32 to vector<16xi32>
        %shift_left3A_545 = arith.shli %bitcast3A_542, %shift_left3A_544 : vector<16xi32>
        %bitcast3A_546 = vector.bitcast %shift_left3A_545 : vector<16xi32> to vector<16xf32>
        %mul3A_547 = arith.mulf %bitcast3A_546, %gather3A_520 : vector<16xf32>
        %and3A_548 = arith.andi %bitcast3A_542, %broadcast_in_dim3A_522 : vector<16xi32>
        %bitcast3A_549 = vector.bitcast %and3A_548 : vector<16xi32> to vector<16xf32>
        %mul3A_550 = arith.mulf %bitcast3A_549, %gather3A_520 : vector<16xf32>
        %pack3A_551 = tpu.pack_subelements %mul3A_547, %mul3A_550 {pack_format = #tpu.pack_format<interleaved>, positions = array<i32: 0, 1>} : vector<16xf32>, vector<16xf32> -> vector<32xbf16>
        %swap3A_552 = arith.index_cast %add3A_518 : i32 to index
        %swap3A_553 = arith.constant 32 : index
        %swap3A_554 = tpu.vector_load %arg19[%swap3A_552, %swap3A_553] {strides = array<i32>} : memref<128x64xbf16, #tpu.memory_space<vmem>>, vector<32xbf16>,
        tpu.vector_store %arg19[%swap3A_552, %swap3A_553], %pack3A_551 {strides = array<i32>} : memref<128x64xbf16, #tpu.memory_space<vmem>>, vector<32xbf16>,
        %swap3A_555 = arith.index_cast %add3A_518 : i32 to index
        %swap3A_556 = arith.constant 0 : index
        %swap3A_557 = tpu.vector_load %arg21[%swap3A_555, %swap3A_556] {strides = array<i32>} : memref<128x16xf32, #tpu.memory_space<vmem>>, vector<16xf32>,
        tpu.vector_store %arg21[%swap3A_555, %swap3A_556], %gather3A_520 {strides = array<i32>} : memref<128x16xf32, #tpu.memory_space<vmem>>, vector<16xf32>,
        %mul3A_558 = arith.constant 4 : i32
        %mul3A_559 = arith.muli %scan3A_474, %mul3A_558 : i32
        %add3A_560 = arith.constant 2 : i32
        %add3A_561 = arith.addi %mul3A_559, %add3A_560 : i32
        %broadcast_in_dim3A_562 = vector.broadcast %add3A_561 : i32 to vector<16xi32>
        %gather3A_563 = tpu.vector_load_idx %arg16[%broadcast_in_dim3A_562] : memref<128xf32, #tpu.memory_space<vmem>>[vector<16xi32>], vector<16xf32>,
        %broadcast_in_dim3A_564 = arith.constant -65536 : i32
        %broadcast_in_dim3A_565 = vector.broadcast %broadcast_in_dim3A_564 : i32 to vector<16xi32>
        %get3A_566 = arith.index_cast %add3A_561 : i32 to index
        %get3A_567 = arith.constant 0 : index
        %get3A_568 = tpu.vector_load %arg17[%get3A_566, %get3A_567] {strides = array<i32>} : memref<128x64xbf16, #tpu.memory_space<vmem>>, vector<32xbf16>,
        %bitcast3A_569 = vector.bitcast %get3A_568 : vector<32xbf16> to vector<16xi32>
        %shift_left3A_570 = arith.constant 16 : i32
        %shift_left3A_571 = vector.broadcast %shift_left3A_570 : i32 to vector<16xi32>
        %shift_left3A_572 = arith.shli %bitcast3A_569, %shift_left3A_571 : vector<16xi32>
        %bitcast3A_573 = vector.bitcast %shift_left3A_572 : vector<16xi32> to vector<16xf32>
        %mul3A_574 = arith.mulf %bitcast3A_573, %gather3A_563 : vector<16xf32>
        %and3A_575 = arith.andi %bitcast3A_569, %broadcast_in_dim3A_565 : vector<16xi32>
        %bitcast3A_576 = vector.bitcast %and3A_575 : vector<16xi32> to vector<16xf32>
        %mul3A_577 = arith.mulf %bitcast3A_576, %gather3A_563 : vector<16xf32>
        %pack3A_578 = tpu.pack_subelements %mul3A_574, %mul3A_577 {pack_format = #tpu.pack_format<interleaved>, positions = array<i32: 0, 1>} : vector<16xf32>, vector<16xf32> -> vector<32xbf16>
        %swap3A_579 = arith.index_cast %add3A_561 : i32 to index
        %swap3A_580 = arith.constant 0 : index
        %swap3A_581 = tpu.vector_load %arg19[%swap3A_579, %swap3A_580] {strides = array<i32>} : memref<128x64xbf16, #tpu.memory_space<vmem>>, vector<32xbf16>,
        tpu.vector_store %arg19[%swap3A_579, %swap3A_580], %pack3A_578 {strides = array<i32>} : memref<128x64xbf16, #tpu.memory_space<vmem>>, vector<32xbf16>,
        %get3A_582 = arith.index_cast %add3A_561 : i32 to index
        %get3A_583 = arith.constant 32 : index
        %get3A_584 = tpu.vector_load %arg17[%get3A_582, %get3A_583] {strides = array<i32>} : memref<128x64xbf16, #tpu.memory_space<vmem>>, vector<32xbf16>,
        %bitcast3A_585 = vector.bitcast %get3A_584 : vector<32xbf16> to vector<16xi32>
        %shift_left3A_586 = arith.constant 16 : i32
        %shift_left3A_587 = vector.broadcast %shift_left3A_586 : i32 to vector<16xi32>
        %shift_left3A_588 = arith.shli %bitcast3A_585, %shift_left3A_587 : vector<16xi32>
        %bitcast3A_589 = vector.bitcast %shift_left3A_588 : vector<16xi32> to vector<16xf32>
        %mul3A_590 = arith.mulf %bitcast3A_589, %gather3A_563 : vector<16xf32>
        %and3A_591 = arith.andi %bitcast3A_585, %broadcast_in_dim3A_565 : vector<16xi32>
        %bitcast3A_592 = vector.bitcast %and3A_591 : vector<16xi32> to vector<16xf32>
        %mul3A_593 = arith.mulf %bitcast3A_592, %gather3A_563 : vector<16xf32>
        %pack3A_594 = tpu.pack_subelements %mul3A_590, %mul3A_593 {pack_format = #tpu.pack_format<interleaved>, positions = array<i32: 0, 1>} : vector<16xf32>, vector<16xf32> -> vector<32xbf16>
        %swap3A_595 = arith.index_cast %add3A_561 : i32 to index
        %swap3A_596 = arith.constant 32 : index
        %swap3A_597 = tpu.vector_load %arg19[%swap3A_595, %swap3A_596] {strides = array<i32>} : memref<128x64xbf16, #tpu.memory_space<vmem>>, vector<32xbf16>,
        tpu.vector_store %arg19[%swap3A_595, %swap3A_596], %pack3A_594 {strides = array<i32>} : memref<128x64xbf16, #tpu.memory_space<vmem>>, vector<32xbf16>,
        %swap3A_598 = arith.index_cast %add3A_561 : i32 to index
        %swap3A_599 = arith.constant 0 : index
        %swap3A_600 = tpu.vector_load %arg21[%swap3A_598, %swap3A_599] {strides = array<i32>} : memref<128x16xf32, #tpu.memory_space<vmem>>, vector<16xf32>,
        tpu.vector_store %arg21[%swap3A_598, %swap3A_599], %gather3A_563 {strides = array<i32>} : memref<128x16xf32, #tpu.memory_space<vmem>>, vector<16xf32>,
        %mul3A_601 = arith.constant 4 : i32
        %mul3A_602 = arith.muli %scan3A_474, %mul3A_601 : i32
        %add3A_603 = arith.constant 3 : i32
        %add3A_604 = arith.addi %mul3A_602, %add3A_603 : i32
        %broadcast_in_dim3A_605 = vector.broadcast %add3A_604 : i32 to vector<16xi32>
        %gather3A_606 = tpu.vector_load_idx %arg16[%broadcast_in_dim3A_605] : memref<128xf32, #tpu.memory_space<vmem>>[vector<16xi32>], vector<16xf32>,
        %broadcast_in_dim3A_607 = arith.constant -65536 : i32
        %broadcast_in_dim3A_608 = vector.broadcast %broadcast_in_dim3A_607 : i32 to vector<16xi32>
        %get3A_609 = arith.index_cast %add3A_604 : i32 to index
        %get3A_610 = arith.constant 0 : index
        %get3A_611 = tpu.vector_load %arg17[%get3A_609, %get3A_610] {strides = array<i32>} : memref<128x64xbf16, #tpu.memory_space<vmem>>, vector<32xbf16>,
        %bitcast3A_612 = vector.bitcast %get3A_611 : vector<32xbf16> to vector<16xi32>
        %shift_left3A_613 = arith.constant 16 : i32
        %shift_left3A_614 = vector.broadcast %shift_left3A_613 : i32 to vector<16xi32>
        %shift_left3A_615 = arith.shli %bitcast3A_612, %shift_left3A_614 : vector<16xi32>
        %bitcast3A_616 = vector.bitcast %shift_left3A_615 : vector<16xi32> to vector<16xf32>
        %mul3A_617 = arith.mulf %bitcast3A_616, %gather3A_606 : vector<16xf32>
        %and3A_618 = arith.andi %bitcast3A_612, %broadcast_in_dim3A_608 : vector<16xi32>
        %bitcast3A_619 = vector.bitcast %and3A_618 : vector<16xi32> to vector<16xf32>
        %mul3A_620 = arith.mulf %bitcast3A_619, %gather3A_606 : vector<16xf32>
        %pack3A_621 = tpu.pack_subelements %mul3A_617, %mul3A_620 {pack_format = #tpu.pack_format<interleaved>, positions = array<i32: 0, 1>} : vector<16xf32>, vector<16xf32> -> vector<32xbf16>
        %swap3A_622 = arith.index_cast %add3A_604 : i32 to index
        %swap3A_623 = arith.constant 0 : index
        %swap3A_624 = tpu.vector_load %arg19[%swap3A_622, %swap3A_623] {strides = array<i32>} : memref<128x64xbf16, #tpu.memory_space<vmem>>, vector<32xbf16>,
        tpu.vector_store %arg19[%swap3A_622, %swap3A_623], %pack3A_621 {strides = array<i32>} : memref<128x64xbf16, #tpu.memory_space<vmem>>, vector<32xbf16>,
        %get3A_625 = arith.index_cast %add3A_604 : i32 to index
        %get3A_626 = arith.constant 32 : index
        %get3A_627 = tpu.vector_load %arg17[%get3A_625, %get3A_626] {strides = array<i32>} : memref<128x64xbf16, #tpu.memory_space<vmem>>, vector<32xbf16>,
        %bitcast3A_628 = vector.bitcast %get3A_627 : vector<32xbf16> to vector<16xi32>
        %shift_left3A_629 = arith.constant 16 : i32
        %shift_left3A_630 = vector.broadcast %shift_left3A_629 : i32 to vector<16xi32>
        %shift_left3A_631 = arith.shli %bitcast3A_628, %shift_left3A_630 : vector<16xi32>
        %bitcast3A_632 = vector.bitcast %shift_left3A_631 : vector<16xi32> to vector<16xf32>
        %mul3A_633 = arith.mulf %bitcast3A_632, %gather3A_606 : vector<16xf32>
        %and3A_634 = arith.andi %bitcast3A_628, %broadcast_in_dim3A_608 : vector<16xi32>
        %bitcast3A_635 = vector.bitcast %and3A_634 : vector<16xi32> to vector<16xf32>
        %mul3A_636 = arith.mulf %bitcast3A_635, %gather3A_606 : vector<16xf32>
        %pack3A_637 = tpu.pack_subelements %mul3A_633, %mul3A_636 {pack_format = #tpu.pack_format<interleaved>, positions = array<i32: 0, 1>} : vector<16xf32>, vector<16xf32> -> vector<32xbf16>
        %swap3A_638 = arith.index_cast %add3A_604 : i32 to index
        %swap3A_639 = arith.constant 32 : index
        %swap3A_640 = tpu.vector_load %arg19[%swap3A_638, %swap3A_639] {strides = array<i32>} : memref<128x64xbf16, #tpu.memory_space<vmem>>, vector<32xbf16>,
        tpu.vector_store %arg19[%swap3A_638, %swap3A_639], %pack3A_637 {strides = array<i32>} : memref<128x64xbf16, #tpu.memory_space<vmem>>, vector<32xbf16>,
        %swap3A_641 = arith.index_cast %add3A_604 : i32 to index
        %swap3A_642 = arith.constant 0 : index
        %swap3A_643 = tpu.vector_load %arg21[%swap3A_641, %swap3A_642] {strides = array<i32>} : memref<128x16xf32, #tpu.memory_space<vmem>>, vector<16xf32>,
        tpu.vector_store %arg21[%swap3A_641, %swap3A_642], %gather3A_606 {strides = array<i32>} : memref<128x16xf32, #tpu.memory_space<vmem>>, vector<16xf32>,
        %scan3A_644 = arith.constant 0 : i32
        scf.yield %scan3A_644 : i32
      }
      %scan3A_258 = arith.constant 32 : i32
      %dma_start3A_259 = arith.constant 0 : i32
      %dma_start3A_260 = tpu.memref_slice %arg14[%add3A_79, %dma_start3A_259] : memref<40x128xi32, #tpu.memory_space<vmem>> -> memref<1x128xi32, #tpu.memory_space<vmem>>
      %dma_start3A_261 = tpu.memref_squeeze %dma_start3A_260 : memref<1x128xi32, #tpu.memory_space<vmem>> -> memref<128xi32, #tpu.memory_space<vmem>>
      %dma_start3A_262 = arith.constant 0 : i32
      %dma_start3A_263 = arith.constant 0 : i32
      %dma_start3A_264 = tpu.memref_slice %arg25[%dma_start3A_262, %dma_start3A_263] : memref<10048x64xbf16, #tpu.memory_space<vmem_shared>> -> memref<10048x64xbf16, #tpu.memory_space<vmem_shared>>
      tpu.enqueue_indirect_dma source(%arg19 : memref<128x64xbf16, #tpu.memory_space<vmem>>) target(%dma_start3A_264 : memref<10048x64xbf16, #tpu.memory_space<vmem_shared>>) offsets(%dma_start3A_261 : memref<128xi32, #tpu.memory_space<vmem>>) semaphore(%arg29 : memref<!tpu.dma_semaphore, #tpu.memory_space<semaphore_mem>>) {add = true}
      %dma_start3A_265 = arith.constant 0 : i32
      %dma_start3A_266 = tpu.memref_slice %arg14[%add3A_79, %dma_start3A_265] : memref<40x128xi32, #tpu.memory_space<vmem>> -> memref<1x128xi32, #tpu.memory_space<vmem>>
      %dma_start3A_267 = tpu.memref_squeeze %dma_start3A_266 : memref<1x128xi32, #tpu.memory_space<vmem>> -> memref<128xi32, #tpu.memory_space<vmem>>
      %dma_start3A_268 = arith.constant 0 : i32
      %dma_start3A_269 = arith.constant 0 : i32
      %dma_start3A_270 = tpu.memref_slice %arg26[%dma_start3A_268, %dma_start3A_269] : memref<10048x16xf32, #tpu.memory_space<vmem_shared>> -> memref<10048x16xf32, #tpu.memory_space<vmem_shared>>
      tpu.enqueue_indirect_dma source(%arg21 : memref<128x16xf32, #tpu.memory_space<vmem>>) target(%dma_start3A_270 : memref<10048x16xf32, #tpu.memory_space<vmem_shared>>) offsets(%dma_start3A_267 : memref<128xi32, #tpu.memory_space<vmem>>) semaphore(%arg29 : memref<!tpu.dma_semaphore, #tpu.memory_space<semaphore_mem>>) {add = true}
      %mul3A_271 = arith.constant 2 : i32
      %mul3A_272 = arith.muli %scan3A_74, %mul3A_271 : i32
      %add3A_273 = arith.constant 1 : i32
      %add3A_274 = arith.addi %mul3A_272, %add3A_273 : i32
      %add3A_275 = arith.constant 1 : i32
      %add3A_276 = arith.addi %add3A_274, %add3A_275 : i32
      %lt3A_277 = arith.constant 40 : i32
      %lt3A_278 = arith.cmpi slt, %add3A_276, %lt3A_277 : i32
      %convert_element_type3A_279 = arith.extui %lt3A_278 : i1 to i32
      %cond3A_280 = arith.constant 0 : i32
      %cond3A_281 = arith.cmpi ne, %convert_element_type3A_279, %cond3A_280 : i32
      scf.if %cond3A_281 {
        %add3A_474 = arith.constant 1 : i32
        %add3A_475 = arith.addi %add3A_274, %add3A_474 : i32
        %dma_start3A_476 = arith.constant 0 : i32
        %dma_start3A_477 = tpu.memref_slice %arg13[%add3A_475, %dma_start3A_476] : memref<40x128xi32, #tpu.memory_space<vmem>> -> memref<1x128xi32, #tpu.memory_space<vmem>>
        %dma_start3A_478 = tpu.memref_squeeze %dma_start3A_477 : memref<1x128xi32, #tpu.memory_space<vmem>> -> memref<128xi32, #tpu.memory_space<vmem>>
        %dma_start3A_479 = arith.constant 0 : i32
        %dma_start3A_480 = arith.constant 0 : i32
        %dma_start3A_481 = tpu.memref_slice %arg2[%dma_start3A_479, %dma_start3A_480] : memref<10240x64xbf16, #tpu.memory_space<hbm>> -> memref<10240x64xbf16, #tpu.memory_space<hbm>>
        tpu.enqueue_indirect_dma source(%dma_start3A_481 : memref<10240x64xbf16, #tpu.memory_space<hbm>>) target(%arg17 : memref<128x64xbf16, #tpu.memory_space<vmem>>) offsets(%dma_start3A_478 : memref<128xi32, #tpu.memory_space<vmem>>) semaphore(%arg27 : memref<!tpu.dma_semaphore, #tpu.memory_space<semaphore_mem>>)
      } else {
      }
      %get3A_282 = arith.index_cast %add3A_274 : i32 to index
      %get3A_283 = arith.constant 0 : index
      %get3A_284 = tpu.vector_load %arg13[%get3A_282, %get3A_283] {strides = array<i32>} : memref<40x128xi32, #tpu.memory_space<vmem>>, vector<16xi32>,
      %get3A_285 = arith.index_cast %add3A_274 : i32 to index
      %get3A_286 = arith.constant 0 : index
      %get3A_287 = tpu.vector_load %arg14[%get3A_285, %get3A_286] {strides = array<i32>} : memref<40x128xi32, #tpu.memory_space<vmem>>, vector<16xi32>,
      %gather3A_288 = tpu.vector_load_idx %arg11[%get3A_284] : memref<10240xf32, #tpu.memory_space<vmem>>[vector<16xi32>], vector<16xf32>,
      %gather3A_289 = tpu.vector_load_idx %arg12[%get3A_287] : memref<10240xf32, #tpu.memory_space<vmem>>[vector<16xi32>], vector<16xf32>,
      %add3A_290 = arith.addf %gather3A_288, %gather3A_289 : vector<16xf32>
      %ge3A_291 = arith.constant 0.000000e+00 : f32
      %ge3A_292 = vector.broadcast %ge3A_291 : f32 to vector<16xf32>
      %ge3A_293 = arith.cmpf oge, %add3A_290, %ge3A_292 : vector<16xf32>
      %mul3A_294 = arith.constant 2.000000e-01 : f32
      %mul3A_295 = vector.broadcast %mul3A_294 : f32 to vector<16xf32>
      %mul3A_296 = arith.mulf %add3A_290, %mul3A_295 : vector<16xf32>
      %select_n3A_297 = arith.select %ge3A_293, %add3A_290, %mul3A_296 : vector<16xi1>, vector<16xf32>
      %sub3A_298 = arith.subf %select_n3A_297, %get3A_25 : vector<16xf32>
      %exp3A_299 = math.exp %sub3A_298 : vector<16xf32>
      %swap3A_300 = arith.constant 0 : index
      %swap3A_301 = tpu.vector_load %arg16[%swap3A_300] {strides = array<i32>} : memref<128xf32, #tpu.memory_space<vmem>>, vector<16xf32>,
      tpu.vector_store %arg16[%swap3A_300], %exp3A_299 {strides = array<i32>} : memref<128xf32, #tpu.memory_space<vmem>>, vector<16xf32>,
      %get3A_302 = arith.index_cast %add3A_274 : i32 to index
      %get3A_303 = arith.constant 16 : index
      %get3A_304 = tpu.vector_load %arg13[%get3A_302, %get3A_303] {strides = array<i32>} : memref<40x128xi32, #tpu.memory_space<vmem>>, vector<16xi32>,
      %get3A_305 = arith.index_cast %add3A_274 : i32 to index
      %get3A_306 = arith.constant 16 : index
      %get3A_307 = tpu.vector_load %arg14[%get3A_305, %get3A_306] {strides = array<i32>} : memref<40x128xi32, #tpu.memory_space<vmem>>, vector<16xi32>,
      %gather3A_308 = tpu.vector_load_idx %arg11[%get3A_304] : memref<10240xf32, #tpu.memory_space<vmem>>[vector<16xi32>], vector<16xf32>,
      %gather3A_309 = tpu.vector_load_idx %arg12[%get3A_307] : memref<10240xf32, #tpu.memory_space<vmem>>[vector<16xi32>], vector<16xf32>,
      %add3A_310 = arith.addf %gather3A_308, %gather3A_309 : vector<16xf32>
      %ge3A_311 = arith.constant 0.000000e+00 : f32
      %ge3A_312 = vector.broadcast %ge3A_311 : f32 to vector<16xf32>
      %ge3A_313 = arith.cmpf oge, %add3A_310, %ge3A_312 : vector<16xf32>
      %mul3A_314 = arith.constant 2.000000e-01 : f32
      %mul3A_315 = vector.broadcast %mul3A_314 : f32 to vector<16xf32>
      %mul3A_316 = arith.mulf %add3A_310, %mul3A_315 : vector<16xf32>
      %select_n3A_317 = arith.select %ge3A_313, %add3A_310, %mul3A_316 : vector<16xi1>, vector<16xf32>
      %sub3A_318 = arith.subf %select_n3A_317, %get3A_25 : vector<16xf32>
      %exp3A_319 = math.exp %sub3A_318 : vector<16xf32>
      %swap3A_320 = arith.constant 16 : index
      %swap3A_321 = tpu.vector_load %arg16[%swap3A_320] {strides = array<i32>} : memref<128xf32, #tpu.memory_space<vmem>>, vector<16xf32>,
      tpu.vector_store %arg16[%swap3A_320], %exp3A_319 {strides = array<i32>} : memref<128xf32, #tpu.memory_space<vmem>>, vector<16xf32>,
      %get3A_322 = arith.index_cast %add3A_274 : i32 to index
      %get3A_323 = arith.constant 32 : index
      %get3A_324 = tpu.vector_load %arg13[%get3A_322, %get3A_323] {strides = array<i32>} : memref<40x128xi32, #tpu.memory_space<vmem>>, vector<16xi32>,
      %get3A_325 = arith.index_cast %add3A_274 : i32 to index
      %get3A_326 = arith.constant 32 : index
      %get3A_327 = tpu.vector_load %arg14[%get3A_325, %get3A_326] {strides = array<i32>} : memref<40x128xi32, #tpu.memory_space<vmem>>, vector<16xi32>,
      %gather3A_328 = tpu.vector_load_idx %arg11[%get3A_324] : memref<10240xf32, #tpu.memory_space<vmem>>[vector<16xi32>], vector<16xf32>,
      %gather3A_329 = tpu.vector_load_idx %arg12[%get3A_327] : memref<10240xf32, #tpu.memory_space<vmem>>[vector<16xi32>], vector<16xf32>,
      %add3A_330 = arith.addf %gather3A_328, %gather3A_329 : vector<16xf32>
      %ge3A_331 = arith.constant 0.000000e+00 : f32
      %ge3A_332 = vector.broadcast %ge3A_331 : f32 to vector<16xf32>
      %ge3A_333 = arith.cmpf oge, %add3A_330, %ge3A_332 : vector<16xf32>
      %mul3A_334 = arith.constant 2.000000e-01 : f32
      %mul3A_335 = vector.broadcast %mul3A_334 : f32 to vector<16xf32>
      %mul3A_336 = arith.mulf %add3A_330, %mul3A_335 : vector<16xf32>
      %select_n3A_337 = arith.select %ge3A_333, %add3A_330, %mul3A_336 : vector<16xi1>, vector<16xf32>
      %sub3A_338 = arith.subf %select_n3A_337, %get3A_25 : vector<16xf32>
      %exp3A_339 = math.exp %sub3A_338 : vector<16xf32>
      %swap3A_340 = arith.constant 32 : index
      %swap3A_341 = tpu.vector_load %arg16[%swap3A_340] {strides = array<i32>} : memref<128xf32, #tpu.memory_space<vmem>>, vector<16xf32>,
      tpu.vector_store %arg16[%swap3A_340], %exp3A_339 {strides = array<i32>} : memref<128xf32, #tpu.memory_space<vmem>>, vector<16xf32>,
      %get3A_342 = arith.index_cast %add3A_274 : i32 to index
      %get3A_343 = arith.constant 48 : index
      %get3A_344 = tpu.vector_load %arg13[%get3A_342, %get3A_343] {strides = array<i32>} : memref<40x128xi32, #tpu.memory_space<vmem>>, vector<16xi32>,
      %get3A_345 = arith.index_cast %add3A_274 : i32 to index
      %get3A_346 = arith.constant 48 : index
      %get3A_347 = tpu.vector_load %arg14[%get3A_345, %get3A_346] {strides = array<i32>} : memref<40x128xi32, #tpu.memory_space<vmem>>, vector<16xi32>,
      %gather3A_348 = tpu.vector_load_idx %arg11[%get3A_344] : memref<10240xf32, #tpu.memory_space<vmem>>[vector<16xi32>], vector<16xf32>,
      %gather3A_349 = tpu.vector_load_idx %arg12[%get3A_347] : memref<10240xf32, #tpu.memory_space<vmem>>[vector<16xi32>], vector<16xf32>,
      %add3A_350 = arith.addf %gather3A_348, %gather3A_349 : vector<16xf32>
      %ge3A_351 = arith.constant 0.000000e+00 : f32
      %ge3A_352 = vector.broadcast %ge3A_351 : f32 to vector<16xf32>
      %ge3A_353 = arith.cmpf oge, %add3A_350, %ge3A_352 : vector<16xf32>
      %mul3A_354 = arith.constant 2.000000e-01 : f32
      %mul3A_355 = vector.broadcast %mul3A_354 : f32 to vector<16xf32>
      %mul3A_356 = arith.mulf %add3A_350, %mul3A_355 : vector<16xf32>
      %select_n3A_357 = arith.select %ge3A_353, %add3A_350, %mul3A_356 : vector<16xi1>, vector<16xf32>
      %sub3A_358 = arith.subf %select_n3A_357, %get3A_25 : vector<16xf32>
      %exp3A_359 = math.exp %sub3A_358 : vector<16xf32>
      %swap3A_360 = arith.constant 48 : index
      %swap3A_361 = tpu.vector_load %arg16[%swap3A_360] {strides = array<i32>} : memref<128xf32, #tpu.memory_space<vmem>>, vector<16xf32>,
      tpu.vector_store %arg16[%swap3A_360], %exp3A_359 {strides = array<i32>} : memref<128xf32, #tpu.memory_space<vmem>>, vector<16xf32>,
      %get3A_362 = arith.index_cast %add3A_274 : i32 to index
      %get3A_363 = arith.constant 64 : index
      %get3A_364 = tpu.vector_load %arg13[%get3A_362, %get3A_363] {strides = array<i32>} : memref<40x128xi32, #tpu.memory_space<vmem>>, vector<16xi32>,
      %get3A_365 = arith.index_cast %add3A_274 : i32 to index
      %get3A_366 = arith.constant 64 : index
      %get3A_367 = tpu.vector_load %arg14[%get3A_365, %get3A_366] {strides = array<i32>} : memref<40x128xi32, #tpu.memory_space<vmem>>, vector<16xi32>,
      %gather3A_368 = tpu.vector_load_idx %arg11[%get3A_364] : memref<10240xf32, #tpu.memory_space<vmem>>[vector<16xi32>], vector<16xf32>,
      %gather3A_369 = tpu.vector_load_idx %arg12[%get3A_367] : memref<10240xf32, #tpu.memory_space<vmem>>[vector<16xi32>], vector<16xf32>,
      %add3A_370 = arith.addf %gather3A_368, %gather3A_369 : vector<16xf32>
      %ge3A_371 = arith.constant 0.000000e+00 : f32
      %ge3A_372 = vector.broadcast %ge3A_371 : f32 to vector<16xf32>
      %ge3A_373 = arith.cmpf oge, %add3A_370, %ge3A_372 : vector<16xf32>
      %mul3A_374 = arith.constant 2.000000e-01 : f32
      %mul3A_375 = vector.broadcast %mul3A_374 : f32 to vector<16xf32>
      %mul3A_376 = arith.mulf %add3A_370, %mul3A_375 : vector<16xf32>
      %select_n3A_377 = arith.select %ge3A_373, %add3A_370, %mul3A_376 : vector<16xi1>, vector<16xf32>
      %sub3A_378 = arith.subf %select_n3A_377, %get3A_25 : vector<16xf32>
      %exp3A_379 = math.exp %sub3A_378 : vector<16xf32>
      %swap3A_380 = arith.constant 64 : index
      %swap3A_381 = tpu.vector_load %arg16[%swap3A_380] {strides = array<i32>} : memref<128xf32, #tpu.memory_space<vmem>>, vector<16xf32>,
      tpu.vector_store %arg16[%swap3A_380], %exp3A_379 {strides = array<i32>} : memref<128xf32, #tpu.memory_space<vmem>>, vector<16xf32>,
      %get3A_382 = arith.index_cast %add3A_274 : i32 to index
      %get3A_383 = arith.constant 80 : index
      %get3A_384 = tpu.vector_load %arg13[%get3A_382, %get3A_383] {strides = array<i32>} : memref<40x128xi32, #tpu.memory_space<vmem>>, vector<16xi32>,
      %get3A_385 = arith.index_cast %add3A_274 : i32 to index
      %get3A_386 = arith.constant 80 : index
      %get3A_387 = tpu.vector_load %arg14[%get3A_385, %get3A_386] {strides = array<i32>} : memref<40x128xi32, #tpu.memory_space<vmem>>, vector<16xi32>,
      %gather3A_388 = tpu.vector_load_idx %arg11[%get3A_384] : memref<10240xf32, #tpu.memory_space<vmem>>[vector<16xi32>], vector<16xf32>,
      %gather3A_389 = tpu.vector_load_idx %arg12[%get3A_387] : memref<10240xf32, #tpu.memory_space<vmem>>[vector<16xi32>], vector<16xf32>,
      %add3A_390 = arith.addf %gather3A_388, %gather3A_389 : vector<16xf32>
      %ge3A_391 = arith.constant 0.000000e+00 : f32
      %ge3A_392 = vector.broadcast %ge3A_391 : f32 to vector<16xf32>
      %ge3A_393 = arith.cmpf oge, %add3A_390, %ge3A_392 : vector<16xf32>
      %mul3A_394 = arith.constant 2.000000e-01 : f32
      %mul3A_395 = vector.broadcast %mul3A_394 : f32 to vector<16xf32>
      %mul3A_396 = arith.mulf %add3A_390, %mul3A_395 : vector<16xf32>
      %select_n3A_397 = arith.select %ge3A_393, %add3A_390, %mul3A_396 : vector<16xi1>, vector<16xf32>
      %sub3A_398 = arith.subf %select_n3A_397, %get3A_25 : vector<16xf32>
      %exp3A_399 = math.exp %sub3A_398 : vector<16xf32>
      %swap3A_400 = arith.constant 80 : index
      %swap3A_401 = tpu.vector_load %arg16[%swap3A_400] {strides = array<i32>} : memref<128xf32, #tpu.memory_space<vmem>>, vector<16xf32>,
      tpu.vector_store %arg16[%swap3A_400], %exp3A_399 {strides = array<i32>} : memref<128xf32, #tpu.memory_space<vmem>>, vector<16xf32>,
      %get3A_402 = arith.index_cast %add3A_274 : i32 to index
      %get3A_403 = arith.constant 96 : index
      %get3A_404 = tpu.vector_load %arg13[%get3A_402, %get3A_403] {strides = array<i32>} : memref<40x128xi32, #tpu.memory_space<vmem>>, vector<16xi32>,
      %get3A_405 = arith.index_cast %add3A_274 : i32 to index
      %get3A_406 = arith.constant 96 : index
      %get3A_407 = tpu.vector_load %arg14[%get3A_405, %get3A_406] {strides = array<i32>} : memref<40x128xi32, #tpu.memory_space<vmem>>, vector<16xi32>,
      %gather3A_408 = tpu.vector_load_idx %arg11[%get3A_404] : memref<10240xf32, #tpu.memory_space<vmem>>[vector<16xi32>], vector<16xf32>,
      %gather3A_409 = tpu.vector_load_idx %arg12[%get3A_407] : memref<10240xf32, #tpu.memory_space<vmem>>[vector<16xi32>], vector<16xf32>,
      %add3A_410 = arith.addf %gather3A_408, %gather3A_409 : vector<16xf32>
      %ge3A_411 = arith.constant 0.000000e+00 : f32
      %ge3A_412 = vector.broadcast %ge3A_411 : f32 to vector<16xf32>
      %ge3A_413 = arith.cmpf oge, %add3A_410, %ge3A_412 : vector<16xf32>
      %mul3A_414 = arith.constant 2.000000e-01 : f32
      %mul3A_415 = vector.broadcast %mul3A_414 : f32 to vector<16xf32>
      %mul3A_416 = arith.mulf %add3A_410, %mul3A_415 : vector<16xf32>
      %select_n3A_417 = arith.select %ge3A_413, %add3A_410, %mul3A_416 : vector<16xi1>, vector<16xf32>
      %sub3A_418 = arith.subf %select_n3A_417, %get3A_25 : vector<16xf32>
      %exp3A_419 = math.exp %sub3A_418 : vector<16xf32>
      %swap3A_420 = arith.constant 96 : index
      %swap3A_421 = tpu.vector_load %arg16[%swap3A_420] {strides = array<i32>} : memref<128xf32, #tpu.memory_space<vmem>>, vector<16xf32>,
      tpu.vector_store %arg16[%swap3A_420], %exp3A_419 {strides = array<i32>} : memref<128xf32, #tpu.memory_space<vmem>>, vector<16xf32>,
      %get3A_422 = arith.index_cast %add3A_274 : i32 to index
      %get3A_423 = arith.constant 112 : index
      %get3A_424 = tpu.vector_load %arg13[%get3A_422, %get3A_423] {strides = array<i32>} : memref<40x128xi32, #tpu.memory_space<vmem>>, vector<16xi32>,
      %get3A_425 = arith.index_cast %add3A_274 : i32 to index
      %get3A_426 = arith.constant 112 : index
      %get3A_427 = tpu.vector_load %arg14[%get3A_425, %get3A_426] {strides = array<i32>} : memref<40x128xi32, #tpu.memory_space<vmem>>, vector<16xi32>,
      %gather3A_428 = tpu.vector_load_idx %arg11[%get3A_424] : memref<10240xf32, #tpu.memory_space<vmem>>[vector<16xi32>], vector<16xf32>,
      %gather3A_429 = tpu.vector_load_idx %arg12[%get3A_427] : memref<10240xf32, #tpu.memory_space<vmem>>[vector<16xi32>], vector<16xf32>,
      %add3A_430 = arith.addf %gather3A_428, %gather3A_429 : vector<16xf32>
      %ge3A_431 = arith.constant 0.000000e+00 : f32
      %ge3A_432 = vector.broadcast %ge3A_431 : f32 to vector<16xf32>
      %ge3A_433 = arith.cmpf oge, %add3A_430, %ge3A_432 : vector<16xf32>
      %mul3A_434 = arith.constant 2.000000e-01 : f32
      %mul3A_435 = vector.broadcast %mul3A_434 : f32 to vector<16xf32>
      %mul3A_436 = arith.mulf %add3A_430, %mul3A_435 : vector<16xf32>
      %select_n3A_437 = arith.select %ge3A_433, %add3A_430, %mul3A_436 : vector<16xi1>, vector<16xf32>
      %sub3A_438 = arith.subf %select_n3A_437, %get3A_25 : vector<16xf32>
      %exp3A_439 = math.exp %sub3A_438 : vector<16xf32>
      %swap3A_440 = arith.constant 112 : index
      %swap3A_441 = tpu.vector_load %arg16[%swap3A_440] {strides = array<i32>} : memref<128xf32, #tpu.memory_space<vmem>>, vector<16xf32>,
      tpu.vector_store %arg16[%swap3A_440], %exp3A_439 {strides = array<i32>} : memref<128xf32, #tpu.memory_space<vmem>>, vector<16xf32>,
      %dma_wait3A_442 = arith.constant 0 : i32
      %dma_wait3A_443 = arith.constant 0 : i32
      %dma_wait3A_444 = tpu.memref_slice %arg13[%dma_wait3A_442, %dma_wait3A_443] : memref<40x128xi32, #tpu.memory_space<vmem>> -> memref<1x128xi32, #tpu.memory_space<vmem>>
      %dma_wait3A_445 = tpu.memref_squeeze %dma_wait3A_444 : memref<1x128xi32, #tpu.memory_space<vmem>> -> memref<128xi32, #tpu.memory_space<vmem>>
      %dma_wait3A_446 = arith.constant 0 : i32
      %dma_wait3A_447 = arith.constant 0 : i32
      %dma_wait3A_448 = tpu.memref_slice %arg2[%dma_wait3A_446, %dma_wait3A_447] : memref<10240x64xbf16, #tpu.memory_space<hbm>> -> memref<10240x64xbf16, #tpu.memory_space<hbm>>
      tpu.wait_indirect_dma semaphore(%arg28 : memref<!tpu.dma_semaphore, #tpu.memory_space<semaphore_mem>>) src(%dma_wait3A_448 : memref<10240x64xbf16, #tpu.memory_space<hbm>>) dst(%arg18 : memref<128x64xbf16, #tpu.memory_space<vmem>>)
      %ge3A_449 = arith.constant 2 : i32
      %ge3A_450 = arith.cmpi sge, %add3A_274, %ge3A_449 : i32
      %convert_element_type3A_451 = arith.extui %ge3A_450 : i1 to i32
      %cond3A_452 = arith.constant 0 : i32
      %cond3A_453 = arith.cmpi ne, %convert_element_type3A_451, %cond3A_452 : i32
      scf.if %cond3A_453 {
        %dma_wait3A_474 = arith.constant 0 : i32
        %dma_wait3A_475 = arith.constant 0 : i32
        %dma_wait3A_476 = tpu.memref_slice %arg14[%dma_wait3A_474, %dma_wait3A_475] : memref<40x128xi32, #tpu.memory_space<vmem>> -> memref<1x128xi32, #tpu.memory_space<vmem>>
        %dma_wait3A_477 = tpu.memref_squeeze %dma_wait3A_476 : memref<1x128xi32, #tpu.memory_space<vmem>> -> memref<128xi32, #tpu.memory_space<vmem>>
        %dma_wait3A_478 = arith.constant 0 : i32
        %dma_wait3A_479 = arith.constant 0 : i32
        %dma_wait3A_480 = tpu.memref_slice %arg25[%dma_wait3A_478, %dma_wait3A_479] : memref<10048x64xbf16, #tpu.memory_space<vmem_shared>> -> memref<10048x64xbf16, #tpu.memory_space<vmem_shared>>
        tpu.wait_indirect_dma semaphore(%arg30 : memref<!tpu.dma_semaphore, #tpu.memory_space<semaphore_mem>>) src(%arg20 : memref<128x64xbf16, #tpu.memory_space<vmem>>) dst(%dma_wait3A_480 : memref<10048x64xbf16, #tpu.memory_space<vmem_shared>>)
        %dma_wait3A_481 = arith.constant 0 : i32
        %dma_wait3A_482 = arith.constant 0 : i32
        %dma_wait3A_483 = tpu.memref_slice %arg14[%dma_wait3A_481, %dma_wait3A_482] : memref<40x128xi32, #tpu.memory_space<vmem>> -> memref<1x128xi32, #tpu.memory_space<vmem>>
        %dma_wait3A_484 = tpu.memref_squeeze %dma_wait3A_483 : memref<1x128xi32, #tpu.memory_space<vmem>> -> memref<128xi32, #tpu.memory_space<vmem>>
        %dma_wait3A_485 = arith.constant 0 : i32
        %dma_wait3A_486 = arith.constant 0 : i32
        %dma_wait3A_487 = tpu.memref_slice %arg26[%dma_wait3A_485, %dma_wait3A_486] : memref<10048x16xf32, #tpu.memory_space<vmem_shared>> -> memref<10048x16xf32, #tpu.memory_space<vmem_shared>>
        tpu.wait_indirect_dma semaphore(%arg30 : memref<!tpu.dma_semaphore, #tpu.memory_space<semaphore_mem>>) src(%arg22 : memref<128x16xf32, #tpu.memory_space<vmem>>) dst(%dma_wait3A_487 : memref<10048x16xf32, #tpu.memory_space<vmem_shared>>)
      } else {
      }
      %scan3A_454 = arith.constant 0 : i32
      %scan3A_455 = arith.constant 0 : i32
      %scan3A_456 = arith.constant 32 : i32
      %scan3A_457 = arith.addi %scan3A_455, %scan3A_456 : i32
      %scan3A_458 = arith.constant 1 : i32
      %scan3A_459 = scf.for %scan3A_474 = %scan3A_455 to %scan3A_457 step %scan3A_458 iter_args(%scan3A_475 = %scan3A_454) -> (i32)  : i32 {
        %mul3A_476 = arith.constant 4 : i32
        %mul3A_477 = arith.muli %scan3A_474, %mul3A_476 : i32
        %add3A_478 = arith.constant 0 : i32
        %add3A_479 = arith.addi %mul3A_477, %add3A_478 : i32
        %broadcast_in_dim3A_480 = vector.broadcast %add3A_479 : i32 to vector<16xi32>
        %gather3A_481 = tpu.vector_load_idx %arg16[%broadcast_in_dim3A_480] : memref<128xf32, #tpu.memory_space<vmem>>[vector<16xi32>], vector<16xf32>,
        %broadcast_in_dim3A_482 = arith.constant -65536 : i32
        %broadcast_in_dim3A_483 = vector.broadcast %broadcast_in_dim3A_482 : i32 to vector<16xi32>
        %get3A_484 = arith.index_cast %add3A_479 : i32 to index
        %get3A_485 = arith.constant 0 : index
        %get3A_486 = tpu.vector_load %arg18[%get3A_484, %get3A_485] {strides = array<i32>} : memref<128x64xbf16, #tpu.memory_space<vmem>>, vector<32xbf16>,
        %bitcast3A = vector.bitcast %get3A_486 : vector<32xbf16> to vector<16xi32>
        %shift_left3A = arith.constant 16 : i32
        %shift_left3A_487 = vector.broadcast %shift_left3A : i32 to vector<16xi32>
        %shift_left3A_488 = arith.shli %bitcast3A, %shift_left3A_487 : vector<16xi32>
        %bitcast3A_489 = vector.bitcast %shift_left3A_488 : vector<16xi32> to vector<16xf32>
        %mul3A_490 = arith.mulf %bitcast3A_489, %gather3A_481 : vector<16xf32>
        %and3A = arith.andi %bitcast3A, %broadcast_in_dim3A_483 : vector<16xi32>
        %bitcast3A_491 = vector.bitcast %and3A : vector<16xi32> to vector<16xf32>
        %mul3A_492 = arith.mulf %bitcast3A_491, %gather3A_481 : vector<16xf32>
        %pack3A = tpu.pack_subelements %mul3A_490, %mul3A_492 {pack_format = #tpu.pack_format<interleaved>, positions = array<i32: 0, 1>} : vector<16xf32>, vector<16xf32> -> vector<32xbf16>
        %swap3A_493 = arith.index_cast %add3A_479 : i32 to index
        %swap3A_494 = arith.constant 0 : index
        %swap3A_495 = tpu.vector_load %arg20[%swap3A_493, %swap3A_494] {strides = array<i32>} : memref<128x64xbf16, #tpu.memory_space<vmem>>, vector<32xbf16>,
        tpu.vector_store %arg20[%swap3A_493, %swap3A_494], %pack3A {strides = array<i32>} : memref<128x64xbf16, #tpu.memory_space<vmem>>, vector<32xbf16>,
        %get3A_496 = arith.index_cast %add3A_479 : i32 to index
        %get3A_497 = arith.constant 32 : index
        %get3A_498 = tpu.vector_load %arg18[%get3A_496, %get3A_497] {strides = array<i32>} : memref<128x64xbf16, #tpu.memory_space<vmem>>, vector<32xbf16>,
        %bitcast3A_499 = vector.bitcast %get3A_498 : vector<32xbf16> to vector<16xi32>
        %shift_left3A_500 = arith.constant 16 : i32
        %shift_left3A_501 = vector.broadcast %shift_left3A_500 : i32 to vector<16xi32>
        %shift_left3A_502 = arith.shli %bitcast3A_499, %shift_left3A_501 : vector<16xi32>
        %bitcast3A_503 = vector.bitcast %shift_left3A_502 : vector<16xi32> to vector<16xf32>
        %mul3A_504 = arith.mulf %bitcast3A_503, %gather3A_481 : vector<16xf32>
        %and3A_505 = arith.andi %bitcast3A_499, %broadcast_in_dim3A_483 : vector<16xi32>
        %bitcast3A_506 = vector.bitcast %and3A_505 : vector<16xi32> to vector<16xf32>
        %mul3A_507 = arith.mulf %bitcast3A_506, %gather3A_481 : vector<16xf32>
        %pack3A_508 = tpu.pack_subelements %mul3A_504, %mul3A_507 {pack_format = #tpu.pack_format<interleaved>, positions = array<i32: 0, 1>} : vector<16xf32>, vector<16xf32> -> vector<32xbf16>
        %swap3A_509 = arith.index_cast %add3A_479 : i32 to index
        %swap3A_510 = arith.constant 32 : index
        %swap3A_511 = tpu.vector_load %arg20[%swap3A_509, %swap3A_510] {strides = array<i32>} : memref<128x64xbf16, #tpu.memory_space<vmem>>, vector<32xbf16>,
        tpu.vector_store %arg20[%swap3A_509, %swap3A_510], %pack3A_508 {strides = array<i32>} : memref<128x64xbf16, #tpu.memory_space<vmem>>, vector<32xbf16>,
        %swap3A_512 = arith.index_cast %add3A_479 : i32 to index
        %swap3A_513 = arith.constant 0 : index
        %swap3A_514 = tpu.vector_load %arg22[%swap3A_512, %swap3A_513] {strides = array<i32>} : memref<128x16xf32, #tpu.memory_space<vmem>>, vector<16xf32>,
        tpu.vector_store %arg22[%swap3A_512, %swap3A_513], %gather3A_481 {strides = array<i32>} : memref<128x16xf32, #tpu.memory_space<vmem>>, vector<16xf32>,
        %mul3A_515 = arith.constant 4 : i32
        %mul3A_516 = arith.muli %scan3A_474, %mul3A_515 : i32
        %add3A_517 = arith.constant 1 : i32
        %add3A_518 = arith.addi %mul3A_516, %add3A_517 : i32
        %broadcast_in_dim3A_519 = vector.broadcast %add3A_518 : i32 to vector<16xi32>
        %gather3A_520 = tpu.vector_load_idx %arg16[%broadcast_in_dim3A_519] : memref<128xf32, #tpu.memory_space<vmem>>[vector<16xi32>], vector<16xf32>,
        %broadcast_in_dim3A_521 = arith.constant -65536 : i32
        %broadcast_in_dim3A_522 = vector.broadcast %broadcast_in_dim3A_521 : i32 to vector<16xi32>
        %get3A_523 = arith.index_cast %add3A_518 : i32 to index
        %get3A_524 = arith.constant 0 : index
        %get3A_525 = tpu.vector_load %arg18[%get3A_523, %get3A_524] {strides = array<i32>} : memref<128x64xbf16, #tpu.memory_space<vmem>>, vector<32xbf16>,
        %bitcast3A_526 = vector.bitcast %get3A_525 : vector<32xbf16> to vector<16xi32>
        %shift_left3A_527 = arith.constant 16 : i32
        %shift_left3A_528 = vector.broadcast %shift_left3A_527 : i32 to vector<16xi32>
        %shift_left3A_529 = arith.shli %bitcast3A_526, %shift_left3A_528 : vector<16xi32>
        %bitcast3A_530 = vector.bitcast %shift_left3A_529 : vector<16xi32> to vector<16xf32>
        %mul3A_531 = arith.mulf %bitcast3A_530, %gather3A_520 : vector<16xf32>
        %and3A_532 = arith.andi %bitcast3A_526, %broadcast_in_dim3A_522 : vector<16xi32>
        %bitcast3A_533 = vector.bitcast %and3A_532 : vector<16xi32> to vector<16xf32>
        %mul3A_534 = arith.mulf %bitcast3A_533, %gather3A_520 : vector<16xf32>
        %pack3A_535 = tpu.pack_subelements %mul3A_531, %mul3A_534 {pack_format = #tpu.pack_format<interleaved>, positions = array<i32: 0, 1>} : vector<16xf32>, vector<16xf32> -> vector<32xbf16>
        %swap3A_536 = arith.index_cast %add3A_518 : i32 to index
        %swap3A_537 = arith.constant 0 : index
        %swap3A_538 = tpu.vector_load %arg20[%swap3A_536, %swap3A_537] {strides = array<i32>} : memref<128x64xbf16, #tpu.memory_space<vmem>>, vector<32xbf16>,
        tpu.vector_store %arg20[%swap3A_536, %swap3A_537], %pack3A_535 {strides = array<i32>} : memref<128x64xbf16, #tpu.memory_space<vmem>>, vector<32xbf16>,
        %get3A_539 = arith.index_cast %add3A_518 : i32 to index
        %get3A_540 = arith.constant 32 : index
        %get3A_541 = tpu.vector_load %arg18[%get3A_539, %get3A_540] {strides = array<i32>} : memref<128x64xbf16, #tpu.memory_space<vmem>>, vector<32xbf16>,
        %bitcast3A_542 = vector.bitcast %get3A_541 : vector<32xbf16> to vector<16xi32>
        %shift_left3A_543 = arith.constant 16 : i32
        %shift_left3A_544 = vector.broadcast %shift_left3A_543 : i32 to vector<16xi32>
        %shift_left3A_545 = arith.shli %bitcast3A_542, %shift_left3A_544 : vector<16xi32>
        %bitcast3A_546 = vector.bitcast %shift_left3A_545 : vector<16xi32> to vector<16xf32>
        %mul3A_547 = arith.mulf %bitcast3A_546, %gather3A_520 : vector<16xf32>
        %and3A_548 = arith.andi %bitcast3A_542, %broadcast_in_dim3A_522 : vector<16xi32>
        %bitcast3A_549 = vector.bitcast %and3A_548 : vector<16xi32> to vector<16xf32>
        %mul3A_550 = arith.mulf %bitcast3A_549, %gather3A_520 : vector<16xf32>
        %pack3A_551 = tpu.pack_subelements %mul3A_547, %mul3A_550 {pack_format = #tpu.pack_format<interleaved>, positions = array<i32: 0, 1>} : vector<16xf32>, vector<16xf32> -> vector<32xbf16>
        %swap3A_552 = arith.index_cast %add3A_518 : i32 to index
        %swap3A_553 = arith.constant 32 : index
        %swap3A_554 = tpu.vector_load %arg20[%swap3A_552, %swap3A_553] {strides = array<i32>} : memref<128x64xbf16, #tpu.memory_space<vmem>>, vector<32xbf16>,
        tpu.vector_store %arg20[%swap3A_552, %swap3A_553], %pack3A_551 {strides = array<i32>} : memref<128x64xbf16, #tpu.memory_space<vmem>>, vector<32xbf16>,
        %swap3A_555 = arith.index_cast %add3A_518 : i32 to index
        %swap3A_556 = arith.constant 0 : index
        %swap3A_557 = tpu.vector_load %arg22[%swap3A_555, %swap3A_556] {strides = array<i32>} : memref<128x16xf32, #tpu.memory_space<vmem>>, vector<16xf32>,
        tpu.vector_store %arg22[%swap3A_555, %swap3A_556], %gather3A_520 {strides = array<i32>} : memref<128x16xf32, #tpu.memory_space<vmem>>, vector<16xf32>,
        %mul3A_558 = arith.constant 4 : i32
        %mul3A_559 = arith.muli %scan3A_474, %mul3A_558 : i32
        %add3A_560 = arith.constant 2 : i32
        %add3A_561 = arith.addi %mul3A_559, %add3A_560 : i32
        %broadcast_in_dim3A_562 = vector.broadcast %add3A_561 : i32 to vector<16xi32>
        %gather3A_563 = tpu.vector_load_idx %arg16[%broadcast_in_dim3A_562] : memref<128xf32, #tpu.memory_space<vmem>>[vector<16xi32>], vector<16xf32>,
        %broadcast_in_dim3A_564 = arith.constant -65536 : i32
        %broadcast_in_dim3A_565 = vector.broadcast %broadcast_in_dim3A_564 : i32 to vector<16xi32>
        %get3A_566 = arith.index_cast %add3A_561 : i32 to index
        %get3A_567 = arith.constant 0 : index
        %get3A_568 = tpu.vector_load %arg18[%get3A_566, %get3A_567] {strides = array<i32>} : memref<128x64xbf16, #tpu.memory_space<vmem>>, vector<32xbf16>,
        %bitcast3A_569 = vector.bitcast %get3A_568 : vector<32xbf16> to vector<16xi32>
        %shift_left3A_570 = arith.constant 16 : i32
        %shift_left3A_571 = vector.broadcast %shift_left3A_570 : i32 to vector<16xi32>
        %shift_left3A_572 = arith.shli %bitcast3A_569, %shift_left3A_571 : vector<16xi32>
        %bitcast3A_573 = vector.bitcast %shift_left3A_572 : vector<16xi32> to vector<16xf32>
        %mul3A_574 = arith.mulf %bitcast3A_573, %gather3A_563 : vector<16xf32>
        %and3A_575 = arith.andi %bitcast3A_569, %broadcast_in_dim3A_565 : vector<16xi32>
        %bitcast3A_576 = vector.bitcast %and3A_575 : vector<16xi32> to vector<16xf32>
        %mul3A_577 = arith.mulf %bitcast3A_576, %gather3A_563 : vector<16xf32>
        %pack3A_578 = tpu.pack_subelements %mul3A_574, %mul3A_577 {pack_format = #tpu.pack_format<interleaved>, positions = array<i32: 0, 1>} : vector<16xf32>, vector<16xf32> -> vector<32xbf16>
        %swap3A_579 = arith.index_cast %add3A_561 : i32 to index
        %swap3A_580 = arith.constant 0 : index
        %swap3A_581 = tpu.vector_load %arg20[%swap3A_579, %swap3A_580] {strides = array<i32>} : memref<128x64xbf16, #tpu.memory_space<vmem>>, vector<32xbf16>,
        tpu.vector_store %arg20[%swap3A_579, %swap3A_580], %pack3A_578 {strides = array<i32>} : memref<128x64xbf16, #tpu.memory_space<vmem>>, vector<32xbf16>,
        %get3A_582 = arith.index_cast %add3A_561 : i32 to index
        %get3A_583 = arith.constant 32 : index
        %get3A_584 = tpu.vector_load %arg18[%get3A_582, %get3A_583] {strides = array<i32>} : memref<128x64xbf16, #tpu.memory_space<vmem>>, vector<32xbf16>,
        %bitcast3A_585 = vector.bitcast %get3A_584 : vector<32xbf16> to vector<16xi32>
        %shift_left3A_586 = arith.constant 16 : i32
        %shift_left3A_587 = vector.broadcast %shift_left3A_586 : i32 to vector<16xi32>
        %shift_left3A_588 = arith.shli %bitcast3A_585, %shift_left3A_587 : vector<16xi32>
        %bitcast3A_589 = vector.bitcast %shift_left3A_588 : vector<16xi32> to vector<16xf32>
        %mul3A_590 = arith.mulf %bitcast3A_589, %gather3A_563 : vector<16xf32>
        %and3A_591 = arith.andi %bitcast3A_585, %broadcast_in_dim3A_565 : vector<16xi32>
        %bitcast3A_592 = vector.bitcast %and3A_591 : vector<16xi32> to vector<16xf32>
        %mul3A_593 = arith.mulf %bitcast3A_592, %gather3A_563 : vector<16xf32>
        %pack3A_594 = tpu.pack_subelements %mul3A_590, %mul3A_593 {pack_format = #tpu.pack_format<interleaved>, positions = array<i32: 0, 1>} : vector<16xf32>, vector<16xf32> -> vector<32xbf16>
        %swap3A_595 = arith.index_cast %add3A_561 : i32 to index
        %swap3A_596 = arith.constant 32 : index
        %swap3A_597 = tpu.vector_load %arg20[%swap3A_595, %swap3A_596] {strides = array<i32>} : memref<128x64xbf16, #tpu.memory_space<vmem>>, vector<32xbf16>,
        tpu.vector_store %arg20[%swap3A_595, %swap3A_596], %pack3A_594 {strides = array<i32>} : memref<128x64xbf16, #tpu.memory_space<vmem>>, vector<32xbf16>,
        %swap3A_598 = arith.index_cast %add3A_561 : i32 to index
        %swap3A_599 = arith.constant 0 : index
        %swap3A_600 = tpu.vector_load %arg22[%swap3A_598, %swap3A_599] {strides = array<i32>} : memref<128x16xf32, #tpu.memory_space<vmem>>, vector<16xf32>,
        tpu.vector_store %arg22[%swap3A_598, %swap3A_599], %gather3A_563 {strides = array<i32>} : memref<128x16xf32, #tpu.memory_space<vmem>>, vector<16xf32>,
        %mul3A_601 = arith.constant 4 : i32
        %mul3A_602 = arith.muli %scan3A_474, %mul3A_601 : i32
        %add3A_603 = arith.constant 3 : i32
        %add3A_604 = arith.addi %mul3A_602, %add3A_603 : i32
        %broadcast_in_dim3A_605 = vector.broadcast %add3A_604 : i32 to vector<16xi32>
        %gather3A_606 = tpu.vector_load_idx %arg16[%broadcast_in_dim3A_605] : memref<128xf32, #tpu.memory_space<vmem>>[vector<16xi32>], vector<16xf32>,
        %broadcast_in_dim3A_607 = arith.constant -65536 : i32
        %broadcast_in_dim3A_608 = vector.broadcast %broadcast_in_dim3A_607 : i32 to vector<16xi32>
        %get3A_609 = arith.index_cast %add3A_604 : i32 to index
        %get3A_610 = arith.constant 0 : index
        %get3A_611 = tpu.vector_load %arg18[%get3A_609, %get3A_610] {strides = array<i32>} : memref<128x64xbf16, #tpu.memory_space<vmem>>, vector<32xbf16>,
        %bitcast3A_612 = vector.bitcast %get3A_611 : vector<32xbf16> to vector<16xi32>
        %shift_left3A_613 = arith.constant 16 : i32
        %shift_left3A_614 = vector.broadcast %shift_left3A_613 : i32 to vector<16xi32>
        %shift_left3A_615 = arith.shli %bitcast3A_612, %shift_left3A_614 : vector<16xi32>
        %bitcast3A_616 = vector.bitcast %shift_left3A_615 : vector<16xi32> to vector<16xf32>
        %mul3A_617 = arith.mulf %bitcast3A_616, %gather3A_606 : vector<16xf32>
        %and3A_618 = arith.andi %bitcast3A_612, %broadcast_in_dim3A_608 : vector<16xi32>
        %bitcast3A_619 = vector.bitcast %and3A_618 : vector<16xi32> to vector<16xf32>
        %mul3A_620 = arith.mulf %bitcast3A_619, %gather3A_606 : vector<16xf32>
        %pack3A_621 = tpu.pack_subelements %mul3A_617, %mul3A_620 {pack_format = #tpu.pack_format<interleaved>, positions = array<i32: 0, 1>} : vector<16xf32>, vector<16xf32> -> vector<32xbf16>
        %swap3A_622 = arith.index_cast %add3A_604 : i32 to index
        %swap3A_623 = arith.constant 0 : index
        %swap3A_624 = tpu.vector_load %arg20[%swap3A_622, %swap3A_623] {strides = array<i32>} : memref<128x64xbf16, #tpu.memory_space<vmem>>, vector<32xbf16>,
        tpu.vector_store %arg20[%swap3A_622, %swap3A_623], %pack3A_621 {strides = array<i32>} : memref<128x64xbf16, #tpu.memory_space<vmem>>, vector<32xbf16>,
        %get3A_625 = arith.index_cast %add3A_604 : i32 to index
        %get3A_626 = arith.constant 32 : index
        %get3A_627 = tpu.vector_load %arg18[%get3A_625, %get3A_626] {strides = array<i32>} : memref<128x64xbf16, #tpu.memory_space<vmem>>, vector<32xbf16>,
        %bitcast3A_628 = vector.bitcast %get3A_627 : vector<32xbf16> to vector<16xi32>
        %shift_left3A_629 = arith.constant 16 : i32
        %shift_left3A_630 = vector.broadcast %shift_left3A_629 : i32 to vector<16xi32>
        %shift_left3A_631 = arith.shli %bitcast3A_628, %shift_left3A_630 : vector<16xi32>
        %bitcast3A_632 = vector.bitcast %shift_left3A_631 : vector<16xi32> to vector<16xf32>
        %mul3A_633 = arith.mulf %bitcast3A_632, %gather3A_606 : vector<16xf32>
        %and3A_634 = arith.andi %bitcast3A_628, %broadcast_in_dim3A_608 : vector<16xi32>
        %bitcast3A_635 = vector.bitcast %and3A_634 : vector<16xi32> to vector<16xf32>
        %mul3A_636 = arith.mulf %bitcast3A_635, %gather3A_606 : vector<16xf32>
        %pack3A_637 = tpu.pack_subelements %mul3A_633, %mul3A_636 {pack_format = #tpu.pack_format<interleaved>, positions = array<i32: 0, 1>} : vector<16xf32>, vector<16xf32> -> vector<32xbf16>
        %swap3A_638 = arith.index_cast %add3A_604 : i32 to index
        %swap3A_639 = arith.constant 32 : index
        %swap3A_640 = tpu.vector_load %arg20[%swap3A_638, %swap3A_639] {strides = array<i32>} : memref<128x64xbf16, #tpu.memory_space<vmem>>, vector<32xbf16>,
        tpu.vector_store %arg20[%swap3A_638, %swap3A_639], %pack3A_637 {strides = array<i32>} : memref<128x64xbf16, #tpu.memory_space<vmem>>, vector<32xbf16>,
        %swap3A_641 = arith.index_cast %add3A_604 : i32 to index
        %swap3A_642 = arith.constant 0 : index
        %swap3A_643 = tpu.vector_load %arg22[%swap3A_641, %swap3A_642] {strides = array<i32>} : memref<128x16xf32, #tpu.memory_space<vmem>>, vector<16xf32>,
        tpu.vector_store %arg22[%swap3A_641, %swap3A_642], %gather3A_606 {strides = array<i32>} : memref<128x16xf32, #tpu.memory_space<vmem>>, vector<16xf32>,
        %scan3A_644 = arith.constant 0 : i32
        scf.yield %scan3A_644 : i32
      }
      %scan3A_460 = arith.constant 32 : i32
      %dma_start3A_461 = arith.constant 0 : i32
      %dma_start3A_462 = tpu.memref_slice %arg14[%add3A_274, %dma_start3A_461] : memref<40x128xi32, #tpu.memory_space<vmem>> -> memref<1x128xi32, #tpu.memory_space<vmem>>
      %dma_start3A_463 = tpu.memref_squeeze %dma_start3A_462 : memref<1x128xi32, #tpu.memory_space<vmem>> -> memref<128xi32, #tpu.memory_space<vmem>>
      %dma_start3A_464 = arith.constant 0 : i32
      %dma_start3A_465 = arith.constant 0 : i32
      %dma_start3A_466 = tpu.memref_slice %arg25[%dma_start3A_464, %dma_start3A_465] : memref<10048x64xbf16, #tpu.memory_space<vmem_shared>> -> memref<10048x64xbf16, #tpu.memory_space<vmem_shared>>
      tpu.enqueue_indirect_dma source(%arg20 : memref<128x64xbf16, #tpu.memory_space<vmem>>) target(%dma_start3A_466 : memref<10048x64xbf16, #tpu.memory_space<vmem_shared>>) offsets(%dma_start3A_463 : memref<128xi32, #tpu.memory_space<vmem>>) semaphore(%arg30 : memref<!tpu.dma_semaphore, #tpu.memory_space<semaphore_mem>>) {add = true}
      %dma_start3A_467 = arith.constant 0 : i32
      %dma_start3A_468 = tpu.memref_slice %arg14[%add3A_274, %dma_start3A_467] : memref<40x128xi32, #tpu.memory_space<vmem>> -> memref<1x128xi32, #tpu.memory_space<vmem>>
      %dma_start3A_469 = tpu.memref_squeeze %dma_start3A_468 : memref<1x128xi32, #tpu.memory_space<vmem>> -> memref<128xi32, #tpu.memory_space<vmem>>
      %dma_start3A_470 = arith.constant 0 : i32
      %dma_start3A_471 = arith.constant 0 : i32
      %dma_start3A_472 = tpu.memref_slice %arg26[%dma_start3A_470, %dma_start3A_471] : memref<10048x16xf32, #tpu.memory_space<vmem_shared>> -> memref<10048x16xf32, #tpu.memory_space<vmem_shared>>
      tpu.enqueue_indirect_dma source(%arg22 : memref<128x16xf32, #tpu.memory_space<vmem>>) target(%dma_start3A_472 : memref<10048x16xf32, #tpu.memory_space<vmem_shared>>) offsets(%dma_start3A_469 : memref<128xi32, #tpu.memory_space<vmem>>) semaphore(%arg30 : memref<!tpu.dma_semaphore, #tpu.memory_space<semaphore_mem>>) {add = true}
      %scan3A_473 = arith.constant 0 : i32
      scf.yield %scan3A_473 : i32
    }
    %scan3A_38 = arith.constant 20 : i32
    %dma_wait3A = arith.constant 0 : i32
    %dma_wait3A_39 = arith.constant 0 : i32
    %dma_wait3A_40 = tpu.memref_slice %arg14[%dma_wait3A, %dma_wait3A_39] : memref<40x128xi32, #tpu.memory_space<vmem>> -> memref<1x128xi32, #tpu.memory_space<vmem>>
    %dma_wait3A_41 = tpu.memref_squeeze %dma_wait3A_40 : memref<1x128xi32, #tpu.memory_space<vmem>> -> memref<128xi32, #tpu.memory_space<vmem>>
    %dma_wait3A_42 = arith.constant 0 : i32
    %dma_wait3A_43 = arith.constant 0 : i32
    %dma_wait3A_44 = tpu.memref_slice %arg25[%dma_wait3A_42, %dma_wait3A_43] : memref<10048x64xbf16, #tpu.memory_space<vmem_shared>> -> memref<10048x64xbf16, #tpu.memory_space<vmem_shared>>
    tpu.wait_indirect_dma semaphore(%arg29 : memref<!tpu.dma_semaphore, #tpu.memory_space<semaphore_mem>>) src(%arg19 : memref<128x64xbf16, #tpu.memory_space<vmem>>) dst(%dma_wait3A_44 : memref<10048x64xbf16, #tpu.memory_space<vmem_shared>>)
    %dma_wait3A_45 = arith.constant 0 : i32
    %dma_wait3A_46 = arith.constant 0 : i32
    %dma_wait3A_47 = tpu.memref_slice %arg14[%dma_wait3A_45, %dma_wait3A_46] : memref<40x128xi32, #tpu.memory_space<vmem>> -> memref<1x128xi32, #tpu.memory_space<vmem>>
    %dma_wait3A_48 = tpu.memref_squeeze %dma_wait3A_47 : memref<1x128xi32, #tpu.memory_space<vmem>> -> memref<128xi32, #tpu.memory_space<vmem>>
    %dma_wait3A_49 = arith.constant 0 : i32
    %dma_wait3A_50 = arith.constant 0 : i32
    %dma_wait3A_51 = tpu.memref_slice %arg26[%dma_wait3A_49, %dma_wait3A_50] : memref<10048x16xf32, #tpu.memory_space<vmem_shared>> -> memref<10048x16xf32, #tpu.memory_space<vmem_shared>>
    tpu.wait_indirect_dma semaphore(%arg29 : memref<!tpu.dma_semaphore, #tpu.memory_space<semaphore_mem>>) src(%arg21 : memref<128x16xf32, #tpu.memory_space<vmem>>) dst(%dma_wait3A_51 : memref<10048x16xf32, #tpu.memory_space<vmem_shared>>)
    %dma_wait3A_52 = arith.constant 0 : i32
    %dma_wait3A_53 = arith.constant 0 : i32
    %dma_wait3A_54 = tpu.memref_slice %arg14[%dma_wait3A_52, %dma_wait3A_53] : memref<40x128xi32, #tpu.memory_space<vmem>> -> memref<1x128xi32, #tpu.memory_space<vmem>>
    %dma_wait3A_55 = tpu.memref_squeeze %dma_wait3A_54 : memref<1x128xi32, #tpu.memory_space<vmem>> -> memref<128xi32, #tpu.memory_space<vmem>>
    %dma_wait3A_56 = arith.constant 0 : i32
    %dma_wait3A_57 = arith.constant 0 : i32
    %dma_wait3A_58 = tpu.memref_slice %arg25[%dma_wait3A_56, %dma_wait3A_57] : memref<10048x64xbf16, #tpu.memory_space<vmem_shared>> -> memref<10048x64xbf16, #tpu.memory_space<vmem_shared>>
    tpu.wait_indirect_dma semaphore(%arg30 : memref<!tpu.dma_semaphore, #tpu.memory_space<semaphore_mem>>) src(%arg20 : memref<128x64xbf16, #tpu.memory_space<vmem>>) dst(%dma_wait3A_58 : memref<10048x64xbf16, #tpu.memory_space<vmem_shared>>)
    %dma_wait3A_59 = arith.constant 0 : i32
    %dma_wait3A_60 = arith.constant 0 : i32
    %dma_wait3A_61 = tpu.memref_slice %arg14[%dma_wait3A_59, %dma_wait3A_60] : memref<40x128xi32, #tpu.memory_space<vmem>> -> memref<1x128xi32, #tpu.memory_space<vmem>>
    %dma_wait3A_62 = tpu.memref_squeeze %dma_wait3A_61 : memref<1x128xi32, #tpu.memory_space<vmem>> -> memref<128xi32, #tpu.memory_space<vmem>>
    %dma_wait3A_63 = arith.constant 0 : i32
    %dma_wait3A_64 = arith.constant 0 : i32
    %dma_wait3A_65 = tpu.memref_slice %arg26[%dma_wait3A_63, %dma_wait3A_64] : memref<10048x16xf32, #tpu.memory_space<vmem_shared>> -> memref<10048x16xf32, #tpu.memory_space<vmem_shared>>
    tpu.wait_indirect_dma semaphore(%arg30 : memref<!tpu.dma_semaphore, #tpu.memory_space<semaphore_mem>>) src(%arg22 : memref<128x16xf32, #tpu.memory_space<vmem>>) dst(%dma_wait3A_65 : memref<10048x16xf32, #tpu.memory_space<vmem_shared>>)
    %barrier3A_66 = arith.constant 0 : index
    tpu.barrier barrier_id(%barrier3A_66)
    %eq3A = arith.constant 0 : i32
    %eq3A_67 = arith.cmpi eq, %arg0, %eq3A : i32
    %convert_element_type3A = arith.extui %eq3A_67 : i1 to i32
    %cond3A = arith.constant 0 : i32
    %cond3A_68 = arith.cmpi ne, %convert_element_type3A, %cond3A : i32
    scf.if %cond3A_68 {
      %mul3A_74 = arith.constant 628 : i32
      %mul3A_75 = arith.muli %arg1, %mul3A_74 : i32
      %mul3A_76 = arith.constant 628 : i32
      %mul3A_77 = arith.muli %arg1, %mul3A_76 : i32
      "tpu.region"() ({
        %run_scoped3A_82 = tpu.sem_alloc : memref<!tpu.dma_semaphore, #tpu.memory_space<semaphore_mem>>
        %dma_start3A_83 = arith.constant 0 : i32
        %dma_start3A_84 = tpu.memref_slice %arg7[%mul3A_77, %dma_start3A_83] : memref<10240x64xbf16, #tpu.memory_space<hbm>> -> memref<628x64xbf16, #tpu.memory_space<hbm>>
        %dma_start3A_85 = arith.constant 0 : i32
        %dma_start3A_86 = tpu.memref_slice %arg25[%mul3A_75, %dma_start3A_85] : memref<10048x64xbf16, #tpu.memory_space<vmem_shared>> -> memref<628x64xbf16, #tpu.memory_space<vmem_shared>>
        tpu.enqueue_dma source(%dma_start3A_86 : memref<628x64xbf16, #tpu.memory_space<vmem_shared>>) target(%dma_start3A_84 : memref<628x64xbf16, #tpu.memory_space<hbm>>) target_semaphore(%run_scoped3A_82 : memref<!tpu.dma_semaphore, #tpu.memory_space<semaphore_mem>>)
        %dma_wait3A_87 = arith.constant 0 : i32
        %dma_wait3A_88 = tpu.memref_slice %arg7[%mul3A_77, %dma_wait3A_87] : memref<10240x64xbf16, #tpu.memory_space<hbm>> -> memref<628x64xbf16, #tpu.memory_space<hbm>>
        %dma_wait3A_89 = arith.constant 0 : i32
        %dma_wait3A_90 = tpu.memref_slice %arg25[%mul3A_75, %dma_wait3A_89] : memref<10048x64xbf16, #tpu.memory_space<vmem_shared>> -> memref<628x64xbf16, #tpu.memory_space<vmem_shared>>
        tpu.wait_dma2 semaphore(%run_scoped3A_82 : memref<!tpu.dma_semaphore, #tpu.memory_space<semaphore_mem>>) src(%dma_wait3A_90 : memref<628x64xbf16, #tpu.memory_space<vmem_shared>>) dst(%dma_wait3A_88 : memref<628x64xbf16, #tpu.memory_space<hbm>>)
        tpu.yield
      }) : () -> ()
      %mul3A_78 = arith.constant 628 : i32
      %mul3A_79 = arith.muli %arg1, %mul3A_78 : i32
      %mul3A_80 = arith.constant 628 : i32
      %mul3A_81 = arith.muli %arg1, %mul3A_80 : i32
      "tpu.region"() ({
        %run_scoped3A_82 = tpu.sem_alloc : memref<!tpu.dma_semaphore, #tpu.memory_space<semaphore_mem>>
        %dma_start3A_83 = arith.constant 0 : i32
        %dma_start3A_84 = tpu.memref_slice %arg9[%mul3A_81, %dma_start3A_83] : memref<10240x16xf32, #tpu.memory_space<hbm>> -> memref<628x16xf32, #tpu.memory_space<hbm>>
        %dma_start3A_85 = arith.constant 0 : i32
        %dma_start3A_86 = tpu.memref_slice %arg26[%mul3A_79, %dma_start3A_85] : memref<10048x16xf32, #tpu.memory_space<vmem_shared>> -> memref<628x16xf32, #tpu.memory_space<vmem_shared>>
        tpu.enqueue_dma source(%dma_start3A_86 : memref<628x16xf32, #tpu.memory_space<vmem_shared>>) target(%dma_start3A_84 : memref<628x16xf32, #tpu.memory_space<hbm>>) target_semaphore(%run_scoped3A_82 : memref<!tpu.dma_semaphore, #tpu.memory_space<semaphore_mem>>)
        %dma_wait3A_87 = arith.constant 0 : i32
        %dma_wait3A_88 = tpu.memref_slice %arg9[%mul3A_81, %dma_wait3A_87] : memref<10240x16xf32, #tpu.memory_space<hbm>> -> memref<628x16xf32, #tpu.memory_space<hbm>>
        %dma_wait3A_89 = arith.constant 0 : i32
        %dma_wait3A_90 = tpu.memref_slice %arg26[%mul3A_79, %dma_wait3A_89] : memref<10048x16xf32, #tpu.memory_space<vmem_shared>> -> memref<628x16xf32, #tpu.memory_space<vmem_shared>>
        tpu.wait_dma2 semaphore(%run_scoped3A_82 : memref<!tpu.dma_semaphore, #tpu.memory_space<semaphore_mem>>) src(%dma_wait3A_90 : memref<628x16xf32, #tpu.memory_space<vmem_shared>>) dst(%dma_wait3A_88 : memref<628x16xf32, #tpu.memory_space<hbm>>)
        tpu.yield
      }) : () -> ()
    } else {
    }
    %eq3A_69 = arith.constant 1 : i32
    %eq3A_70 = arith.cmpi eq, %arg0, %eq3A_69 : i32
    %convert_element_type3A_71 = arith.extui %eq3A_70 : i1 to i32
    %cond3A_72 = arith.constant 0 : i32
    %cond3A_73 = arith.cmpi ne, %convert_element_type3A_71, %cond3A_72 : i32
    scf.if %cond3A_73 {
      %mul3A_74 = arith.constant 628 : i32
      %mul3A_75 = arith.muli %arg1, %mul3A_74 : i32
      %mul3A_76 = arith.constant 628 : i32
      %mul3A_77 = arith.muli %arg1, %mul3A_76 : i32
      "tpu.region"() ({
        %run_scoped3A_82 = tpu.sem_alloc : memref<!tpu.dma_semaphore, #tpu.memory_space<semaphore_mem>>
        %dma_start3A_83 = arith.constant 0 : i32
        %dma_start3A_84 = tpu.memref_slice %arg8[%mul3A_77, %dma_start3A_83] : memref<10240x64xbf16, #tpu.memory_space<hbm>> -> memref<628x64xbf16, #tpu.memory_space<hbm>>
        %dma_start3A_85 = arith.constant 0 : i32
        %dma_start3A_86 = tpu.memref_slice %arg25[%mul3A_75, %dma_start3A_85] : memref<10048x64xbf16, #tpu.memory_space<vmem_shared>> -> memref<628x64xbf16, #tpu.memory_space<vmem_shared>>
        tpu.enqueue_dma source(%dma_start3A_86 : memref<628x64xbf16, #tpu.memory_space<vmem_shared>>) target(%dma_start3A_84 : memref<628x64xbf16, #tpu.memory_space<hbm>>) target_semaphore(%run_scoped3A_82 : memref<!tpu.dma_semaphore, #tpu.memory_space<semaphore_mem>>)
        %dma_wait3A_87 = arith.constant 0 : i32
        %dma_wait3A_88 = tpu.memref_slice %arg8[%mul3A_77, %dma_wait3A_87] : memref<10240x64xbf16, #tpu.memory_space<hbm>> -> memref<628x64xbf16, #tpu.memory_space<hbm>>
        %dma_wait3A_89 = arith.constant 0 : i32
        %dma_wait3A_90 = tpu.memref_slice %arg25[%mul3A_75, %dma_wait3A_89] : memref<10048x64xbf16, #tpu.memory_space<vmem_shared>> -> memref<628x64xbf16, #tpu.memory_space<vmem_shared>>
        tpu.wait_dma2 semaphore(%run_scoped3A_82 : memref<!tpu.dma_semaphore, #tpu.memory_space<semaphore_mem>>) src(%dma_wait3A_90 : memref<628x64xbf16, #tpu.memory_space<vmem_shared>>) dst(%dma_wait3A_88 : memref<628x64xbf16, #tpu.memory_space<hbm>>)
        tpu.yield
      }) : () -> ()
      %mul3A_78 = arith.constant 628 : i32
      %mul3A_79 = arith.muli %arg1, %mul3A_78 : i32
      %mul3A_80 = arith.constant 628 : i32
      %mul3A_81 = arith.muli %arg1, %mul3A_80 : i32
      "tpu.region"() ({
        %run_scoped3A_82 = tpu.sem_alloc : memref<!tpu.dma_semaphore, #tpu.memory_space<semaphore_mem>>
        %dma_start3A_83 = arith.constant 0 : i32
        %dma_start3A_84 = tpu.memref_slice %arg10[%mul3A_81, %dma_start3A_83] : memref<10240x16xf32, #tpu.memory_space<hbm>> -> memref<628x16xf32, #tpu.memory_space<hbm>>
        %dma_start3A_85 = arith.constant 0 : i32
        %dma_start3A_86 = tpu.memref_slice %arg26[%mul3A_79, %dma_start3A_85] : memref<10048x16xf32, #tpu.memory_space<vmem_shared>> -> memref<628x16xf32, #tpu.memory_space<vmem_shared>>
        tpu.enqueue_dma source(%dma_start3A_86 : memref<628x16xf32, #tpu.memory_space<vmem_shared>>) target(%dma_start3A_84 : memref<628x16xf32, #tpu.memory_space<hbm>>) target_semaphore(%run_scoped3A_82 : memref<!tpu.dma_semaphore, #tpu.memory_space<semaphore_mem>>)
        %dma_wait3A_87 = arith.constant 0 : i32
        %dma_wait3A_88 = tpu.memref_slice %arg10[%mul3A_81, %dma_wait3A_87] : memref<10240x16xf32, #tpu.memory_space<hbm>> -> memref<628x16xf32, #tpu.memory_space<hbm>>
        %dma_wait3A_89 = arith.constant 0 : i32
        %dma_wait3A_90 = tpu.memref_slice %arg26[%mul3A_79, %dma_wait3A_89] : memref<10048x16xf32, #tpu.memory_space<vmem_shared>> -> memref<628x16xf32, #tpu.memory_space<vmem_shared>>
        tpu.wait_dma2 semaphore(%run_scoped3A_82 : memref<!tpu.dma_semaphore, #tpu.memory_space<semaphore_mem>>) src(%dma_wait3A_90 : memref<628x16xf32, #tpu.memory_space<vmem_shared>>) dst(%dma_wait3A_88 : memref<628x16xf32, #tpu.memory_space<hbm>>)
        tpu.yield
      }) : () -> ()
    } else {
    }
    return
  }
}

module attributes {stable_mosaic.version = 14 : i64} {
  func.func @_tc_pre_body(%arg0: i32, %arg1: memref<512x128xf32, #tpu.memory_space<vmem>>, %arg2: memref<128x128xf32, #tpu.memory_space<vmem>>, %arg3: memref<2x128xf32, #tpu.memory_space<vmem>>, %arg4: memref<512x128xbf16, #tpu.memory_space<vmem>>, %arg5: memref<2x512xf32, #tpu.memory_space<vmem>>, %arg6: memref<2x1xf32, #tpu.memory_space<vmem>>) attributes {dimension_semantics = [#tpu.dimension_semantics<arbitrary>], iteration_bounds = array<i64: 20>, scalar_prefetch = 0 : i64, scratch_operands = 0 : i64, tpu.core_type = #tpu.core_type<tc>, window_params = [{transform_indices = @transform_0, window_bounds = array<i64: 512, 128>}, {pipeline_mode = #tpu.pipeline_mode<synchronous>, transform_indices = @transform_1, window_bounds = array<i64: 128, 128>}, {pipeline_mode = #tpu.pipeline_mode<synchronous>, transform_indices = @transform_2, window_bounds = array<i64: 2, 128>}, {transform_indices = @transform_3, window_bounds = array<i64: 512, 128>}, {transform_indices = @transform_4, window_bounds = array<i64: 2, 512>}, {pipeline_mode = #tpu.pipeline_mode<synchronous>, transform_indices = @transform_5, window_bounds = array<i64: 2, 1>}]} {
    %get3A = arith.constant 0 : index
    %get3A_0 = arith.constant 0 : index
    %get3A_1 = vector.load %arg1[%get3A, %get3A_0] : memref<512x128xf32, #tpu.memory_space<vmem>>, vector<512x128xf32>
    %get3A_2 = arith.constant 0 : index
    %get3A_3 = arith.constant 0 : index
    %get3A_4 = vector.load %arg2[%get3A_2, %get3A_3] : memref<128x128xf32, #tpu.memory_space<vmem>>, vector<128x128xf32>
    %dot_general3A = arith.constant dense<0.000000e+00> : vector<512x128xf32>
    %dot_general3A_5 = tpu.matmul %get3A_1, %get3A_4, %dot_general3A {dimension_numbers = #tpu.dot_dimension_numbers<[1], [1], [0], [0], [0, 0, 1, 0], [], []>, transpose_lhs_hint = false} : vector<512x128xf32>, vector<128x128xf32>, vector<512x128xf32> -> vector<512x128xf32>
    %convert_element_type3A = arith.truncf %dot_general3A_5 : vector<512x128xf32> to vector<512x128xbf16>
    %swap3A = arith.constant 0 : index
    %swap3A_6 = arith.constant 0 : index
    %swap3A_7 = vector.load %arg4[%swap3A, %swap3A_6] : memref<512x128xbf16, #tpu.memory_space<vmem>>, vector<512x128xbf16>
    tpu.vector_store %arg4[%swap3A, %swap3A_6], %convert_element_type3A {strides = array<i32>} : memref<512x128xbf16, #tpu.memory_space<vmem>>, vector<512x128xbf16>,
    %get3A_8 = arith.constant 0 : index
    %get3A_9 = arith.constant 0 : index
    %get3A_10 = vector.load %arg3[%get3A_8, %get3A_9] : memref<2x128xf32, #tpu.memory_space<vmem>>, vector<2x128xf32>
    %dot_general3A_11 = arith.constant dense<0.000000e+00> : vector<2x512xf32>
    %dot_general3A_12 = tpu.matmul %get3A_10, %dot_general3A_5, %dot_general3A_11 {dimension_numbers = #tpu.dot_dimension_numbers<[1], [1], [0], [0], [0, 0, 1, 0], [], []>, transpose_lhs_hint = false} : vector<2x128xf32>, vector<512x128xf32>, vector<2x512xf32> -> vector<2x512xf32>
    %swap3A_13 = arith.constant 0 : index
    %swap3A_14 = arith.constant 0 : index
    %swap3A_15 = vector.load %arg5[%swap3A_13, %swap3A_14] : memref<2x512xf32, #tpu.memory_space<vmem>>, vector<2x512xf32>
    tpu.vector_store %arg5[%swap3A_13, %swap3A_14], %dot_general3A_12 {strides = array<i32>} : memref<2x512xf32, #tpu.memory_space<vmem>>, vector<2x512xf32>,
    %reduce_max3A = arith.constant dense<0xFF800000> : vector<2xf32>
    %reduce_max3A_16 = vector.multi_reduction <maximumf>, %dot_general3A_12, %reduce_max3A [1] : vector<2x512xf32> to vector<2xf32>
    %broadcast_in_dim3A = vector.shape_cast %reduce_max3A_16 : vector<2xf32> to vector<2x1xf32>
    %eq3A = arith.constant 0 : i32
    %eq3A_17 = arith.cmpi eq, %arg0, %eq3A : i32
    %convert_element_type3A_18 = arith.extui %eq3A_17 : i1 to i32
    %cond3A = arith.constant 0 : i32
    %cond3A_19 = arith.cmpi ne, %convert_element_type3A_18, %cond3A : i32
    scf.if %cond3A_19 {
      %swap3A_24 = arith.constant 0 : index
      %swap3A_25 = arith.constant 0 : index
      %swap3A_26 = vector.load %arg6[%swap3A_24, %swap3A_25] : memref<2x1xf32, #tpu.memory_space<vmem>>, vector<2x1xf32>
      tpu.vector_store %arg6[%swap3A_24, %swap3A_25], %broadcast_in_dim3A {strides = array<i32>} : memref<2x1xf32, #tpu.memory_space<vmem>>, vector<2x1xf32>,
    } else {
    }
    %gt3A = arith.constant 0 : i32
    %gt3A_20 = arith.cmpi sgt, %arg0, %gt3A : i32
    %convert_element_type3A_21 = arith.extui %gt3A_20 : i1 to i32
    %cond3A_22 = arith.constant 0 : i32
    %cond3A_23 = arith.cmpi ne, %convert_element_type3A_21, %cond3A_22 : i32
    scf.if %cond3A_23 {
      %get3A_24 = arith.constant 0 : index
      %get3A_25 = arith.constant 0 : index
      %get3A_26 = vector.load %arg6[%get3A_24, %get3A_25] : memref<2x1xf32, #tpu.memory_space<vmem>>, vector<2x1xf32>
      %max3A = arith.maximumf %get3A_26, %broadcast_in_dim3A : vector<2x1xf32>
      %swap3A_27 = arith.constant 0 : index
      %swap3A_28 = arith.constant 0 : index
      %swap3A_29 = vector.load %arg6[%swap3A_27, %swap3A_28] : memref<2x1xf32, #tpu.memory_space<vmem>>, vector<2x1xf32>
      tpu.vector_store %arg6[%swap3A_27, %swap3A_28], %max3A {strides = array<i32>} : memref<2x1xf32, #tpu.memory_space<vmem>>, vector<2x1xf32>,
    } else {
    }
    return
  }
  func.func @transform_0(%arg0: i32) -> (i32, i32) {
    %c0_i32 = arith.constant 0 : i32
    %c0_i32_0 = arith.constant 0 : i32
    return %arg0, %c0_i32 : i32, i32
  }
  func.func @transform_1(%arg0: i32) -> (i32, i32) {
    %c0_i32 = arith.constant 0 : i32
    %c0_i32_0 = arith.constant 0 : i32
    %c0_i32_1 = arith.constant 0 : i32
    return %c0_i32, %c0_i32_0 : i32, i32
  }
  func.func @transform_2(%arg0: i32) -> (i32, i32) {
    %c0_i32 = arith.constant 0 : i32
    %c0_i32_0 = arith.constant 0 : i32
    %c0_i32_1 = arith.constant 0 : i32
    return %c0_i32, %c0_i32_0 : i32, i32
  }
  func.func @transform_3(%arg0: i32) -> (i32, i32) {
    %c0_i32 = arith.constant 0 : i32
    %c0_i32_0 = arith.constant 0 : i32
    return %arg0, %c0_i32 : i32, i32
  }
  func.func @transform_4(%arg0: i32) -> (i32, i32) {
    %c0_i32 = arith.constant 0 : i32
    %c0_i32_0 = arith.constant 0 : i32
    return %c0_i32, %arg0 : i32, i32
  }
  func.func @transform_5(%arg0: i32) -> (i32, i32) {
    %c0_i32 = arith.constant 0 : i32
    %c0_i32_0 = arith.constant 0 : i32
    %c0_i32_1 = arith.constant 0 : i32
    return %c0_i32, %c0_i32_0 : i32, i32
  }
}

module attributes {stable_mosaic.version = 14 : i64} {
  func.func @_tc_mid_body(%arg0: i32, %arg1: memref<512x128xbf16, #tpu.memory_space<vmem>>, %arg2: memref<512x128xbf16, #tpu.memory_space<vmem>>, %arg3: memref<512x16xf32, #tpu.memory_space<vmem>>, %arg4: memref<512x16xf32, #tpu.memory_space<vmem>>, %arg5: memref<1x128xf32, #tpu.memory_space<vmem>>, %arg6: memref<64x128xf32, #tpu.memory_space<vmem>>, %arg7: memref<2x64xf32, #tpu.memory_space<vmem>>, %arg8: memref<512x64xbf16, #tpu.memory_space<vmem>>, %arg9: memref<2x512xf32, #tpu.memory_space<vmem>>, %arg10: memref<2x1xf32, #tpu.memory_space<vmem>>) attributes {dimension_semantics = [#tpu.dimension_semantics<arbitrary>], iteration_bounds = array<i64: 20>, scalar_prefetch = 0 : i64, scratch_operands = 0 : i64, tpu.core_type = #tpu.core_type<tc>, window_params = [{transform_indices = @transform_0, window_bounds = array<i64: 512, 128>}, {transform_indices = @transform_1, window_bounds = array<i64: 512, 128>}, {transform_indices = @transform_2, window_bounds = array<i64: 512, 16>}, {transform_indices = @transform_3, window_bounds = array<i64: 512, 16>}, {pipeline_mode = #tpu.pipeline_mode<synchronous>, transform_indices = @transform_4, window_bounds = array<i64: 1, 128>}, {pipeline_mode = #tpu.pipeline_mode<synchronous>, transform_indices = @transform_5, window_bounds = array<i64: 64, 128>}, {pipeline_mode = #tpu.pipeline_mode<synchronous>, transform_indices = @transform_6, window_bounds = array<i64: 2, 64>}, {transform_indices = @transform_7, window_bounds = array<i64: 512, 64>}, {transform_indices = @transform_8, window_bounds = array<i64: 2, 512>}, {pipeline_mode = #tpu.pipeline_mode<synchronous>, transform_indices = @transform_9, window_bounds = array<i64: 2, 1>}]} {
    %get3A = arith.constant 0 : index
    %get3A_0 = arith.constant 0 : index
    %get3A_1 = vector.load %arg1[%get3A, %get3A_0] : memref<512x128xbf16, #tpu.memory_space<vmem>>, vector<512x128xbf16>
    %convert_element_type3A = arith.extf %get3A_1 : vector<512x128xbf16> to vector<512x128xf32>
    %get3A_2 = arith.constant 0 : index
    %get3A_3 = arith.constant 0 : index
    %get3A_4 = vector.load %arg2[%get3A_2, %get3A_3] : memref<512x128xbf16, #tpu.memory_space<vmem>>, vector<512x128xbf16>
    %convert_element_type3A_5 = arith.extf %get3A_4 : vector<512x128xbf16> to vector<512x128xf32>
    %add3A = arith.addf %convert_element_type3A, %convert_element_type3A_5 : vector<512x128xf32>
    %get3A_6 = arith.constant 0 : index
    %get3A_7 = arith.constant 0 : index
    %get3A_8 = vector.load %arg3[%get3A_6, %get3A_7] : memref<512x16xf32, #tpu.memory_space<vmem>>, vector<512x1xf32>
    %get3A_9 = arith.constant 0 : index
    %get3A_10 = arith.constant 0 : index
    %get3A_11 = vector.load %arg4[%get3A_9, %get3A_10] : memref<512x16xf32, #tpu.memory_space<vmem>>, vector<512x1xf32>
    %add3A_12 = arith.addf %get3A_8, %get3A_11 : vector<512x1xf32>
    %max3A = arith.constant 9.99999971E-10 : f32
    %max3A_13 = vector.broadcast %max3A : f32 to vector<512x1xf32>
    %max3A_14 = arith.maximumf %add3A_12, %max3A_13 : vector<512x1xf32>
    %div3A = vector.broadcast %max3A_14 : vector<512x1xf32> to vector<512x128xf32>
    %div3A_15 = arith.divf %add3A, %div3A : vector<512x128xf32>
    %get3A_16 = arith.constant 0 : index
    %get3A_17 = arith.constant 0 : index
    %get3A_18 = vector.load %arg5[%get3A_16, %get3A_17] : memref<1x128xf32, #tpu.memory_space<vmem>>, vector<1x128xf32>
    %add3A_19 = vector.broadcast %get3A_18 : vector<1x128xf32> to vector<512x128xf32>
    %add3A_20 = arith.addf %div3A_15, %add3A_19 : vector<512x128xf32>
    %gt3A = arith.constant 0.000000e+00 : f32
    %gt3A_21 = vector.broadcast %gt3A : f32 to vector<512x128xf32>
    %gt3A_22 = arith.cmpf ogt, %add3A_20, %gt3A_21 : vector<512x128xf32>
    %min3A = arith.constant 0.000000e+00 : f32
    %min3A_23 = vector.broadcast %min3A : f32 to vector<512x128xf32>
    %min3A_24 = arith.minimumf %add3A_20, %min3A_23 : vector<512x128xf32>
    %exp3A = math.exp %min3A_24 : vector<512x128xf32>
    %sub3A = arith.constant 1.000000e+00 : f32
    %sub3A_25 = vector.broadcast %sub3A : f32 to vector<512x128xf32>
    %sub3A_26 = arith.subf %exp3A, %sub3A_25 : vector<512x128xf32>
    %select_n3A = arith.select %gt3A_22, %add3A_20, %sub3A_26 : vector<512x128xi1>, vector<512x128xf32>
    %gt3A_27 = arith.constant 0.000000e+00 : f32
    %gt3A_28 = vector.broadcast %gt3A_27 : f32 to vector<512x128xf32>
    %gt3A_29 = arith.cmpf ogt, %select_n3A, %gt3A_28 : vector<512x128xf32>
    %min3A_30 = arith.constant 0.000000e+00 : f32
    %min3A_31 = vector.broadcast %min3A_30 : f32 to vector<512x128xf32>
    %min3A_32 = arith.minimumf %select_n3A, %min3A_31 : vector<512x128xf32>
    %exp3A_33 = math.exp %min3A_32 : vector<512x128xf32>
    %sub3A_34 = arith.constant 1.000000e+00 : f32
    %sub3A_35 = vector.broadcast %sub3A_34 : f32 to vector<512x128xf32>
    %sub3A_36 = arith.subf %exp3A_33, %sub3A_35 : vector<512x128xf32>
    %select_n3A_37 = arith.select %gt3A_29, %select_n3A, %sub3A_36 : vector<512x128xi1>, vector<512x128xf32>
    %get3A_38 = arith.constant 0 : index
    %get3A_39 = arith.constant 0 : index
    %get3A_40 = vector.load %arg6[%get3A_38, %get3A_39] : memref<64x128xf32, #tpu.memory_space<vmem>>, vector<64x128xf32>
    %dot_general3A = arith.constant dense<0.000000e+00> : vector<512x64xf32>
    %dot_general3A_41 = tpu.matmul %select_n3A_37, %get3A_40, %dot_general3A {dimension_numbers = #tpu.dot_dimension_numbers<[1], [1], [0], [0], [0, 0, 1, 0], [], []>, transpose_lhs_hint = false} : vector<512x128xf32>, vector<64x128xf32>, vector<512x64xf32> -> vector<512x64xf32>
    %convert_element_type3A_42 = arith.truncf %dot_general3A_41 : vector<512x64xf32> to vector<512x64xbf16>
    %swap3A = arith.constant 0 : index
    %swap3A_43 = arith.constant 0 : index
    %swap3A_44 = vector.load %arg8[%swap3A, %swap3A_43] : memref<512x64xbf16, #tpu.memory_space<vmem>>, vector<512x64xbf16>
    tpu.vector_store %arg8[%swap3A, %swap3A_43], %convert_element_type3A_42 {strides = array<i32>} : memref<512x64xbf16, #tpu.memory_space<vmem>>, vector<512x64xbf16>,
    %get3A_45 = arith.constant 0 : index
    %get3A_46 = arith.constant 0 : index
    %get3A_47 = vector.load %arg7[%get3A_45, %get3A_46] : memref<2x64xf32, #tpu.memory_space<vmem>>, vector<2x64xf32>
    %dot_general3A_48 = arith.constant dense<0.000000e+00> : vector<2x512xf32>
    %dot_general3A_49 = tpu.matmul %get3A_47, %dot_general3A_41, %dot_general3A_48 {dimension_numbers = #tpu.dot_dimension_numbers<[1], [1], [0], [0], [0, 0, 1, 0], [], []>, transpose_lhs_hint = false} : vector<2x64xf32>, vector<512x64xf32>, vector<2x512xf32> -> vector<2x512xf32>
    %iota3A = tpu.iota {dimensions = array<i32: 1>} : vector<2x512xi32>
    %mul3A = arith.constant 512 : i32
    %mul3A_50 = arith.muli %arg0, %mul3A : i32
    %add3A_51 = vector.broadcast %mul3A_50 : i32 to vector<2x512xi32>
    %add3A_52 = arith.addi %iota3A, %add3A_51 : vector<2x512xi32>
    %lt3A = arith.constant 10048 : i32
    %lt3A_53 = vector.broadcast %lt3A : i32 to vector<2x512xi32>
    %lt3A_54 = arith.cmpi slt, %add3A_52, %lt3A_53 : vector<2x512xi32>
    %jit3A = arith.constant -1.000000e+30 : f32
    %broadcast_in_dim3A = vector.broadcast %jit3A : f32 to vector<2x512xf32>
    %select_n3A_55 = arith.select %lt3A_54, %dot_general3A_49, %broadcast_in_dim3A : vector<2x512xi1>, vector<2x512xf32>
    %swap3A_56 = arith.constant 0 : index
    %swap3A_57 = arith.constant 0 : index
    %swap3A_58 = vector.load %arg9[%swap3A_56, %swap3A_57] : memref<2x512xf32, #tpu.memory_space<vmem>>, vector<2x512xf32>
    tpu.vector_store %arg9[%swap3A_56, %swap3A_57], %select_n3A_55 {strides = array<i32>} : memref<2x512xf32, #tpu.memory_space<vmem>>, vector<2x512xf32>,
    %reduce_max3A = arith.constant dense<0xFF800000> : vector<2xf32>
    %reduce_max3A_59 = vector.multi_reduction <maximumf>, %select_n3A_55, %reduce_max3A [1] : vector<2x512xf32> to vector<2xf32>
    %broadcast_in_dim3A_60 = vector.shape_cast %reduce_max3A_59 : vector<2xf32> to vector<2x1xf32>
    %eq3A = arith.constant 0 : i32
    %eq3A_61 = arith.cmpi eq, %arg0, %eq3A : i32
    %convert_element_type3A_62 = arith.extui %eq3A_61 : i1 to i32
    %cond3A = arith.constant 0 : i32
    %cond3A_63 = arith.cmpi ne, %convert_element_type3A_62, %cond3A : i32
    scf.if %cond3A_63 {
      %swap3A_69 = arith.constant 0 : index
      %swap3A_70 = arith.constant 0 : index
      %swap3A_71 = vector.load %arg10[%swap3A_69, %swap3A_70] : memref<2x1xf32, #tpu.memory_space<vmem>>, vector<2x1xf32>
      tpu.vector_store %arg10[%swap3A_69, %swap3A_70], %broadcast_in_dim3A_60 {strides = array<i32>} : memref<2x1xf32, #tpu.memory_space<vmem>>, vector<2x1xf32>,
    } else {
    }
    %gt3A_64 = arith.constant 0 : i32
    %gt3A_65 = arith.cmpi sgt, %arg0, %gt3A_64 : i32
    %convert_element_type3A_66 = arith.extui %gt3A_65 : i1 to i32
    %cond3A_67 = arith.constant 0 : i32
    %cond3A_68 = arith.cmpi ne, %convert_element_type3A_66, %cond3A_67 : i32
    scf.if %cond3A_68 {
      %get3A_69 = arith.constant 0 : index
      %get3A_70 = arith.constant 0 : index
      %get3A_71 = vector.load %arg10[%get3A_69, %get3A_70] : memref<2x1xf32, #tpu.memory_space<vmem>>, vector<2x1xf32>
      %max3A_72 = arith.maximumf %get3A_71, %broadcast_in_dim3A_60 : vector<2x1xf32>
      %swap3A_73 = arith.constant 0 : index
      %swap3A_74 = arith.constant 0 : index
      %swap3A_75 = vector.load %arg10[%swap3A_73, %swap3A_74] : memref<2x1xf32, #tpu.memory_space<vmem>>, vector<2x1xf32>
      tpu.vector_store %arg10[%swap3A_73, %swap3A_74], %max3A_72 {strides = array<i32>} : memref<2x1xf32, #tpu.memory_space<vmem>>, vector<2x1xf32>,
    } else {
    }
    return
  }
  func.func @transform_0(%arg0: i32) -> (i32, i32) {
    %c0_i32 = arith.constant 0 : i32
    %c0_i32_0 = arith.constant 0 : i32
    return %arg0, %c0_i32 : i32, i32
  }
  func.func @transform_1(%arg0: i32) -> (i32, i32) {
    %c0_i32 = arith.constant 0 : i32
    %c0_i32_0 = arith.constant 0 : i32
    return %arg0, %c0_i32 : i32, i32
  }
  func.func @transform_2(%arg0: i32) -> (i32, i32) {
    %c0_i32 = arith.constant 0 : i32
    %c0_i32_0 = arith.constant 0 : i32
    return %arg0, %c0_i32 : i32, i32
  }
  func.func @transform_3(%arg0: i32) -> (i32, i32) {
    %c0_i32 = arith.constant 0 : i32
    %c0_i32_0 = arith.constant 0 : i32
    return %arg0, %c0_i32 : i32, i32
  }
  func.func @transform_4(%arg0: i32) -> (i32, i32) {
    %c0_i32 = arith.constant 0 : i32
    %c0_i32_0 = arith.constant 0 : i32
    %c0_i32_1 = arith.constant 0 : i32
    return %c0_i32, %c0_i32_0 : i32, i32
  }
  func.func @transform_5(%arg0: i32) -> (i32, i32) {
    %c0_i32 = arith.constant 0 : i32
    %c0_i32_0 = arith.constant 0 : i32
    %c0_i32_1 = arith.constant 0 : i32
    return %c0_i32, %c0_i32_0 : i32, i32
  }
  func.func @transform_6(%arg0: i32) -> (i32, i32) {
    %c0_i32 = arith.constant 0 : i32
    %c0_i32_0 = arith.constant 0 : i32
    %c0_i32_1 = arith.constant 0 : i32
    return %c0_i32, %c0_i32_0 : i32, i32
  }
  func.func @transform_7(%arg0: i32) -> (i32, i32) {
    %c0_i32 = arith.constant 0 : i32
    %c0_i32_0 = arith.constant 0 : i32
    return %arg0, %c0_i32 : i32, i32
  }
  func.func @transform_8(%arg0: i32) -> (i32, i32) {
    %c0_i32 = arith.constant 0 : i32
    %c0_i32_0 = arith.constant 0 : i32
    return %c0_i32, %arg0 : i32, i32
  }
  func.func @transform_9(%arg0: i32) -> (i32, i32) {
    %c0_i32 = arith.constant 0 : i32
    %c0_i32_0 = arith.constant 0 : i32
    %c0_i32_1 = arith.constant 0 : i32
    return %c0_i32, %c0_i32_0 : i32, i32
  }
}

module attributes {stable_mosaic.version = 14 : i64} {
  func.func @_tc_final_body(%arg0: i32, %arg1: memref<512x64xbf16, #tpu.memory_space<vmem>>, %arg2: memref<512x64xbf16, #tpu.memory_space<vmem>>, %arg3: memref<512x16xf32, #tpu.memory_space<vmem>>, %arg4: memref<512x16xf32, #tpu.memory_space<vmem>>, %arg5: memref<1x64xf32, #tpu.memory_space<vmem>>, %arg6: memref<8x64xf32, #tpu.memory_space<vmem>>, %arg7: memref<8x1xf32, #tpu.memory_space<vmem>>, %arg8: memref<1x512xf32, #tpu.memory_space<vmem>>, %arg9: memref<1x512xf32, #tpu.memory_space<vmem>>, %arg10: memref<1x4xf32, #tpu.memory_space<vmem>>, %arg11: memref<8x512xf32, #tpu.memory_space<vmem>>) attributes {dimension_semantics = [#tpu.dimension_semantics<arbitrary>], iteration_bounds = array<i64: 20>, scalar_prefetch = 0 : i64, scratch_operands = 0 : i64, tpu.core_type = #tpu.core_type<tc>, window_params = [{transform_indices = @transform_0, window_bounds = array<i64: 512, 64>}, {transform_indices = @transform_1, window_bounds = array<i64: 512, 64>}, {transform_indices = @transform_2, window_bounds = array<i64: 512, 16>}, {transform_indices = @transform_3, window_bounds = array<i64: 512, 16>}, {pipeline_mode = #tpu.pipeline_mode<synchronous>, transform_indices = @transform_4, window_bounds = array<i64: 1, 64>}, {pipeline_mode = #tpu.pipeline_mode<synchronous>, transform_indices = @transform_5, window_bounds = array<i64: 8, 64>}, {pipeline_mode = #tpu.pipeline_mode<synchronous>, transform_indices = @transform_6, window_bounds = array<i64: 8, 1>}, {transform_indices = @transform_7, window_bounds = array<i64: 1, 512>}, {transform_indices = @transform_8, window_bounds = array<i64: 1, 512>}, {pipeline_mode = #tpu.pipeline_mode<synchronous>, transform_indices = @transform_9, window_bounds = array<i64: 1, 4>}, {transform_indices = @transform_10, window_bounds = array<i64: 8, 512>}]} {
    %get3A = arith.constant 0 : index
    %get3A_0 = arith.constant 0 : index
    %get3A_1 = vector.load %arg1[%get3A, %get3A_0] : memref<512x64xbf16, #tpu.memory_space<vmem>>, vector<512x64xbf16>
    %convert_element_type3A = arith.extf %get3A_1 : vector<512x64xbf16> to vector<512x64xf32>
    %get3A_2 = arith.constant 0 : index
    %get3A_3 = arith.constant 0 : index
    %get3A_4 = vector.load %arg2[%get3A_2, %get3A_3] : memref<512x64xbf16, #tpu.memory_space<vmem>>, vector<512x64xbf16>
    %convert_element_type3A_5 = arith.extf %get3A_4 : vector<512x64xbf16> to vector<512x64xf32>
    %add3A = arith.addf %convert_element_type3A, %convert_element_type3A_5 : vector<512x64xf32>
    %get3A_6 = arith.constant 0 : index
    %get3A_7 = arith.constant 0 : index
    %get3A_8 = vector.load %arg3[%get3A_6, %get3A_7] : memref<512x16xf32, #tpu.memory_space<vmem>>, vector<512x1xf32>
    %get3A_9 = arith.constant 0 : index
    %get3A_10 = arith.constant 0 : index
    %get3A_11 = vector.load %arg4[%get3A_9, %get3A_10] : memref<512x16xf32, #tpu.memory_space<vmem>>, vector<512x1xf32>
    %add3A_12 = arith.addf %get3A_8, %get3A_11 : vector<512x1xf32>
    %max3A = arith.constant 9.99999971E-10 : f32
    %max3A_13 = vector.broadcast %max3A : f32 to vector<512x1xf32>
    %max3A_14 = arith.maximumf %add3A_12, %max3A_13 : vector<512x1xf32>
    %div3A = vector.broadcast %max3A_14 : vector<512x1xf32> to vector<512x64xf32>
    %div3A_15 = arith.divf %add3A, %div3A : vector<512x64xf32>
    %get3A_16 = arith.constant 0 : index
    %get3A_17 = arith.constant 0 : index
    %get3A_18 = vector.load %arg5[%get3A_16, %get3A_17] : memref<1x64xf32, #tpu.memory_space<vmem>>, vector<1x64xf32>
    %add3A_19 = vector.broadcast %get3A_18 : vector<1x64xf32> to vector<512x64xf32>
    %add3A_20 = arith.addf %div3A_15, %add3A_19 : vector<512x64xf32>
    %gt3A = arith.constant 0.000000e+00 : f32
    %gt3A_21 = vector.broadcast %gt3A : f32 to vector<512x64xf32>
    %gt3A_22 = arith.cmpf ogt, %add3A_20, %gt3A_21 : vector<512x64xf32>
    %min3A = arith.constant 0.000000e+00 : f32
    %min3A_23 = vector.broadcast %min3A : f32 to vector<512x64xf32>
    %min3A_24 = arith.minimumf %add3A_20, %min3A_23 : vector<512x64xf32>
    %exp3A = math.exp %min3A_24 : vector<512x64xf32>
    %sub3A = arith.constant 1.000000e+00 : f32
    %sub3A_25 = vector.broadcast %sub3A : f32 to vector<512x64xf32>
    %sub3A_26 = arith.subf %exp3A, %sub3A_25 : vector<512x64xf32>
    %select_n3A = arith.select %gt3A_22, %add3A_20, %sub3A_26 : vector<512x64xi1>, vector<512x64xf32>
    %get3A_27 = arith.constant 0 : index
    %get3A_28 = arith.constant 0 : index
    %get3A_29 = vector.load %arg6[%get3A_27, %get3A_28] : memref<8x64xf32, #tpu.memory_space<vmem>>, vector<8x64xf32>
    %dot_general3A = arith.constant dense<0.000000e+00> : vector<8x512xf32>
    %dot_general3A_30 = tpu.matmul %get3A_29, %select_n3A, %dot_general3A {dimension_numbers = #tpu.dot_dimension_numbers<[1], [1], [0], [0], [0, 0, 1, 0], [], []>, transpose_lhs_hint = false} : vector<8x64xf32>, vector<512x64xf32>, vector<8x512xf32> -> vector<8x512xf32>
    %get3A_31 = arith.constant 0 : index
    %get3A_32 = arith.constant 0 : index
    %get3A_33 = vector.load %arg7[%get3A_31, %get3A_32] : memref<8x1xf32, #tpu.memory_space<vmem>>, vector<8x1xf32>
    %add3A_34 = vector.broadcast %get3A_33 : vector<8x1xf32> to vector<8x512xf32>
    %add3A_35 = arith.addf %dot_general3A_30, %add3A_34 : vector<8x512xf32>
    %neg3A = arith.constant 0.000000e+00 : f32
    %neg3A_36 = vector.broadcast %neg3A : f32 to vector<8x512xf32>
    %neg3A_37 = arith.subf %neg3A_36, %add3A_35 : vector<8x512xf32>
    %exp3A_38 = math.exp %neg3A_37 : vector<8x512xf32>
    %add3A_39 = arith.constant 1.000000e+00 : f32
    %add3A_40 = vector.broadcast %add3A_39 : f32 to vector<8x512xf32>
    %add3A_41 = arith.addf %add3A_40, %exp3A_38 : vector<8x512xf32>
    %div3A_42 = arith.constant 1.000000e+00 : f32
    %div3A_43 = vector.broadcast %div3A_42 : f32 to vector<8x512xf32>
    %div3A_44 = arith.divf %div3A_43, %add3A_41 : vector<8x512xf32>
    %get3A_45 = arith.constant 0 : index
    %get3A_46 = arith.constant 0 : index
    %get3A_47 = vector.load %arg10[%get3A_45, %get3A_46] : memref<1x4xf32, #tpu.memory_space<vmem>>, vector<1x1xf32>
    %get3A_48 = arith.constant 0 : index
    %get3A_49 = arith.constant 1 : index
    %get3A_50 = vector.load %arg10[%get3A_48, %get3A_49] : memref<1x4xf32, #tpu.memory_space<vmem>>, vector<1x1xf32>
    %get3A_51 = arith.constant 0 : index
    %get3A_52 = arith.constant 2 : index
    %get3A_53 = vector.load %arg10[%get3A_51, %get3A_52] : memref<1x4xf32, #tpu.memory_space<vmem>>, vector<1x1xf32>
    %get3A_54 = arith.constant 0 : index
    %get3A_55 = arith.constant 3 : index
    %get3A_56 = vector.load %arg10[%get3A_54, %get3A_55] : memref<1x4xf32, #tpu.memory_space<vmem>>, vector<1x1xf32>
    %slice3A = vector.extract_strided_slice %div3A_44 {offsets = [0, 0], sizes = [1, 512], strides = [1, 1]} : vector<8x512xf32> to vector<1x512xf32>
    %mul3A = vector.broadcast %get3A_50 : vector<1x1xf32> to vector<1x512xf32>
    %mul3A_57 = arith.mulf %slice3A, %mul3A : vector<1x512xf32>
    %slice3A_58 = vector.extract_strided_slice %div3A_44 {offsets = [1, 0], sizes = [1, 512], strides = [1, 1]} : vector<8x512xf32> to vector<1x512xf32>
    %mul3A_59 = vector.broadcast %get3A_53 : vector<1x1xf32> to vector<1x512xf32>
    %mul3A_60 = arith.mulf %slice3A_58, %mul3A_59 : vector<1x512xf32>
    %slice3A_61 = vector.extract_strided_slice %div3A_44 {offsets = [2, 0], sizes = [1, 512], strides = [1, 1]} : vector<8x512xf32> to vector<1x512xf32>
    %mul3A_62 = vector.broadcast %get3A_47 : vector<1x1xf32> to vector<1x512xf32>
    %mul3A_63 = arith.mulf %slice3A_61, %mul3A_62 : vector<1x512xf32>
    %get3A_64 = arith.constant 0 : index
    %get3A_65 = arith.constant 0 : index
    %get3A_66 = vector.load %arg8[%get3A_64, %get3A_65] : memref<1x512xf32, #tpu.memory_space<vmem>>, vector<1x512xf32>
    %get3A_67 = arith.constant 0 : index
    %get3A_68 = arith.constant 0 : index
    %get3A_69 = vector.load %arg9[%get3A_67, %get3A_68] : memref<1x512xf32, #tpu.memory_space<vmem>>, vector<1x512xf32>
    %mul3A_70 = arith.mulf %mul3A_57, %get3A_66 : vector<1x512xf32>
    %sub3A_71 = arith.subf %mul3A_63, %mul3A_70 : vector<1x512xf32>
    %mul3A_72 = vector.broadcast %get3A_56 : vector<1x1xf32> to vector<1x512xf32>
    %mul3A_73 = arith.mulf %sub3A_71, %mul3A_72 : vector<1x512xf32>
    %add3A_74 = arith.addf %get3A_66, %mul3A_73 : vector<1x512xf32>
    %mul3A_75 = arith.mulf %mul3A_57, %get3A_66 : vector<1x512xf32>
    %mul3A_76 = arith.mulf %mul3A_60, %get3A_69 : vector<1x512xf32>
    %sub3A_77 = arith.subf %mul3A_75, %mul3A_76 : vector<1x512xf32>
    %mul3A_78 = vector.broadcast %get3A_56 : vector<1x1xf32> to vector<1x512xf32>
    %mul3A_79 = arith.mulf %sub3A_77, %mul3A_78 : vector<1x512xf32>
    %add3A_80 = arith.addf %get3A_69, %mul3A_79 : vector<1x512xf32>
    %broadcast_in_dim3A = arith.constant 0.000000e+00 : f32
    %broadcast_in_dim3A_81 = vector.broadcast %broadcast_in_dim3A : f32 to vector<3x512xf32>
    %concatenate3A = tpu.concatenate %add3A_74, %add3A_80, %mul3A_63, %mul3A_57, %mul3A_60, %broadcast_in_dim3A_81 in 0 : vector<1x512xf32>, vector<1x512xf32>, vector<1x512xf32>, vector<1x512xf32>, vector<1x512xf32>, vector<3x512xf32> -> vector<8x512xf32>
    %swap3A = arith.constant 0 : index
    %swap3A_82 = arith.constant 0 : index
    %swap3A_83 = vector.load %arg11[%swap3A, %swap3A_82] : memref<8x512xf32, #tpu.memory_space<vmem>>, vector<8x512xf32>
    tpu.vector_store %arg11[%swap3A, %swap3A_82], %concatenate3A {strides = array<i32>} : memref<8x512xf32, #tpu.memory_space<vmem>>, vector<8x512xf32>,
    return
  }
  func.func @transform_0(%arg0: i32) -> (i32, i32) {
    %c0_i32 = arith.constant 0 : i32
    %c0_i32_0 = arith.constant 0 : i32
    return %arg0, %c0_i32 : i32, i32
  }
  func.func @transform_1(%arg0: i32) -> (i32, i32) {
    %c0_i32 = arith.constant 0 : i32
    %c0_i32_0 = arith.constant 0 : i32
    return %arg0, %c0_i32 : i32, i32
  }
  func.func @transform_2(%arg0: i32) -> (i32, i32) {
    %c0_i32 = arith.constant 0 : i32
    %c0_i32_0 = arith.constant 0 : i32
    return %arg0, %c0_i32 : i32, i32
  }
  func.func @transform_3(%arg0: i32) -> (i32, i32) {
    %c0_i32 = arith.constant 0 : i32
    %c0_i32_0 = arith.constant 0 : i32
    return %arg0, %c0_i32 : i32, i32
  }
  func.func @transform_4(%arg0: i32) -> (i32, i32) {
    %c0_i32 = arith.constant 0 : i32
    %c0_i32_0 = arith.constant 0 : i32
    %c0_i32_1 = arith.constant 0 : i32
    return %c0_i32, %c0_i32_0 : i32, i32
  }
  func.func @transform_5(%arg0: i32) -> (i32, i32) {
    %c0_i32 = arith.constant 0 : i32
    %c0_i32_0 = arith.constant 0 : i32
    %c0_i32_1 = arith.constant 0 : i32
    return %c0_i32, %c0_i32_0 : i32, i32
  }
  func.func @transform_6(%arg0: i32) -> (i32, i32) {
    %c0_i32 = arith.constant 0 : i32
    %c0_i32_0 = arith.constant 0 : i32
    %c0_i32_1 = arith.constant 0 : i32
    return %c0_i32, %c0_i32_0 : i32, i32
  }
  func.func @transform_7(%arg0: i32) -> (i32, i32) {
    %c0_i32 = arith.constant 0 : i32
    %c0_i32_0 = arith.constant 0 : i32
    return %c0_i32, %arg0 : i32, i32
  }
  func.func @transform_8(%arg0: i32) -> (i32, i32) {
    %c0_i32 = arith.constant 0 : i32
    %c0_i32_0 = arith.constant 0 : i32
    return %c0_i32, %arg0 : i32, i32
  }
  func.func @transform_9(%arg0: i32) -> (i32, i32) {
    %c0_i32 = arith.constant 0 : i32
    %c0_i32_0 = arith.constant 0 : i32
    %c0_i32_1 = arith.constant 0 : i32
    return %c0_i32, %c0_i32_0 : i32, i32
  }
  func.func @transform_10(%arg0: i32) -> (i32, i32) {
    %c0_i32 = arith.constant 0 : i32
    %c0_i32_0 = arith.constant 0 : i32
    return %c0_i32, %arg0 : i32, i32
  }
}

</mosaic_0001>

<sc_bundles>
// kernel: kernel.10.cloned.1.call-start
scs
__scs_entry_jumppad:
0x0: {  	(pc) =	sbr.rel $0x88, $3  }
0x1: {  	(tag) =	ssettag $0x0;
	lr =	simm.s32 $0x1  }
0x2: {  	[smem:$0x3F8F] =	sst lr;
	_ =	strace $0xD0000000  }
0x3: {  	_ = 	snop  }
0x4: {  	_ = 	snop  }
0x5: {  	_ = 	snop  }
0x6: {  	_ = 	snop  }
0x7: {  	_ = 	snop  }
__scs_overlays_trampoline_lowered:
0x8: {  	[smem:$0x3F9E] =	sst s0  }
0x9: {  	[smem:$0x3F9F] =	sst s1  }
0xa: {  	[smem:$0x3FA0] =	sst s2  }
0xb: {  	[smem:$0x3FA1] =	sst s3  }
0xc: {  	[smem:$0x3FA2] =	sst s4  }
0xd: {  	[smem:$0x3FA3] =	sst s5  }
0xe: {  	[smem:$0x3FA4] =	sst s6  }
0xf: {  	[smem:$0x3FA5] =	sst s7  }
0x10: {  	[smem:$0x3FA6] =	sst s8  }
0x11: {  	[smem:$0x3FA7] =	sst s9;
	s0 =	simm.s32 @!p0 $0x0  }
0x12: {  	s1 =	sld [smem:$0x3F8D];
	s0 =	simm.s32 @p0 $0x1  }
0x13: {  	[smem:$0x3FA8] =	sst s0;
	s0 =	simm.s32 @!p1 $0x0  }
0x14: {  	s2 =	sld [smem:$0x3F8C];
	s0 =	simm.s32 @p1 $0x1  }
0x15: {  	[smem:$0x3FA9] =	sst s0;
	s0 =	simm.s32 @!p2 $0x0  }
0x16: {  	s3 =	sld [smem:$0x3FDB];
	s0 =	simm.s32 @p2 $0x1  }
0x17: {  	s4 =	simm.s32 $0x1BF5;
	[smem:$0x3FAB] =	sst s0  }
0x18: {  	s0 =	sld [smem:$0x3F8E];
	_ =	swait.ge [sflag:s4], $0x0  }
0x19: {  	s7 =	sld [smem:$0x3F8F]  }
0x1a: {  	s8 =	sadd.s32 $0xFFFFE003, lr  }
0x1b: {  	s9 =	sadd.s32 $0xFFFFFEF7, lr;
	s5 =	simm.s32 $0xFFFFFFFF;
	p2 =	slt.u32 s8, $0xFFFFF086  }
0x1c: {  	p1 =	slt.u32 s9, $0xF7A;
	s5 =	simm.s32 @!p2 $0x0  }
0x1d: {  	s5 =	simm.s32 @p1 $0x1;
	p0 =	seq.s32 s7, s2  }
0x1e: {  	s7 =	smul.u32 @!p0 $0xF7A, s2;
	p2 =	seq.s32 @!p0 s5, $0x0  }
0x1f: {  	s9 =	smul.u32 $0xF7A, s1;
	s8 =	simm.s32 @!p0 $0x1BF5;
	p2 =	por !p2, p0  }
0x20: {  	[sflag:s8] =	ssyncset.s32 @!p0 $0xFFFFF086;
	s6 =	sadd.s32 @!p0 s3, s7;
	s7 =	simm.s32 @!p0 $0x108  }
0x21: {  	s3 =	sadd.s32 s3, s9;
	s6 =	sadd.s32 @!p0 $0x88, s6;
	s7 =	simm.s32 @p2 $0x1082  }
0x22: {  	[simem:s7], [sflag:s8] =	dma.local @!p0 [hbm:s6], $0xF7A  }
0x23: {  	s9 =	sor.u32 $0xD0000000, s2;
	s6 =	simm.s32 $0x108;
	_ =	swait.ge @!p0 [sflag:s8], $0x0  }
0x24: {  	s3 =	sadd.s32 $0x88, s3;
	s6 =	simm.s32 @!p1 $0x1082;
	[sflag:s4] =	ssyncset.s32 $0xFFFFF086  }
0x25: {  	[simem:s6], [sflag:s4] =	dma.local [hbm:s3], $0xF7A  }
0x26: {  	[smem:$0x3F8F] =	sst s1;
	(tag) =	ssettag s2;
	_ =	strace s9  }
0x27: {  	s1 =	sld [smem:$0x3F9F]  }
0x28: {  	s2 =	sld [smem:$0x3FA0]  }
0x29: {  	s4 =	sld [smem:$0x3FA2]  }
0x2a: {  	p0 =	seq.s32 s5, $0x0;
	s5 =	sld [smem:$0x3FA3]  }
0x2b: {  	s6 =	sld [smem:$0x3FA4]  }
0x2c: {  	s7 =	sld [smem:$0x3FA5]  }
0x2d: {  	s3 =	simm.s32 $0x108;
	s8 =	sld [smem:$0x3FA6]  }
0x2e: {  	s3 =	simm.s32 @!p0 $0x1082;
	s9 =	sld [smem:$0x3FA7]  }
0x2f: {  	lr =	sadd.s32 s0, s3;
	s0 =	sld [smem:$0x3F9E]  }
0x30: {  	s3 =	sld [smem:$0x3FA1]  }
0x31: {  	[smem:$0x3FAA] =	sst s10  }
0x32: {  	s10 =	sld [smem:$0x3FA8];
	_ =	sdelay $0x3  }
0x33: {  	p0 =	seq.s32 s10, $0x1;
	s10 =	sld [smem:$0x3FAA];
	_ =	sdelay $0x3  }
0x34: {  	[smem:$0x3FAA] =	sst s10  }
0x35: {  	s10 =	sld [smem:$0x3FA9];
	_ =	sdelay $0x3  }
0x36: {  	p1 =	seq.s32 s10, $0x1;
	s10 =	sld [smem:$0x3FAA];
	_ =	sdelay $0x3  }
0x37: {  	[smem:$0x3FAA] =	sst s10  }
0x38: {  	s10 =	sld [smem:$0x3FAB]  }
0x39: {  	_ = 	snop;
	(pc) =	sbr.ind lr, $3  }
0x3a: {  	_ = 	snop  }
0x3b: {  	_ = 	snop  }
0x3c: {  	p2 =	seq.s32 s10, $0x1;
	s10 =	sld [smem:$0x3FAA]  }
0x3d: {  	_ =	shalt  }
0x3e: {  	_ =	shalt  }
0x3f: {  	_ =	shalt  }
0x40: {  	_ =	shalt  }
0x41: {  	_ =	shalt  }
0x42: {  	_ =	shalt  }
0x43: {  	_ =	shalt  }
0x44: {  	_ =	shalt  }
0x45: {  	_ =	shalt  }
0x46: {  	_ =	shalt  }
0x47: {  	_ =	shalt  }
0x48: {  	_ =	shalt  }
0x49: {  	_ =	shalt  }
0x4a: {  	_ =	shalt  }
0x4b: {  	_ =	shalt  }
0x4c: {  	_ =	shalt  }
0x4d: {  	_ =	shalt  }
0x4e: {  	_ =	shalt  }
0x4f: {  	_ =	shalt  }
0x50: {  	_ =	shalt  }
0x51: {  	_ =	shalt  }
0x52: {  	_ =	shalt  }
0x53: {  	_ =	shalt  }
0x54: {  	_ =	shalt  }
0x55: {  	_ =	shalt  }
0x56: {  	_ =	shalt  }
0x57: {  	_ =	shalt  }
0x58: {  	_ =	shalt  }
0x59: {  	_ =	shalt  }
0x5a: {  	_ =	shalt  }
0x5b: {  	_ =	shalt  }
0x5c: {  	_ =	shalt  }
0x5d: {  	_ =	shalt  }
0x5e: {  	_ =	shalt  }
0x5f: {  	_ =	shalt  }
0x60: {  	_ =	shalt  }
0x61: {  	_ =	shalt  }
0x62: {  	_ =	shalt  }
0x63: {  	_ =	shalt  }
0x64: {  	_ =	shalt  }
0x65: {  	_ =	shalt  }
0x66: {  	_ =	shalt  }
0x67: {  	_ =	shalt  }
0x68: {  	_ =	shalt  }
0x69: {  	_ =	shalt  }
0x6a: {  	_ =	shalt  }
0x6b: {  	_ =	shalt  }
0x6c: {  	_ =	shalt  }
0x6d: {  	_ =	shalt  }
0x6e: {  	_ =	shalt  }
0x6f: {  	_ =	shalt  }
0x70: {  	_ =	shalt  }
0x71: {  	_ =	shalt  }
0x72: {  	_ =	shalt  }
0x73: {  	_ =	shalt  }
0x74: {  	_ =	shalt  }
0x75: {  	_ =	shalt  }
0x76: {  	_ =	shalt  }
0x77: {  	_ =	shalt  }
0x78: {  	_ =	shalt  }
0x79: {  	_ =	shalt  }
0x7a: {  	_ =	shalt  }
0x7b: {  	_ =	shalt  }
0x7c: {  	_ =	shalt  }
0x7d: {  	_ =	shalt  }
0x7e: {  	_ =	shalt  }
0x7f: {  	_ =	shalt  }
0x80: {  	_ =	shalt  }
0x81: {  	_ =	shalt  }
0x82: {  	_ =	shalt  }
0x83: {  	_ =	shalt  }
0x84: {  	_ =	shalt  }
0x85: {  	_ =	shalt  }
0x86: {  	_ =	shalt  }
0x87: {  	_ =	shalt  }
.Lfunc_end0:
.L_simem_size_0:
called_computation.1_lowered:
.L_overlay_start_0:
0x88: {  	s2 =	sld [smem:$0x3FD9]  }
0x89: {  	s3 =	sld [smem:$0x3FFE];
	_ =	sdelay $0x1  }
0x8a: {  	s1 =	srdreg.scid  }
0x8b: {  	s0 =	sand.u32 $0x1, s1  }
0x8c: {  	s14 =	sshll.u32 s0, $0xA;
	s2 =	sadd.s32 s3, s2  }
0x8d: {  	s2 =	sadd.s32 s2, s14  }
0x8e: {  	[smem:$0x3FB6] =	sst s2  }
0x8f: {  	_ = 	snop  }
0x90: {  	s2 =	sld [smem:$0x3FD0];
	_ =	sdelay $0x2  }
0x91: {  	s15 =	simm.s32 $0xA;
	s4 =	simm.s32 $0x10  }
0x92: {  	[smem:s4], [sflag:s15] =	dma.local [hbm:s2], $0x1  }
0x93: {  	_ =	swait.eq [sflag:s15], $0x1  }
0x94: {  	[sflag:s15] =	ssyncset.done $0x0  }
0x95: {  	[sflag:s15] =	ssyncadd.s32 $0xFFFFFFFF  }
0x96: {  	s16 =	sld [smem:$0x10];
	(tm) =	ssettm $0x1  }
0x97: {  	s17 =	sld [smem:$0x3FFB];
	_ =	sdelay $0x3  }
0x98: {  	_ =	strace s17  }
0x99: {  	s3 =	sld [smem:$0x3FFC];
	_ =	sdelay $0x3  }
0x9a: {  	_ =	strace s3  }
0x9b: {  	s3 =	sld [smem:$0x3FFD];
	_ =	sdelay $0x3  }
0x9c: {  	_ =	strace s3  }
0x9d: {  	_ =	strace $0x8FFFFFFF  }
0x9e: {  	s18 =	sld [smem:$0x3FDB];
	_ =	sdelay $0x1  }
0x9f: {  	s19 =	simm.s32 $_scs_section_size  }
0xa0: {  	s5 =	simm.s32 $_size__tile_overlayer_lowered;
	s6 =	simm.s32 $_tile_overlayer_lowered  }
0xa1: {  	s22 =	simm.s32 $0x1BFF;
	s21 =	sshll.u32 s6, $0x1;
	s3 =	sadd.s32 s19, s18  }
0xa2: {  	s7 =	simm.s32 $0x0;
	s20 =	sshll.u32 s5, $0x1;
	s5 =	sadd.s32 s21, s3  }
0xa3: {  	[timem:s7], [sflag:s22] =	dma.local [hbm:s5], s20  }
0xa4: {  	_ =	swait.ge [sflag:s22], s20  }
0xa5: {  	s4 =	ssub.s32 $0x0, s20;
	[sflag:s22] =	ssyncset.done $0x0  }
0xa6: {  	[sflag:s22] =	ssyncadd.s32 s4;
	_ =	sdelay $0x1  }
0xa7: {  	s23 =	simm.s32 $0x1B8B  }
0xa8: {  	_ =	swait.ge [sflag:s23], $0x1  }
0xa9: {  	[sflag:s23] =	ssyncset.done $0x0  }
0xaa: {  	s25 =	simm.s32 $0x1B8E;
	s24 =	sld [smem:$0x3FFE];
	[sflag:s23] =	ssyncadd.s32 $0xFFFFFFFF  }
0xab: {  	s26 =	simm.s32 $execute0_lowered;
	[smem:$0x3FD2] =	sst s25  }
0xac: {  	s5 =	sshll.u32 s26, $0x1;
	_ =	strace $0x80000049;
	[dreg:$0x1] =	wrdreg $0xFFFFFFFF  }
0xad: {  	s28 =	simm.s32 $_size_execute0_lowered;
	s3 =	sadd.s32 s3, s5;
	[dreg:$0x0] =	wrdreg $0x0  }
0xae: {  	s5 =	sshll.u32 s28, $0x1;
	[dreg:$0x2] =	wrdreg s3  }
0xaf: {  	[dreg:$0x3] =	wrdreg s5  }
0xb0: {  	[dreg:$0x4] =	wrdreg $0xC0  }
0xb1: {  	_ =	task [dreg:s7], $0x5FFFF  }
0xb2: {  	[dreg:$0x1] =	wrdreg $0xFFFFFFFF  }
0xb3: {  	[dreg:$0x0] =	wrdreg $0x60  }
0xb4: {  	[dreg:$0x2] =	wrdreg s24  }
0xb5: {  	[dreg:$0x3] =	wrdreg s16  }
0xb6: {  	[dreg:$0x4] =	wrdreg $0xC9500  }
0xb7: {  	[dreg:$0x5] =	wrdreg $0x117D00  }
0xb8: {  	[dreg:$0x6] =	wrdreg $0x9  }
0xb9: {  	_ =	task.clear_ibuf [dreg:s7], $0x7FFFF;
	_ =	strace $0x90000049  }
0xba: {  	s29 =	simm.s32 $0x9;
	_ =	strace $0x8000004B  }
0xbb: {  	_ =	swait.ge [sflag:s29], $0x1  }
0xbc: {  	[sflag:s29] =	ssyncadd.s32 $0xFFFFFFFF  }
0xbd: {  	_ =	strace $0x9000004B  }
0xbe: {  	_ =	sfence  }
0xbf: {  	s30 =	sld [smem:$0x0];
	_ =	sdelay $0x2  }
0xc0: {  	s31 =	sshll.u32 s1, $0xD;
	s1 =	sshrl.u32 s1, $0x2  }
0xc1: {  	s3 =	sand.u32 $0x4000, s31;
	s1 =	sadd.s32 s1, s30  }
0xc2: {  	s0 =	sor.u32 s3, s0;
	s1 =	sshll.u32 s1, $0x11  }
0xc3: {  	s0 =	sor.u32 s1, s0  }
0xc4: {  	s0 =	sadd.s32 $0x8F2B, s0  }
0xc5: {  	[sflag:s0] =	ssyncadd.remote.s32 $0x1  }
0xc6: {  	_ =	sfence.sel $0xFFFF  }
0xc7: {  	[dreg:$0x0] =	wrdreg $0xFFFFFFFF;
	(pc) =	sbr.abs _section_cstart, $3  }
0xc8: {  	[dreg:$0x1] =	wrdreg $0xFFFFFFFF  }
0xc9: {  	_ =	task.clear_ibuf [dreg:s7], $0x2FFFF;
	_ =	strace $0x9FFFFFFF  }
0xca: {  	(tm) =	ssettm $0x7FFFFFFF  }
0xcb: {  	_ =	shalt  }
tec
execute0_lowered:
.L_overlay_start_1:
0x0: {  	(tag) =	ssettag $0x1  }
0x1: {  	s0 =	rddreg [dreg:$0x0]  }
0x2: {  	s3 =	rddreg [dreg:$0x2];
	s1 =	srdreg.scid  }
0x3: {  	s14 =	stileid.u32;
	s4 =	rddreg [dreg:$0x3]  }
0x4: {  	s5 =	simm.s32 $0x0;
	s16 =	simm.s32 $0xC890;
	s29 =	simm.s32 $0x8890  }
0x5: {  	s30 =	simm.s32 $0x1;
	s31 =	simm.s32 $0x7810;
	s28 =	simm.s32 $0xC090  }
0x6: {  	s1 =	sand.u32 $0x1, s1;
	s2 =	sshll.u32 s14, $0x1;
	[smem:$0x7FF] =	sst s5  }
0x7: {  	s6 =	sadd.s32 $0x400, s0;
	s7 =	sadd.s32 $0xA400, s0;
	s17 =	smul.u32 $0x9D00, s14  }
0x8: {  	s8 =	sadd.s32 $0x1EE00, s0;
	s10 =	sadd.s32 $0xFE00, s0;
	s19 =	smul.u32 $0x2740, s14  }
0x9: {  	s11 =	sadd.s32 $0xAE00, s0;
	s22 =	smul.u32 $0x13A00, s14;
	s2 =	sor.u32 s1, s2  }
0xa: {  	_ =	strace $0x8000004A;
	[dreg:$0x5] =	wrdreg s7;
	s7 =	sadd.s32 $0x28E00, s0  }
0xb: {  	s9 =	ssub.s32 $0x2, s1;
	p0 =	seq.s32 s1, $0x1;
	s2 =	smul.u32 $0x280, s2  }
0xc: {  	s12 =	sshrl.u32 s9, $0x1;
	s20 =	sshrl.u32 s17, $0x4;
	s21 =	sshrl.u32 s17, $0x1  }
0xd: {  	s13 =	sshrl.u32 s19, $0x3;
	s7 =	smov.u32 @p0 s8;
	s10 =	smov.u32 @p0 s11  }
0xe: {  	s24 =	sshrl.u32 s22, $0x2;
	s22 =	simm.s32 $0xA890;
	s9 =	ssub.s32 s9, s12  }
0xf: {  	s12 =	sadd.s32 s21, s3;
	s1 =	sadd.s32 s7, s20;
	s23 =	sadd.s32 s10, s13  }
0x10: {  	s20 =	simm.s32 $0x2;
	s7 =	simm.s32 $0x0;
	[dreg:$0xa] =	wrdreg s1  }
0x11: {  	s2 =	sadd.s32 s2, s0;
	s0 =	sadd.s32 $0xA900, s0;
	[dreg:$0xb] =	wrdreg s23  }
0x12: {  	s9 =	smax.u32 s9, $0x1;
	s23 =	simm.s32 $0x5;
	[dreg:$0x6] =	wrdreg s0  }
0x13: {  	s25 =	sshrl.u32 s12, $0x3;
	s1 =	simm.s32 $0xB890;
	[dreg:$0x9] =	wrdreg s9  }
0x14: {  	s18 =	sadd.s32 $0x19E00, s2;
	s2 =	sadd.s32 $0x14E00, s2;
	[dreg:$0xd] =	wrdreg s25  }
0x15: {  	s0 =	sshrl.u32 s17, $0x2;
	s17 =	simm.s32 $0xC910;
	[dreg:$0x7] =	wrdreg s18  }
0x16: {  	s9 =	simm.s32 $0x5000;
	[dreg:$0x8] =	wrdreg s2;
	s2 =	sadd.s32 s19, s4  }
0x17: {  	s14 =	sadd.s32 s0, s4;
	s0 =	sadd.s32 s24, s3;
	s18 =	simm.s32 $0x6  }
0x18: {  	s19 =	simm.s32 $0x2800;
	[dreg:$0xc] =	wrdreg s0;
	s26 =	sshrl.u32 s2, $0x3  }
0x19: {  	v0 =	vimm.bf16 $0.0e+00;
	v1 =	vimm.f32 $0.0e+00;
	s2 =	simm.s32 $0x9890;
	[dreg:$0xe] =	wrdreg s26;
	s26 =	simm.s32 $0x80  }
.LBB2_1:
0x1a: {  	[tilespmem:$0xC890] =	vst v0  }
0x1b: {  	[tilespmem:$0xC8A0] =	vst v0  }
0x1c: {  	[tilespmem:$0xC910] =	vst v1  }
0x1d: {  	[tilespmem:$0xC8B0] =	vst v0  }
0x1e: {  	[tilespmem:$0xC8C0] =	vst v0  }
0x1f: {  	[tilespmem:$0xC920] =	vst v1  }
0x20: {  	[tilespmem:$0xC8D0] =	vst v0  }
0x21: {  	[tilespmem:$0xC8E0] =	vst v0  }
0x22: {  	[tilespmem:$0xC930] =	vst v1  }
0x23: {  	[tilespmem:$0xC8F0] =	vst v0  }
0x24: {  	[dreg:$0xf] =	wrdreg s7;
	[tilespmem:$0xC900] =	vst v0  }
0x25: {  	[tilespmem:$0xC940] =	vst v1;
	s25 =	rddreg [dreg:$0xc]  }
0x26: {  	[spmem:s25] =	stream.linear.scatter [tilespmem:s16], [sflag:$0x5], $0x80, $0x38;
	[tilespmem:$0x13F10] =	vst v63  }
0x27: {  	s0 =	simm.s32 $0x100;
	s8 =	sadd.s32 $0x0, s14;
	s7 =	sadd.s32 $0x80, s25  }
.LBB2_2:
0x28: {  	[spmem:s8] =	stream.linear.scatter [tilespmem:s17], [sflag:$0x5], $0x40, $0x38;
	[tilespmem:$0x13F10] =	vst v63  }
0x29: {  	s8 =	smov.u32 s0;
	p0 =	sne.s32 s0, $0x9C00  }
.Ltmp0:
0x2a: {  	s0 =	sadd.s32 $0x100, s0;
	(pc) =	sbr.rel @p0 .LBB2_2-.Ltmp0, $4  }
0x2b: {  	[spmem:s7] =	stream.linear.scatter [tilespmem:s16], [sflag:$0x5], $0x80, $0x38;
	[tilespmem:$0x13F10] =	vst v63  }
0x2c: {  	_ = 	snop  }
0x2d: {  	s8 =	sshra.s32 s8, $0x2  }
0x2e: {  	s8 =	sadd.s32 s8, s14;
	s7 =	sadd.s32 $0x80, s7  }
0x2f: {  	[spmem:s8] =	stream.linear.scatter [tilespmem:s17], [sflag:$0x5], $0x40, $0x38;
	[tilespmem:$0x13F10] =	vst v63  }
0x30: {  	s0 =	rddreg [dreg:$0x5]  }
0x31: {  	[tilespmem:s5], [sflag:$0x6] =	stream.linear.gather [hbm4b:s0+s5], $0x2800, $0x38;
	[tilespmem:$0x13F10] =	vst v63  }
0x32: {  	_ =	swait.ge [sflag:s18], $0x2800  }
0x33: {  	[sflag:s18] =	ssyncset.done $0x0  }
0x34: {  	s13 =	rddreg [dreg:$0x6];
	[sflag:s18] =	ssyncadd.s32 $0xFFFFD800  }
0x35: {  	[tilespmem:s19], [sflag:$0x6] =	stream.linear.gather [hbm4b:s13+s5], $0x2800, $0x38;
	[tilespmem:$0x13F10] =	vst v63  }
0x36: {  	_ =	swait.ge [sflag:s18], $0x2800  }
0x37: {  	[sflag:s18] =	ssyncset.done $0x0  }
0x38: {  	[sflag:s18] =	ssyncadd.s32 $0xFFFFD800  }
0x39: {  	s7 =	simm.s32 $0x7800;
	s15 =	rddreg [dreg:$0x1]  }
0x3a: {  	[tilespmem:s7], [sflag:$0x6] =	stream.linear.gather [hbm4b:s15+s5], $0x10, $0x38;
	[tilespmem:$0x13F10] =	vst v63  }
0x3b: {  	_ =	swait.ge [sflag:s18], $0x10  }
0x3c: {  	[sflag:s18] =	ssyncset.done $0x0  }
0x3d: {  	s21 =	rddreg [dreg:$0x7];
	[sflag:s18] =	ssyncadd.s32 $0xFFFFFFF0  }
0x3e: {  	[tilespmem:s9], [sflag:$0x6] =	stream.linear.gather [hbm4b:s21+s5], $0x1400, $0x38;
	[tilespmem:$0x13F10] =	vst v63  }
0x3f: {  	_ =	swait.ge [sflag:s18], $0x1400  }
0x40: {  	[sflag:s18] =	ssyncset.done $0x0  }
0x41: {  	s25 =	simm.s32 $0x6400;
	s24 =	rddreg [dreg:$0x8];
	[sflag:s18] =	ssyncadd.s32 $0xFFFFEC00  }
0x42: {  	[tilespmem:s25], [sflag:$0x6] =	stream.linear.gather [hbm4b:s24+s5], $0x1400, $0x38;
	[tilespmem:$0x13F10] =	vst v63  }
0x43: {  	_ =	swait.ge [sflag:s18], $0x1400  }
0x44: {  	[sflag:s18] =	ssyncset.done $0x0  }
0x45: {  	[sflag:s18] =	ssyncadd.s32 $0xFFFFEC00  }
0x46: {  	_ =	swait.ge [sflag:s23], $0x80  }
0x47: {  	[sflag:s23] =	ssyncset.done $0x0  }
0x48: {  	[sflag:s23] =	ssyncadd.s32 $0xFFFFFF80  }
0x49: {  	_ =	swait.ge [sflag:s23], $0x40  }
0x4a: {  	s0 =	simm.s32 $0x9C;
	[sflag:s23] =	ssyncset.done $0x0  }
.LBB2_4:
0x4b: {  	p0 =	sne.s32 s0, $0x1;
	s0 =	sadd.s32 $0xFFFFFFFF, s0;
	[sflag:s23] =	ssyncadd.s32 $0xFFFFFFC0  }
.Ltmp1:
0x4c: {  	_ =	swait.ge [sflag:s23], $0x80;
	(pc) =	sbr.rel @p0 .LBB2_4-.Ltmp1, $4  }
0x4d: {  	[sflag:s23] =	ssyncset.done $0x0  }
0x4e: {  	[sflag:s23] =	ssyncadd.s32 $0xFFFFFF80  }
0x4f: {  	_ =	swait.ge [sflag:s23], $0x40  }
0x50: {  	[sflag:s23] =	ssyncset.done $0x0  }
0x51: {  	[sflag:s23] =	ssyncadd.s32 $0xFFFFFFC0  }
0x52: {  	s0 =	simm.s32 $0x7890;
	[bflag:$0x0] =	sbarrier.arrive $0xFFFF  }
0x53: {  	v2 =	vld [tilespmem:$0x7800];
	[tilespmem:s0], [sflag:$0x1] =	stream.indirect.gather [hbm4b:s6+s26], $0x20, s9, s26, $0xb8  }
0x54: {  	s9 =	simm.s32 $0x0  }
.LBB2_6:
0x55: {  	s0 =	sshllo.u32 s9, $0x1  }
0x56: {  	s10 =	sshll.u32 s0, $0x7  }
0x57: {  	s0 =	sand.u32 $0x3FFFFF80, s10  }
0x58: {  	s13 =	sshll.u32 s9, $0x8;
	s0 =	sadd.s32 $0x5000, s0  }
0x59: {  	[tilespmem:s29], [sflag:$0x2] =	stream.indirect.gather [hbm4b:s6+s26], $0x20, s0, s26, $0xb8;
	[tilespmem:$0x13F10] =	vst v63  }
0x5a: {  	v3 =	vld [tilespmem:s13+$0x5000]  }
0x5b: {  	v4 =	vld [tilespmem:s13+$0x6400];
	_ =	sdelay $0x6  }
0x5c: {  	v3 =	vld.idx.msk [tilespmem:v3+s5+$0x0], $0xffff  }
0x5d: {  	v4 =	vld.idx.msk [tilespmem:v4+s19+$0x0], $0xffff;
	_ =	sdelay $0x4  }
0x5e: {  	v3 =	vadd.f32 v4, v3;
	_ =	sdelay $0x1  }
0x5f: {  	v4 =	vmul.f32 $2.000000030e-01, v3  }
0x60: {  	vm0 =	vge.f32 v3, $0.0e+00  }
0x61: {  	v3 =	vsel vm0, v3, v4  }
0x62: {  	v3 =	vsub.f32 v3, v2;
	_ =	sdelay $0x1  }
0x63: {  	v3 =	vmul.f32 $1.442695020e+00, v3;
	_ =	sdelay $0x1  }
0x64: {  	(erf) = vpow2.f32 v3;
	_ =	sdelay $0x8  }
0x65: {  	v3 =	vpop (erf)  }
0x66: {  	[tilespmem:$0x7810] =	vst v3  }
0x67: {  	v3 =	vld [tilespmem:s13+$0x5010]  }
0x68: {  	v4 =	vld [tilespmem:s13+$0x6410];
	_ =	sdelay $0x6  }
0x69: {  	v3 =	vld.idx.msk [tilespmem:v3+s5+$0x0], $0xffff  }
0x6a: {  	v4 =	vld.idx.msk [tilespmem:v4+s19+$0x0], $0xffff;
	_ =	sdelay $0x4  }
0x6b: {  	v3 =	vadd.f32 v4, v3;
	_ =	sdelay $0x1  }
0x6c: {  	v4 =	vmul.f32 $2.000000030e-01, v3  }
0x6d: {  	vm9 =	vge.f32 v3, $0.0e+00  }
0x6e: {  	v3 =	vsel vm9, v3, v4  }
0x6f: {  	v3 =	vsub.f32 v3, v2;
	_ =	sdelay $0x1  }
0x70: {  	v3 =	vmul.f32 $1.442695020e+00, v3;
	_ =	sdelay $0x1  }
0x71: {  	(erf) = vpow2.f32 v3;
	_ =	sdelay $0x8  }
0x72: {  	v3 =	vpop (erf)  }
0x73: {  	[tilespmem:$0x7820] =	vst v3  }
0x74: {  	v3 =	vld [tilespmem:s13+$0x5020]  }
0x75: {  	v4 =	vld [tilespmem:s13+$0x6420];
	_ =	sdelay $0x6  }
0x76: {  	v3 =	vld.idx.msk [tilespmem:v3+s5+$0x0], $0xffff  }
0x77: {  	v4 =	vld.idx.msk [tilespmem:v4+s19+$0x0], $0xffff;
	_ =	sdelay $0x4  }
0x78: {  	v3 =	vadd.f32 v4, v3;
	_ =	sdelay $0x1  }
0x79: {  	v4 =	vmul.f32 $2.000000030e-01, v3  }
0x7a: {  	vm10 =	vge.f32 v3, $0.0e+00  }
0x7b: {  	v3 =	vsel vm10, v3, v4  }
0x7c: {  	v3 =	vsub.f32 v3, v2;
	_ =	sdelay $0x1  }
0x7d: {  	v3 =	vmul.f32 $1.442695020e+00, v3;
	_ =	sdelay $0x1  }
0x7e: {  	(erf) = vpow2.f32 v3;
	_ =	sdelay $0x8  }
0x7f: {  	v3 =	vpop (erf)  }
0x80: {  	[tilespmem:$0x7830] =	vst v3  }
0x81: {  	v3 =	vld [tilespmem:s13+$0x5030]  }
0x82: {  	v4 =	vld [tilespmem:s13+$0x6430];
	_ =	sdelay $0x6  }
0x83: {  	v3 =	vld.idx.msk [tilespmem:v3+s5+$0x0], $0xffff  }
0x84: {  	v4 =	vld.idx.msk [tilespmem:v4+s19+$0x0], $0xffff;
	_ =	sdelay $0x4  }
0x85: {  	v3 =	vadd.f32 v4, v3;
	_ =	sdelay $0x1  }
0x86: {  	v4 =	vmul.f32 $2.000000030e-01, v3  }
0x87: {  	vm11 =	vge.f32 v3, $0.0e+00  }
0x88: {  	v3 =	vsel vm11, v3, v4  }
0x89: {  	v3 =	vsub.f32 v3, v2;
	_ =	sdelay $0x1  }
0x8a: {  	v3 =	vmul.f32 $1.442695020e+00, v3;
	_ =	sdelay $0x1  }
0x8b: {  	(erf) = vpow2.f32 v3;
	_ =	sdelay $0x8  }
0x8c: {  	v3 =	vpop (erf)  }
0x8d: {  	[tilespmem:$0x7840] =	vst v3  }
0x8e: {  	v3 =	vld [tilespmem:s13+$0x5040]  }
0x8f: {  	v4 =	vld [tilespmem:s13+$0x6440];
	_ =	sdelay $0x6  }
0x90: {  	v3 =	vld.idx.msk [tilespmem:v3+s5+$0x0], $0xffff  }
0x91: {  	v4 =	vld.idx.msk [tilespmem:v4+s19+$0x0], $0xffff;
	_ =	sdelay $0x4  }
0x92: {  	v3 =	vadd.f32 v4, v3;
	_ =	sdelay $0x1  }
0x93: {  	v4 =	vmul.f32 $2.000000030e-01, v3  }
0x94: {  	vm12 =	vge.f32 v3, $0.0e+00  }
0x95: {  	v3 =	vsel vm12, v3, v4  }
0x96: {  	v3 =	vsub.f32 v3, v2;
	_ =	sdelay $0x1  }
0x97: {  	v3 =	vmul.f32 $1.442695020e+00, v3;
	_ =	sdelay $0x1  }
0x98: {  	(erf) = vpow2.f32 v3;
	_ =	sdelay $0x8  }
0x99: {  	v3 =	vpop (erf)  }
0x9a: {  	[tilespmem:$0x7850] =	vst v3  }
0x9b: {  	v3 =	vld [tilespmem:s13+$0x5050]  }
0x9c: {  	v4 =	vld [tilespmem:s13+$0x6450];
	_ =	sdelay $0x6  }
0x9d: {  	v3 =	vld.idx.msk [tilespmem:v3+s5+$0x0], $0xffff  }
0x9e: {  	v4 =	vld.idx.msk [tilespmem:v4+s19+$0x0], $0xffff;
	_ =	sdelay $0x4  }
0x9f: {  	v3 =	vadd.f32 v4, v3;
	_ =	sdelay $0x1  }
0xa0: {  	v4 =	vmul.f32 $2.000000030e-01, v3  }
0xa1: {  	vm13 =	vge.f32 v3, $0.0e+00  }
0xa2: {  	v3 =	vsel vm13, v3, v4  }
0xa3: {  	v3 =	vsub.f32 v3, v2;
	_ =	sdelay $0x1  }
0xa4: {  	v3 =	vmul.f32 $1.442695020e+00, v3;
	_ =	sdelay $0x1  }
0xa5: {  	(erf) = vpow2.f32 v3;
	_ =	sdelay $0x8  }
0xa6: {  	v3 =	vpop (erf)  }
0xa7: {  	[tilespmem:$0x7860] =	vst v3  }
0xa8: {  	v3 =	vld [tilespmem:s13+$0x5060]  }
0xa9: {  	v4 =	vld [tilespmem:s13+$0x6460];
	_ =	sdelay $0x6  }
0xaa: {  	v3 =	vld.idx.msk [tilespmem:v3+s5+$0x0], $0xffff  }
0xab: {  	v4 =	vld.idx.msk [tilespmem:v4+s19+$0x0], $0xffff;
	_ =	sdelay $0x4  }
0xac: {  	v3 =	vadd.f32 v4, v3;
	_ =	sdelay $0x1  }
0xad: {  	v4 =	vmul.f32 $2.000000030e-01, v3  }
0xae: {  	vm14 =	vge.f32 v3, $0.0e+00  }
0xaf: {  	v3 =	vsel vm14, v3, v4  }
0xb0: {  	v3 =	vsub.f32 v3, v2;
	_ =	sdelay $0x1  }
0xb1: {  	v3 =	vmul.f32 $1.442695020e+00, v3;
	_ =	sdelay $0x1  }
0xb2: {  	(erf) = vpow2.f32 v3;
	_ =	sdelay $0x8  }
0xb3: {  	v3 =	vpop (erf)  }
0xb4: {  	[tilespmem:$0x7870] =	vst v3  }
0xb5: {  	v3 =	vld [tilespmem:s13+$0x5070]  }
0xb6: {  	v4 =	vld [tilespmem:s13+$0x6470];
	_ =	sdelay $0x6  }
0xb7: {  	v3 =	vld.idx.msk [tilespmem:v3+s5+$0x0], $0xffff  }
0xb8: {  	v4 =	vld.idx.msk [tilespmem:v4+s19+$0x0], $0xffff;
	_ =	sdelay $0x4  }
0xb9: {  	v3 =	vadd.f32 v4, v3;
	_ =	sdelay $0x1  }
0xba: {  	v4 =	vmul.f32 $2.000000030e-01, v3  }
0xbb: {  	vm15 =	vge.f32 v3, $0.0e+00  }
0xbc: {  	v3 =	vsel vm15, v3, v4  }
0xbd: {  	v3 =	vsub.f32 v3, v2;
	_ =	sdelay $0x1  }
0xbe: {  	v3 =	vmul.f32 $1.442695020e+00, v3;
	_ =	sdelay $0x1  }
0xbf: {  	(erf) = vpow2.f32 v3;
	_ =	sdelay $0x8  }
0xc0: {  	v3 =	vpop (erf)  }
0xc1: {  	[tilespmem:$0x7880] =	vst v3  }
0xc2: {  	_ =	swait.ge [sflag:s30], $0x1000  }
0xc3: {  	p0 =	seq.s32 s9, $0x0;
	s25 =	simm.s32 $0x0;
	[sflag:s30] =	ssyncset.done $0x0  }
0xc4: {  	s7 =	simm.s32 @!p0 $0x3;
	v3 =	vmov s25;
	[sflag:s30] =	ssyncadd.s32 $0xFFFFF000  }
0xc5: {  	v3 =	vand.u32 $0xFFFFFFFC, v3;
	_ =	swait.ge @!p0 [sflag:s7], $0x1000  }
0xc6: {  	v3 =	vbroadcast v3, $0x0;
	[sflag:s7] =	ssyncset.done @!p0 $0x0  }
0xc7: {  	[sflag:s7] =	ssyncadd.s32 @!p0 $0xFFFFF000  }
0xc8: {  	_ =	swait.ge @!p0 [sflag:s7], $0x800  }
0xc9: {  	[sflag:s7] =	ssyncset.done @!p0 $0x0  }
0xca: {  	s8 =	simm.s32 $0x78D0;
	[sflag:s7] =	ssyncadd.s32 @!p0 $0xFFFFF800  }
0xcb: {  	v4 =	vld [tilespmem:s8+$0xFFFFFFC0]  }
0xcc: {  	v3 =	vld.idx.msk [tilespmem:v3+s31+$0x0], $0xffff;
	_ =	sdelay $0x3  }
0xcd: {  	v5 =	vshll.u32 v4, $0x10;
	v4 =	vand.u32 $0xFFFF0000, v4  }
0xce: {  	v5 =	vmul.f32 v5, v3;
	v4 =	vmul.f32 v4, v3;
	_ =	sdelay $0x1  }
0xcf: {  	s11 =	simm.s32 $0x98D0;
	v4 =	vpack.i.f32.bf16 v4, v5  }
0xd0: {  	[tilespmem:s11+$0xFFFFFFC0] =	vst v4  }
0xd1: {  	v4 =	vld [tilespmem:s8+$0xFFFFFFD0];
	_ =	sdelay $0x1  }
0xd2: {  	s15 =	simm.s32 $0x1  }
0xd3: {  	v5 =	vmov s15  }
0xd4: {  	v5 =	vand.u32 $0xFFFFFFFD, v5  }
0xd5: {  	v5 =	vbroadcast v5, $0x0;
	v6 =	vshll.u32 v4, $0x10;
	v4 =	vand.u32 $0xFFFF0000, v4  }
0xd6: {  	v6 =	vmul.f32 v6, v3;
	v4 =	vmul.f32 v4, v3;
	_ =	sdelay $0x1  }
0xd7: {  	v4 =	vpack.i.f32.bf16 v4, v6  }
0xd8: {  	s12 =	simm.s32 $0xB8B0;
	[tilespmem:s11+$0xFFFFFFD0] =	vst v4  }
0xd9: {  	[tilespmem:s12+$0xFFFFFFE0] =	vst v3  }
0xda: {  	v3 =	vld [tilespmem:s8+$0xFFFFFFE0]  }
0xdb: {  	v4 =	vld.idx.msk [tilespmem:v5+s31+$0x0], $0xffff;
	_ =	sdelay $0x3  }
0xdc: {  	v5 =	vshll.u32 v3, $0x10;
	v3 =	vand.u32 $0xFFFF0000, v3  }
0xdd: {  	v5 =	vmul.f32 v5, v4;
	v3 =	vmul.f32 v3, v4;
	_ =	sdelay $0x1  }
0xde: {  	v3 =	vpack.i.f32.bf16 v3, v5  }
0xdf: {  	[tilespmem:s11+$0xFFFFFFE0] =	vst v3  }
0xe0: {  	v3 =	vld [tilespmem:s8+$0xFFFFFFF0];
	_ =	sdelay $0x1  }
0xe1: {  	s21 =	simm.s32 $0x2  }
0xe2: {  	v5 =	vmov s21  }
0xe3: {  	v5 =	vand.u32 $0xFFFFFFFE, v5  }
0xe4: {  	v5 =	vbroadcast v5, $0x0;
	v6 =	vshll.u32 v3, $0x10;
	v3 =	vand.u32 $0xFFFF0000, v3  }
0xe5: {  	v6 =	vmul.f32 v6, v4;
	v3 =	vmul.f32 v3, v4;
	_ =	sdelay $0x1  }
0xe6: {  	v3 =	vpack.i.f32.bf16 v3, v6  }
0xe7: {  	[tilespmem:s11+$0xFFFFFFF0] =	vst v3  }
0xe8: {  	[tilespmem:s12+$0xFFFFFFF0] =	vst v4  }
0xe9: {  	v3 =	vld [tilespmem:s8+$0x0]  }
0xea: {  	v4 =	vld.idx.msk [tilespmem:v5+s31+$0x0], $0xffff;
	_ =	sdelay $0x3  }
0xeb: {  	v5 =	vshll.u32 v3, $0x10;
	v3 =	vand.u32 $0xFFFF0000, v3  }
0xec: {  	v5 =	vmul.f32 v5, v4;
	v3 =	vmul.f32 v3, v4;
	_ =	sdelay $0x1  }
0xed: {  	v3 =	vpack.i.f32.bf16 v3, v5  }
0xee: {  	[tilespmem:s11+$0x0] =	vst v3  }
0xef: {  	v3 =	vld [tilespmem:s8+$0x10];
	_ =	sdelay $0x4  }
0xf0: {  	v5 =	vshll.u32 v3, $0x10;
	v3 =	vand.u32 $0xFFFF0000, v3  }
0xf1: {  	s24 =	simm.s32 $0x3;
	v5 =	vmul.f32 v5, v4;
	v3 =	vmul.f32 v3, v4  }
0xf2: {  	v6 =	vmov s24  }
0xf3: {  	v3 =	vpack.i.f32.bf16 v3, v5  }
0xf4: {  	[tilespmem:s11+$0x10] =	vst v3  }
0xf5: {  	[tilespmem:s12+$0x0] =	vst v4  }
0xf6: {  	v4 =	vld [tilespmem:s8+$0x20]  }
0xf7: {  	v3 =	vld.idx.msk [tilespmem:v6+s31+$0x0], $0xffff;
	_ =	sdelay $0x3  }
0xf8: {  	v5 =	vshll.u32 v4, $0x10;
	v4 =	vand.u32 $0xFFFF0000, v4  }
0xf9: {  	v5 =	vmul.f32 v5, v3;
	v4 =	vmul.f32 v4, v3;
	_ =	sdelay $0x1  }
0xfa: {  	v4 =	vpack.i.f32.bf16 v4, v5  }
0xfb: {  	[tilespmem:s11+$0x20] =	vst v4  }
0xfc: {  	v6 =	vld [tilespmem:s8+$0x30];
	_ =	sdelay $0x1  }
0xfd: {  	s25 =	simm.s32 $0x4  }
0xfe: {  	v4 =	vmov s25  }
0xff: {  	s0 =	simm.s32 $0xB;
	s15 =	simm.s32 $0xB8B0;
	s21 =	sadd.s32 $0x6400, s13;
	v4 =	vand.u32 $0xFFFFFFFC, v4  }
0x100: {  	s13 =	simm.s32 $0x7950;
	s24 =	simm.s32 $0x7;
	s25 =	simm.s32 $0x98D0;
	v4 =	vbroadcast v4, $0x0;
	v5 =	vshll.u32 v6, $0x10;
	v6 =	vand.u32 $0xFFFF0000, v6  }
.LBB2_7:
0x101: {  	s11 =	sadd.s32 $0x80, s11  }
0x102: {  	v5 =	vmul.f32 v5, v3;
	v6 =	vmul.f32 v6, v3;
	s12 =	sadd.s32 $0x40, s12;
	s7 =	smov.u32 s0;
	s8 =	sadd.s32 $0x4, s0  }
0x103: {  	p1 =	sne.s32 s0, $0x7F  }
0x104: {  	v5 =	vpack.i.f32.bf16 v6, v5  }
0x105: {  	[tilespmem:s25+$0x30] =	vst v5;
	s25 =	smov.u32 s11  }
0x106: {  	[tilespmem:s15+$0x10] =	vst v3;
	s15 =	smov.u32 s12  }
0x107: {  	v3 =	vld.idx.msk [tilespmem:v4+s31+$0x0], $0xffff  }
0x108: {  	v4 =	vld [tilespmem:s13+$0xFFFFFFC0];
	_ =	sdelay $0x4  }
0x109: {  	v5 =	vshll.u32 v4, $0x10;
	v4 =	vand.u32 $0xFFFF0000, v4  }
0x10a: {  	v5 =	vmul.f32 v5, v3;
	v4 =	vmul.f32 v4, v3;
	_ =	sdelay $0x1  }
0x10b: {  	v4 =	vpack.i.f32.bf16 v4, v5  }
0x10c: {  	[tilespmem:s11+$0xFFFFFFC0] =	vst v4  }
0x10d: {  	v4 =	vld [tilespmem:s13+$0xFFFFFFD0];
	_ =	sdelay $0x1  }
0x10e: {  	s0 =	sadd.s32 $0xFFFFFFFE, s24  }
0x10f: {  	v5 =	vmov s0  }
0x110: {  	v5 =	vand.u32 $0xFFFFFFFD, v5  }
0x111: {  	v5 =	vbroadcast v5, $0x0;
	v6 =	vshll.u32 v4, $0x10;
	v4 =	vand.u32 $0xFFFF0000, v4  }
0x112: {  	v6 =	vmul.f32 v6, v3;
	v4 =	vmul.f32 v4, v3;
	_ =	sdelay $0x1  }
0x113: {  	v4 =	vpack.i.f32.bf16 v4, v6  }
0x114: {  	[tilespmem:s11+$0xFFFFFFD0] =	vst v4  }
0x115: {  	[tilespmem:s12+$0xFFFFFFE0] =	vst v3  }
0x116: {  	v3 =	vld.idx.msk [tilespmem:v5+s31+$0x0], $0xffff  }
0x117: {  	v4 =	vld [tilespmem:s13+$0xFFFFFFE0];
	_ =	sdelay $0x4  }
0x118: {  	v5 =	vshll.u32 v4, $0x10;
	v4 =	vand.u32 $0xFFFF0000, v4  }
0x119: {  	v5 =	vmul.f32 v5, v3;
	v4 =	vmul.f32 v4, v3;
	_ =	sdelay $0x1  }
0x11a: {  	v4 =	vpack.i.f32.bf16 v4, v5  }
0x11b: {  	[tilespmem:s11+$0xFFFFFFE0] =	vst v4  }
0x11c: {  	v4 =	vld [tilespmem:s13+$0xFFFFFFF0];
	_ =	sdelay $0x1  }
0x11d: {  	s0 =	sadd.s32 $0xFFFFFFFF, s24  }
0x11e: {  	v5 =	vmov s0  }
0x11f: {  	v5 =	vand.u32 $0xFFFFFFFE, v5  }
0x120: {  	v5 =	vbroadcast v5, $0x0;
	v6 =	vshll.u32 v4, $0x10;
	v4 =	vand.u32 $0xFFFF0000, v4  }
0x121: {  	v6 =	vmul.f32 v6, v3;
	v4 =	vmul.f32 v4, v3;
	_ =	sdelay $0x1  }
0x122: {  	v4 =	vpack.i.f32.bf16 v4, v6  }
0x123: {  	[tilespmem:s11+$0xFFFFFFF0] =	vst v4  }
0x124: {  	[tilespmem:s12+$0xFFFFFFF0] =	vst v3  }
0x125: {  	v3 =	vld.idx.msk [tilespmem:v5+s31+$0x0], $0xffff  }
0x126: {  	v4 =	vld [tilespmem:s13+$0x0];
	_ =	sdelay $0x4  }
0x127: {  	v5 =	vshll.u32 v4, $0x10;
	v4 =	vand.u32 $0xFFFF0000, v4  }
0x128: {  	v5 =	vmul.f32 v5, v3;
	v4 =	vmul.f32 v4, v3;
	_ =	sdelay $0x1  }
0x129: {  	v4 =	vpack.i.f32.bf16 v4, v5  }
0x12a: {  	[tilespmem:s11+$0x0] =	vst v4  }
0x12b: {  	v4 =	vld [tilespmem:s13+$0x10];
	_ =	sdelay $0x4  }
0x12c: {  	v5 =	vshll.u32 v4, $0x10;
	v4 =	vand.u32 $0xFFFF0000, v4  }
0x12d: {  	v6 =	vmov s24;
	s24 =	smov.u32 s7;
	v5 =	vmul.f32 v5, v3;
	v4 =	vmul.f32 v4, v3;
	_ =	sdelay $0x1  }
0x12e: {  	v4 =	vpack.i.f32.bf16 v4, v5  }
0x12f: {  	[tilespmem:s11+$0x10] =	vst v4  }
0x130: {  	[tilespmem:s12+$0x0] =	vst v3  }
0x131: {  	v3 =	vld.idx.msk [tilespmem:v6+s31+$0x0], $0xffff  }
0x132: {  	v4 =	vld [tilespmem:s13+$0x20];
	_ =	sdelay $0x4  }
0x133: {  	v5 =	vshll.u32 v4, $0x10;
	v4 =	vand.u32 $0xFFFF0000, v4  }
0x134: {  	v5 =	vmul.f32 v5, v3;
	v4 =	vmul.f32 v4, v3;
	_ =	sdelay $0x1  }
0x135: {  	v4 =	vpack.i.f32.bf16 v4, v5  }
0x136: {  	[tilespmem:s11+$0x20] =	vst v4  }
0x137: {  	v6 =	vld [tilespmem:s13+$0x30]  }
.Ltmp2:
0x138: {  	(pc) =	sbr.rel @p1 .LBB2_7-.Ltmp2, $4  }
0x139: {  	s0 =	sadd.s32 $0xFFFFFFFD, s24  }
0x13a: {  	v4 =	vmov s0  }
0x13b: {  	v4 =	vand.u32 $0xFFFFFFFC, v4  }
0x13c: {  	s0 =	smov.u32 s8;
	s13 =	sadd.s32 $0x80, s13;
	v4 =	vbroadcast v4, $0x0;
	v5 =	vshll.u32 v6, $0x10;
	v6 =	vand.u32 $0xFFFF0000, v6  }
0x13d: {  	v5 =	vmul.f32 v5, v3;
	v6 =	vmul.f32 v6, v3;
	_ =	sdelay $0x1  }
0x13e: {  	v5 =	vpack.i.f32.bf16 v6, v5  }
0x13f: {  	[tilespmem:s25+$0x30] =	vst v5  }
0x140: {  	[tilespmem:s15+$0x10] =	vst v3  }
0x141: {  	v3 =	vld [tilespmem:s13+$0xFFFFFFC0]  }
0x142: {  	v4 =	vld.idx.msk [tilespmem:v4+s31+$0x0], $0xffff;
	_ =	sdelay $0x3  }
0x143: {  	v5 =	vshll.u32 v3, $0x10;
	v3 =	vand.u32 $0xFFFF0000, v3  }
0x144: {  	v5 =	vmul.f32 v5, v4;
	v3 =	vmul.f32 v3, v4;
	_ =	sdelay $0x1  }
0x145: {  	s0 =	sadd.s32 $0x80, s11;
	v3 =	vpack.i.f32.bf16 v3, v5  }
0x146: {  	[tilespmem:s0+$0xFFFFFFC0] =	vst v3  }
0x147: {  	v3 =	vld [tilespmem:s13+$0xFFFFFFD0];
	_ =	sdelay $0x1  }
0x148: {  	s7 =	sadd.s32 $0xFFFFFFFE, s24  }
0x149: {  	v5 =	vmov s7  }
0x14a: {  	v5 =	vand.u32 $0xFFFFFFFD, v5  }
0x14b: {  	v5 =	vbroadcast v5, $0x0;
	v6 =	vshll.u32 v3, $0x10;
	v3 =	vand.u32 $0xFFFF0000, v3  }
0x14c: {  	v6 =	vmul.f32 v6, v4;
	v3 =	vmul.f32 v3, v4;
	_ =	sdelay $0x1  }
0x14d: {  	v3 =	vpack.i.f32.bf16 v3, v6  }
0x14e: {  	s11 =	sadd.s32 $0x40, s12;
	[tilespmem:s0+$0xFFFFFFD0] =	vst v3  }
0x14f: {  	[tilespmem:s11+$0xFFFFFFE0] =	vst v4  }
0x150: {  	v3 =	vld [tilespmem:s13+$0xFFFFFFE0]  }
0x151: {  	v4 =	vld.idx.msk [tilespmem:v5+s31+$0x0], $0xffff;
	_ =	sdelay $0x3  }
0x152: {  	v5 =	vshll.u32 v3, $0x10;
	v3 =	vand.u32 $0xFFFF0000, v3  }
0x153: {  	v5 =	vmul.f32 v5, v4;
	v3 =	vmul.f32 v3, v4;
	_ =	sdelay $0x1  }
0x154: {  	v3 =	vpack.i.f32.bf16 v3, v5  }
0x155: {  	[tilespmem:s0+$0xFFFFFFE0] =	vst v3  }
0x156: {  	v3 =	vld [tilespmem:s13+$0xFFFFFFF0];
	_ =	sdelay $0x1  }
0x157: {  	s8 =	sadd.s32 $0xFFFFFFFF, s24  }
0x158: {  	v5 =	vmov s8  }
0x159: {  	v5 =	vand.u32 $0xFFFFFFFE, v5  }
0x15a: {  	v5 =	vbroadcast v5, $0x0;
	v6 =	vshll.u32 v3, $0x10;
	v3 =	vand.u32 $0xFFFF0000, v3  }
0x15b: {  	v6 =	vmul.f32 v6, v4;
	v3 =	vmul.f32 v3, v4;
	_ =	sdelay $0x1  }
0x15c: {  	v3 =	vpack.i.f32.bf16 v3, v6  }
0x15d: {  	[tilespmem:s0+$0xFFFFFFF0] =	vst v3  }
0x15e: {  	[tilespmem:s11+$0xFFFFFFF0] =	vst v4  }
0x15f: {  	v3 =	vld [tilespmem:s13+$0x0]  }
0x160: {  	v4 =	vld.idx.msk [tilespmem:v5+s31+$0x0], $0xffff;
	_ =	sdelay $0x3  }
0x161: {  	v5 =	vshll.u32 v3, $0x10;
	v3 =	vand.u32 $0xFFFF0000, v3  }
0x162: {  	v5 =	vmul.f32 v5, v4;
	v3 =	vmul.f32 v3, v4;
	_ =	sdelay $0x1  }
0x163: {  	v3 =	vpack.i.f32.bf16 v3, v5  }
0x164: {  	[tilespmem:s0+$0x0] =	vst v3  }
0x165: {  	v3 =	vld [tilespmem:s13+$0x10];
	_ =	sdelay $0x4  }
0x166: {  	v5 =	vshll.u32 v3, $0x10;
	v3 =	vand.u32 $0xFFFF0000, v3  }
0x167: {  	v5 =	vmul.f32 v5, v4;
	v3 =	vmul.f32 v3, v4  }
0x168: {  	v6 =	vmov s24  }
0x169: {  	v3 =	vpack.i.f32.bf16 v3, v5  }
0x16a: {  	[tilespmem:s0+$0x10] =	vst v3  }
0x16b: {  	[tilespmem:s11+$0x0] =	vst v4  }
0x16c: {  	v3 =	vld [tilespmem:s13+$0x20]  }
0x16d: {  	v4 =	vld.idx.msk [tilespmem:v6+s31+$0x0], $0xffff;
	_ =	sdelay $0x3  }
0x16e: {  	v5 =	vshll.u32 v3, $0x10;
	v3 =	vand.u32 $0xFFFF0000, v3  }
0x16f: {  	v5 =	vmul.f32 v5, v4;
	v3 =	vmul.f32 v3, v4;
	_ =	sdelay $0x1  }
0x170: {  	v3 =	vpack.i.f32.bf16 v3, v5  }
0x171: {  	[tilespmem:s0+$0x20] =	vst v3  }
0x172: {  	v3 =	vld [tilespmem:s13+$0x30];
	_ =	sdelay $0x4  }
0x173: {  	v5 =	vshll.u32 v3, $0x10;
	v3 =	vand.u32 $0xFFFF0000, v3  }
0x174: {  	v5 =	vmul.f32 v5, v4;
	v3 =	vmul.f32 v3, v4;
	_ =	sdelay $0x1  }
0x175: {  	v3 =	vpack.i.f32.bf16 v3, v5  }
0x176: {  	p1 =	seq.s32 s9, $0x13;
	[tilespmem:s0+$0x30] =	vst v3  }
0x177: {  	s0 =	sshll.u32 @!p1 s9, $0x8;
	[tilespmem:s11+$0x10] =	vst v4  }
0x178: {  	[spmem:s3] =	stream.indirect.scatter.add.bf16 [tilespmem:s2], [sflag:$0x3], $0x20, s21, s26, $0xb8;
	[tilespmem:$0x13F10] =	vst v63  }
0x179: {  	s0 =	sand.u32 @!p1 $0x3FFFFF00, s0  }
0x17a: {  	[spmem:s4] =	stream.indirect.scatter.add.f32 [tilespmem:s1], [sflag:$0x3], $0x10, s21, s26, $0xb8;
	[tilespmem:$0x13F10] =	vst v63  }
0x17b: {  	s7 =	simm.s32 @!p1 $0x80;
	s8 =	simm.s32 @!p1 $0x7890;
	s0 =	sadd.s32 @!p1 $0x5100, s0  }
0x17c: {  	[tilespmem:s8], [sflag:$0x1] =	stream.indirect.gather @!p1 [hbm4b:s6+s7], $0x20, s0, s7, $0xb8;
	[tilespmem:$0x13F10] =	vst v63  }
0x17d: {  	v3 =	vld [tilespmem:s10+$0x5000]  }
0x17e: {  	v4 =	vld [tilespmem:s10+$0x6400];
	_ =	sdelay $0x6  }
0x17f: {  	v3 =	vld.idx.msk [tilespmem:v3+s5+$0x0], $0xffff  }
0x180: {  	v4 =	vld.idx.msk [tilespmem:v4+s19+$0x0], $0xffff;
	_ =	sdelay $0x4  }
0x181: {  	v3 =	vadd.f32 v4, v3;
	_ =	sdelay $0x1  }
0x182: {  	v4 =	vmul.f32 $2.000000030e-01, v3  }
0x183: {  	vm0 =	vge.f32 v3, $0.0e+00  }
0x184: {  	v3 =	vsel vm0, v3, v4  }
0x185: {  	v3 =	vsub.f32 v3, v2;
	_ =	sdelay $0x1  }
0x186: {  	v3 =	vmul.f32 $1.442695020e+00, v3;
	_ =	sdelay $0x1  }
0x187: {  	(erf) = vpow2.f32 v3;
	_ =	sdelay $0x8  }
0x188: {  	v3 =	vpop (erf)  }
0x189: {  	[tilespmem:$0x7810] =	vst v3  }
0x18a: {  	v3 =	vld [tilespmem:s10+$0x5010]  }
0x18b: {  	v4 =	vld [tilespmem:s10+$0x6410];
	_ =	sdelay $0x6  }
0x18c: {  	v3 =	vld.idx.msk [tilespmem:v3+s5+$0x0], $0xffff  }
0x18d: {  	v4 =	vld.idx.msk [tilespmem:v4+s19+$0x0], $0xffff;
	_ =	sdelay $0x4  }
0x18e: {  	v3 =	vadd.f32 v4, v3;
	_ =	sdelay $0x1  }
0x18f: {  	v4 =	vmul.f32 $2.000000030e-01, v3  }
0x190: {  	vm9 =	vge.f32 v3, $0.0e+00  }
0x191: {  	v3 =	vsel vm9, v3, v4  }
0x192: {  	v3 =	vsub.f32 v3, v2;
	_ =	sdelay $0x1  }
0x193: {  	v3 =	vmul.f32 $1.442695020e+00, v3;
	_ =	sdelay $0x1  }
0x194: {  	(erf) = vpow2.f32 v3;
	_ =	sdelay $0x8  }
0x195: {  	v3 =	vpop (erf)  }
0x196: {  	[tilespmem:$0x7820] =	vst v3  }
0x197: {  	v3 =	vld [tilespmem:s10+$0x5020]  }
0x198: {  	v4 =	vld [tilespmem:s10+$0x6420];
	_ =	sdelay $0x6  }
0x199: {  	v3 =	vld.idx.msk [tilespmem:v3+s5+$0x0], $0xffff  }
0x19a: {  	v4 =	vld.idx.msk [tilespmem:v4+s19+$0x0], $0xffff;
	_ =	sdelay $0x4  }
0x19b: {  	v3 =	vadd.f32 v4, v3;
	_ =	sdelay $0x1  }
0x19c: {  	v4 =	vmul.f32 $2.000000030e-01, v3  }
0x19d: {  	vm10 =	vge.f32 v3, $0.0e+00  }
0x19e: {  	v3 =	vsel vm10, v3, v4  }
0x19f: {  	v3 =	vsub.f32 v3, v2;
	_ =	sdelay $0x1  }
0x1a0: {  	v3 =	vmul.f32 $1.442695020e+00, v3;
	_ =	sdelay $0x1  }
0x1a1: {  	(erf) = vpow2.f32 v3;
	_ =	sdelay $0x8  }
0x1a2: {  	v3 =	vpop (erf)  }
0x1a3: {  	[tilespmem:$0x7830] =	vst v3  }
0x1a4: {  	v3 =	vld [tilespmem:s10+$0x5030]  }
0x1a5: {  	v4 =	vld [tilespmem:s10+$0x6430];
	_ =	sdelay $0x6  }
0x1a6: {  	v3 =	vld.idx.msk [tilespmem:v3+s5+$0x0], $0xffff  }
0x1a7: {  	v4 =	vld.idx.msk [tilespmem:v4+s19+$0x0], $0xffff;
	_ =	sdelay $0x4  }
0x1a8: {  	v3 =	vadd.f32 v4, v3;
	_ =	sdelay $0x1  }
0x1a9: {  	v4 =	vmul.f32 $2.000000030e-01, v3  }
0x1aa: {  	vm11 =	vge.f32 v3, $0.0e+00  }
0x1ab: {  	v3 =	vsel vm11, v3, v4  }
0x1ac: {  	v3 =	vsub.f32 v3, v2;
	_ =	sdelay $0x1  }
0x1ad: {  	v3 =	vmul.f32 $1.442695020e+00, v3;
	_ =	sdelay $0x1  }
0x1ae: {  	(erf) = vpow2.f32 v3;
	_ =	sdelay $0x8  }
0x1af: {  	v3 =	vpop (erf)  }
0x1b0: {  	[tilespmem:$0x7840] =	vst v3  }
0x1b1: {  	v3 =	vld [tilespmem:s10+$0x5040]  }
0x1b2: {  	v4 =	vld [tilespmem:s10+$0x6440];
	_ =	sdelay $0x6  }
0x1b3: {  	v3 =	vld.idx.msk [tilespmem:v3+s5+$0x0], $0xffff  }
0x1b4: {  	v4 =	vld.idx.msk [tilespmem:v4+s19+$0x0], $0xffff;
	_ =	sdelay $0x4  }
0x1b5: {  	v3 =	vadd.f32 v4, v3;
	_ =	sdelay $0x1  }
0x1b6: {  	v4 =	vmul.f32 $2.000000030e-01, v3  }
0x1b7: {  	vm12 =	vge.f32 v3, $0.0e+00  }
0x1b8: {  	v3 =	vsel vm12, v3, v4  }
0x1b9: {  	v3 =	vsub.f32 v3, v2;
	_ =	sdelay $0x1  }
0x1ba: {  	v3 =	vmul.f32 $1.442695020e+00, v3;
	_ =	sdelay $0x1  }
0x1bb: {  	(erf) = vpow2.f32 v3;
	_ =	sdelay $0x8  }
0x1bc: {  	v3 =	vpop (erf)  }
0x1bd: {  	[tilespmem:$0x7850] =	vst v3  }
0x1be: {  	v3 =	vld [tilespmem:s10+$0x5050]  }
0x1bf: {  	v4 =	vld [tilespmem:s10+$0x6450];
	_ =	sdelay $0x6  }
0x1c0: {  	v3 =	vld.idx.msk [tilespmem:v3+s5+$0x0], $0xffff  }
0x1c1: {  	v4 =	vld.idx.msk [tilespmem:v4+s19+$0x0], $0xffff;
	_ =	sdelay $0x4  }
0x1c2: {  	v3 =	vadd.f32 v4, v3;
	_ =	sdelay $0x1  }
0x1c3: {  	v4 =	vmul.f32 $2.000000030e-01, v3  }
0x1c4: {  	vm13 =	vge.f32 v3, $0.0e+00  }
0x1c5: {  	v3 =	vsel vm13, v3, v4  }
0x1c6: {  	v3 =	vsub.f32 v3, v2;
	_ =	sdelay $0x1  }
0x1c7: {  	v3 =	vmul.f32 $1.442695020e+00, v3;
	_ =	sdelay $0x1  }
0x1c8: {  	(erf) = vpow2.f32 v3;
	_ =	sdelay $0x8  }
0x1c9: {  	v3 =	vpop (erf)  }
0x1ca: {  	[tilespmem:$0x7860] =	vst v3  }
0x1cb: {  	v3 =	vld [tilespmem:s10+$0x5060]  }
0x1cc: {  	v4 =	vld [tilespmem:s10+$0x6460];
	_ =	sdelay $0x6  }
0x1cd: {  	v3 =	vld.idx.msk [tilespmem:v3+s5+$0x0], $0xffff  }
0x1ce: {  	v4 =	vld.idx.msk [tilespmem:v4+s19+$0x0], $0xffff;
	_ =	sdelay $0x4  }
0x1cf: {  	v3 =	vadd.f32 v4, v3;
	_ =	sdelay $0x1  }
0x1d0: {  	v4 =	vmul.f32 $2.000000030e-01, v3  }
0x1d1: {  	vm14 =	vge.f32 v3, $0.0e+00  }
0x1d2: {  	v3 =	vsel vm14, v3, v4  }
0x1d3: {  	v3 =	vsub.f32 v3, v2;
	_ =	sdelay $0x1  }
0x1d4: {  	v3 =	vmul.f32 $1.442695020e+00, v3;
	_ =	sdelay $0x1  }
0x1d5: {  	(erf) = vpow2.f32 v3;
	_ =	sdelay $0x8  }
0x1d6: {  	v3 =	vpop (erf)  }
0x1d7: {  	[tilespmem:$0x7870] =	vst v3  }
0x1d8: {  	v3 =	vld [tilespmem:s10+$0x5070]  }
0x1d9: {  	v4 =	vld [tilespmem:s10+$0x6470];
	_ =	sdelay $0x6  }
0x1da: {  	v3 =	vld.idx.msk [tilespmem:v3+s5+$0x0], $0xffff  }
0x1db: {  	v4 =	vld.idx.msk [tilespmem:v4+s19+$0x0], $0xffff;
	_ =	sdelay $0x4  }
0x1dc: {  	v3 =	vadd.f32 v4, v3;
	_ =	sdelay $0x1  }
0x1dd: {  	v4 =	vmul.f32 $2.000000030e-01, v3  }
0x1de: {  	vm15 =	vge.f32 v3, $0.0e+00  }
0x1df: {  	v3 =	vsel vm15, v3, v4  }
0x1e0: {  	v3 =	vsub.f32 v3, v2;
	_ =	sdelay $0x1  }
0x1e1: {  	v3 =	vmul.f32 $1.442695020e+00, v3;
	_ =	sdelay $0x1  }
0x1e2: {  	(erf) = vpow2.f32 v3;
	_ =	sdelay $0x8  }
0x1e3: {  	v3 =	vpop (erf)  }
0x1e4: {  	[tilespmem:$0x7880] =	vst v3  }
0x1e5: {  	_ =	swait.ge [sflag:s20], $0x1000  }
0x1e6: {  	s12 =	simm.s32 $0x0;
	[sflag:s20] =	ssyncset.done $0x0  }
0x1e7: {  	s7 =	simm.s32 @!p0 $0x4;
	v3 =	vmov s12;
	[sflag:s20] =	ssyncadd.s32 $0xFFFFF000  }
0x1e8: {  	v3 =	vand.u32 $0xFFFFFFFC, v3;
	_ =	swait.ge @!p0 [sflag:s7], $0x1000  }
0x1e9: {  	v3 =	vbroadcast v3, $0x0;
	[sflag:s7] =	ssyncset.done @!p0 $0x0  }
0x1ea: {  	[sflag:s7] =	ssyncadd.s32 @!p0 $0xFFFFF000  }
0x1eb: {  	_ =	swait.ge @!p0 [sflag:s7], $0x800  }
0x1ec: {  	[sflag:s7] =	ssyncset.done @!p0 $0x0  }
0x1ed: {  	s13 =	simm.s32 $0x88D0;
	[sflag:s7] =	ssyncadd.s32 @!p0 $0xFFFFF800  }
0x1ee: {  	v4 =	vld [tilespmem:s13+$0xFFFFFFC0]  }
0x1ef: {  	v3 =	vld.idx.msk [tilespmem:v3+s31+$0x0], $0xffff;
	_ =	sdelay $0x3  }
0x1f0: {  	v5 =	vshll.u32 v4, $0x10;
	v4 =	vand.u32 $0xFFFF0000, v4  }
0x1f1: {  	v5 =	vmul.f32 v5, v3;
	v4 =	vmul.f32 v4, v3;
	_ =	sdelay $0x1  }
0x1f2: {  	s11 =	simm.s32 $0xA8D0;
	v4 =	vpack.i.f32.bf16 v4, v5  }
0x1f3: {  	[tilespmem:s11+$0xFFFFFFC0] =	vst v4  }
0x1f4: {  	v4 =	vld [tilespmem:s13+$0xFFFFFFD0];
	_ =	sdelay $0x1  }
0x1f5: {  	s15 =	simm.s32 $0x1  }
0x1f6: {  	v5 =	vmov s15  }
0x1f7: {  	v5 =	vand.u32 $0xFFFFFFFD, v5  }
0x1f8: {  	v5 =	vbroadcast v5, $0x0;
	v6 =	vshll.u32 v4, $0x10;
	v4 =	vand.u32 $0xFFFF0000, v4  }
0x1f9: {  	v6 =	vmul.f32 v6, v3;
	v4 =	vmul.f32 v4, v3;
	_ =	sdelay $0x1  }
0x1fa: {  	v4 =	vpack.i.f32.bf16 v4, v6  }
0x1fb: {  	s12 =	simm.s32 $0xC0B0;
	[tilespmem:s11+$0xFFFFFFD0] =	vst v4  }
0x1fc: {  	[tilespmem:s12+$0xFFFFFFE0] =	vst v3  }
0x1fd: {  	v3 =	vld [tilespmem:s13+$0xFFFFFFE0]  }
0x1fe: {  	v4 =	vld.idx.msk [tilespmem:v5+s31+$0x0], $0xffff;
	_ =	sdelay $0x3  }
0x1ff: {  	v5 =	vshll.u32 v3, $0x10;
	v3 =	vand.u32 $0xFFFF0000, v3  }
0x200: {  	v5 =	vmul.f32 v5, v4;
	v3 =	vmul.f32 v3, v4;
	_ =	sdelay $0x1  }
0x201: {  	v3 =	vpack.i.f32.bf16 v3, v5  }
0x202: {  	[tilespmem:s11+$0xFFFFFFE0] =	vst v3  }
0x203: {  	v3 =	vld [tilespmem:s13+$0xFFFFFFF0];
	_ =	sdelay $0x1  }
0x204: {  	s21 =	simm.s32 $0x2  }
0x205: {  	v5 =	vmov s21  }
0x206: {  	v5 =	vand.u32 $0xFFFFFFFE, v5  }
0x207: {  	v5 =	vbroadcast v5, $0x0;
	v6 =	vshll.u32 v3, $0x10;
	v3 =	vand.u32 $0xFFFF0000, v3  }
0x208: {  	v6 =	vmul.f32 v6, v4;
	v3 =	vmul.f32 v3, v4;
	_ =	sdelay $0x1  }
0x209: {  	v3 =	vpack.i.f32.bf16 v3, v6  }
0x20a: {  	[tilespmem:s11+$0xFFFFFFF0] =	vst v3  }
0x20b: {  	[tilespmem:s12+$0xFFFFFFF0] =	vst v4  }
0x20c: {  	v3 =	vld [tilespmem:s13+$0x0]  }
0x20d: {  	v4 =	vld.idx.msk [tilespmem:v5+s31+$0x0], $0xffff;
	_ =	sdelay $0x3  }
0x20e: {  	v5 =	vshll.u32 v3, $0x10;
	v3 =	vand.u32 $0xFFFF0000, v3  }
0x20f: {  	v5 =	vmul.f32 v5, v4;
	v3 =	vmul.f32 v3, v4;
	_ =	sdelay $0x1  }
0x210: {  	v3 =	vpack.i.f32.bf16 v3, v5  }
0x211: {  	[tilespmem:s11+$0x0] =	vst v3  }
0x212: {  	v3 =	vld [tilespmem:s13+$0x10];
	_ =	sdelay $0x4  }
0x213: {  	v5 =	vshll.u32 v3, $0x10;
	v3 =	vand.u32 $0xFFFF0000, v3  }
0x214: {  	s24 =	simm.s32 $0x3;
	v5 =	vmul.f32 v5, v4;
	v3 =	vmul.f32 v3, v4  }
0x215: {  	v6 =	vmov s24  }
0x216: {  	v3 =	vpack.i.f32.bf16 v3, v5  }
0x217: {  	[tilespmem:s11+$0x10] =	vst v3  }
0x218: {  	[tilespmem:s12+$0x0] =	vst v4  }
0x219: {  	v4 =	vld [tilespmem:s13+$0x20]  }
0x21a: {  	v3 =	vld.idx.msk [tilespmem:v6+s31+$0x0], $0xffff;
	_ =	sdelay $0x3  }
0x21b: {  	v5 =	vshll.u32 v4, $0x10;
	v4 =	vand.u32 $0xFFFF0000, v4  }
0x21c: {  	v5 =	vmul.f32 v5, v3;
	v4 =	vmul.f32 v4, v3;
	_ =	sdelay $0x1  }
0x21d: {  	v4 =	vpack.i.f32.bf16 v4, v5  }
0x21e: {  	[tilespmem:s11+$0x20] =	vst v4  }
0x21f: {  	v6 =	vld [tilespmem:s13+$0x30];
	_ =	sdelay $0x1  }
0x220: {  	s25 =	simm.s32 $0x4  }
0x221: {  	v4 =	vmov s25  }
0x222: {  	s8 =	simm.s32 $0xB;
	s10 =	sadd.s32 $0x6400, s10;
	s15 =	simm.s32 $0xA8D0;
	v4 =	vand.u32 $0xFFFFFFFC, v4  }
0x223: {  	s21 =	simm.s32 $0x7;
	s24 =	simm.s32 $0xC0B0;
	s13 =	simm.s32 $0x8950;
	v4 =	vbroadcast v4, $0x0;
	v5 =	vshll.u32 v6, $0x10;
	v6 =	vand.u32 $0xFFFF0000, v6  }
.LBB2_9:
0x224: {  	s11 =	sadd.s32 $0x80, s11  }
0x225: {  	v5 =	vmul.f32 v5, v3;
	v6 =	vmul.f32 v6, v3;
	s12 =	sadd.s32 $0x40, s12;
	s7 =	smov.u32 s8;
	s0 =	sadd.s32 $0x4, s8  }
0x226: {  	p0 =	sne.s32 s8, $0x7F  }
0x227: {  	v5 =	vpack.i.f32.bf16 v6, v5  }
0x228: {  	[tilespmem:s15+$0x30] =	vst v5;
	s15 =	smov.u32 s11  }
0x229: {  	[tilespmem:s24+$0x10] =	vst v3;
	s24 =	smov.u32 s12  }
0x22a: {  	v3 =	vld.idx.msk [tilespmem:v4+s31+$0x0], $0xffff  }
0x22b: {  	v4 =	vld [tilespmem:s13+$0xFFFFFFC0];
	_ =	sdelay $0x4  }
0x22c: {  	v5 =	vshll.u32 v4, $0x10;
	v4 =	vand.u32 $0xFFFF0000, v4  }
0x22d: {  	v5 =	vmul.f32 v5, v3;
	v4 =	vmul.f32 v4, v3;
	_ =	sdelay $0x1  }
0x22e: {  	v4 =	vpack.i.f32.bf16 v4, v5  }
0x22f: {  	[tilespmem:s11+$0xFFFFFFC0] =	vst v4  }
0x230: {  	v4 =	vld [tilespmem:s13+$0xFFFFFFD0];
	_ =	sdelay $0x1  }
0x231: {  	s8 =	sadd.s32 $0xFFFFFFFE, s21  }
0x232: {  	v5 =	vmov s8  }
0x233: {  	v5 =	vand.u32 $0xFFFFFFFD, v5  }
0x234: {  	v5 =	vbroadcast v5, $0x0;
	v6 =	vshll.u32 v4, $0x10;
	v4 =	vand.u32 $0xFFFF0000, v4  }
0x235: {  	v6 =	vmul.f32 v6, v3;
	v4 =	vmul.f32 v4, v3;
	_ =	sdelay $0x1  }
0x236: {  	v4 =	vpack.i.f32.bf16 v4, v6  }
0x237: {  	[tilespmem:s11+$0xFFFFFFD0] =	vst v4  }
0x238: {  	[tilespmem:s12+$0xFFFFFFE0] =	vst v3  }
0x239: {  	v3 =	vld.idx.msk [tilespmem:v5+s31+$0x0], $0xffff  }
0x23a: {  	v4 =	vld [tilespmem:s13+$0xFFFFFFE0];
	_ =	sdelay $0x4  }
0x23b: {  	v5 =	vshll.u32 v4, $0x10;
	v4 =	vand.u32 $0xFFFF0000, v4  }
0x23c: {  	v5 =	vmul.f32 v5, v3;
	v4 =	vmul.f32 v4, v3;
	_ =	sdelay $0x1  }
0x23d: {  	v4 =	vpack.i.f32.bf16 v4, v5  }
0x23e: {  	[tilespmem:s11+$0xFFFFFFE0] =	vst v4  }
0x23f: {  	v4 =	vld [tilespmem:s13+$0xFFFFFFF0];
	_ =	sdelay $0x1  }
0x240: {  	s8 =	sadd.s32 $0xFFFFFFFF, s21  }
0x241: {  	v5 =	vmov s8  }
0x242: {  	v5 =	vand.u32 $0xFFFFFFFE, v5  }
0x243: {  	v5 =	vbroadcast v5, $0x0;
	v6 =	vshll.u32 v4, $0x10;
	v4 =	vand.u32 $0xFFFF0000, v4  }
0x244: {  	v6 =	vmul.f32 v6, v3;
	v4 =	vmul.f32 v4, v3;
	_ =	sdelay $0x1  }
0x245: {  	v4 =	vpack.i.f32.bf16 v4, v6  }
0x246: {  	[tilespmem:s11+$0xFFFFFFF0] =	vst v4  }
0x247: {  	[tilespmem:s12+$0xFFFFFFF0] =	vst v3  }
0x248: {  	v3 =	vld.idx.msk [tilespmem:v5+s31+$0x0], $0xffff  }
0x249: {  	v4 =	vld [tilespmem:s13+$0x0];
	_ =	sdelay $0x4  }
0x24a: {  	v5 =	vshll.u32 v4, $0x10;
	v4 =	vand.u32 $0xFFFF0000, v4  }
0x24b: {  	v5 =	vmul.f32 v5, v3;
	v4 =	vmul.f32 v4, v3;
	_ =	sdelay $0x1  }
0x24c: {  	v4 =	vpack.i.f32.bf16 v4, v5  }
0x24d: {  	[tilespmem:s11+$0x0] =	vst v4  }
0x24e: {  	v4 =	vld [tilespmem:s13+$0x10];
	_ =	sdelay $0x4  }
0x24f: {  	v5 =	vshll.u32 v4, $0x10;
	v4 =	vand.u32 $0xFFFF0000, v4  }
0x250: {  	v6 =	vmov s21;
	s21 =	smov.u32 s7;
	v5 =	vmul.f32 v5, v3;
	v4 =	vmul.f32 v4, v3;
	_ =	sdelay $0x1  }
0x251: {  	v4 =	vpack.i.f32.bf16 v4, v5  }
0x252: {  	[tilespmem:s11+$0x10] =	vst v4  }
0x253: {  	[tilespmem:s12+$0x0] =	vst v3  }
0x254: {  	v3 =	vld.idx.msk [tilespmem:v6+s31+$0x0], $0xffff  }
0x255: {  	v4 =	vld [tilespmem:s13+$0x20];
	_ =	sdelay $0x4  }
0x256: {  	v5 =	vshll.u32 v4, $0x10;
	v4 =	vand.u32 $0xFFFF0000, v4  }
0x257: {  	v5 =	vmul.f32 v5, v3;
	v4 =	vmul.f32 v4, v3;
	_ =	sdelay $0x1  }
0x258: {  	v4 =	vpack.i.f32.bf16 v4, v5  }
0x259: {  	[tilespmem:s11+$0x20] =	vst v4  }
0x25a: {  	v6 =	vld [tilespmem:s13+$0x30]  }
.Ltmp3:
0x25b: {  	(pc) =	sbr.rel @p0 .LBB2_9-.Ltmp3, $4  }
0x25c: {  	s7 =	sadd.s32 $0xFFFFFFFD, s21  }
0x25d: {  	v4 =	vmov s7  }
0x25e: {  	v4 =	vand.u32 $0xFFFFFFFC, v4  }
0x25f: {  	s8 =	smov.u32 s0;
	s13 =	sadd.s32 $0x80, s13;
	v4 =	vbroadcast v4, $0x0;
	v5 =	vshll.u32 v6, $0x10;
	v6 =	vand.u32 $0xFFFF0000, v6  }
0x260: {  	v5 =	vmul.f32 v5, v3;
	v6 =	vmul.f32 v6, v3;
	_ =	sdelay $0x1  }
0x261: {  	v5 =	vpack.i.f32.bf16 v6, v5  }
0x262: {  	[tilespmem:s15+$0x30] =	vst v5  }
0x263: {  	[tilespmem:s24+$0x10] =	vst v3  }
0x264: {  	v3 =	vld [tilespmem:s13+$0xFFFFFFC0]  }
0x265: {  	v4 =	vld.idx.msk [tilespmem:v4+s31+$0x0], $0xffff;
	_ =	sdelay $0x3  }
0x266: {  	v53 =	vshll.u32 v3, $0x10;
	v3 =	vand.u32 $0xFFFF0000, v3  }
0x267: {  	v5 =	vmul.f32 v53, v4;
	v3 =	vmul.f32 v3, v4;
	_ =	sdelay $0x1  }
0x268: {  	s0 =	sadd.s32 $0x80, s11;
	v3 =	vpack.i.f32.bf16 v3, v5  }
0x269: {  	[tilespmem:s0+$0xFFFFFFC0] =	vst v3  }
0x26a: {  	v3 =	vld [tilespmem:s13+$0xFFFFFFD0];
	_ =	sdelay $0x1  }
0x26b: {  	s7 =	sadd.s32 $0xFFFFFFFE, s21  }
0x26c: {  	v54 =	vmov s7  }
0x26d: {  	v5 =	vand.u32 $0xFFFFFFFD, v54  }
0x26e: {  	v5 =	vbroadcast v5, $0x0;
	v55 =	vshll.u32 v3, $0x10;
	v3 =	vand.u32 $0xFFFF0000, v3  }
0x26f: {  	v6 =	vmul.f32 v55, v4;
	v3 =	vmul.f32 v3, v4;
	_ =	sdelay $0x1  }
0x270: {  	v3 =	vpack.i.f32.bf16 v3, v6  }
0x271: {  	s25 =	sadd.s32 $0x40, s12;
	[tilespmem:s0+$0xFFFFFFD0] =	vst v3  }
0x272: {  	[tilespmem:s25+$0xFFFFFFE0] =	vst v4  }
0x273: {  	v3 =	vld [tilespmem:s13+$0xFFFFFFE0]  }
0x274: {  	v4 =	vld.idx.msk [tilespmem:v5+s31+$0x0], $0xffff;
	_ =	sdelay $0x3  }
0x275: {  	v56 =	vshll.u32 v3, $0x10;
	v3 =	vand.u32 $0xFFFF0000, v3  }
0x276: {  	v5 =	vmul.f32 v56, v4;
	v3 =	vmul.f32 v3, v4;
	_ =	sdelay $0x1  }
0x277: {  	v3 =	vpack.i.f32.bf16 v3, v5  }
0x278: {  	[tilespmem:s0+$0xFFFFFFE0] =	vst v3  }
0x279: {  	v3 =	vld [tilespmem:s13+$0xFFFFFFF0];
	_ =	sdelay $0x1  }
0x27a: {  	s8 =	sadd.s32 $0xFFFFFFFF, s21  }
0x27b: {  	v57 =	vmov s8  }
0x27c: {  	v5 =	vand.u32 $0xFFFFFFFE, v57  }
0x27d: {  	v5 =	vbroadcast v5, $0x0;
	v58 =	vshll.u32 v3, $0x10;
	v3 =	vand.u32 $0xFFFF0000, v3  }
0x27e: {  	v6 =	vmul.f32 v58, v4;
	v3 =	vmul.f32 v3, v4;
	_ =	sdelay $0x1  }
0x27f: {  	v3 =	vpack.i.f32.bf16 v3, v6  }
0x280: {  	[tilespmem:s0+$0xFFFFFFF0] =	vst v3  }
0x281: {  	[tilespmem:s25+$0xFFFFFFF0] =	vst v4  }
0x282: {  	v3 =	vld [tilespmem:s13+$0x0]  }
0x283: {  	v4 =	vld.idx.msk [tilespmem:v5+s31+$0x0], $0xffff;
	_ =	sdelay $0x3  }
0x284: {  	v59 =	vshll.u32 v3, $0x10;
	v3 =	vand.u32 $0xFFFF0000, v3  }
0x285: {  	v5 =	vmul.f32 v59, v4;
	v3 =	vmul.f32 v3, v4;
	_ =	sdelay $0x1  }
0x286: {  	v3 =	vpack.i.f32.bf16 v3, v5  }
0x287: {  	[tilespmem:s0+$0x0] =	vst v3  }
0x288: {  	v3 =	vld [tilespmem:s13+$0x10];
	_ =	sdelay $0x4  }
0x289: {  	v60 =	vshll.u32 v3, $0x10;
	v3 =	vand.u32 $0xFFFF0000, v3  }
0x28a: {  	v5 =	vmul.f32 v60, v4;
	v3 =	vmul.f32 v3, v4  }
0x28b: {  	v61 =	vmov s21  }
0x28c: {  	v3 =	vpack.i.f32.bf16 v3, v5  }
0x28d: {  	[tilespmem:s0+$0x10] =	vst v3  }
0x28e: {  	[tilespmem:s25+$0x0] =	vst v4  }
0x28f: {  	v3 =	vld [tilespmem:s13+$0x20]  }
0x290: {  	v4 =	vld.idx.msk [tilespmem:v61+s31+$0x0], $0xffff;
	_ =	sdelay $0x3  }
0x291: {  	v62 =	vshll.u32 v3, $0x10;
	v3 =	vand.u32 $0xFFFF0000, v3  }
0x292: {  	v5 =	vmul.f32 v62, v4;
	v3 =	vmul.f32 v3, v4;
	_ =	sdelay $0x1  }
0x293: {  	v3 =	vpack.i.f32.bf16 v3, v5  }
0x294: {  	[tilespmem:s0+$0x20] =	vst v3  }
0x295: {  	v3 =	vld [tilespmem:s13+$0x30];
	_ =	sdelay $0x4  }
0x296: {  	v63 =	vshll.u32 v3, $0x10;
	v3 =	vand.u32 $0xFFFF0000, v3  }
0x297: {  	v5 =	vmul.f32 v63, v4;
	v3 =	vmul.f32 v3, v4  }
0x298: {  	s9 =	sadd.s32 $0x1, s9  }
0x299: {  	p0 =	sne.s32 s9, $0x14;
	v3 =	vpack.i.f32.bf16 v3, v5  }
.Ltmp4:
0x29a: {  	[tilespmem:s0+$0x30] =	vst v3;
	(pc) =	sbr.rel @p0 .LBB2_6-.Ltmp4, $4  }
0x29b: {  	[tilespmem:s25+$0x10] =	vst v4  }
0x29c: {  	[spmem:s3] =	stream.indirect.scatter.add.bf16 [tilespmem:s22], [sflag:$0x4], $0x20, s10, s26, $0xb8;
	[tilespmem:$0x13F10] =	vst v63  }
0x29d: {  	_ = 	snop  }
0x29e: {  	[spmem:s4] =	stream.indirect.scatter.add.f32 [tilespmem:s28], [sflag:$0x4], $0x10, s10, s26, $0xb8;
	[tilespmem:$0x13F10] =	vst v63  }
0x29f: {  	s0 =	simm.s32 $0x3  }
0x2a0: {  	_ =	swait.ge [sflag:s0], $0x1000  }
0x2a1: {  	[sflag:s0] =	ssyncset.done $0x0  }
0x2a2: {  	[sflag:s0] =	ssyncadd.s32 $0xFFFFF000  }
0x2a3: {  	_ =	swait.ge [sflag:s0], $0x800  }
0x2a4: {  	[sflag:s0] =	ssyncset.done $0x0  }
0x2a5: {  	s12 =	simm.s32 $0x4;
	[sflag:s0] =	ssyncadd.s32 $0xFFFFF800  }
0x2a6: {  	_ =	swait.ge [sflag:s12], $0x1000  }
0x2a7: {  	[sflag:s12] =	ssyncset.done $0x0  }
0x2a8: {  	[sflag:s12] =	ssyncadd.s32 $0xFFFFF000  }
0x2a9: {  	_ =	swait.ge [sflag:s12], $0x800  }
0x2aa: {  	[sflag:s12] =	ssyncset.done $0x0  }
0x2ab: {  	[sflag:s12] =	ssyncadd.s32 $0xFFFFF800  }
0x2ac: {  	s13 =	stileid.u32;
	[bflag:$0x0] =	sbarrier.arrive $0xFFFF  }
0x2ad: {  	s0 =	sshll.u32 s13, $0x6;
	s7 =	rddreg [dreg:$0xa]  }
0x2ae: {  	s0 =	sor.u32 $0x1C06, s0;
	s8 =	rddreg [dreg:$0xd]  }
0x2af: {  	[hbm:s7], [sflag:s0] =	dma.local [spmem:s8], $0x9D0  }
0x2b0: {  	_ =	swait.ge [sflag:s18], $0x9D0  }
0x2b1: {  	[sflag:s18] =	ssyncset.done $0x0;
	s15 =	rddreg [dreg:$0xb]  }
0x2b2: {  	s21 =	rddreg [dreg:$0xe];
	[sflag:s18] =	ssyncadd.s32 $0xFFFFF630  }
0x2b3: {  	[hbm:s15], [sflag:s0] =	dma.local [spmem:s21], $0x4E8  }
0x2b4: {  	_ =	swait.ge [sflag:s18], $0x4E8  }
0x2b5: {  	s24 =	rddreg [dreg:$0xf]  }
0x2b6: {  	s25 =	rddreg [dreg:$0x9];
	s7 =	sadd.s32 $0x1, s24  }
0x2b7: {  	p0 =	sne.s32 s7, s25  }
.Ltmp5:
0x2b8: {  	_ = 	snop;
	(pc) =	sbr.rel @p0 .LBB2_1-.Ltmp5, $3  }
0x2b9: {  	_ =	sdelay $0x1  }
0x2ba: {  	[sflag:s18] =	ssyncset.done $0x0  }
0x2bb: {  	s9 =	simm.s32 $0x5000;
	[sflag:s18] =	ssyncadd.s32 $0xFFFFFB18  }
0x2bc: {  	_ =	sfence.sel $0x180000  }
0x2bd: {  	[bflag:$0x0] =	sbarrier.arrive $0xFFFF  }
0x2be: {  	_ =	strace $0x9000004A  }
0x2bf: {  	s0 =	stileid.u32;
	[bflag:$0x2] =	sbarrier.arrive $0xFFFF  }
0x2c0: {  	p0 =	sne.s32 s0, $0x0;
	s0 =	rddreg [dreg:$0x4]  }
0x2c1: {  	s0 =	sadd.s32 @!p0 $0x100000, s0  }
0x2c2: {  	[sflag:s0] =	ssyncadd.tile.s32 @!p0 $0x1;
	_ =	shalt  }
.Lfunc_end2:
_tile_overlayer_lowered:
.L_overlay_start_2:
0x2c3: {  	(tag) =	ssettag $0x2  }
0x2c4: {  	s0 =	rddreg [dreg:$0x0];
	s2 =	stileid.u32  }
0x2c5: {  	s1 =	rddreg [dreg:$0x1];
	p0 =	sne.s32 s2, $0x0  }
0x2c6: {  	s3 =	rddreg [dreg:$0x2];
	[bflag:$0x3] =	sbarrier.arrive $0xFFFF;
	s2 =	simm.s32 @!p0 $0x1C06  }
0x2c7: {  	[timem:s3], [sflag:s2] =	dma.local @!p0 [hbm:s0], s1  }
0x2c8: {  	s0 =	simm.s32 @!p0 $0x6  }
0x2c9: {  	_ =	swait.ge @!p0 [sflag:s0], s1  }
0x2ca: {  	s1 =	ssub.s32 @!p0 $0x0, s1;
	[sflag:s0] =	ssyncset.done @!p0 $0x0  }
0x2cb: {  	[sflag:s0] =	ssyncadd.s32 @!p0 s1  }
0x2cc: {  	[bflag:$0x3] =	sbarrier.arrive $0xFFFF  }
0x2cd: {  	_ =	shalt  }

// kernel: kernel.7.cloned.1.call-start
scs
__scs_entry_jumppad:
0x0: {  	(pc) =	sbr.rel $0x88, $3  }
0x1: {  	(tag) =	ssettag $0x0;
	lr =	simm.s32 $0x1  }
0x2: {  	[smem:$0x3F8F] =	sst lr;
	_ =	strace $0xD0000000  }
0x3: {  	_ = 	snop  }
0x4: {  	_ = 	snop  }
0x5: {  	_ = 	snop  }
0x6: {  	_ = 	snop  }
0x7: {  	_ = 	snop  }
__scs_overlays_trampoline_lowered:
0x8: {  	[smem:$0x3F9E] =	sst s0  }
0x9: {  	[smem:$0x3F9F] =	sst s1  }
0xa: {  	[smem:$0x3FA0] =	sst s2  }
0xb: {  	[smem:$0x3FA1] =	sst s3  }
0xc: {  	[smem:$0x3FA2] =	sst s4  }
0xd: {  	[smem:$0x3FA3] =	sst s5  }
0xe: {  	[smem:$0x3FA4] =	sst s6  }
0xf: {  	[smem:$0x3FA5] =	sst s7  }
0x10: {  	[smem:$0x3FA6] =	sst s8  }
0x11: {  	[smem:$0x3FA7] =	sst s9;
	s0 =	simm.s32 @!p0 $0x0  }
0x12: {  	s1 =	sld [smem:$0x3F8D];
	s0 =	simm.s32 @p0 $0x1  }
0x13: {  	[smem:$0x3FA8] =	sst s0;
	s0 =	simm.s32 @!p1 $0x0  }
0x14: {  	s2 =	sld [smem:$0x3F8C];
	s0 =	simm.s32 @p1 $0x1  }
0x15: {  	[smem:$0x3FA9] =	sst s0;
	s0 =	simm.s32 @!p2 $0x0  }
0x16: {  	s3 =	sld [smem:$0x3FDB];
	s0 =	simm.s32 @p2 $0x1  }
0x17: {  	s4 =	simm.s32 $0x1BF5;
	[smem:$0x3FAB] =	sst s0  }
0x18: {  	s0 =	sld [smem:$0x3F8E];
	_ =	swait.ge [sflag:s4], $0x0  }
0x19: {  	s7 =	sld [smem:$0x3F8F]  }
0x1a: {  	s8 =	sadd.s32 $0xFFFFE003, lr  }
0x1b: {  	s9 =	sadd.s32 $0xFFFFFEF7, lr;
	s5 =	simm.s32 $0xFFFFFFFF;
	p2 =	slt.u32 s8, $0xFFFFF086  }
0x1c: {  	p1 =	slt.u32 s9, $0xF7A;
	s5 =	simm.s32 @!p2 $0x0  }
0x1d: {  	s5 =	simm.s32 @p1 $0x1;
	p0 =	seq.s32 s7, s2  }
0x1e: {  	s7 =	smul.u32 @!p0 $0xF7A, s2;
	p2 =	seq.s32 @!p0 s5, $0x0  }
0x1f: {  	s9 =	smul.u32 $0xF7A, s1;
	s8 =	simm.s32 @!p0 $0x1BF5;
	p2 =	por !p2, p0  }
0x20: {  	[sflag:s8] =	ssyncset.s32 @!p0 $0xFFFFF086;
	s6 =	sadd.s32 @!p0 s3, s7;
	s7 =	simm.s32 @!p0 $0x108  }
0x21: {  	s3 =	sadd.s32 s3, s9;
	s6 =	sadd.s32 @!p0 $0x88, s6;
	s7 =	simm.s32 @p2 $0x1082  }
0x22: {  	[simem:s7], [sflag:s8] =	dma.local @!p0 [hbm:s6], $0xF7A  }
0x23: {  	s9 =	sor.u32 $0xD0000000, s2;
	s6 =	simm.s32 $0x108;
	_ =	swait.ge @!p0 [sflag:s8], $0x0  }
0x24: {  	s3 =	sadd.s32 $0x88, s3;
	s6 =	simm.s32 @!p1 $0x1082;
	[sflag:s4] =	ssyncset.s32 $0xFFFFF086  }
0x25: {  	[simem:s6], [sflag:s4] =	dma.local [hbm:s3], $0xF7A  }
0x26: {  	[smem:$0x3F8F] =	sst s1;
	(tag) =	ssettag s2;
	_ =	strace s9  }
0x27: {  	s1 =	sld [smem:$0x3F9F]  }
0x28: {  	s2 =	sld [smem:$0x3FA0]  }
0x29: {  	s4 =	sld [smem:$0x3FA2]  }
0x2a: {  	p0 =	seq.s32 s5, $0x0;
	s5 =	sld [smem:$0x3FA3]  }
0x2b: {  	s6 =	sld [smem:$0x3FA4]  }
0x2c: {  	s7 =	sld [smem:$0x3FA5]  }
0x2d: {  	s3 =	simm.s32 $0x108;
	s8 =	sld [smem:$0x3FA6]  }
0x2e: {  	s3 =	simm.s32 @!p0 $0x1082;
	s9 =	sld [smem:$0x3FA7]  }
0x2f: {  	lr =	sadd.s32 s0, s3;
	s0 =	sld [smem:$0x3F9E]  }
0x30: {  	s3 =	sld [smem:$0x3FA1]  }
0x31: {  	[smem:$0x3FAA] =	sst s10  }
0x32: {  	s10 =	sld [smem:$0x3FA8];
	_ =	sdelay $0x3  }
0x33: {  	p0 =	seq.s32 s10, $0x1;
	s10 =	sld [smem:$0x3FAA];
	_ =	sdelay $0x3  }
0x34: {  	[smem:$0x3FAA] =	sst s10  }
0x35: {  	s10 =	sld [smem:$0x3FA9];
	_ =	sdelay $0x3  }
0x36: {  	p1 =	seq.s32 s10, $0x1;
	s10 =	sld [smem:$0x3FAA];
	_ =	sdelay $0x3  }
0x37: {  	[smem:$0x3FAA] =	sst s10  }
0x38: {  	s10 =	sld [smem:$0x3FAB]  }
0x39: {  	_ = 	snop;
	(pc) =	sbr.ind lr, $3  }
0x3a: {  	_ = 	snop  }
0x3b: {  	_ = 	snop  }
0x3c: {  	p2 =	seq.s32 s10, $0x1;
	s10 =	sld [smem:$0x3FAA]  }
0x3d: {  	_ =	shalt  }
0x3e: {  	_ =	shalt  }
0x3f: {  	_ =	shalt  }
0x40: {  	_ =	shalt  }
0x41: {  	_ =	shalt  }
0x42: {  	_ =	shalt  }
0x43: {  	_ =	shalt  }
0x44: {  	_ =	shalt  }
0x45: {  	_ =	shalt  }
0x46: {  	_ =	shalt  }
0x47: {  	_ =	shalt  }
0x48: {  	_ =	shalt  }
0x49: {  	_ =	shalt  }
0x4a: {  	_ =	shalt  }
0x4b: {  	_ =	shalt  }
0x4c: {  	_ =	shalt  }
0x4d: {  	_ =	shalt  }
0x4e: {  	_ =	shalt  }
0x4f: {  	_ =	shalt  }
0x50: {  	_ =	shalt  }
0x51: {  	_ =	shalt  }
0x52: {  	_ =	shalt  }
0x53: {  	_ =	shalt  }
0x54: {  	_ =	shalt  }
0x55: {  	_ =	shalt  }
0x56: {  	_ =	shalt  }
0x57: {  	_ =	shalt  }
0x58: {  	_ =	shalt  }
0x59: {  	_ =	shalt  }
0x5a: {  	_ =	shalt  }
0x5b: {  	_ =	shalt  }
0x5c: {  	_ =	shalt  }
0x5d: {  	_ =	shalt  }
0x5e: {  	_ =	shalt  }
0x5f: {  	_ =	shalt  }
0x60: {  	_ =	shalt  }
0x61: {  	_ =	shalt  }
0x62: {  	_ =	shalt  }
0x63: {  	_ =	shalt  }
0x64: {  	_ =	shalt  }
0x65: {  	_ =	shalt  }
0x66: {  	_ =	shalt  }
0x67: {  	_ =	shalt  }
0x68: {  	_ =	shalt  }
0x69: {  	_ =	shalt  }
0x6a: {  	_ =	shalt  }
0x6b: {  	_ =	shalt  }
0x6c: {  	_ =	shalt  }
0x6d: {  	_ =	shalt  }
0x6e: {  	_ =	shalt  }
0x6f: {  	_ =	shalt  }
0x70: {  	_ =	shalt  }
0x71: {  	_ =	shalt  }
0x72: {  	_ =	shalt  }
0x73: {  	_ =	shalt  }
0x74: {  	_ =	shalt  }
0x75: {  	_ =	shalt  }
0x76: {  	_ =	shalt  }
0x77: {  	_ =	shalt  }
0x78: {  	_ =	shalt  }
0x79: {  	_ =	shalt  }
0x7a: {  	_ =	shalt  }
0x7b: {  	_ =	shalt  }
0x7c: {  	_ =	shalt  }
0x7d: {  	_ =	shalt  }
0x7e: {  	_ =	shalt  }
0x7f: {  	_ =	shalt  }
0x80: {  	_ =	shalt  }
0x81: {  	_ =	shalt  }
0x82: {  	_ =	shalt  }
0x83: {  	_ =	shalt  }
0x84: {  	_ =	shalt  }
0x85: {  	_ =	shalt  }
0x86: {  	_ =	shalt  }
0x87: {  	_ =	shalt  }
.Lfunc_end0:
.L_simem_size_0:
called_computation_lowered:
.L_overlay_start_0:
0x88: {  	s2 =	sld [smem:$0x3FD9]  }
0x89: {  	s3 =	sld [smem:$0x3FFE];
	_ =	sdelay $0x1  }
0x8a: {  	s1 =	srdreg.scid  }
0x8b: {  	s0 =	sand.u32 $0x1, s1  }
0x8c: {  	s14 =	sshll.u32 s0, $0xA;
	s2 =	sadd.s32 s3, s2  }
0x8d: {  	s2 =	sadd.s32 s2, s14  }
0x8e: {  	[smem:$0x3FB6] =	sst s2  }
0x8f: {  	_ = 	snop  }
0x90: {  	s2 =	sld [smem:$0x3FD0];
	_ =	sdelay $0x2  }
0x91: {  	s15 =	simm.s32 $0xA;
	s4 =	simm.s32 $0x10  }
0x92: {  	[smem:s4], [sflag:s15] =	dma.local [hbm:s2], $0x1  }
0x93: {  	_ =	swait.eq [sflag:s15], $0x1  }
0x94: {  	[sflag:s15] =	ssyncset.done $0x0  }
0x95: {  	[sflag:s15] =	ssyncadd.s32 $0xFFFFFFFF  }
0x96: {  	s16 =	sld [smem:$0x10];
	(tm) =	ssettm $0x1  }
0x97: {  	s17 =	sld [smem:$0x3FFB];
	_ =	sdelay $0x3  }
0x98: {  	_ =	strace s17  }
0x99: {  	s3 =	sld [smem:$0x3FFC];
	_ =	sdelay $0x3  }
0x9a: {  	_ =	strace s3  }
0x9b: {  	s3 =	sld [smem:$0x3FFD];
	_ =	sdelay $0x3  }
0x9c: {  	_ =	strace s3  }
0x9d: {  	_ =	strace $0x8FFFFFFF  }
0x9e: {  	s18 =	sld [smem:$0x3FDB];
	_ =	sdelay $0x1  }
0x9f: {  	s19 =	simm.s32 $_scs_section_size  }
0xa0: {  	s5 =	simm.s32 $_size__tile_overlayer_lowered;
	s6 =	simm.s32 $_tile_overlayer_lowered  }
0xa1: {  	s22 =	simm.s32 $0x1BFF;
	s21 =	sshll.u32 s6, $0x1;
	s3 =	sadd.s32 s19, s18  }
0xa2: {  	s7 =	simm.s32 $0x0;
	s20 =	sshll.u32 s5, $0x1;
	s5 =	sadd.s32 s21, s3  }
0xa3: {  	[timem:s7], [sflag:s22] =	dma.local [hbm:s5], s20  }
0xa4: {  	_ =	swait.ge [sflag:s22], s20  }
0xa5: {  	s4 =	ssub.s32 $0x0, s20;
	[sflag:s22] =	ssyncset.done $0x0  }
0xa6: {  	[sflag:s22] =	ssyncadd.s32 s4;
	_ =	sdelay $0x1  }
0xa7: {  	s23 =	simm.s32 $0x1B8B  }
0xa8: {  	_ =	swait.ge [sflag:s23], $0x1  }
0xa9: {  	[sflag:s23] =	ssyncset.done $0x0  }
0xaa: {  	s25 =	simm.s32 $0x1B8E;
	s24 =	sld [smem:$0x3FFE];
	[sflag:s23] =	ssyncadd.s32 $0xFFFFFFFF  }
0xab: {  	s26 =	simm.s32 $execute0_lowered;
	[smem:$0x3FD2] =	sst s25  }
0xac: {  	s5 =	sshll.u32 s26, $0x1;
	_ =	strace $0x80000046;
	[dreg:$0x1] =	wrdreg $0xFFFFFFFF  }
0xad: {  	s28 =	simm.s32 $_size_execute0_lowered;
	s3 =	sadd.s32 s3, s5;
	[dreg:$0x0] =	wrdreg $0x0  }
0xae: {  	s5 =	sshll.u32 s28, $0x1;
	[dreg:$0x2] =	wrdreg s3  }
0xaf: {  	[dreg:$0x3] =	wrdreg s5  }
0xb0: {  	[dreg:$0x4] =	wrdreg $0xC0  }
0xb1: {  	_ =	task [dreg:s7], $0x5FFFF  }
0xb2: {  	[dreg:$0x1] =	wrdreg $0xFFFFFFFF  }
0xb3: {  	[dreg:$0x0] =	wrdreg $0x60  }
0xb4: {  	[dreg:$0x2] =	wrdreg s24  }
0xb5: {  	[dreg:$0x3] =	wrdreg s16  }
0xb6: {  	[dreg:$0x4] =	wrdreg $0x109D00  }
0xb7: {  	[dreg:$0x5] =	wrdreg $0x1A6D00  }
0xb8: {  	[dreg:$0x6] =	wrdreg $0x9  }
0xb9: {  	_ =	task.clear_ibuf [dreg:s7], $0x7FFFF;
	_ =	strace $0x90000046  }
0xba: {  	s29 =	simm.s32 $0x9;
	_ =	strace $0x80000048  }
0xbb: {  	_ =	swait.ge [sflag:s29], $0x1  }
0xbc: {  	[sflag:s29] =	ssyncadd.s32 $0xFFFFFFFF  }
0xbd: {  	_ =	strace $0x90000048  }
0xbe: {  	_ =	sfence  }
0xbf: {  	s30 =	sld [smem:$0x0];
	_ =	sdelay $0x2  }
0xc0: {  	s31 =	sshll.u32 s1, $0xD;
	s1 =	sshrl.u32 s1, $0x2  }
0xc1: {  	s3 =	sand.u32 $0x4000, s31;
	s1 =	sadd.s32 s1, s30  }
0xc2: {  	s0 =	sor.u32 s3, s0;
	s1 =	sshll.u32 s1, $0x11  }
0xc3: {  	s0 =	sor.u32 s1, s0  }
0xc4: {  	s0 =	sadd.s32 $0x8F2B, s0  }
0xc5: {  	[sflag:s0] =	ssyncadd.remote.s32 $0x1  }
0xc6: {  	_ =	sfence.sel $0xFFFF  }
0xc7: {  	[dreg:$0x0] =	wrdreg $0xFFFFFFFF;
	(pc) =	sbr.abs _section_cstart, $3  }
0xc8: {  	[dreg:$0x1] =	wrdreg $0xFFFFFFFF  }
0xc9: {  	_ =	task.clear_ibuf [dreg:s7], $0x2FFFF;
	_ =	strace $0x9FFFFFFF  }
0xca: {  	(tm) =	ssettm $0x7FFFFFFF  }
0xcb: {  	_ =	shalt  }
tec
execute0_lowered:
.L_overlay_start_1:
0x0: {  	(tag) =	ssettag $0x1  }
0x1: {  	s0 =	rddreg [dreg:$0x0]  }
0x2: {  	s3 =	rddreg [dreg:$0x2];
	s1 =	srdreg.scid  }
0x3: {  	s14 =	stileid.u32;
	s4 =	rddreg [dreg:$0x3];
	s5 =	simm.s32 $0x0  }
0x4: {  	s29 =	simm.s32 $0x9890;
	s30 =	simm.s32 $0x1;
	s31 =	simm.s32 $0x7810  }
0x5: {  	s28 =	simm.s32 $0x10090;
	s1 =	sand.u32 $0x1, s1;
	s2 =	sshll.u32 s14, $0x1  }
0x6: {  	[smem:$0x7FF] =	sst s5;
	s6 =	sadd.s32 $0x400, s0;
	s13 =	smul.u32 $0x13A00, s14  }
0x7: {  	s7 =	sadd.s32 $0x14400, s0;
	s8 =	sadd.s32 $0x1EE00, s0;
	s18 =	smul.u32 $0x2740, s14  }
0x8: {  	s9 =	sadd.s32 $0x4BE00, s0;
	s11 =	sadd.s32 $0x46E00, s0;
	s21 =	smul.u32 $0x9D00, s14  }
0x9: {  	s22 =	smul.u32 $0x27400, s14;
	s2 =	sor.u32 s1, s2;
	_ =	strace $0x80000047  }
0xa: {  	[dreg:$0x5] =	wrdreg s7;
	s7 =	sadd.s32 $0x32E00, s0;
	s10 =	ssub.s32 $0x2, s1  }
0xb: {  	p0 =	seq.s32 s1, $0x1;
	s2 =	smul.u32 $0x280, s2;
	s12 =	sshrl.u32 s10, $0x1  }
0xc: {  	s17 =	sshrl.u32 s13, $0x1;
	s19 =	sshrl.u32 s13, $0x4;
	s20 =	sshrl.u32 s18, $0x3  }
0xd: {  	s7 =	smov.u32 @p0 s8;
	s9 =	smov.u32 @p0 s11;
	s23 =	sshrl.u32 s21, $0x2  }
0xe: {  	s25 =	sshrl.u32 s22, $0x2;
	s22 =	simm.s32 $0xD890;
	s10 =	ssub.s32 s10, s12  }
0xf: {  	s1 =	sadd.s32 s7, s19;
	s24 =	sadd.s32 s9, s20;
	s14 =	sadd.s32 s23, s4  }
0x10: {  	s9 =	simm.s32 $0x6;
	s19 =	simm.s32 $0x2800;
	s23 =	simm.s32 $0x5  }
0x11: {  	s20 =	simm.s32 $0x2;
	s7 =	simm.s32 $0x0;
	[dreg:$0xa] =	wrdreg s1  }
0x12: {  	s2 =	sadd.s32 s2, s0;
	s0 =	sadd.s32 $0x14900, s0;
	[dreg:$0xb] =	wrdreg s24  }
0x13: {  	s10 =	smax.u32 s10, $0x1;
	s1 =	sadd.s32 s25, s3;
	[dreg:$0x6] =	wrdreg s0  }
0x14: {  	s15 =	sadd.s32 $0x19E00, s2;
	s16 =	sadd.s32 $0x14E00, s2;
	[dreg:$0x9] =	wrdreg s10  }
0x15: {  	s0 =	sadd.s32 s17, s3;
	s2 =	sadd.s32 s18, s4;
	[dreg:$0xc] =	wrdreg s1  }
0x16: {  	s17 =	simm.s32 $0x10990;
	s10 =	simm.s32 $0x5000;
	[dreg:$0x7] =	wrdreg s15  }
0x17: {  	s1 =	simm.s32 $0xF890;
	[dreg:$0x8] =	wrdreg s16;
	s0 =	sshrl.u32 s0, $0x3  }
0x18: {  	s16 =	simm.s32 $0x10890;
	s26 =	sshrl.u32 s2, $0x3;
	[dreg:$0xd] =	wrdreg s0  }
0x19: {  	v0 =	vimm.bf16 $0.0e+00;
	v1 =	vimm.f32 $0.0e+00;
	s2 =	simm.s32 $0xB890;
	[dreg:$0xe] =	wrdreg s26;
	s26 =	simm.s32 $0x80  }
.LBB2_1:
0x1a: {  	[tilespmem:$0x10890] =	vst v0  }
0x1b: {  	[tilespmem:$0x108A0] =	vst v0  }
0x1c: {  	[tilespmem:$0x108B0] =	vst v0  }
0x1d: {  	[tilespmem:$0x108C0] =	vst v0  }
0x1e: {  	[tilespmem:$0x10990] =	vst v1  }
0x1f: {  	[tilespmem:$0x108D0] =	vst v0  }
0x20: {  	[tilespmem:$0x108E0] =	vst v0  }
0x21: {  	[tilespmem:$0x108F0] =	vst v0  }
0x22: {  	[tilespmem:$0x10900] =	vst v0  }
0x23: {  	[tilespmem:$0x109A0] =	vst v1  }
0x24: {  	[tilespmem:$0x10910] =	vst v0  }
0x25: {  	[tilespmem:$0x10920] =	vst v0  }
0x26: {  	[tilespmem:$0x10930] =	vst v0  }
0x27: {  	[tilespmem:$0x10940] =	vst v0  }
0x28: {  	[tilespmem:$0x109B0] =	vst v1  }
0x29: {  	[tilespmem:$0x10950] =	vst v0  }
0x2a: {  	[tilespmem:$0x10960] =	vst v0  }
0x2b: {  	[tilespmem:$0x10970] =	vst v0  }
0x2c: {  	[dreg:$0xf] =	wrdreg s7;
	[tilespmem:$0x10980] =	vst v0  }
0x2d: {  	[tilespmem:$0x109C0] =	vst v1;
	s25 =	rddreg [dreg:$0xc]  }
0x2e: {  	[spmem:s25] =	stream.linear.scatter [tilespmem:s16], [sflag:$0x5], $0x100, $0x38;
	[tilespmem:$0x1CE10] =	vst v63  }
0x2f: {  	s0 =	simm.s32 $0x100;
	s8 =	sadd.s32 $0x0, s14;
	s7 =	sadd.s32 $0x100, s25  }
.LBB2_2:
0x30: {  	[spmem:s8] =	stream.linear.scatter [tilespmem:s17], [sflag:$0x5], $0x40, $0x38;
	[tilespmem:$0x1CE10] =	vst v63  }
0x31: {  	s8 =	smov.u32 s0;
	p0 =	sne.s32 s0, $0x9C00  }
.Ltmp0:
0x32: {  	s0 =	sadd.s32 $0x100, s0;
	(pc) =	sbr.rel @p0 .LBB2_2-.Ltmp0, $4  }
0x33: {  	[spmem:s7] =	stream.linear.scatter [tilespmem:s16], [sflag:$0x5], $0x100, $0x38;
	[tilespmem:$0x1CE10] =	vst v63  }
0x34: {  	_ = 	snop  }
0x35: {  	s8 =	sshra.s32 s8, $0x2  }
0x36: {  	s8 =	sadd.s32 s8, s14;
	s7 =	sadd.s32 $0x100, s7  }
0x37: {  	[spmem:s8] =	stream.linear.scatter [tilespmem:s17], [sflag:$0x5], $0x40, $0x38;
	[tilespmem:$0x1CE10] =	vst v63  }
0x38: {  	s0 =	rddreg [dreg:$0x5]  }
0x39: {  	[tilespmem:s5], [sflag:$0x6] =	stream.linear.gather [hbm4b:s0+s5], $0x2800, $0x38;
	[tilespmem:$0x1CE10] =	vst v63  }
0x3a: {  	_ =	swait.ge [sflag:s9], $0x2800  }
0x3b: {  	[sflag:s9] =	ssyncset.done $0x0  }
0x3c: {  	s15 =	rddreg [dreg:$0x6];
	[sflag:s9] =	ssyncadd.s32 $0xFFFFD800  }
0x3d: {  	[tilespmem:s19], [sflag:$0x6] =	stream.linear.gather [hbm4b:s15+s5], $0x2800, $0x38;
	[tilespmem:$0x1CE10] =	vst v63  }
0x3e: {  	_ =	swait.ge [sflag:s9], $0x2800  }
0x3f: {  	[sflag:s9] =	ssyncset.done $0x0  }
0x40: {  	[sflag:s9] =	ssyncadd.s32 $0xFFFFD800  }
0x41: {  	s7 =	simm.s32 $0x7800;
	s18 =	rddreg [dreg:$0x1]  }
0x42: {  	[tilespmem:s7], [sflag:$0x6] =	stream.linear.gather [hbm4b:s18+s5], $0x10, $0x38;
	[tilespmem:$0x1CE10] =	vst v63  }
0x43: {  	_ =	swait.ge [sflag:s9], $0x10  }
0x44: {  	[sflag:s9] =	ssyncset.done $0x0  }
0x45: {  	s21 =	rddreg [dreg:$0x7];
	[sflag:s9] =	ssyncadd.s32 $0xFFFFFFF0  }
0x46: {  	[tilespmem:s10], [sflag:$0x6] =	stream.linear.gather [hbm4b:s21+s5], $0x1400, $0x38;
	[tilespmem:$0x1CE10] =	vst v63  }
0x47: {  	_ =	swait.ge [sflag:s9], $0x1400  }
0x48: {  	[sflag:s9] =	ssyncset.done $0x0  }
0x49: {  	s25 =	simm.s32 $0x6400;
	s24 =	rddreg [dreg:$0x8];
	[sflag:s9] =	ssyncadd.s32 $0xFFFFEC00  }
0x4a: {  	[tilespmem:s25], [sflag:$0x6] =	stream.linear.gather [hbm4b:s24+s5], $0x1400, $0x38;
	[tilespmem:$0x1CE10] =	vst v63  }
0x4b: {  	_ =	swait.ge [sflag:s9], $0x1400  }
0x4c: {  	[sflag:s9] =	ssyncset.done $0x0  }
0x4d: {  	[sflag:s9] =	ssyncadd.s32 $0xFFFFEC00  }
0x4e: {  	_ =	swait.ge [sflag:s23], $0x100  }
0x4f: {  	[sflag:s23] =	ssyncset.done $0x0  }
0x50: {  	[sflag:s23] =	ssyncadd.s32 $0xFFFFFF00  }
0x51: {  	_ =	swait.ge [sflag:s23], $0x40  }
0x52: {  	s0 =	simm.s32 $0x9C;
	[sflag:s23] =	ssyncset.done $0x0  }
.LBB2_4:
0x53: {  	p0 =	sne.s32 s0, $0x1;
	s0 =	sadd.s32 $0xFFFFFFFF, s0;
	[sflag:s23] =	ssyncadd.s32 $0xFFFFFFC0  }
.Ltmp1:
0x54: {  	_ =	swait.ge [sflag:s23], $0x100;
	(pc) =	sbr.rel @p0 .LBB2_4-.Ltmp1, $4  }
0x55: {  	[sflag:s23] =	ssyncset.done $0x0  }
0x56: {  	[sflag:s23] =	ssyncadd.s32 $0xFFFFFF00  }
0x57: {  	_ =	swait.ge [sflag:s23], $0x40  }
0x58: {  	[sflag:s23] =	ssyncset.done $0x0  }
0x59: {  	[sflag:s23] =	ssyncadd.s32 $0xFFFFFFC0;
	s0 =	simm.s32 $0x7890  }
0x5a: {  	s9 =	simm.s32 $0x0;
	s21 =	simm.s32 $0x0;
	[bflag:$0x0] =	sbarrier.arrive $0xFFFF  }
0x5b: {  	v2 =	vld [tilespmem:$0x7800];
	[tilespmem:s0], [sflag:$0x1] =	stream.indirect.gather [hbm4b:s6+s26], $0x40, s10, s26, $0xb8  }
.LBB2_6:
0x5c: {  	s0 =	sshllo.u32 s21, $0x1  }
0x5d: {  	s10 =	sshll.u32 s0, $0x7  }
0x5e: {  	s0 =	sand.u32 $0x3FFFFF80, s10  }
0x5f: {  	s11 =	sshll.u32 s21, $0x8;
	s0 =	sadd.s32 $0x5000, s0  }
0x60: {  	[tilespmem:s29], [sflag:$0x2] =	stream.indirect.gather [hbm4b:s6+s26], $0x40, s0, s26, $0xb8;
	[tilespmem:$0x1CE10] =	vst v63  }
0x61: {  	v3 =	vld [tilespmem:s11+$0x5000]  }
0x62: {  	v4 =	vld [tilespmem:s11+$0x6400];
	_ =	sdelay $0x6  }
0x63: {  	v3 =	vld.idx.msk [tilespmem:v3+s5+$0x0], $0xffff  }
0x64: {  	v4 =	vld.idx.msk [tilespmem:v4+s19+$0x0], $0xffff;
	_ =	sdelay $0x4  }
0x65: {  	v3 =	vadd.f32 v4, v3;
	_ =	sdelay $0x1  }
0x66: {  	v4 =	vmul.f32 $2.000000030e-01, v3  }
0x67: {  	vm0 =	vge.f32 v3, $0.0e+00  }
0x68: {  	v3 =	vsel vm0, v3, v4  }
0x69: {  	v3 =	vsub.f32 v3, v2;
	_ =	sdelay $0x1  }
0x6a: {  	v3 =	vmul.f32 $1.442695020e+00, v3;
	_ =	sdelay $0x1  }
0x6b: {  	(erf) = vpow2.f32 v3;
	_ =	sdelay $0x8  }
0x6c: {  	v3 =	vpop (erf)  }
0x6d: {  	[tilespmem:$0x7810] =	vst v3  }
0x6e: {  	v3 =	vld [tilespmem:s11+$0x5010]  }
0x6f: {  	v4 =	vld [tilespmem:s11+$0x6410];
	_ =	sdelay $0x6  }
0x70: {  	v3 =	vld.idx.msk [tilespmem:v3+s5+$0x0], $0xffff  }
0x71: {  	v4 =	vld.idx.msk [tilespmem:v4+s19+$0x0], $0xffff;
	_ =	sdelay $0x4  }
0x72: {  	v3 =	vadd.f32 v4, v3;
	_ =	sdelay $0x1  }
0x73: {  	v4 =	vmul.f32 $2.000000030e-01, v3  }
0x74: {  	vm9 =	vge.f32 v3, $0.0e+00  }
0x75: {  	v3 =	vsel vm9, v3, v4  }
0x76: {  	v3 =	vsub.f32 v3, v2;
	_ =	sdelay $0x1  }
0x77: {  	v3 =	vmul.f32 $1.442695020e+00, v3;
	_ =	sdelay $0x1  }
0x78: {  	(erf) = vpow2.f32 v3;
	_ =	sdelay $0x8  }
0x79: {  	v3 =	vpop (erf)  }
0x7a: {  	[tilespmem:$0x7820] =	vst v3  }
0x7b: {  	v3 =	vld [tilespmem:s11+$0x5020]  }
0x7c: {  	v4 =	vld [tilespmem:s11+$0x6420];
	_ =	sdelay $0x6  }
0x7d: {  	v3 =	vld.idx.msk [tilespmem:v3+s5+$0x0], $0xffff  }
0x7e: {  	v4 =	vld.idx.msk [tilespmem:v4+s19+$0x0], $0xffff;
	_ =	sdelay $0x4  }
0x7f: {  	v3 =	vadd.f32 v4, v3;
	_ =	sdelay $0x1  }
0x80: {  	v4 =	vmul.f32 $2.000000030e-01, v3  }
0x81: {  	vm10 =	vge.f32 v3, $0.0e+00  }
0x82: {  	v3 =	vsel vm10, v3, v4  }
0x83: {  	v3 =	vsub.f32 v3, v2;
	_ =	sdelay $0x1  }
0x84: {  	v3 =	vmul.f32 $1.442695020e+00, v3;
	_ =	sdelay $0x1  }
0x85: {  	(erf) = vpow2.f32 v3;
	_ =	sdelay $0x8  }
0x86: {  	v3 =	vpop (erf)  }
0x87: {  	[tilespmem:$0x7830] =	vst v3  }
0x88: {  	v3 =	vld [tilespmem:s11+$0x5030]  }
0x89: {  	v4 =	vld [tilespmem:s11+$0x6430];
	_ =	sdelay $0x6  }
0x8a: {  	v3 =	vld.idx.msk [tilespmem:v3+s5+$0x0], $0xffff  }
0x8b: {  	v4 =	vld.idx.msk [tilespmem:v4+s19+$0x0], $0xffff;
	_ =	sdelay $0x4  }
0x8c: {  	v3 =	vadd.f32 v4, v3;
	_ =	sdelay $0x1  }
0x8d: {  	v4 =	vmul.f32 $2.000000030e-01, v3  }
0x8e: {  	vm11 =	vge.f32 v3, $0.0e+00  }
0x8f: {  	v3 =	vsel vm11, v3, v4  }
0x90: {  	v3 =	vsub.f32 v3, v2;
	_ =	sdelay $0x1  }
0x91: {  	v3 =	vmul.f32 $1.442695020e+00, v3;
	_ =	sdelay $0x1  }
0x92: {  	(erf) = vpow2.f32 v3;
	_ =	sdelay $0x8  }
0x93: {  	v3 =	vpop (erf)  }
0x94: {  	[tilespmem:$0x7840] =	vst v3  }
0x95: {  	v3 =	vld [tilespmem:s11+$0x5040]  }
0x96: {  	v4 =	vld [tilespmem:s11+$0x6440];
	_ =	sdelay $0x6  }
0x97: {  	v3 =	vld.idx.msk [tilespmem:v3+s5+$0x0], $0xffff  }
0x98: {  	v4 =	vld.idx.msk [tilespmem:v4+s19+$0x0], $0xffff;
	_ =	sdelay $0x4  }
0x99: {  	v3 =	vadd.f32 v4, v3;
	_ =	sdelay $0x1  }
0x9a: {  	v4 =	vmul.f32 $2.000000030e-01, v3  }
0x9b: {  	vm12 =	vge.f32 v3, $0.0e+00  }
0x9c: {  	v3 =	vsel vm12, v3, v4  }
0x9d: {  	v3 =	vsub.f32 v3, v2;
	_ =	sdelay $0x1  }
0x9e: {  	v3 =	vmul.f32 $1.442695020e+00, v3;
	_ =	sdelay $0x1  }
0x9f: {  	(erf) = vpow2.f32 v3;
	_ =	sdelay $0x8  }
0xa0: {  	v3 =	vpop (erf)  }
0xa1: {  	[tilespmem:$0x7850] =	vst v3  }
0xa2: {  	v3 =	vld [tilespmem:s11+$0x5050]  }
0xa3: {  	v4 =	vld [tilespmem:s11+$0x6450];
	_ =	sdelay $0x6  }
0xa4: {  	v3 =	vld.idx.msk [tilespmem:v3+s5+$0x0], $0xffff  }
0xa5: {  	v4 =	vld.idx.msk [tilespmem:v4+s19+$0x0], $0xffff;
	_ =	sdelay $0x4  }
0xa6: {  	v3 =	vadd.f32 v4, v3;
	_ =	sdelay $0x1  }
0xa7: {  	v4 =	vmul.f32 $2.000000030e-01, v3  }
0xa8: {  	vm13 =	vge.f32 v3, $0.0e+00  }
0xa9: {  	v3 =	vsel vm13, v3, v4  }
0xaa: {  	v3 =	vsub.f32 v3, v2;
	_ =	sdelay $0x1  }
0xab: {  	v3 =	vmul.f32 $1.442695020e+00, v3;
	_ =	sdelay $0x1  }
0xac: {  	(erf) = vpow2.f32 v3;
	_ =	sdelay $0x8  }
0xad: {  	v3 =	vpop (erf)  }
0xae: {  	[tilespmem:$0x7860] =	vst v3  }
0xaf: {  	v3 =	vld [tilespmem:s11+$0x5060]  }
0xb0: {  	v4 =	vld [tilespmem:s11+$0x6460];
	_ =	sdelay $0x6  }
0xb1: {  	v3 =	vld.idx.msk [tilespmem:v3+s5+$0x0], $0xffff  }
0xb2: {  	v4 =	vld.idx.msk [tilespmem:v4+s19+$0x0], $0xffff;
	_ =	sdelay $0x4  }
0xb3: {  	v3 =	vadd.f32 v4, v3;
	_ =	sdelay $0x1  }
0xb4: {  	v4 =	vmul.f32 $2.000000030e-01, v3  }
0xb5: {  	vm14 =	vge.f32 v3, $0.0e+00  }
0xb6: {  	v3 =	vsel vm14, v3, v4  }
0xb7: {  	v3 =	vsub.f32 v3, v2;
	_ =	sdelay $0x1  }
0xb8: {  	v3 =	vmul.f32 $1.442695020e+00, v3;
	_ =	sdelay $0x1  }
0xb9: {  	(erf) = vpow2.f32 v3;
	_ =	sdelay $0x8  }
0xba: {  	v3 =	vpop (erf)  }
0xbb: {  	[tilespmem:$0x7870] =	vst v3  }
0xbc: {  	v3 =	vld [tilespmem:s11+$0x5070]  }
0xbd: {  	v4 =	vld [tilespmem:s11+$0x6470];
	_ =	sdelay $0x6  }
0xbe: {  	v3 =	vld.idx.msk [tilespmem:v3+s5+$0x0], $0xffff  }
0xbf: {  	v4 =	vld.idx.msk [tilespmem:v4+s19+$0x0], $0xffff;
	_ =	sdelay $0x4  }
0xc0: {  	v3 =	vadd.f32 v4, v3;
	_ =	sdelay $0x1  }
0xc1: {  	v4 =	vmul.f32 $2.000000030e-01, v3  }
0xc2: {  	vm15 =	vge.f32 v3, $0.0e+00  }
0xc3: {  	v3 =	vsel vm15, v3, v4  }
0xc4: {  	v3 =	vsub.f32 v3, v2;
	_ =	sdelay $0x1  }
0xc5: {  	v3 =	vmul.f32 $1.442695020e+00, v3;
	_ =	sdelay $0x1  }
0xc6: {  	(erf) = vpow2.f32 v3;
	_ =	sdelay $0x8  }
0xc7: {  	v3 =	vpop (erf)  }
0xc8: {  	[tilespmem:$0x7880] =	vst v3  }
0xc9: {  	_ =	swait.ge [sflag:s30], $0x2000  }
0xca: {  	p0 =	seq.s32 s21, $0x0;
	[sflag:s30] =	ssyncset.done $0x0  }
0xcb: {  	s7 =	simm.s32 @!p0 $0x3;
	v3 =	vmov s9;
	[sflag:s30] =	ssyncadd.s32 $0xFFFFE000  }
0xcc: {  	v3 =	vand.u32 $0xFFFFFFFC, v3;
	_ =	swait.ge @!p0 [sflag:s7], $0x2000  }
0xcd: {  	v3 =	vbroadcast v3, $0x0;
	[sflag:s7] =	ssyncset.done @!p0 $0x0  }
0xce: {  	[sflag:s7] =	ssyncadd.s32 @!p0 $0xFFFFE000  }
0xcf: {  	_ =	swait.ge @!p0 [sflag:s7], $0x800  }
0xd0: {  	[sflag:s7] =	ssyncset.done @!p0 $0x0  }
0xd1: {  	s13 =	simm.s32 $0x7910;
	[sflag:s7] =	ssyncadd.s32 @!p0 $0xFFFFF800  }
0xd2: {  	v4 =	vld [tilespmem:s13+$0xFFFFFF80]  }
0xd3: {  	v3 =	vld.idx.msk [tilespmem:v3+s31+$0x0], $0xffff;
	_ =	sdelay $0x3  }
0xd4: {  	v5 =	vshll.u32 v4, $0x10;
	v4 =	vand.u32 $0xFFFF0000, v4  }
0xd5: {  	v5 =	vmul.f32 v5, v3;
	v4 =	vmul.f32 v4, v3;
	_ =	sdelay $0x1  }
0xd6: {  	s25 =	simm.s32 $0xB910;
	v4 =	vpack.i.f32.bf16 v4, v5  }
0xd7: {  	[tilespmem:s25+$0xFFFFFF80] =	vst v4  }
0xd8: {  	v4 =	vld [tilespmem:s13+$0xFFFFFF90];
	_ =	sdelay $0x4  }
0xd9: {  	v5 =	vshll.u32 v4, $0x10;
	v4 =	vand.u32 $0xFFFF0000, v4  }
0xda: {  	v5 =	vmul.f32 v5, v3;
	v4 =	vmul.f32 v4, v3;
	_ =	sdelay $0x1  }
0xdb: {  	v4 =	vpack.i.f32.bf16 v4, v5  }
0xdc: {  	[tilespmem:s25+$0xFFFFFF90] =	vst v4  }
0xdd: {  	v4 =	vld [tilespmem:s13+$0xFFFFFFA0];
	_ =	sdelay $0x4  }
0xde: {  	v5 =	vshll.u32 v4, $0x10;
	v4 =	vand.u32 $0xFFFF0000, v4  }
0xdf: {  	v5 =	vmul.f32 v5, v3;
	v4 =	vmul.f32 v4, v3;
	_ =	sdelay $0x1  }
0xe0: {  	v4 =	vpack.i.f32.bf16 v4, v5  }
0xe1: {  	[tilespmem:s25+$0xFFFFFFA0] =	vst v4  }
0xe2: {  	v4 =	vld [tilespmem:s13+$0xFFFFFFB0];
	_ =	sdelay $0x1  }
0xe3: {  	s15 =	simm.s32 $0x1  }
0xe4: {  	v5 =	vmov s15  }
0xe5: {  	v5 =	vand.u32 $0xFFFFFFFD, v5  }
0xe6: {  	v5 =	vbroadcast v5, $0x0;
	v6 =	vshll.u32 v4, $0x10;
	v4 =	vand.u32 $0xFFFF0000, v4  }
0xe7: {  	v6 =	vmul.f32 v6, v3;
	v4 =	vmul.f32 v4, v3;
	_ =	sdelay $0x1  }
0xe8: {  	v4 =	vpack.i.f32.bf16 v4, v6  }
0xe9: {  	s12 =	simm.s32 $0xF8B0;
	[tilespmem:s25+$0xFFFFFFB0] =	vst v4  }
0xea: {  	[tilespmem:s12+$0xFFFFFFE0] =	vst v3  }
0xeb: {  	v3 =	vld [tilespmem:s13+$0xFFFFFFC0]  }
0xec: {  	v4 =	vld.idx.msk [tilespmem:v5+s31+$0x0], $0xffff;
	_ =	sdelay $0x3  }
0xed: {  	v5 =	vshll.u32 v3, $0x10;
	v3 =	vand.u32 $0xFFFF0000, v3  }
0xee: {  	v5 =	vmul.f32 v5, v4;
	v3 =	vmul.f32 v3, v4;
	_ =	sdelay $0x1  }
0xef: {  	v3 =	vpack.i.f32.bf16 v3, v5  }
0xf0: {  	[tilespmem:s25+$0xFFFFFFC0] =	vst v3  }
0xf1: {  	v3 =	vld [tilespmem:s13+$0xFFFFFFD0];
	_ =	sdelay $0x4  }
0xf2: {  	v5 =	vshll.u32 v3, $0x10;
	v3 =	vand.u32 $0xFFFF0000, v3  }
0xf3: {  	v5 =	vmul.f32 v5, v4;
	v3 =	vmul.f32 v3, v4;
	_ =	sdelay $0x1  }
0xf4: {  	v3 =	vpack.i.f32.bf16 v3, v5  }
0xf5: {  	[tilespmem:s25+$0xFFFFFFD0] =	vst v3  }
0xf6: {  	v3 =	vld [tilespmem:s13+$0xFFFFFFE0];
	_ =	sdelay $0x4  }
0xf7: {  	v5 =	vshll.u32 v3, $0x10;
	v3 =	vand.u32 $0xFFFF0000, v3  }
0xf8: {  	v5 =	vmul.f32 v5, v4;
	v3 =	vmul.f32 v3, v4;
	_ =	sdelay $0x1  }
0xf9: {  	v3 =	vpack.i.f32.bf16 v3, v5  }
0xfa: {  	[tilespmem:s25+$0xFFFFFFE0] =	vst v3  }
0xfb: {  	v3 =	vld [tilespmem:s13+$0xFFFFFFF0];
	_ =	sdelay $0x1  }
0xfc: {  	s18 =	simm.s32 $0x2  }
0xfd: {  	v5 =	vmov s18  }
0xfe: {  	v5 =	vand.u32 $0xFFFFFFFE, v5  }
0xff: {  	v5 =	vbroadcast v5, $0x0;
	v6 =	vshll.u32 v3, $0x10;
	v3 =	vand.u32 $0xFFFF0000, v3  }
0x100: {  	v6 =	vmul.f32 v6, v4;
	v3 =	vmul.f32 v3, v4;
	_ =	sdelay $0x1  }
0x101: {  	v3 =	vpack.i.f32.bf16 v3, v6  }
0x102: {  	[tilespmem:s25+$0xFFFFFFF0] =	vst v3  }
0x103: {  	[tilespmem:s12+$0xFFFFFFF0] =	vst v4  }
0x104: {  	v3 =	vld [tilespmem:s13+$0x0]  }
0x105: {  	v4 =	vld.idx.msk [tilespmem:v5+s31+$0x0], $0xffff;
	_ =	sdelay $0x3  }
0x106: {  	v5 =	vshll.u32 v3, $0x10;
	v3 =	vand.u32 $0xFFFF0000, v3  }
0x107: {  	v5 =	vmul.f32 v5, v4;
	v3 =	vmul.f32 v3, v4;
	_ =	sdelay $0x1  }
0x108: {  	v3 =	vpack.i.f32.bf16 v3, v5  }
0x109: {  	[tilespmem:s25+$0x0] =	vst v3  }
0x10a: {  	v3 =	vld [tilespmem:s13+$0x10];
	_ =	sdelay $0x4  }
0x10b: {  	v5 =	vshll.u32 v3, $0x10;
	v3 =	vand.u32 $0xFFFF0000, v3  }
0x10c: {  	v5 =	vmul.f32 v5, v4;
	v3 =	vmul.f32 v3, v4;
	_ =	sdelay $0x1  }
0x10d: {  	v3 =	vpack.i.f32.bf16 v3, v5  }
0x10e: {  	[tilespmem:s25+$0x10] =	vst v3  }
0x10f: {  	v3 =	vld [tilespmem:s13+$0x20];
	_ =	sdelay $0x4  }
0x110: {  	v5 =	vshll.u32 v3, $0x10;
	v3 =	vand.u32 $0xFFFF0000, v3  }
0x111: {  	v5 =	vmul.f32 v5, v4;
	v3 =	vmul.f32 v3, v4;
	_ =	sdelay $0x1  }
0x112: {  	v3 =	vpack.i.f32.bf16 v3, v5  }
0x113: {  	[tilespmem:s25+$0x20] =	vst v3  }
0x114: {  	v3 =	vld [tilespmem:s13+$0x30];
	_ =	sdelay $0x4  }
0x115: {  	v5 =	vshll.u32 v3, $0x10;
	v3 =	vand.u32 $0xFFFF0000, v3  }
0x116: {  	s24 =	simm.s32 $0x3;
	v5 =	vmul.f32 v5, v4;
	v3 =	vmul.f32 v3, v4  }
0x117: {  	v6 =	vmov s24  }
0x118: {  	v3 =	vpack.i.f32.bf16 v3, v5  }
0x119: {  	[tilespmem:s25+$0x30] =	vst v3  }
0x11a: {  	[tilespmem:s12+$0x0] =	vst v4  }
0x11b: {  	v4 =	vld [tilespmem:s13+$0x40]  }
0x11c: {  	v3 =	vld.idx.msk [tilespmem:v6+s31+$0x0], $0xffff;
	_ =	sdelay $0x3  }
0x11d: {  	v5 =	vshll.u32 v4, $0x10;
	v4 =	vand.u32 $0xFFFF0000, v4  }
0x11e: {  	v5 =	vmul.f32 v5, v3;
	v4 =	vmul.f32 v4, v3;
	_ =	sdelay $0x1  }
0x11f: {  	v4 =	vpack.i.f32.bf16 v4, v5  }
0x120: {  	[tilespmem:s25+$0x40] =	vst v4  }
0x121: {  	v4 =	vld [tilespmem:s13+$0x50];
	_ =	sdelay $0x4  }
0x122: {  	v5 =	vshll.u32 v4, $0x10;
	v4 =	vand.u32 $0xFFFF0000, v4  }
0x123: {  	v5 =	vmul.f32 v5, v3;
	v4 =	vmul.f32 v4, v3;
	_ =	sdelay $0x1  }
0x124: {  	v4 =	vpack.i.f32.bf16 v4, v5  }
0x125: {  	[tilespmem:s25+$0x50] =	vst v4  }
0x126: {  	v4 =	vld [tilespmem:s13+$0x60];
	_ =	sdelay $0x4  }
0x127: {  	v5 =	vshll.u32 v4, $0x10;
	v4 =	vand.u32 $0xFFFF0000, v4  }
0x128: {  	v5 =	vmul.f32 v5, v3;
	v4 =	vmul.f32 v4, v3;
	_ =	sdelay $0x1  }
0x129: {  	v4 =	vpack.i.f32.bf16 v4, v5  }
0x12a: {  	[tilespmem:s25+$0x60] =	vst v4  }
0x12b: {  	v6 =	vld [tilespmem:s13+$0x70];
	_ =	sdelay $0x1  }
0x12c: {  	s15 =	simm.s32 $0x4  }
0x12d: {  	v4 =	vmov s15  }
0x12e: {  	s0 =	simm.s32 $0xF8B0;
	v4 =	vand.u32 $0xFFFFFFFC, v4  }
0x12f: {  	s11 =	sadd.s32 $0x6400, s11;
	s7 =	simm.s32 $0x8;
	s24 =	simm.s32 $0xBA10;
	v4 =	vbroadcast v4, $0x0;
	v5 =	vshll.u32 v6, $0x10;
	v6 =	vand.u32 $0xFFFF0000, v6  }
.LBB2_7:
0x130: {  	s12 =	sadd.s32 $0x40, s12  }
0x131: {  	v5 =	vmul.f32 v5, v3;
	v6 =	vmul.f32 v6, v3;
	s13 =	sadd.s32 $0x100, s13;
	s8 =	smov.u32 s7;
	s18 =	sadd.s32 $0x4, s7  }
0x132: {  	p1 =	sne.s32 s7, $0x7C  }
0x133: {  	v5 =	vpack.i.f32.bf16 v6, v5  }
0x134: {  	[tilespmem:s25+$0x70] =	vst v5;
	s25 =	smov.u32 s24  }
0x135: {  	[tilespmem:s0+$0x10] =	vst v3;
	s0 =	smov.u32 s12  }
0x136: {  	v3 =	vld.idx.msk [tilespmem:v4+s31+$0x0], $0xffff  }
0x137: {  	v4 =	vld [tilespmem:s13+$0xFFFFFF80];
	_ =	sdelay $0x4  }
0x138: {  	v5 =	vshll.u32 v4, $0x10;
	v4 =	vand.u32 $0xFFFF0000, v4  }
0x139: {  	v5 =	vmul.f32 v5, v3;
	v4 =	vmul.f32 v4, v3;
	_ =	sdelay $0x1  }
0x13a: {  	v4 =	vpack.i.f32.bf16 v4, v5  }
0x13b: {  	[tilespmem:s24+$0xFFFFFF80] =	vst v4  }
0x13c: {  	v4 =	vld [tilespmem:s13+$0xFFFFFF90];
	_ =	sdelay $0x4  }
0x13d: {  	v5 =	vshll.u32 v4, $0x10;
	v4 =	vand.u32 $0xFFFF0000, v4  }
0x13e: {  	v5 =	vmul.f32 v5, v3;
	v4 =	vmul.f32 v4, v3;
	_ =	sdelay $0x1  }
0x13f: {  	v4 =	vpack.i.f32.bf16 v4, v5  }
0x140: {  	[tilespmem:s24+$0xFFFFFF90] =	vst v4  }
0x141: {  	v4 =	vld [tilespmem:s13+$0xFFFFFFA0];
	_ =	sdelay $0x4  }
0x142: {  	v5 =	vshll.u32 v4, $0x10;
	v4 =	vand.u32 $0xFFFF0000, v4  }
0x143: {  	v5 =	vmul.f32 v5, v3;
	v4 =	vmul.f32 v4, v3;
	_ =	sdelay $0x1  }
0x144: {  	v4 =	vpack.i.f32.bf16 v4, v5  }
0x145: {  	[tilespmem:s24+$0xFFFFFFA0] =	vst v4  }
0x146: {  	v4 =	vld [tilespmem:s13+$0xFFFFFFB0];
	_ =	sdelay $0x1  }
0x147: {  	s7 =	sadd.s32 $0x1, s15  }
0x148: {  	v5 =	vmov s7  }
0x149: {  	v5 =	vand.u32 $0xFFFFFFFD, v5  }
0x14a: {  	v5 =	vbroadcast v5, $0x0;
	v6 =	vshll.u32 v4, $0x10;
	v4 =	vand.u32 $0xFFFF0000, v4  }
0x14b: {  	v6 =	vmul.f32 v6, v3;
	v4 =	vmul.f32 v4, v3;
	_ =	sdelay $0x1  }
0x14c: {  	v4 =	vpack.i.f32.bf16 v4, v6  }
0x14d: {  	[tilespmem:s24+$0xFFFFFFB0] =	vst v4  }
0x14e: {  	[tilespmem:s12+$0xFFFFFFE0] =	vst v3  }
0x14f: {  	v3 =	vld.idx.msk [tilespmem:v5+s31+$0x0], $0xffff  }
0x150: {  	v4 =	vld [tilespmem:s13+$0xFFFFFFC0];
	_ =	sdelay $0x4  }
0x151: {  	v5 =	vshll.u32 v4, $0x10;
	v4 =	vand.u32 $0xFFFF0000, v4  }
0x152: {  	v5 =	vmul.f32 v5, v3;
	v4 =	vmul.f32 v4, v3;
	_ =	sdelay $0x1  }
0x153: {  	v4 =	vpack.i.f32.bf16 v4, v5  }
0x154: {  	[tilespmem:s24+$0xFFFFFFC0] =	vst v4  }
0x155: {  	v4 =	vld [tilespmem:s13+$0xFFFFFFD0];
	_ =	sdelay $0x4  }
0x156: {  	v5 =	vshll.u32 v4, $0x10;
	v4 =	vand.u32 $0xFFFF0000, v4  }
0x157: {  	v5 =	vmul.f32 v5, v3;
	v4 =	vmul.f32 v4, v3;
	_ =	sdelay $0x1  }
0x158: {  	v4 =	vpack.i.f32.bf16 v4, v5  }
0x159: {  	[tilespmem:s24+$0xFFFFFFD0] =	vst v4  }
0x15a: {  	v4 =	vld [tilespmem:s13+$0xFFFFFFE0];
	_ =	sdelay $0x4  }
0x15b: {  	v5 =	vshll.u32 v4, $0x10;
	v4 =	vand.u32 $0xFFFF0000, v4  }
0x15c: {  	v5 =	vmul.f32 v5, v3;
	v4 =	vmul.f32 v4, v3;
	_ =	sdelay $0x1  }
0x15d: {  	v4 =	vpack.i.f32.bf16 v4, v5  }
0x15e: {  	[tilespmem:s24+$0xFFFFFFE0] =	vst v4  }
0x15f: {  	v4 =	vld [tilespmem:s13+$0xFFFFFFF0];
	_ =	sdelay $0x1  }
0x160: {  	s7 =	sadd.s32 $0x2, s15  }
0x161: {  	v5 =	vmov s7  }
0x162: {  	v5 =	vand.u32 $0xFFFFFFFE, v5  }
0x163: {  	v5 =	vbroadcast v5, $0x0;
	v6 =	vshll.u32 v4, $0x10;
	v4 =	vand.u32 $0xFFFF0000, v4  }
0x164: {  	v6 =	vmul.f32 v6, v3;
	v4 =	vmul.f32 v4, v3;
	_ =	sdelay $0x1  }
0x165: {  	v4 =	vpack.i.f32.bf16 v4, v6  }
0x166: {  	[tilespmem:s24+$0xFFFFFFF0] =	vst v4  }
0x167: {  	[tilespmem:s12+$0xFFFFFFF0] =	vst v3  }
0x168: {  	v3 =	vld.idx.msk [tilespmem:v5+s31+$0x0], $0xffff  }
0x169: {  	v4 =	vld [tilespmem:s13+$0x0];
	_ =	sdelay $0x4  }
0x16a: {  	v5 =	vshll.u32 v4, $0x10;
	v4 =	vand.u32 $0xFFFF0000, v4  }
0x16b: {  	v5 =	vmul.f32 v5, v3;
	v4 =	vmul.f32 v4, v3;
	_ =	sdelay $0x1  }
0x16c: {  	v4 =	vpack.i.f32.bf16 v4, v5  }
0x16d: {  	[tilespmem:s24+$0x0] =	vst v4  }
0x16e: {  	v4 =	vld [tilespmem:s13+$0x10];
	_ =	sdelay $0x4  }
0x16f: {  	v5 =	vshll.u32 v4, $0x10;
	v4 =	vand.u32 $0xFFFF0000, v4  }
0x170: {  	v5 =	vmul.f32 v5, v3;
	v4 =	vmul.f32 v4, v3;
	_ =	sdelay $0x1  }
0x171: {  	v4 =	vpack.i.f32.bf16 v4, v5  }
0x172: {  	[tilespmem:s24+$0x10] =	vst v4  }
0x173: {  	v4 =	vld [tilespmem:s13+$0x20];
	_ =	sdelay $0x4  }
0x174: {  	v5 =	vshll.u32 v4, $0x10;
	v4 =	vand.u32 $0xFFFF0000, v4  }
0x175: {  	v5 =	vmul.f32 v5, v3;
	v4 =	vmul.f32 v4, v3;
	_ =	sdelay $0x1  }
0x176: {  	v4 =	vpack.i.f32.bf16 v4, v5  }
0x177: {  	[tilespmem:s24+$0x20] =	vst v4  }
0x178: {  	v4 =	vld [tilespmem:s13+$0x30];
	_ =	sdelay $0x4  }
0x179: {  	s7 =	sadd.s32 $0x3, s15;
	s15 =	smov.u32 s8;
	v5 =	vshll.u32 v4, $0x10;
	v4 =	vand.u32 $0xFFFF0000, v4  }
0x17a: {  	v6 =	vmov s7;
	v5 =	vmul.f32 v5, v3;
	v4 =	vmul.f32 v4, v3;
	_ =	sdelay $0x1  }
0x17b: {  	v4 =	vpack.i.f32.bf16 v4, v5  }
0x17c: {  	[tilespmem:s24+$0x30] =	vst v4  }
0x17d: {  	[tilespmem:s12+$0x0] =	vst v3  }
0x17e: {  	v3 =	vld.idx.msk [tilespmem:v6+s31+$0x0], $0xffff  }
0x17f: {  	v4 =	vld [tilespmem:s13+$0x40];
	_ =	sdelay $0x4  }
0x180: {  	v5 =	vshll.u32 v4, $0x10;
	v4 =	vand.u32 $0xFFFF0000, v4  }
0x181: {  	v5 =	vmul.f32 v5, v3;
	v4 =	vmul.f32 v4, v3;
	_ =	sdelay $0x1  }
0x182: {  	v4 =	vpack.i.f32.bf16 v4, v5  }
0x183: {  	[tilespmem:s24+$0x40] =	vst v4  }
0x184: {  	v4 =	vld [tilespmem:s13+$0x50];
	_ =	sdelay $0x4  }
0x185: {  	v5 =	vshll.u32 v4, $0x10;
	v4 =	vand.u32 $0xFFFF0000, v4  }
0x186: {  	v5 =	vmul.f32 v5, v3;
	v4 =	vmul.f32 v4, v3;
	_ =	sdelay $0x1  }
0x187: {  	v4 =	vpack.i.f32.bf16 v4, v5  }
0x188: {  	[tilespmem:s24+$0x50] =	vst v4  }
0x189: {  	v4 =	vld [tilespmem:s13+$0x60];
	_ =	sdelay $0x4  }
0x18a: {  	v5 =	vshll.u32 v4, $0x10;
	v4 =	vand.u32 $0xFFFF0000, v4  }
0x18b: {  	v5 =	vmul.f32 v5, v3;
	v4 =	vmul.f32 v4, v3;
	_ =	sdelay $0x1  }
0x18c: {  	v4 =	vpack.i.f32.bf16 v4, v5  }
0x18d: {  	[tilespmem:s24+$0x60] =	vst v4  }
0x18e: {  	v6 =	vld [tilespmem:s13+$0x70]  }
.Ltmp2:
0x18f: {  	(pc) =	sbr.rel @p1 .LBB2_7-.Ltmp2, $4  }
0x190: {  	_ = 	snop  }
0x191: {  	v4 =	vmov s15  }
0x192: {  	v4 =	vand.u32 $0xFFFFFFFC, v4  }
0x193: {  	s7 =	smov.u32 s18;
	s24 =	sadd.s32 $0x100, s24;
	v4 =	vbroadcast v4, $0x0;
	v5 =	vshll.u32 v6, $0x10;
	v6 =	vand.u32 $0xFFFF0000, v6  }
0x194: {  	v5 =	vmul.f32 v5, v3;
	v6 =	vmul.f32 v6, v3;
	_ =	sdelay $0x1  }
0x195: {  	v5 =	vpack.i.f32.bf16 v6, v5  }
0x196: {  	[tilespmem:s25+$0x70] =	vst v5  }
0x197: {  	s7 =	sadd.s32 $0x100, s13;
	[tilespmem:s0+$0x10] =	vst v3  }
0x198: {  	v3 =	vld [tilespmem:s7+$0xFFFFFF80]  }
0x199: {  	v4 =	vld.idx.msk [tilespmem:v4+s31+$0x0], $0xffff;
	_ =	sdelay $0x3  }
0x19a: {  	v5 =	vshll.u32 v3, $0x10;
	v3 =	vand.u32 $0xFFFF0000, v3  }
0x19b: {  	v5 =	vmul.f32 v5, v4;
	v3 =	vmul.f32 v3, v4;
	_ =	sdelay $0x1  }
0x19c: {  	v3 =	vpack.i.f32.bf16 v3, v5  }
0x19d: {  	[tilespmem:s24+$0xFFFFFF80] =	vst v3  }
0x19e: {  	v3 =	vld [tilespmem:s7+$0xFFFFFF90];
	_ =	sdelay $0x4  }
0x19f: {  	v5 =	vshll.u32 v3, $0x10;
	v3 =	vand.u32 $0xFFFF0000, v3  }
0x1a0: {  	v5 =	vmul.f32 v5, v4;
	v3 =	vmul.f32 v3, v4;
	_ =	sdelay $0x1  }
0x1a1: {  	v3 =	vpack.i.f32.bf16 v3, v5  }
0x1a2: {  	[tilespmem:s24+$0xFFFFFF90] =	vst v3  }
0x1a3: {  	v3 =	vld [tilespmem:s7+$0xFFFFFFA0];
	_ =	sdelay $0x4  }
0x1a4: {  	v5 =	vshll.u32 v3, $0x10;
	v3 =	vand.u32 $0xFFFF0000, v3  }
0x1a5: {  	v5 =	vmul.f32 v5, v4;
	v3 =	vmul.f32 v3, v4;
	_ =	sdelay $0x1  }
0x1a6: {  	v3 =	vpack.i.f32.bf16 v3, v5  }
0x1a7: {  	[tilespmem:s24+$0xFFFFFFA0] =	vst v3  }
0x1a8: {  	v3 =	vld [tilespmem:s7+$0xFFFFFFB0];
	_ =	sdelay $0x1  }
0x1a9: {  	s18 =	sadd.s32 $0x1, s15  }
0x1aa: {  	v5 =	vmov s18  }
0x1ab: {  	v5 =	vand.u32 $0xFFFFFFFD, v5  }
0x1ac: {  	v5 =	vbroadcast v5, $0x0;
	v6 =	vshll.u32 v3, $0x10;
	v3 =	vand.u32 $0xFFFF0000, v3  }
0x1ad: {  	v6 =	vmul.f32 v6, v4;
	v3 =	vmul.f32 v3, v4;
	_ =	sdelay $0x1  }
0x1ae: {  	v3 =	vpack.i.f32.bf16 v3, v6  }
0x1af: {  	s25 =	sadd.s32 $0x40, s12;
	[tilespmem:s24+$0xFFFFFFB0] =	vst v3  }
0x1b0: {  	[tilespmem:s25+$0xFFFFFFE0] =	vst v4  }
0x1b1: {  	v3 =	vld [tilespmem:s7+$0xFFFFFFC0]  }
0x1b2: {  	v4 =	vld.idx.msk [tilespmem:v5+s31+$0x0], $0xffff;
	_ =	sdelay $0x3  }
0x1b3: {  	v5 =	vshll.u32 v3, $0x10;
	v3 =	vand.u32 $0xFFFF0000, v3  }
0x1b4: {  	v5 =	vmul.f32 v5, v4;
	v3 =	vmul.f32 v3, v4;
	_ =	sdelay $0x1  }
0x1b5: {  	v3 =	vpack.i.f32.bf16 v3, v5  }
0x1b6: {  	[tilespmem:s24+$0xFFFFFFC0] =	vst v3  }
0x1b7: {  	v3 =	vld [tilespmem:s7+$0xFFFFFFD0];
	_ =	sdelay $0x4  }
0x1b8: {  	v5 =	vshll.u32 v3, $0x10;
	v3 =	vand.u32 $0xFFFF0000, v3  }
0x1b9: {  	v5 =	vmul.f32 v5, v4;
	v3 =	vmul.f32 v3, v4;
	_ =	sdelay $0x1  }
0x1ba: {  	v3 =	vpack.i.f32.bf16 v3, v5  }
0x1bb: {  	[tilespmem:s24+$0xFFFFFFD0] =	vst v3  }
0x1bc: {  	v3 =	vld [tilespmem:s7+$0xFFFFFFE0];
	_ =	sdelay $0x4  }
0x1bd: {  	v5 =	vshll.u32 v3, $0x10;
	v3 =	vand.u32 $0xFFFF0000, v3  }
0x1be: {  	v5 =	vmul.f32 v5, v4;
	v3 =	vmul.f32 v3, v4;
	_ =	sdelay $0x1  }
0x1bf: {  	v3 =	vpack.i.f32.bf16 v3, v5  }
0x1c0: {  	[tilespmem:s24+$0xFFFFFFE0] =	vst v3  }
0x1c1: {  	v3 =	vld [tilespmem:s7+$0xFFFFFFF0];
	_ =	sdelay $0x1  }
0x1c2: {  	s8 =	sadd.s32 $0x2, s15  }
0x1c3: {  	v5 =	vmov s8  }
0x1c4: {  	v5 =	vand.u32 $0xFFFFFFFE, v5  }
0x1c5: {  	v5 =	vbroadcast v5, $0x0;
	v6 =	vshll.u32 v3, $0x10;
	v3 =	vand.u32 $0xFFFF0000, v3  }
0x1c6: {  	v6 =	vmul.f32 v6, v4;
	v3 =	vmul.f32 v3, v4;
	_ =	sdelay $0x1  }
0x1c7: {  	v3 =	vpack.i.f32.bf16 v3, v6  }
0x1c8: {  	[tilespmem:s24+$0xFFFFFFF0] =	vst v3  }
0x1c9: {  	[tilespmem:s25+$0xFFFFFFF0] =	vst v4  }
0x1ca: {  	v3 =	vld [tilespmem:s7+$0x0]  }
0x1cb: {  	v4 =	vld.idx.msk [tilespmem:v5+s31+$0x0], $0xffff;
	_ =	sdelay $0x3  }
0x1cc: {  	v5 =	vshll.u32 v3, $0x10;
	v3 =	vand.u32 $0xFFFF0000, v3  }
0x1cd: {  	v5 =	vmul.f32 v5, v4;
	v3 =	vmul.f32 v3, v4;
	_ =	sdelay $0x1  }
0x1ce: {  	v3 =	vpack.i.f32.bf16 v3, v5  }
0x1cf: {  	[tilespmem:s24+$0x0] =	vst v3  }
0x1d0: {  	v3 =	vld [tilespmem:s7+$0x10];
	_ =	sdelay $0x4  }
0x1d1: {  	v5 =	vshll.u32 v3, $0x10;
	v3 =	vand.u32 $0xFFFF0000, v3  }
0x1d2: {  	v5 =	vmul.f32 v5, v4;
	v3 =	vmul.f32 v3, v4;
	_ =	sdelay $0x1  }
0x1d3: {  	v3 =	vpack.i.f32.bf16 v3, v5  }
0x1d4: {  	[tilespmem:s24+$0x10] =	vst v3  }
0x1d5: {  	v3 =	vld [tilespmem:s7+$0x20];
	_ =	sdelay $0x4  }
0x1d6: {  	v5 =	vshll.u32 v3, $0x10;
	v3 =	vand.u32 $0xFFFF0000, v3  }
0x1d7: {  	v5 =	vmul.f32 v5, v4;
	v3 =	vmul.f32 v3, v4;
	_ =	sdelay $0x1  }
0x1d8: {  	v3 =	vpack.i.f32.bf16 v3, v5  }
0x1d9: {  	[tilespmem:s24+$0x20] =	vst v3  }
0x1da: {  	v3 =	vld [tilespmem:s7+$0x30];
	_ =	sdelay $0x4  }
0x1db: {  	v5 =	vshll.u32 v3, $0x10;
	v3 =	vand.u32 $0xFFFF0000, v3  }
0x1dc: {  	s12 =	sadd.s32 $0x3, s15;
	v5 =	vmul.f32 v5, v4;
	v3 =	vmul.f32 v3, v4  }
0x1dd: {  	v6 =	vmov s12  }
0x1de: {  	v3 =	vpack.i.f32.bf16 v3, v5  }
0x1df: {  	[tilespmem:s24+$0x30] =	vst v3  }
0x1e0: {  	[tilespmem:s25+$0x0] =	vst v4  }
0x1e1: {  	v3 =	vld [tilespmem:s7+$0x40]  }
0x1e2: {  	v4 =	vld.idx.msk [tilespmem:v6+s31+$0x0], $0xffff;
	_ =	sdelay $0x3  }
0x1e3: {  	v5 =	vshll.u32 v3, $0x10;
	v3 =	vand.u32 $0xFFFF0000, v3  }
0x1e4: {  	v5 =	vmul.f32 v5, v4;
	v3 =	vmul.f32 v3, v4;
	_ =	sdelay $0x1  }
0x1e5: {  	v3 =	vpack.i.f32.bf16 v3, v5  }
0x1e6: {  	[tilespmem:s24+$0x40] =	vst v3  }
0x1e7: {  	v3 =	vld [tilespmem:s7+$0x50];
	_ =	sdelay $0x4  }
0x1e8: {  	v5 =	vshll.u32 v3, $0x10;
	v3 =	vand.u32 $0xFFFF0000, v3  }
0x1e9: {  	v5 =	vmul.f32 v5, v4;
	v3 =	vmul.f32 v3, v4;
	_ =	sdelay $0x1  }
0x1ea: {  	v3 =	vpack.i.f32.bf16 v3, v5  }
0x1eb: {  	[tilespmem:s24+$0x50] =	vst v3  }
0x1ec: {  	v3 =	vld [tilespmem:s7+$0x60];
	_ =	sdelay $0x4  }
0x1ed: {  	v5 =	vshll.u32 v3, $0x10;
	v3 =	vand.u32 $0xFFFF0000, v3  }
0x1ee: {  	v5 =	vmul.f32 v5, v4;
	v3 =	vmul.f32 v3, v4;
	_ =	sdelay $0x1  }
0x1ef: {  	v3 =	vpack.i.f32.bf16 v3, v5  }
0x1f0: {  	[tilespmem:s24+$0x60] =	vst v3  }
0x1f1: {  	v3 =	vld [tilespmem:s7+$0x70];
	_ =	sdelay $0x4  }
0x1f2: {  	v5 =	vshll.u32 v3, $0x10;
	v3 =	vand.u32 $0xFFFF0000, v3  }
0x1f3: {  	v5 =	vmul.f32 v5, v4;
	v3 =	vmul.f32 v3, v4;
	_ =	sdelay $0x1  }
0x1f4: {  	v3 =	vpack.i.f32.bf16 v3, v5  }
0x1f5: {  	p1 =	seq.s32 s21, $0x13;
	[tilespmem:s24+$0x70] =	vst v3  }
0x1f6: {  	s0 =	sshll.u32 @!p1 s21, $0x8;
	[tilespmem:s25+$0x10] =	vst v4  }
0x1f7: {  	[spmem:s3] =	stream.indirect.scatter.add.bf16 [tilespmem:s2], [sflag:$0x3], $0x40, s11, s26, $0xb8;
	[tilespmem:$0x1CE10] =	vst v63  }
0x1f8: {  	s0 =	sand.u32 @!p1 $0x3FFFFF00, s0  }
0x1f9: {  	[spmem:s4] =	stream.indirect.scatter.add.f32 [tilespmem:s1], [sflag:$0x3], $0x10, s11, s26, $0xb8;
	[tilespmem:$0x1CE10] =	vst v63  }
0x1fa: {  	s0 =	sadd.s32 @!p1 $0x5100, s0;
	s8 =	simm.s32 @!p1 $0x7890;
	s7 =	simm.s32 @!p1 $0x80  }
0x1fb: {  	[tilespmem:s8], [sflag:$0x1] =	stream.indirect.gather @!p1 [hbm4b:s6+s7], $0x40, s0, s7, $0xb8;
	[tilespmem:$0x1CE10] =	vst v63  }
0x1fc: {  	v3 =	vld [tilespmem:s10+$0x5000]  }
0x1fd: {  	v4 =	vld [tilespmem:s10+$0x6400];
	_ =	sdelay $0x6  }
0x1fe: {  	v3 =	vld.idx.msk [tilespmem:v3+s5+$0x0], $0xffff  }
0x1ff: {  	v4 =	vld.idx.msk [tilespmem:v4+s19+$0x0], $0xffff;
	_ =	sdelay $0x4  }
0x200: {  	v3 =	vadd.f32 v4, v3;
	_ =	sdelay $0x1  }
0x201: {  	v4 =	vmul.f32 $2.000000030e-01, v3  }
0x202: {  	vm0 =	vge.f32 v3, $0.0e+00  }
0x203: {  	v3 =	vsel vm0, v3, v4  }
0x204: {  	v3 =	vsub.f32 v3, v2;
	_ =	sdelay $0x1  }
0x205: {  	v3 =	vmul.f32 $1.442695020e+00, v3;
	_ =	sdelay $0x1  }
0x206: {  	(erf) = vpow2.f32 v3;
	_ =	sdelay $0x8  }
0x207: {  	v3 =	vpop (erf)  }
0x208: {  	[tilespmem:$0x7810] =	vst v3  }
0x209: {  	v3 =	vld [tilespmem:s10+$0x5010]  }
0x20a: {  	v4 =	vld [tilespmem:s10+$0x6410];
	_ =	sdelay $0x6  }
0x20b: {  	v3 =	vld.idx.msk [tilespmem:v3+s5+$0x0], $0xffff  }
0x20c: {  	v4 =	vld.idx.msk [tilespmem:v4+s19+$0x0], $0xffff;
	_ =	sdelay $0x4  }
0x20d: {  	v3 =	vadd.f32 v4, v3;
	_ =	sdelay $0x1  }
0x20e: {  	v4 =	vmul.f32 $2.000000030e-01, v3  }
0x20f: {  	vm9 =	vge.f32 v3, $0.0e+00  }
0x210: {  	v3 =	vsel vm9, v3, v4  }
0x211: {  	v3 =	vsub.f32 v3, v2;
	_ =	sdelay $0x1  }
0x212: {  	v3 =	vmul.f32 $1.442695020e+00, v3;
	_ =	sdelay $0x1  }
0x213: {  	(erf) = vpow2.f32 v3;
	_ =	sdelay $0x8  }
0x214: {  	v3 =	vpop (erf)  }
0x215: {  	[tilespmem:$0x7820] =	vst v3  }
0x216: {  	v3 =	vld [tilespmem:s10+$0x5020]  }
0x217: {  	v4 =	vld [tilespmem:s10+$0x6420];
	_ =	sdelay $0x6  }
0x218: {  	v3 =	vld.idx.msk [tilespmem:v3+s5+$0x0], $0xffff  }
0x219: {  	v4 =	vld.idx.msk [tilespmem:v4+s19+$0x0], $0xffff;
	_ =	sdelay $0x4  }
0x21a: {  	v3 =	vadd.f32 v4, v3;
	_ =	sdelay $0x1  }
0x21b: {  	v4 =	vmul.f32 $2.000000030e-01, v3  }
0x21c: {  	vm10 =	vge.f32 v3, $0.0e+00  }
0x21d: {  	v3 =	vsel vm10, v3, v4  }
0x21e: {  	v3 =	vsub.f32 v3, v2;
	_ =	sdelay $0x1  }
0x21f: {  	v3 =	vmul.f32 $1.442695020e+00, v3;
	_ =	sdelay $0x1  }
0x220: {  	(erf) = vpow2.f32 v3;
	_ =	sdelay $0x8  }
0x221: {  	v3 =	vpop (erf)  }
0x222: {  	[tilespmem:$0x7830] =	vst v3  }
0x223: {  	v3 =	vld [tilespmem:s10+$0x5030]  }
0x224: {  	v4 =	vld [tilespmem:s10+$0x6430];
	_ =	sdelay $0x6  }
0x225: {  	v3 =	vld.idx.msk [tilespmem:v3+s5+$0x0], $0xffff  }
0x226: {  	v4 =	vld.idx.msk [tilespmem:v4+s19+$0x0], $0xffff;
	_ =	sdelay $0x4  }
0x227: {  	v3 =	vadd.f32 v4, v3;
	_ =	sdelay $0x1  }
0x228: {  	v4 =	vmul.f32 $2.000000030e-01, v3  }
0x229: {  	vm11 =	vge.f32 v3, $0.0e+00  }
0x22a: {  	v3 =	vsel vm11, v3, v4  }
0x22b: {  	v3 =	vsub.f32 v3, v2;
	_ =	sdelay $0x1  }
0x22c: {  	v3 =	vmul.f32 $1.442695020e+00, v3;
	_ =	sdelay $0x1  }
0x22d: {  	(erf) = vpow2.f32 v3;
	_ =	sdelay $0x8  }
0x22e: {  	v3 =	vpop (erf)  }
0x22f: {  	[tilespmem:$0x7840] =	vst v3  }
0x230: {  	v3 =	vld [tilespmem:s10+$0x5040]  }
0x231: {  	v4 =	vld [tilespmem:s10+$0x6440];
	_ =	sdelay $0x6  }
0x232: {  	v3 =	vld.idx.msk [tilespmem:v3+s5+$0x0], $0xffff  }
0x233: {  	v4 =	vld.idx.msk [tilespmem:v4+s19+$0x0], $0xffff;
	_ =	sdelay $0x4  }
0x234: {  	v3 =	vadd.f32 v4, v3;
	_ =	sdelay $0x1  }
0x235: {  	v4 =	vmul.f32 $2.000000030e-01, v3  }
0x236: {  	vm12 =	vge.f32 v3, $0.0e+00  }
0x237: {  	v3 =	vsel vm12, v3, v4  }
0x238: {  	v3 =	vsub.f32 v3, v2;
	_ =	sdelay $0x1  }
0x239: {  	v3 =	vmul.f32 $1.442695020e+00, v3;
	_ =	sdelay $0x1  }
0x23a: {  	(erf) = vpow2.f32 v3;
	_ =	sdelay $0x8  }
0x23b: {  	v3 =	vpop (erf)  }
0x23c: {  	[tilespmem:$0x7850] =	vst v3  }
0x23d: {  	v3 =	vld [tilespmem:s10+$0x5050]  }
0x23e: {  	v4 =	vld [tilespmem:s10+$0x6450];
	_ =	sdelay $0x6  }
0x23f: {  	v3 =	vld.idx.msk [tilespmem:v3+s5+$0x0], $0xffff  }
0x240: {  	v4 =	vld.idx.msk [tilespmem:v4+s19+$0x0], $0xffff;
	_ =	sdelay $0x4  }
0x241: {  	v3 =	vadd.f32 v4, v3;
	_ =	sdelay $0x1  }
0x242: {  	v4 =	vmul.f32 $2.000000030e-01, v3  }
0x243: {  	vm13 =	vge.f32 v3, $0.0e+00  }
0x244: {  	v3 =	vsel vm13, v3, v4  }
0x245: {  	v3 =	vsub.f32 v3, v2;
	_ =	sdelay $0x1  }
0x246: {  	v3 =	vmul.f32 $1.442695020e+00, v3;
	_ =	sdelay $0x1  }
0x247: {  	(erf) = vpow2.f32 v3;
	_ =	sdelay $0x8  }
0x248: {  	v3 =	vpop (erf)  }
0x249: {  	[tilespmem:$0x7860] =	vst v3  }
0x24a: {  	v3 =	vld [tilespmem:s10+$0x5060]  }
0x24b: {  	v4 =	vld [tilespmem:s10+$0x6460];
	_ =	sdelay $0x6  }
0x24c: {  	v3 =	vld.idx.msk [tilespmem:v3+s5+$0x0], $0xffff  }
0x24d: {  	v4 =	vld.idx.msk [tilespmem:v4+s19+$0x0], $0xffff;
	_ =	sdelay $0x4  }
0x24e: {  	v3 =	vadd.f32 v4, v3;
	_ =	sdelay $0x1  }
0x24f: {  	v4 =	vmul.f32 $2.000000030e-01, v3  }
0x250: {  	vm14 =	vge.f32 v3, $0.0e+00  }
0x251: {  	v3 =	vsel vm14, v3, v4  }
0x252: {  	v3 =	vsub.f32 v3, v2;
	_ =	sdelay $0x1  }
0x253: {  	v3 =	vmul.f32 $1.442695020e+00, v3;
	_ =	sdelay $0x1  }
0x254: {  	(erf) = vpow2.f32 v3;
	_ =	sdelay $0x8  }
0x255: {  	v3 =	vpop (erf)  }
0x256: {  	[tilespmem:$0x7870] =	vst v3  }
0x257: {  	v3 =	vld [tilespmem:s10+$0x5070]  }
0x258: {  	v4 =	vld [tilespmem:s10+$0x6470];
	_ =	sdelay $0x6  }
0x259: {  	v3 =	vld.idx.msk [tilespmem:v3+s5+$0x0], $0xffff  }
0x25a: {  	v4 =	vld.idx.msk [tilespmem:v4+s19+$0x0], $0xffff;
	_ =	sdelay $0x4  }
0x25b: {  	v3 =	vadd.f32 v4, v3;
	_ =	sdelay $0x1  }
0x25c: {  	v4 =	vmul.f32 $2.000000030e-01, v3  }
0x25d: {  	vm15 =	vge.f32 v3, $0.0e+00  }
0x25e: {  	v3 =	vsel vm15, v3, v4  }
0x25f: {  	v3 =	vsub.f32 v3, v2;
	_ =	sdelay $0x1  }
0x260: {  	v3 =	vmul.f32 $1.442695020e+00, v3;
	_ =	sdelay $0x1  }
0x261: {  	(erf) = vpow2.f32 v3;
	_ =	sdelay $0x8  }
0x262: {  	v3 =	vpop (erf)  }
0x263: {  	[tilespmem:$0x7880] =	vst v3  }
0x264: {  	_ =	swait.ge [sflag:s20], $0x2000  }
0x265: {  	s13 =	simm.s32 $0x0;
	[sflag:s20] =	ssyncset.done $0x0  }
0x266: {  	s7 =	simm.s32 @!p0 $0x4;
	v3 =	vmov s13;
	[sflag:s20] =	ssyncadd.s32 $0xFFFFE000  }
0x267: {  	v3 =	vand.u32 $0xFFFFFFFC, v3;
	_ =	swait.ge @!p0 [sflag:s7], $0x2000  }
0x268: {  	v3 =	vbroadcast v3, $0x0;
	[sflag:s7] =	ssyncset.done @!p0 $0x0  }
0x269: {  	[sflag:s7] =	ssyncadd.s32 @!p0 $0xFFFFE000  }
0x26a: {  	_ =	swait.ge @!p0 [sflag:s7], $0x800  }
0x26b: {  	[sflag:s7] =	ssyncset.done @!p0 $0x0  }
0x26c: {  	s12 =	simm.s32 $0x9910;
	[sflag:s7] =	ssyncadd.s32 @!p0 $0xFFFFF800  }
0x26d: {  	v4 =	vld [tilespmem:s12+$0xFFFFFF80]  }
0x26e: {  	v3 =	vld.idx.msk [tilespmem:v3+s31+$0x0], $0xffff;
	_ =	sdelay $0x3  }
0x26f: {  	v5 =	vshll.u32 v4, $0x10;
	v4 =	vand.u32 $0xFFFF0000, v4  }
0x270: {  	v5 =	vmul.f32 v5, v3;
	v4 =	vmul.f32 v4, v3;
	_ =	sdelay $0x1  }
0x271: {  	s24 =	simm.s32 $0xD910;
	v4 =	vpack.i.f32.bf16 v4, v5  }
0x272: {  	[tilespmem:s24+$0xFFFFFF80] =	vst v4  }
0x273: {  	v4 =	vld [tilespmem:s12+$0xFFFFFF90];
	_ =	sdelay $0x4  }
0x274: {  	v5 =	vshll.u32 v4, $0x10;
	v4 =	vand.u32 $0xFFFF0000, v4  }
0x275: {  	v5 =	vmul.f32 v5, v3;
	v4 =	vmul.f32 v4, v3;
	_ =	sdelay $0x1  }
0x276: {  	v4 =	vpack.i.f32.bf16 v4, v5  }
0x277: {  	[tilespmem:s24+$0xFFFFFF90] =	vst v4  }
0x278: {  	v4 =	vld [tilespmem:s12+$0xFFFFFFA0];
	_ =	sdelay $0x4  }
0x279: {  	v5 =	vshll.u32 v4, $0x10;
	v4 =	vand.u32 $0xFFFF0000, v4  }
0x27a: {  	v5 =	vmul.f32 v5, v3;
	v4 =	vmul.f32 v4, v3;
	_ =	sdelay $0x1  }
0x27b: {  	v4 =	vpack.i.f32.bf16 v4, v5  }
0x27c: {  	[tilespmem:s24+$0xFFFFFFA0] =	vst v4  }
0x27d: {  	v4 =	vld [tilespmem:s12+$0xFFFFFFB0];
	_ =	sdelay $0x1  }
0x27e: {  	s15 =	simm.s32 $0x1  }
0x27f: {  	v5 =	vmov s15  }
0x280: {  	v5 =	vand.u32 $0xFFFFFFFD, v5  }
0x281: {  	v5 =	vbroadcast v5, $0x0;
	v6 =	vshll.u32 v4, $0x10;
	v4 =	vand.u32 $0xFFFF0000, v4  }
0x282: {  	v6 =	vmul.f32 v6, v3;
	v4 =	vmul.f32 v4, v3;
	_ =	sdelay $0x1  }
0x283: {  	v4 =	vpack.i.f32.bf16 v4, v6  }
0x284: {  	s11 =	simm.s32 $0x100B0;
	[tilespmem:s24+$0xFFFFFFB0] =	vst v4  }
0x285: {  	[tilespmem:s11+$0xFFFFFFE0] =	vst v3  }
0x286: {  	v3 =	vld [tilespmem:s12+$0xFFFFFFC0]  }
0x287: {  	v4 =	vld.idx.msk [tilespmem:v5+s31+$0x0], $0xffff;
	_ =	sdelay $0x3  }
0x288: {  	v5 =	vshll.u32 v3, $0x10;
	v3 =	vand.u32 $0xFFFF0000, v3  }
0x289: {  	v5 =	vmul.f32 v5, v4;
	v3 =	vmul.f32 v3, v4;
	_ =	sdelay $0x1  }
0x28a: {  	v3 =	vpack.i.f32.bf16 v3, v5  }
0x28b: {  	[tilespmem:s24+$0xFFFFFFC0] =	vst v3  }
0x28c: {  	v3 =	vld [tilespmem:s12+$0xFFFFFFD0];
	_ =	sdelay $0x4  }
0x28d: {  	v5 =	vshll.u32 v3, $0x10;
	v3 =	vand.u32 $0xFFFF0000, v3  }
0x28e: {  	v5 =	vmul.f32 v5, v4;
	v3 =	vmul.f32 v3, v4;
	_ =	sdelay $0x1  }
0x28f: {  	v3 =	vpack.i.f32.bf16 v3, v5  }
0x290: {  	[tilespmem:s24+$0xFFFFFFD0] =	vst v3  }
0x291: {  	v3 =	vld [tilespmem:s12+$0xFFFFFFE0];
	_ =	sdelay $0x4  }
0x292: {  	v5 =	vshll.u32 v3, $0x10;
	v3 =	vand.u32 $0xFFFF0000, v3  }
0x293: {  	v5 =	vmul.f32 v5, v4;
	v3 =	vmul.f32 v3, v4;
	_ =	sdelay $0x1  }
0x294: {  	v3 =	vpack.i.f32.bf16 v3, v5  }
0x295: {  	[tilespmem:s24+$0xFFFFFFE0] =	vst v3  }
0x296: {  	v3 =	vld [tilespmem:s12+$0xFFFFFFF0];
	_ =	sdelay $0x1  }
0x297: {  	s18 =	simm.s32 $0x2  }
0x298: {  	v5 =	vmov s18  }
0x299: {  	v5 =	vand.u32 $0xFFFFFFFE, v5  }
0x29a: {  	v5 =	vbroadcast v5, $0x0;
	v6 =	vshll.u32 v3, $0x10;
	v3 =	vand.u32 $0xFFFF0000, v3  }
0x29b: {  	v6 =	vmul.f32 v6, v4;
	v3 =	vmul.f32 v3, v4;
	_ =	sdelay $0x1  }
0x29c: {  	v3 =	vpack.i.f32.bf16 v3, v6  }
0x29d: {  	[tilespmem:s24+$0xFFFFFFF0] =	vst v3  }
0x29e: {  	[tilespmem:s11+$0xFFFFFFF0] =	vst v4  }
0x29f: {  	v3 =	vld [tilespmem:s12+$0x0]  }
0x2a0: {  	v4 =	vld.idx.msk [tilespmem:v5+s31+$0x0], $0xffff;
	_ =	sdelay $0x3  }
0x2a1: {  	v5 =	vshll.u32 v3, $0x10;
	v3 =	vand.u32 $0xFFFF0000, v3  }
0x2a2: {  	v5 =	vmul.f32 v5, v4;
	v3 =	vmul.f32 v3, v4;
	_ =	sdelay $0x1  }
0x2a3: {  	v3 =	vpack.i.f32.bf16 v3, v5  }
0x2a4: {  	[tilespmem:s24+$0x0] =	vst v3  }
0x2a5: {  	v3 =	vld [tilespmem:s12+$0x10];
	_ =	sdelay $0x4  }
0x2a6: {  	v5 =	vshll.u32 v3, $0x10;
	v3 =	vand.u32 $0xFFFF0000, v3  }
0x2a7: {  	v5 =	vmul.f32 v5, v4;
	v3 =	vmul.f32 v3, v4;
	_ =	sdelay $0x1  }
0x2a8: {  	v3 =	vpack.i.f32.bf16 v3, v5  }
0x2a9: {  	[tilespmem:s24+$0x10] =	vst v3  }
0x2aa: {  	v3 =	vld [tilespmem:s12+$0x20];
	_ =	sdelay $0x4  }
0x2ab: {  	v5 =	vshll.u32 v3, $0x10;
	v3 =	vand.u32 $0xFFFF0000, v3  }
0x2ac: {  	v5 =	vmul.f32 v5, v4;
	v3 =	vmul.f32 v3, v4;
	_ =	sdelay $0x1  }
0x2ad: {  	v3 =	vpack.i.f32.bf16 v3, v5  }
0x2ae: {  	[tilespmem:s24+$0x20] =	vst v3  }
0x2af: {  	v3 =	vld [tilespmem:s12+$0x30];
	_ =	sdelay $0x4  }
0x2b0: {  	v5 =	vshll.u32 v3, $0x10;
	v3 =	vand.u32 $0xFFFF0000, v3  }
0x2b1: {  	s25 =	simm.s32 $0x3;
	v5 =	vmul.f32 v5, v4;
	v3 =	vmul.f32 v3, v4  }
0x2b2: {  	v6 =	vmov s25  }
0x2b3: {  	v3 =	vpack.i.f32.bf16 v3, v5  }
0x2b4: {  	[tilespmem:s24+$0x30] =	vst v3  }
0x2b5: {  	[tilespmem:s11+$0x0] =	vst v4  }
0x2b6: {  	v4 =	vld [tilespmem:s12+$0x40]  }
0x2b7: {  	v3 =	vld.idx.msk [tilespmem:v6+s31+$0x0], $0xffff;
	_ =	sdelay $0x3  }
0x2b8: {  	v5 =	vshll.u32 v4, $0x10;
	v4 =	vand.u32 $0xFFFF0000, v4  }
0x2b9: {  	v5 =	vmul.f32 v5, v3;
	v4 =	vmul.f32 v4, v3;
	_ =	sdelay $0x1  }
0x2ba: {  	v4 =	vpack.i.f32.bf16 v4, v5  }
0x2bb: {  	[tilespmem:s24+$0x40] =	vst v4  }
0x2bc: {  	v4 =	vld [tilespmem:s12+$0x50];
	_ =	sdelay $0x4  }
0x2bd: {  	v5 =	vshll.u32 v4, $0x10;
	v4 =	vand.u32 $0xFFFF0000, v4  }
0x2be: {  	v5 =	vmul.f32 v5, v3;
	v4 =	vmul.f32 v4, v3;
	_ =	sdelay $0x1  }
0x2bf: {  	v4 =	vpack.i.f32.bf16 v4, v5  }
0x2c0: {  	[tilespmem:s24+$0x50] =	vst v4  }
0x2c1: {  	v4 =	vld [tilespmem:s12+$0x60];
	_ =	sdelay $0x4  }
0x2c2: {  	v5 =	vshll.u32 v4, $0x10;
	v4 =	vand.u32 $0xFFFF0000, v4  }
0x2c3: {  	v5 =	vmul.f32 v5, v3;
	v4 =	vmul.f32 v4, v3;
	_ =	sdelay $0x1  }
0x2c4: {  	v4 =	vpack.i.f32.bf16 v4, v5  }
0x2c5: {  	[tilespmem:s24+$0x60] =	vst v4  }
0x2c6: {  	v6 =	vld [tilespmem:s12+$0x70];
	_ =	sdelay $0x1  }
0x2c7: {  	s15 =	simm.s32 $0x4  }
0x2c8: {  	v4 =	vmov s15  }
0x2c9: {  	s0 =	simm.s32 $0x100B0;
	v4 =	vand.u32 $0xFFFFFFFC, v4  }
0x2ca: {  	s10 =	sadd.s32 $0x6400, s10;
	s13 =	simm.s32 $0xDA10;
	s18 =	simm.s32 $0x8;
	v4 =	vbroadcast v4, $0x0;
	v5 =	vshll.u32 v6, $0x10;
	v6 =	vand.u32 $0xFFFF0000, v6  }
.LBB2_9:
0x2cb: {  	s11 =	sadd.s32 $0x40, s11  }
0x2cc: {  	v5 =	vmul.f32 v5, v3;
	v6 =	vmul.f32 v6, v3;
	s12 =	sadd.s32 $0x100, s12;
	s8 =	smov.u32 s18;
	s7 =	sadd.s32 $0x4, s18  }
0x2cd: {  	p0 =	sne.s32 s18, $0x7C  }
0x2ce: {  	v5 =	vpack.i.f32.bf16 v6, v5  }
0x2cf: {  	[tilespmem:s24+$0x70] =	vst v5;
	s24 =	smov.u32 s13  }
0x2d0: {  	[tilespmem:s0+$0x10] =	vst v3;
	s0 =	smov.u32 s11  }
0x2d1: {  	v3 =	vld.idx.msk [tilespmem:v4+s31+$0x0], $0xffff  }
0x2d2: {  	v4 =	vld [tilespmem:s12+$0xFFFFFF80];
	_ =	sdelay $0x4  }
0x2d3: {  	v5 =	vshll.u32 v4, $0x10;
	v4 =	vand.u32 $0xFFFF0000, v4  }
0x2d4: {  	v5 =	vmul.f32 v5, v3;
	v4 =	vmul.f32 v4, v3;
	_ =	sdelay $0x1  }
0x2d5: {  	v4 =	vpack.i.f32.bf16 v4, v5  }
0x2d6: {  	[tilespmem:s13+$0xFFFFFF80] =	vst v4  }
0x2d7: {  	v4 =	vld [tilespmem:s12+$0xFFFFFF90];
	_ =	sdelay $0x4  }
0x2d8: {  	v5 =	vshll.u32 v4, $0x10;
	v4 =	vand.u32 $0xFFFF0000, v4  }
0x2d9: {  	v5 =	vmul.f32 v5, v3;
	v4 =	vmul.f32 v4, v3;
	_ =	sdelay $0x1  }
0x2da: {  	v4 =	vpack.i.f32.bf16 v4, v5  }
0x2db: {  	[tilespmem:s13+$0xFFFFFF90] =	vst v4  }
0x2dc: {  	v4 =	vld [tilespmem:s12+$0xFFFFFFA0];
	_ =	sdelay $0x4  }
0x2dd: {  	v5 =	vshll.u32 v4, $0x10;
	v4 =	vand.u32 $0xFFFF0000, v4  }
0x2de: {  	v5 =	vmul.f32 v5, v3;
	v4 =	vmul.f32 v4, v3;
	_ =	sdelay $0x1  }
0x2df: {  	v4 =	vpack.i.f32.bf16 v4, v5  }
0x2e0: {  	[tilespmem:s13+$0xFFFFFFA0] =	vst v4  }
0x2e1: {  	v4 =	vld [tilespmem:s12+$0xFFFFFFB0];
	_ =	sdelay $0x1  }
0x2e2: {  	s18 =	sadd.s32 $0x1, s15  }
0x2e3: {  	v5 =	vmov s18  }
0x2e4: {  	v5 =	vand.u32 $0xFFFFFFFD, v5  }
0x2e5: {  	v5 =	vbroadcast v5, $0x0;
	v6 =	vshll.u32 v4, $0x10;
	v4 =	vand.u32 $0xFFFF0000, v4  }
0x2e6: {  	v6 =	vmul.f32 v6, v3;
	v4 =	vmul.f32 v4, v3;
	_ =	sdelay $0x1  }
0x2e7: {  	v4 =	vpack.i.f32.bf16 v4, v6  }
0x2e8: {  	[tilespmem:s13+$0xFFFFFFB0] =	vst v4  }
0x2e9: {  	[tilespmem:s11+$0xFFFFFFE0] =	vst v3  }
0x2ea: {  	v3 =	vld.idx.msk [tilespmem:v5+s31+$0x0], $0xffff  }
0x2eb: {  	v4 =	vld [tilespmem:s12+$0xFFFFFFC0];
	_ =	sdelay $0x4  }
0x2ec: {  	v5 =	vshll.u32 v4, $0x10;
	v4 =	vand.u32 $0xFFFF0000, v4  }
0x2ed: {  	v5 =	vmul.f32 v5, v3;
	v4 =	vmul.f32 v4, v3;
	_ =	sdelay $0x1  }
0x2ee: {  	v4 =	vpack.i.f32.bf16 v4, v5  }
0x2ef: {  	[tilespmem:s13+$0xFFFFFFC0] =	vst v4  }
0x2f0: {  	v4 =	vld [tilespmem:s12+$0xFFFFFFD0];
	_ =	sdelay $0x4  }
0x2f1: {  	v5 =	vshll.u32 v4, $0x10;
	v4 =	vand.u32 $0xFFFF0000, v4  }
0x2f2: {  	v5 =	vmul.f32 v5, v3;
	v4 =	vmul.f32 v4, v3;
	_ =	sdelay $0x1  }
0x2f3: {  	v4 =	vpack.i.f32.bf16 v4, v5  }
0x2f4: {  	[tilespmem:s13+$0xFFFFFFD0] =	vst v4  }
0x2f5: {  	v4 =	vld [tilespmem:s12+$0xFFFFFFE0];
	_ =	sdelay $0x4  }
0x2f6: {  	v5 =	vshll.u32 v4, $0x10;
	v4 =	vand.u32 $0xFFFF0000, v4  }
0x2f7: {  	v5 =	vmul.f32 v5, v3;
	v4 =	vmul.f32 v4, v3;
	_ =	sdelay $0x1  }
0x2f8: {  	v4 =	vpack.i.f32.bf16 v4, v5  }
0x2f9: {  	[tilespmem:s13+$0xFFFFFFE0] =	vst v4  }
0x2fa: {  	v4 =	vld [tilespmem:s12+$0xFFFFFFF0];
	_ =	sdelay $0x1  }
0x2fb: {  	s18 =	sadd.s32 $0x2, s15  }
0x2fc: {  	v5 =	vmov s18  }
0x2fd: {  	v5 =	vand.u32 $0xFFFFFFFE, v5  }
0x2fe: {  	v5 =	vbroadcast v5, $0x0;
	v6 =	vshll.u32 v4, $0x10;
	v4 =	vand.u32 $0xFFFF0000, v4  }
0x2ff: {  	v6 =	vmul.f32 v6, v3;
	v4 =	vmul.f32 v4, v3;
	_ =	sdelay $0x1  }
0x300: {  	v4 =	vpack.i.f32.bf16 v4, v6  }
0x301: {  	[tilespmem:s13+$0xFFFFFFF0] =	vst v4  }
0x302: {  	[tilespmem:s11+$0xFFFFFFF0] =	vst v3  }
0x303: {  	v3 =	vld.idx.msk [tilespmem:v5+s31+$0x0], $0xffff  }
0x304: {  	v4 =	vld [tilespmem:s12+$0x0];
	_ =	sdelay $0x4  }
0x305: {  	v5 =	vshll.u32 v4, $0x10;
	v4 =	vand.u32 $0xFFFF0000, v4  }
0x306: {  	v5 =	vmul.f32 v5, v3;
	v4 =	vmul.f32 v4, v3;
	_ =	sdelay $0x1  }
0x307: {  	v4 =	vpack.i.f32.bf16 v4, v5  }
0x308: {  	[tilespmem:s13+$0x0] =	vst v4  }
0x309: {  	v4 =	vld [tilespmem:s12+$0x10];
	_ =	sdelay $0x4  }
0x30a: {  	v5 =	vshll.u32 v4, $0x10;
	v4 =	vand.u32 $0xFFFF0000, v4  }
0x30b: {  	v5 =	vmul.f32 v5, v3;
	v4 =	vmul.f32 v4, v3;
	_ =	sdelay $0x1  }
0x30c: {  	v4 =	vpack.i.f32.bf16 v4, v5  }
0x30d: {  	[tilespmem:s13+$0x10] =	vst v4  }
0x30e: {  	v4 =	vld [tilespmem:s12+$0x20];
	_ =	sdelay $0x4  }
0x30f: {  	v5 =	vshll.u32 v4, $0x10;
	v4 =	vand.u32 $0xFFFF0000, v4  }
0x310: {  	v5 =	vmul.f32 v5, v3;
	v4 =	vmul.f32 v4, v3;
	_ =	sdelay $0x1  }
0x311: {  	v4 =	vpack.i.f32.bf16 v4, v5  }
0x312: {  	[tilespmem:s13+$0x20] =	vst v4  }
0x313: {  	v4 =	vld [tilespmem:s12+$0x30];
	_ =	sdelay $0x4  }
0x314: {  	s18 =	sadd.s32 $0x3, s15;
	s15 =	smov.u32 s8;
	v5 =	vshll.u32 v4, $0x10;
	v4 =	vand.u32 $0xFFFF0000, v4  }
0x315: {  	v6 =	vmov s18;
	v5 =	vmul.f32 v5, v3;
	v4 =	vmul.f32 v4, v3;
	_ =	sdelay $0x1  }
0x316: {  	v4 =	vpack.i.f32.bf16 v4, v5  }
0x317: {  	[tilespmem:s13+$0x30] =	vst v4  }
0x318: {  	[tilespmem:s11+$0x0] =	vst v3  }
0x319: {  	v3 =	vld.idx.msk [tilespmem:v6+s31+$0x0], $0xffff  }
0x31a: {  	v4 =	vld [tilespmem:s12+$0x40];
	_ =	sdelay $0x4  }
0x31b: {  	v5 =	vshll.u32 v4, $0x10;
	v4 =	vand.u32 $0xFFFF0000, v4  }
0x31c: {  	v5 =	vmul.f32 v5, v3;
	v4 =	vmul.f32 v4, v3;
	_ =	sdelay $0x1  }
0x31d: {  	v4 =	vpack.i.f32.bf16 v4, v5  }
0x31e: {  	[tilespmem:s13+$0x40] =	vst v4  }
0x31f: {  	v4 =	vld [tilespmem:s12+$0x50];
	_ =	sdelay $0x4  }
0x320: {  	v5 =	vshll.u32 v4, $0x10;
	v4 =	vand.u32 $0xFFFF0000, v4  }
0x321: {  	v5 =	vmul.f32 v5, v3;
	v4 =	vmul.f32 v4, v3;
	_ =	sdelay $0x1  }
0x322: {  	v4 =	vpack.i.f32.bf16 v4, v5  }
0x323: {  	[tilespmem:s13+$0x50] =	vst v4  }
0x324: {  	v4 =	vld [tilespmem:s12+$0x60];
	_ =	sdelay $0x4  }
0x325: {  	v5 =	vshll.u32 v4, $0x10;
	v4 =	vand.u32 $0xFFFF0000, v4  }
0x326: {  	v5 =	vmul.f32 v5, v3;
	v4 =	vmul.f32 v4, v3;
	_ =	sdelay $0x1  }
0x327: {  	v4 =	vpack.i.f32.bf16 v4, v5  }
0x328: {  	[tilespmem:s13+$0x60] =	vst v4  }
0x329: {  	v6 =	vld [tilespmem:s12+$0x70]  }
.Ltmp3:
0x32a: {  	(pc) =	sbr.rel @p0 .LBB2_9-.Ltmp3, $4  }
0x32b: {  	_ = 	snop  }
0x32c: {  	v4 =	vmov s15  }
0x32d: {  	v4 =	vand.u32 $0xFFFFFFFC, v4  }
0x32e: {  	s18 =	smov.u32 s7;
	s13 =	sadd.s32 $0x100, s13;
	v4 =	vbroadcast v4, $0x0;
	v5 =	vshll.u32 v6, $0x10;
	v6 =	vand.u32 $0xFFFF0000, v6  }
0x32f: {  	v5 =	vmul.f32 v5, v3;
	v6 =	vmul.f32 v6, v3;
	_ =	sdelay $0x1  }
0x330: {  	v5 =	vpack.i.f32.bf16 v6, v5  }
0x331: {  	[tilespmem:s24+$0x70] =	vst v5  }
0x332: {  	s7 =	sadd.s32 $0x100, s12;
	[tilespmem:s0+$0x10] =	vst v3  }
0x333: {  	v3 =	vld [tilespmem:s7+$0xFFFFFF80]  }
0x334: {  	v4 =	vld.idx.msk [tilespmem:v4+s31+$0x0], $0xffff;
	_ =	sdelay $0x3  }
0x335: {  	v45 =	vshll.u32 v3, $0x10;
	v3 =	vand.u32 $0xFFFF0000, v3  }
0x336: {  	v5 =	vmul.f32 v45, v4;
	v3 =	vmul.f32 v3, v4;
	_ =	sdelay $0x1  }
0x337: {  	v3 =	vpack.i.f32.bf16 v3, v5  }
0x338: {  	[tilespmem:s13+$0xFFFFFF80] =	vst v3  }
0x339: {  	v3 =	vld [tilespmem:s7+$0xFFFFFF90];
	_ =	sdelay $0x4  }
0x33a: {  	v46 =	vshll.u32 v3, $0x10;
	v3 =	vand.u32 $0xFFFF0000, v3  }
0x33b: {  	v5 =	vmul.f32 v46, v4;
	v3 =	vmul.f32 v3, v4;
	_ =	sdelay $0x1  }
0x33c: {  	v3 =	vpack.i.f32.bf16 v3, v5  }
0x33d: {  	[tilespmem:s13+$0xFFFFFF90] =	vst v3  }
0x33e: {  	v3 =	vld [tilespmem:s7+$0xFFFFFFA0];
	_ =	sdelay $0x4  }
0x33f: {  	v47 =	vshll.u32 v3, $0x10;
	v3 =	vand.u32 $0xFFFF0000, v3  }
0x340: {  	v5 =	vmul.f32 v47, v4;
	v3 =	vmul.f32 v3, v4;
	_ =	sdelay $0x1  }
0x341: {  	v3 =	vpack.i.f32.bf16 v3, v5  }
0x342: {  	[tilespmem:s13+$0xFFFFFFA0] =	vst v3  }
0x343: {  	v3 =	vld [tilespmem:s7+$0xFFFFFFB0];
	_ =	sdelay $0x1  }
0x344: {  	s18 =	sadd.s32 $0x1, s15  }
0x345: {  	v48 =	vmov s18  }
0x346: {  	v5 =	vand.u32 $0xFFFFFFFD, v48  }
0x347: {  	v5 =	vbroadcast v5, $0x0;
	v49 =	vshll.u32 v3, $0x10;
	v3 =	vand.u32 $0xFFFF0000, v3  }
0x348: {  	v6 =	vmul.f32 v49, v4;
	v3 =	vmul.f32 v3, v4;
	_ =	sdelay $0x1  }
0x349: {  	v3 =	vpack.i.f32.bf16 v3, v6  }
0x34a: {  	s24 =	sadd.s32 $0x40, s11;
	[tilespmem:s13+$0xFFFFFFB0] =	vst v3  }
0x34b: {  	[tilespmem:s24+$0xFFFFFFE0] =	vst v4  }
0x34c: {  	v3 =	vld [tilespmem:s7+$0xFFFFFFC0]  }
0x34d: {  	v4 =	vld.idx.msk [tilespmem:v5+s31+$0x0], $0xffff;
	_ =	sdelay $0x3  }
0x34e: {  	v50 =	vshll.u32 v3, $0x10;
	v3 =	vand.u32 $0xFFFF0000, v3  }
0x34f: {  	v5 =	vmul.f32 v50, v4;
	v3 =	vmul.f32 v3, v4;
	_ =	sdelay $0x1  }
0x350: {  	v3 =	vpack.i.f32.bf16 v3, v5  }
0x351: {  	[tilespmem:s13+$0xFFFFFFC0] =	vst v3  }
0x352: {  	v3 =	vld [tilespmem:s7+$0xFFFFFFD0];
	_ =	sdelay $0x4  }
0x353: {  	v51 =	vshll.u32 v3, $0x10;
	v3 =	vand.u32 $0xFFFF0000, v3  }
0x354: {  	v5 =	vmul.f32 v51, v4;
	v3 =	vmul.f32 v3, v4;
	_ =	sdelay $0x1  }
0x355: {  	v3 =	vpack.i.f32.bf16 v3, v5  }
0x356: {  	[tilespmem:s13+$0xFFFFFFD0] =	vst v3  }
0x357: {  	v3 =	vld [tilespmem:s7+$0xFFFFFFE0];
	_ =	sdelay $0x4  }
0x358: {  	v52 =	vshll.u32 v3, $0x10;
	v3 =	vand.u32 $0xFFFF0000, v3  }
0x359: {  	v5 =	vmul.f32 v52, v4;
	v3 =	vmul.f32 v3, v4;
	_ =	sdelay $0x1  }
0x35a: {  	v3 =	vpack.i.f32.bf16 v3, v5  }
0x35b: {  	[tilespmem:s13+$0xFFFFFFE0] =	vst v3  }
0x35c: {  	v3 =	vld [tilespmem:s7+$0xFFFFFFF0];
	_ =	sdelay $0x1  }
0x35d: {  	s8 =	sadd.s32 $0x2, s15  }
0x35e: {  	v53 =	vmov s8  }
0x35f: {  	v5 =	vand.u32 $0xFFFFFFFE, v53  }
0x360: {  	v5 =	vbroadcast v5, $0x0;
	v54 =	vshll.u32 v3, $0x10;
	v3 =	vand.u32 $0xFFFF0000, v3  }
0x361: {  	v6 =	vmul.f32 v54, v4;
	v3 =	vmul.f32 v3, v4;
	_ =	sdelay $0x1  }
0x362: {  	v3 =	vpack.i.f32.bf16 v3, v6  }
0x363: {  	[tilespmem:s13+$0xFFFFFFF0] =	vst v3  }
0x364: {  	[tilespmem:s24+$0xFFFFFFF0] =	vst v4  }
0x365: {  	v3 =	vld [tilespmem:s7+$0x0]  }
0x366: {  	v4 =	vld.idx.msk [tilespmem:v5+s31+$0x0], $0xffff;
	_ =	sdelay $0x3  }
0x367: {  	v55 =	vshll.u32 v3, $0x10;
	v3 =	vand.u32 $0xFFFF0000, v3  }
0x368: {  	v5 =	vmul.f32 v55, v4;
	v3 =	vmul.f32 v3, v4;
	_ =	sdelay $0x1  }
0x369: {  	v3 =	vpack.i.f32.bf16 v3, v5  }
0x36a: {  	[tilespmem:s13+$0x0] =	vst v3  }
0x36b: {  	v3 =	vld [tilespmem:s7+$0x10];
	_ =	sdelay $0x4  }
0x36c: {  	v56 =	vshll.u32 v3, $0x10;
	v3 =	vand.u32 $0xFFFF0000, v3  }
0x36d: {  	v5 =	vmul.f32 v56, v4;
	v3 =	vmul.f32 v3, v4;
	_ =	sdelay $0x1  }
0x36e: {  	v3 =	vpack.i.f32.bf16 v3, v5  }
0x36f: {  	[tilespmem:s13+$0x10] =	vst v3  }
0x370: {  	v3 =	vld [tilespmem:s7+$0x20];
	_ =	sdelay $0x4  }
0x371: {  	v57 =	vshll.u32 v3, $0x10;
	v3 =	vand.u32 $0xFFFF0000, v3  }
0x372: {  	v5 =	vmul.f32 v57, v4;
	v3 =	vmul.f32 v3, v4;
	_ =	sdelay $0x1  }
0x373: {  	v3 =	vpack.i.f32.bf16 v3, v5  }
0x374: {  	[tilespmem:s13+$0x20] =	vst v3  }
0x375: {  	v3 =	vld [tilespmem:s7+$0x30];
	_ =	sdelay $0x4  }
0x376: {  	v58 =	vshll.u32 v3, $0x10;
	v3 =	vand.u32 $0xFFFF0000, v3  }
0x377: {  	s25 =	sadd.s32 $0x3, s15;
	v5 =	vmul.f32 v58, v4;
	v3 =	vmul.f32 v3, v4  }
0x378: {  	v59 =	vmov s25  }
0x379: {  	v3 =	vpack.i.f32.bf16 v3, v5  }
0x37a: {  	[tilespmem:s13+$0x30] =	vst v3  }
0x37b: {  	[tilespmem:s24+$0x0] =	vst v4  }
0x37c: {  	v3 =	vld [tilespmem:s7+$0x40]  }
0x37d: {  	v4 =	vld.idx.msk [tilespmem:v59+s31+$0x0], $0xffff;
	_ =	sdelay $0x3  }
0x37e: {  	v60 =	vshll.u32 v3, $0x10;
	v3 =	vand.u32 $0xFFFF0000, v3  }
0x37f: {  	v5 =	vmul.f32 v60, v4;
	v3 =	vmul.f32 v3, v4;
	_ =	sdelay $0x1  }
0x380: {  	v3 =	vpack.i.f32.bf16 v3, v5  }
0x381: {  	[tilespmem:s13+$0x40] =	vst v3  }
0x382: {  	v3 =	vld [tilespmem:s7+$0x50];
	_ =	sdelay $0x4  }
0x383: {  	v61 =	vshll.u32 v3, $0x10;
	v3 =	vand.u32 $0xFFFF0000, v3  }
0x384: {  	v5 =	vmul.f32 v61, v4;
	v3 =	vmul.f32 v3, v4;
	_ =	sdelay $0x1  }
0x385: {  	v3 =	vpack.i.f32.bf16 v3, v5  }
0x386: {  	[tilespmem:s13+$0x50] =	vst v3  }
0x387: {  	v3 =	vld [tilespmem:s7+$0x60];
	_ =	sdelay $0x4  }
0x388: {  	v62 =	vshll.u32 v3, $0x10;
	v3 =	vand.u32 $0xFFFF0000, v3  }
0x389: {  	v5 =	vmul.f32 v62, v4;
	v3 =	vmul.f32 v3, v4;
	_ =	sdelay $0x1  }
0x38a: {  	v3 =	vpack.i.f32.bf16 v3, v5  }
0x38b: {  	[tilespmem:s13+$0x60] =	vst v3  }
0x38c: {  	v3 =	vld [tilespmem:s7+$0x70];
	_ =	sdelay $0x4  }
0x38d: {  	v63 =	vshll.u32 v3, $0x10;
	v3 =	vand.u32 $0xFFFF0000, v3  }
0x38e: {  	v5 =	vmul.f32 v63, v4;
	v3 =	vmul.f32 v3, v4  }
0x38f: {  	s21 =	sadd.s32 $0x1, s21  }
0x390: {  	p0 =	sne.s32 s21, $0x14;
	v3 =	vpack.i.f32.bf16 v3, v5  }
.Ltmp4:
0x391: {  	[tilespmem:s13+$0x70] =	vst v3;
	(pc) =	sbr.rel @p0 .LBB2_6-.Ltmp4, $4  }
0x392: {  	[tilespmem:s24+$0x10] =	vst v4  }
0x393: {  	[spmem:s3] =	stream.indirect.scatter.add.bf16 [tilespmem:s22], [sflag:$0x4], $0x40, s10, s26, $0xb8;
	[tilespmem:$0x1CE10] =	vst v63  }
0x394: {  	_ = 	snop  }
0x395: {  	[spmem:s4] =	stream.indirect.scatter.add.f32 [tilespmem:s28], [sflag:$0x4], $0x10, s10, s26, $0xb8;
	[tilespmem:$0x1CE10] =	vst v63  }
0x396: {  	s0 =	simm.s32 $0x3  }
0x397: {  	_ =	swait.ge [sflag:s0], $0x2000  }
0x398: {  	[sflag:s0] =	ssyncset.done $0x0  }
0x399: {  	[sflag:s0] =	ssyncadd.s32 $0xFFFFE000  }
0x39a: {  	_ =	swait.ge [sflag:s0], $0x800  }
0x39b: {  	[sflag:s0] =	ssyncset.done $0x0  }
0x39c: {  	s13 =	simm.s32 $0x4;
	[sflag:s0] =	ssyncadd.s32 $0xFFFFF800  }
0x39d: {  	_ =	swait.ge [sflag:s13], $0x2000  }
0x39e: {  	[sflag:s13] =	ssyncset.done $0x0  }
0x39f: {  	[sflag:s13] =	ssyncadd.s32 $0xFFFFE000  }
0x3a0: {  	_ =	swait.ge [sflag:s13], $0x800  }
0x3a1: {  	[sflag:s13] =	ssyncset.done $0x0  }
0x3a2: {  	[sflag:s13] =	ssyncadd.s32 $0xFFFFF800  }
0x3a3: {  	s15 =	stileid.u32;
	[bflag:$0x0] =	sbarrier.arrive $0xFFFF  }
0x3a4: {  	s0 =	sshll.u32 s15, $0x6;
	s7 =	rddreg [dreg:$0xa]  }
0x3a5: {  	s9 =	simm.s32 $0x6;
	s0 =	sor.u32 $0x1C06, s0;
	s8 =	rddreg [dreg:$0xd]  }
0x3a6: {  	[hbm:s7], [sflag:s0] =	dma.local [spmem:s8], $0x13A0  }
0x3a7: {  	_ =	swait.ge [sflag:s9], $0x13A0  }
0x3a8: {  	[sflag:s9] =	ssyncset.done $0x0;
	s18 =	rddreg [dreg:$0xb]  }
0x3a9: {  	s21 =	rddreg [dreg:$0xe];
	[sflag:s9] =	ssyncadd.s32 $0xFFFFEC60  }
0x3aa: {  	[hbm:s18], [sflag:s0] =	dma.local [spmem:s21], $0x4E8  }
0x3ab: {  	_ =	swait.ge [sflag:s9], $0x4E8  }
0x3ac: {  	s24 =	rddreg [dreg:$0xf]  }
0x3ad: {  	s25 =	rddreg [dreg:$0x9];
	s7 =	sadd.s32 $0x1, s24  }
0x3ae: {  	p0 =	sne.s32 s7, s25  }
.Ltmp5:
0x3af: {  	_ = 	snop;
	(pc) =	sbr.rel @p0 .LBB2_1-.Ltmp5, $3  }
0x3b0: {  	_ =	sdelay $0x1  }
0x3b1: {  	[sflag:s9] =	ssyncset.done $0x0  }
0x3b2: {  	s10 =	simm.s32 $0x5000;
	[sflag:s9] =	ssyncadd.s32 $0xFFFFFB18  }
0x3b3: {  	_ =	sfence.sel $0x180000  }
0x3b4: {  	[bflag:$0x0] =	sbarrier.arrive $0xFFFF  }
0x3b5: {  	_ =	strace $0x90000047  }
0x3b6: {  	s0 =	stileid.u32;
	[bflag:$0x2] =	sbarrier.arrive $0xFFFF  }
0x3b7: {  	p0 =	sne.s32 s0, $0x0;
	s0 =	rddreg [dreg:$0x4]  }
0x3b8: {  	s0 =	sadd.s32 @!p0 $0x100000, s0  }
0x3b9: {  	[sflag:s0] =	ssyncadd.tile.s32 @!p0 $0x1;
	_ =	shalt  }
.Lfunc_end2:
_tile_overlayer_lowered:
.L_overlay_start_2:
0x3ba: {  	(tag) =	ssettag $0x2  }
0x3bb: {  	s0 =	rddreg [dreg:$0x0];
	s2 =	stileid.u32  }
0x3bc: {  	s1 =	rddreg [dreg:$0x1];
	p0 =	sne.s32 s2, $0x0  }
0x3bd: {  	s3 =	rddreg [dreg:$0x2];
	[bflag:$0x3] =	sbarrier.arrive $0xFFFF;
	s2 =	simm.s32 @!p0 $0x1C06  }
0x3be: {  	[timem:s3], [sflag:s2] =	dma.local @!p0 [hbm:s0], s1  }
0x3bf: {  	s0 =	simm.s32 @!p0 $0x6  }
0x3c0: {  	_ =	swait.ge @!p0 [sflag:s0], s1  }
0x3c1: {  	s1 =	ssub.s32 @!p0 $0x0, s1;
	[sflag:s0] =	ssyncset.done @!p0 $0x0  }
0x3c2: {  	[sflag:s0] =	ssyncadd.s32 @!p0 s1  }
0x3c3: {  	[bflag:$0x3] =	sbarrier.arrive $0xFFFF  }
0x3c4: {  	_ =	shalt  }

</sc_bundles>
